<compile_context>
chip_gen: v7x
topology: tpu7x:2x2x1
jax: 0.10.2.dev20260603
libtpu: 0.0.44.dev20260713+nightly
codegen_flags: <defaults>
</compile_context>

<pallas_src>
import jax
import jax.numpy as jnp
from jax import lax
from jax.experimental import pallas as pl
from jax.experimental.pallas import tpu as pltpu
from jax.experimental.pallas import tpu_sc as plsc

_N = 10000
_E = 320000
_T = 160000
_F = 128
_HF = 64

_NC, _NS = 2, 16
_NW = _NC * _NS
_CH = 128

_N_PAD = 10240
_E_PAD = 327680
_T_PAD = 163840
_ECH_W = _E_PAD // _NW // _CH
_TCH_W = _T_PAD // _NW // _CH
_ECH_S = _E_PAD // _NS // _CH
_TCH_S = _T_PAD // _NS // _CH



def _node_body(x_ref, w_ref, b_ref, pw_ref, xb_ref, h0_ref):
    x = x_ref[...]
    xb = jnp.where(x != 0.0, 1.0, 0.0).astype(jnp.float32)
    xb_ref[...] = xb
    y = jnp.dot(xb, w_ref[...], preferred_element_type=jnp.float32) + b_ref[...]
    h0_ref[...] = jnp.where(y >= 0.0, y, pw_ref[0, 0] * y)


def _edge_mm_body(x_ref, w_ref, b_ref, c_ref, pw_ref, o_ref):
    y = jnp.dot(x_ref[...], w_ref[...], preferred_element_type=jnp.float32) + b_ref[...]
    o_ref[...] = jnp.where(y >= 0.0, y, pw_ref[0, 0] * y) + c_ref[...]


def _tri_mm_body(x_ref, w_ref, b_ref, w2_ref, pw_ref, o_ref):
    y = jnp.dot(x_ref[...], w_ref[...], preferred_element_type=jnp.float32) + b_ref[...]
    h = jnp.where(y >= 0.0, y, pw_ref[0, 0] * y)
    o_ref[...] = jnp.dot(h, w2_ref[...], preferred_element_type=jnp.float32)


def _combine_body(h0_ref, z0_ref, z1_ref, o_ref):
    o_ref[...] = (h0_ref[...] + z0_ref[...] + z1_ref[...]) * jnp.float32(1.0 / 3.0)


_BROWS = 512


def _row_spec():
    return pl.BlockSpec((_BROWS, _F), lambda i: (i, 0))


def _half_spec():
    return pl.BlockSpec((_BROWS, _HF), lambda i: (i, 0))


def _full_spec(shape):
    return pl.BlockSpec(shape, lambda i: tuple(0 for _ in shape))


def _node_kernel(X0, W_n, b_n, pw):
    return pl.pallas_call(
        _node_body,
        grid=(pl.cdiv(_N, _BROWS),),
        in_specs=[_row_spec(), _full_spec((_F, _F)), _full_spec((1, _F)),
                  _full_spec((1, 1))],
        out_specs=[_row_spec(), _row_spec()],
        out_shape=[jax.ShapeDtypeStruct((_N, _F), jnp.float32)] * 2,
    )(X0, W_n, b_n.reshape(1, _F), pw.reshape(1, 1))


def _edge_mm_kernel(X1, W_e, b_e, b_tri, pw):
    return pl.pallas_call(
        _edge_mm_body,
        grid=(_E_PAD // _BROWS,),
        in_specs=[_row_spec(), _full_spec((_F, _F)), _full_spec((1, _F)),
                  _full_spec((1, _F)), _full_spec((1, 1))],
        out_specs=_row_spec(),
        out_shape=jax.ShapeDtypeStruct((_E_PAD, _F), jnp.float32),
    )(X1, W_e, b_e.reshape(1, _F), b_tri.reshape(1, _F), pw.reshape(1, 1))


def _tri_mm_kernel(X2, W_t, b_t, W_tri, pw):
    return pl.pallas_call(
        _tri_mm_body,
        grid=(_T_PAD // _BROWS,),
        in_specs=[_row_spec(), _full_spec((_F, _F)), _full_spec((1, _F)),
                  _full_spec((_F, _F)), _full_spec((1, 1))],
        out_specs=_row_spec(),
        out_shape=jax.ShapeDtypeStruct((_T_PAD, _F), jnp.float32),
    )(X2, W_t, b_t.reshape(1, _F), W_tri, pw.reshape(1, 1))


def _combine_kernel(H0, Z0, Z1):
    return pl.pallas_call(
        _combine_body,
        grid=(pl.cdiv(_N, _BROWS),),
        in_specs=[_row_spec(), _row_spec(), _row_spec()],
        out_specs=_row_spec(),
        out_shape=jax.ShapeDtypeStruct((_N, _F), jnp.float32),
    )(H0, Z0, Z1)



def _sc_mesh():
    return plsc.VectorSubcoreMesh(core_axis_name="c", subcore_axis_name="s")


def _wid():
    return lax.axis_index("s") * _NC + lax.axis_index("c")


def _ew_mul(dst, a, b, width=_F):
    def row(r, _):
        for j in range(width // 16):
            sl = pl.ds(j * 16, 16)
            dst[r, sl] = a[r, sl] * b[r, sl]
        return 0
    lax.fori_loop(0, _CH, row, 0)


def _ew_mul_bf(dst, a, b):
    def row(r, _):
        for k in range(_F // 2 // 16):
            sl = pl.ds(k * 16, 16)
            dst[r, sl] = a[r, sl] & b[r, sl]
        return 0
    lax.fori_loop(0, _CH, row, 0)


def _ew_neg(dst, a, width=_HF):
    def row(r, _):
        for j in range(width // 16):
            sl = pl.ds(j * 16, 16)
            dst[r, sl] = -a[r, sl]
        return 0
    lax.fori_loop(0, _CH, row, 0)


def _ew_sub(dst, a, b, width=_HF):
    def row(r, _):
        for j in range(width // 16):
            sl = pl.ds(j * 16, 16)
            dst[r, sl] = a[r, sl] - b[r, sl]
        return 0
    lax.fori_loop(0, _CH, row, 0)



_EC_SLOW, _EC_FAST = 32, 128
_TC_SLOW, _TC_FAST = 16, 64
_SLOW_CORE = 1


def _egather_body(xb, tails2, heads2, x1, IT, IH, A0, B0, A1, B1, s0, s1):
    c = lax.axis_index("c")
    s = lax.axis_index("s")
    slow = c == _SLOW_CORE
    nch = jnp.where(slow, _EC_SLOW, _EC_FAST)
    r0 = jnp.where(slow, s * _EC_SLOW, _NS * _EC_SLOW + s * _EC_FAST)
    pltpu.sync_copy(tails2.at[pl.ds(r0, _EC_FAST)], IT)
    pltpu.sync_copy(heads2.at[pl.ds(r0, _EC_FAST)], IH)

    def body(j, _):
        @pl.when(2 * j + 1 < nch)
        def _():
            ia = 2 * j
            ib = 2 * j + 1
            da1 = pltpu.async_copy(xb.at[IT.at[ia]], A0, s0)
            da2 = pltpu.async_copy(xb.at[IH.at[ia]], B0, s0)
            db1 = pltpu.async_copy(xb.at[IT.at[ib]], A1, s1)
            db2 = pltpu.async_copy(xb.at[IH.at[ib]], B1, s1)
            da1.wait()
            da2.wait()
            _ew_mul(A0, A0, B0)
            pltpu.sync_copy(A0, x1.at[pl.ds((r0 + ia) * _CH, _CH)])
            db1.wait()
            db2.wait()
            _ew_mul(A1, A1, B1)
            pltpu.sync_copy(A1, x1.at[pl.ds((r0 + ib) * _CH, _CH)])
        return 0
    lax.fori_loop(0, _EC_FAST // 2, body, 0)


def _egather_kernel(X0b_pad, tails2, heads2):
    i32, bf16 = jnp.int32, jnp.bfloat16
    fn = pl.kernel(
        _egather_body,
        out_type=jax.ShapeDtypeStruct((_E_PAD, _F), jnp.float32),
        mesh=_sc_mesh(),
        scratch_types=[pltpu.VMEM((_EC_FAST, _CH), i32), pltpu.VMEM((_EC_FAST, _CH), i32),
                       pltpu.VMEM((_CH, _F), jnp.float32), pltpu.VMEM((_CH, _F), jnp.float32),
                       pltpu.VMEM((_CH, _F), jnp.float32), pltpu.VMEM((_CH, _F), jnp.float32),
                       pltpu.SemaphoreType.DMA, pltpu.SemaphoreType.DMA],
    )
    return fn(X0b_pad, tails2, heads2)



def _tgather_body(xb, v02, v12, v22, x2, V0, V1, V2,
                  A0, B0, C0, A1, B1, C1, s0, s1):
    c = lax.axis_index("c")
    s = lax.axis_index("s")
    slow = c == _SLOW_CORE
    nch = jnp.where(slow, _TC_SLOW, _TC_FAST)
    r0 = jnp.where(slow, s * _TC_SLOW, _NS * _TC_SLOW + s * _TC_FAST)
    pltpu.sync_copy(v02.at[pl.ds(r0, _TC_FAST)], V0)
    pltpu.sync_copy(v12.at[pl.ds(r0, _TC_FAST)], V1)
    pltpu.sync_copy(v22.at[pl.ds(r0, _TC_FAST)], V2)

    def body(j, _):
        @pl.when(2 * j + 1 < nch)
        def _():
            ia = 2 * j
            ib = 2 * j + 1
            da1 = pltpu.async_copy(xb.at[V0.at[ia]], A0, s0)
            da2 = pltpu.async_copy(xb.at[V1.at[ia]], B0, s0)
            da3 = pltpu.async_copy(xb.at[V2.at[ia]], C0, s0)
            db1 = pltpu.async_copy(xb.at[V0.at[ib]], A1, s1)
            db2 = pltpu.async_copy(xb.at[V1.at[ib]], B1, s1)
            db3 = pltpu.async_copy(xb.at[V2.at[ib]], C1, s1)
            da1.wait()
            da2.wait()
            da3.wait()
            _ew_mul(A0, A0, B0)
            _ew_mul(A0, A0, C0)
            pltpu.sync_copy(A0, x2.at[pl.ds((r0 + ia) * _CH, _CH)])
            db1.wait()
            db2.wait()
            db3.wait()
            _ew_mul(A1, A1, B1)
            _ew_mul(A1, A1, C1)
            pltpu.sync_copy(A1, x2.at[pl.ds((r0 + ib) * _CH, _CH)])
        return 0
    lax.fori_loop(0, _TC_FAST // 2, body, 0)


def _tgather_kernel(X0b_pad, v02, v12, v22):
    i32, bf16 = jnp.int32, jnp.bfloat16
    fn = pl.kernel(
        _tgather_body,
        out_type=jax.ShapeDtypeStruct((_T_PAD, _F), jnp.float32),
        mesh=_sc_mesh(),
        scratch_types=[pltpu.VMEM((_TC_FAST, _CH), i32)] * 3 +
                      [pltpu.VMEM((_CH, _F), jnp.float32)] * 6 +
                      [pltpu.SemaphoreType.DMA, pltpu.SemaphoreType.DMA],
    )
    return fn(X0b_pad, v02, v12, v22)



def _trans_body(tails, heads, t02, t12, t22,
                p0o, p1o, p2o, n0o, n1o, n2o,
                T0, T1, T2, P0, P1, P2, N0, N1, N2, sm):
    w = _wid()
    r0 = w * _TCH_W
    pltpu.sync_copy(t02.at[pl.ds(r0, _TCH_W)], T0)
    pltpu.sync_copy(t12.at[pl.ds(r0, _TCH_W)], T1)
    pltpu.sync_copy(t22.at[pl.ds(r0, _TCH_W)], T2)

    def body(i, _):
        ds = [pltpu.async_copy(heads.at[T0.at[i]], P0.at[i], sm),
              pltpu.async_copy(tails.at[T0.at[i]], N0.at[i], sm),
              pltpu.async_copy(tails.at[T1.at[i]], P1.at[i], sm),
              pltpu.async_copy(heads.at[T1.at[i]], N1.at[i], sm),
              pltpu.async_copy(heads.at[T2.at[i]], P2.at[i], sm),
              pltpu.async_copy(tails.at[T2.at[i]], N2.at[i], sm)]
        for d in ds:
            d.wait()
        return 0
    lax.fori_loop(0, _TCH_W, body, 0)

    pltpu.sync_copy(P0, p0o.at[pl.ds(r0, _TCH_W)])
    pltpu.sync_copy(P1, p1o.at[pl.ds(r0, _TCH_W)])
    pltpu.sync_copy(P2, p2o.at[pl.ds(r0, _TCH_W)])
    pltpu.sync_copy(N0, n0o.at[pl.ds(r0, _TCH_W)])
    pltpu.sync_copy(N1, n1o.at[pl.ds(r0, _TCH_W)])
    pltpu.sync_copy(N2, n2o.at[pl.ds(r0, _TCH_W)])


def _trans_kernel(tails, heads, t02, t12, t22):
    i32 = jnp.int32
    fn = pl.kernel(
        _trans_body,
        out_type=[jax.ShapeDtypeStruct((_T_PAD // _CH, _CH), i32)] * 6,
        mesh=_sc_mesh(),
        scratch_types=[pltpu.VMEM((_TCH_W, _CH), i32)] * 9 +
                      [pltpu.SemaphoreType.DMA],
    )
    return fn(tails, heads, t02, t12, t22)



def _and_body(xb, tails2, heads2, v02, v12, v22, x1, x2,
              IT, IH, V0, V1, V2, A, B, sm, xs):
    c = lax.axis_index("c")
    s = lax.axis_index("s")
    w = s * _NC + c
    rows_sub = _N_PAD // _NS
    off = s * rows_sub
    pltpu.sync_copy(xb.at[pl.ds(off, rows_sub)], xs.at[pl.ds(off, rows_sub)])
    plsc.subcore_barrier()

    r0 = w * _ECH_W

    for h in range(2):
        hr = r0 + h * (_ECH_W // 2)
        pltpu.sync_copy(tails2.at[pl.ds(hr, _ECH_W // 2)], IT)
        pltpu.sync_copy(heads2.at[pl.ds(hr, _ECH_W // 2)], IH)

        def ebody(k, _, hr=hr):
            d1 = pltpu.async_copy(xs.at[IT.at[k]], A, sm)
            d2 = pltpu.async_copy(xs.at[IH.at[k]], B, sm)
            d1.wait()
            d2.wait()
            _ew_mul(A, A, B)
            pltpu.sync_copy(A, x1.at[pl.ds((hr + k) * _CH, _CH)])
            return 0
        lax.fori_loop(0, _ECH_W // 2, ebody, 0)

    t0 = w * _TCH_W

    for h in range(5):
        hr = t0 + h * (_TCH_W // 5)
        pltpu.sync_copy(v02.at[pl.ds(hr, _TCH_W // 5)], V0)
        pltpu.sync_copy(v12.at[pl.ds(hr, _TCH_W // 5)], V1)
        pltpu.sync_copy(v22.at[pl.ds(hr, _TCH_W // 5)], V2)

        def tbody(k, _, hr=hr):
            d1 = pltpu.async_copy(xs.at[V0.at[k]], A, sm)
            d2 = pltpu.async_copy(xs.at[V1.at[k]], B, sm)
            d1.wait()
            d2.wait()
            _ew_mul(A, A, B)
            d3 = pltpu.async_copy(xs.at[V2.at[k]], B, sm)
            d3.wait()
            _ew_mul(A, A, B)
            pltpu.sync_copy(A, x2.at[pl.ds((hr + k) * _CH, _CH)])
            return 0
        lax.fori_loop(0, _TCH_W // 5, tbody, 0)


def _and_kernel(X0b_pad, tails2, heads2, v02, v12, v22):
    i32, f32 = jnp.int32, jnp.float32
    fn = pl.kernel(
        _and_body,
        out_type=[jax.ShapeDtypeStruct((_E_PAD, _F), f32),
                  jax.ShapeDtypeStruct((_T_PAD, _F), f32)],
        mesh=_sc_mesh(),
        scratch_types=[pltpu.VMEM((_ECH_W // 2, _CH), i32)] * 2 +
                      [pltpu.VMEM((_TCH_W // 5, _CH), i32)] * 3 +
                      [pltpu.VMEM((_CH, _F), f32)] * 2 +
                      [pltpu.SemaphoreType.DMA,
                       pltpu.VMEM_SHARED((_N_PAD, _F), f32)],
    )
    return fn(X0b_pad, tails2, heads2, v02, v12, v22)



_E_PER_W = _E_PAD // _NW
_T_PER_W = _T_PAD // _NW


def _gather_body_r1(xb, tails, heads, v0, v1, v2, t0, t1, t2,
                    x1, x2, p0, p1, p2, n0, n1, n2,
                    ia, ib, ic, A, B, C, sg, sem):
    w = _wid()
    ebase = w * _E_PER_W

    def edge_chunk(i, _):
        base = pl.multiple_of(ebase + i * _CH, _CH)
        pltpu.sync_copy(tails.at[pl.ds(base, _CH)], ia)
        pltpu.sync_copy(heads.at[pl.ds(base, _CH)], ib)
        pltpu.async_copy(xb.at[ia], A, sem).wait()
        pltpu.async_copy(xb.at[ib], B, sem).wait()
        _ew_mul(A, A, B)
        pltpu.sync_copy(A, x1.at[pl.ds(base, _CH)])
        return 0

    lax.fori_loop(0, _E_PER_W // _CH, edge_chunk, 0)

    tbase = w * _T_PER_W

    def tri_chunk(i, _):
        base = pl.multiple_of(tbase + i * _CH, _CH)
        pltpu.sync_copy(v0.at[pl.ds(base, _CH)], ia)
        pltpu.sync_copy(v1.at[pl.ds(base, _CH)], ib)
        pltpu.sync_copy(v2.at[pl.ds(base, _CH)], ic)
        pltpu.async_copy(xb.at[ia], A, sem).wait()
        pltpu.async_copy(xb.at[ib], B, sem).wait()
        pltpu.async_copy(xb.at[ic], C, sem).wait()
        _ew_mul(A, A, B)
        _ew_mul(A, A, C)
        pltpu.sync_copy(A, x2.at[pl.ds(base, _CH)])
        pltpu.sync_copy(t0.at[pl.ds(base, _CH)], ia)
        pltpu.async_copy(heads.at[ia], sg, sem).wait()
        pltpu.sync_copy(sg, p0.at[pl.ds(base, _CH)])
        pltpu.async_copy(tails.at[ia], sg, sem).wait()
        pltpu.sync_copy(sg, n0.at[pl.ds(base, _CH)])
        pltpu.sync_copy(t1.at[pl.ds(base, _CH)], ia)
        pltpu.async_copy(tails.at[ia], sg, sem).wait()
        pltpu.sync_copy(sg, p1.at[pl.ds(base, _CH)])
        pltpu.async_copy(heads.at[ia], sg, sem).wait()
        pltpu.sync_copy(sg, n1.at[pl.ds(base, _CH)])
        pltpu.sync_copy(t2.at[pl.ds(base, _CH)], ia)
        pltpu.async_copy(heads.at[ia], sg, sem).wait()
        pltpu.sync_copy(sg, p2.at[pl.ds(base, _CH)])
        pltpu.async_copy(tails.at[ia], sg, sem).wait()
        pltpu.sync_copy(sg, n2.at[pl.ds(base, _CH)])
        return 0

    lax.fori_loop(0, _T_PER_W // _CH, tri_chunk, 0)


def _gather_kernel_r1(X0b_pad, tails, heads, v0, v1, v2, t0, t1, t2):
    i32 = jnp.int32
    f32 = jnp.float32
    fn = pl.kernel(
        _gather_body_r1,
        out_type=[jax.ShapeDtypeStruct((_E_PAD, _F), f32),
                  jax.ShapeDtypeStruct((_T_PAD, _F), f32)] +
                 [jax.ShapeDtypeStruct((_T_PAD,), i32)] * 6,
        mesh=_sc_mesh(),
        scratch_types=[pltpu.VMEM((_CH,), i32), pltpu.VMEM((_CH,), i32),
                       pltpu.VMEM((_CH,), i32),
                       pltpu.VMEM((_CH, _F), f32), pltpu.VMEM((_CH, _F), f32),
                       pltpu.VMEM((_CH, _F), f32),
                       pltpu.VMEM((_CH,), i32),
                       pltpu.SemaphoreType.DMA],
    )
    return fn(X0b_pad, tails, heads, v0, v1, v2, t0, t1, t2)



def _scatter_body(h1, g2, tails1, heads1, p01, p11, p21, n01, n11, n21,
                  z, it, ih, q0, q1, q2, q3, q4, q5,
                  R, Rn, li, lr, acc):
    c = lax.axis_index("c")
    s = lax.axis_index("s")
    w = s * _NC + c
    rows_sub = _N_PAD // _NS
    zr0 = s * rows_sub

    def zfill(j, _):
        R[j // (_F // 16), pl.ds((j % (_F // 16)) * 16, 16)] = jnp.zeros((16,), jnp.float32)
        return 0
    lax.fori_loop(0, _CH * (_F // 16), zfill, 0)

    def zcp(k, _):
        off = zr0 + k * _CH
        pltpu.sync_copy(R, acc.at[pl.ds(off, _CH)])
        return 0
    lax.fori_loop(0, rows_sub // _CH, zcp, 0)

    plsc.subcore_barrier()

    ebase = w * _ECH_W

    def edge_body(k, _):
        base = (ebase + k) * _CH
        d1 = pltpu.async_copy(tails1.at[pl.ds(base, _CH)], it, li)
        d2 = pltpu.async_copy(heads1.at[pl.ds(base, _CH)], ih, li)
        d3 = pltpu.async_copy(h1.at[pl.ds(base, _CH)], R, lr)
        d1.wait()
        d2.wait()
        d3.wait()
        _ew_neg(Rn, R, _F)
        pltpu.sync_copy(R, acc.at[ih], add=True)
        pltpu.sync_copy(Rn, acc.at[it], add=True)
        return 0

    lax.fori_loop(0, _ECH_W, edge_body, 0)

    tbase = w * _TCH_W

    def tri_body(k, _):
        base = (tbase + k) * _CH
        dd = [pltpu.async_copy(p01.at[pl.ds(base, _CH)], q0, li),
              pltpu.async_copy(p11.at[pl.ds(base, _CH)], q1, li),
              pltpu.async_copy(p21.at[pl.ds(base, _CH)], q2, li),
              pltpu.async_copy(n01.at[pl.ds(base, _CH)], q3, li),
              pltpu.async_copy(n11.at[pl.ds(base, _CH)], q4, li),
              pltpu.async_copy(n21.at[pl.ds(base, _CH)], q5, li),
              pltpu.async_copy(g2.at[pl.ds(base, _CH)], R, lr)]
        for d in dd:
            d.wait()
        _ew_neg(Rn, R, _F)
        pltpu.sync_copy(R, acc.at[q0], add=True)
        pltpu.sync_copy(R, acc.at[q1], add=True)
        pltpu.sync_copy(R, acc.at[q2], add=True)
        pltpu.sync_copy(Rn, acc.at[q3], add=True)
        pltpu.sync_copy(Rn, acc.at[q4], add=True)
        pltpu.sync_copy(Rn, acc.at[q5], add=True)
        return 0

    lax.fori_loop(0, _TCH_W, tri_body, 0)

    plsc.subcore_barrier()

    def outcp(k, _):
        off = zr0 + k * _CH
        pltpu.sync_copy(acc.at[pl.ds(off, _CH)], z.at[c, pl.ds(off, _CH)])
        return 0
    lax.fori_loop(0, rows_sub // _CH, outcp, 0)


def _scatter_kernel(H1p, G2, tails1, heads1, p01, p11, p21, n01, n11, n21):
    i32, f32 = jnp.int32, jnp.float32
    fn = pl.kernel(
        _scatter_body,
        out_type=jax.ShapeDtypeStruct((_NC, _N_PAD, _F), f32),
        mesh=_sc_mesh(),
        scratch_types=[pltpu.VMEM((_CH,), i32)] * 8 +
                      [pltpu.VMEM((_CH, _F), f32)] * 2 +
                      [pltpu.SemaphoreType.DMA] * 2 +
                      [pltpu.VMEM_SHARED((_N_PAD, _F), f32)],
    )
    return fn(H1p, G2, tails1, heads1, p01, p11, p21, n01, n11, n21)



def kernel(X0, edge_index, tri_index, tri_edge_index, W_n, b_n, W_e, b_e,
           W_t, b_t, W_tri, b_tri, prelu_w):
    i32 = jnp.int32
    f32 = jnp.float32

    def padi2(col, total, fill):
        v = jnp.concatenate([col, jnp.full((total - col.shape[0],), fill, i32)])
        return v.reshape(total // _CH, _CH)

    tails2 = padi2(edge_index[:, 0], _E_PAD, _N)
    heads2 = padi2(edge_index[:, 1], _E_PAD, _N)
    v02 = padi2(tri_index[:, 0], _T_PAD, _N)
    v12 = padi2(tri_index[:, 1], _T_PAD, _N)
    v22 = padi2(tri_index[:, 2], _T_PAD, _N)
    t02 = padi2(tri_edge_index[:, 0], _T_PAD, _E)
    t12 = padi2(tri_edge_index[:, 1], _T_PAD, _E)
    t22 = padi2(tri_edge_index[:, 2], _T_PAD, _E)
    tails1 = tails2.reshape(_E_PAD)
    heads1 = heads2.reshape(_E_PAD)

    X0b, H0 = _node_kernel(X0, W_n, b_n, prelu_w)
    X0b_pad = jnp.concatenate([X0b, jnp.zeros((_N_PAD - _N, _F), f32)])

    X1, X2 = _and_kernel(X0b_pad, tails2, heads2, v02, v12, v22)
    p02, p12, p22, n02, n12, n22 = _trans_kernel(tails1, heads1, t02, t12, t22)

    H1p = _edge_mm_kernel(X1, W_e, b_e, b_tri, prelu_w)
    G2 = _tri_mm_kernel(X2, W_t, b_t, W_tri, prelu_w)

    Z = _scatter_kernel(H1p, G2, tails1, heads1,
                        p02.reshape(_T_PAD), p12.reshape(_T_PAD),
                        p22.reshape(_T_PAD), n02.reshape(_T_PAD),
                        n12.reshape(_T_PAD), n22.reshape(_T_PAD))

    return _combine_kernel(H0, Z[0, :_N], Z[1, :_N])

# --- scband reference (transcript-rebuilt; emitter-appended) ---
"""Pipeline reference for scband-planetoid-scn-54417235641005 (READ-ONLY COPY).

The authoritative reference and input builder live on the scoring server;
editing this copy changes nothing except your own understanding.
"""

import jax, jax.numpy as jnp
import numpy as np

N = 10000
E = 320000
T = 160000
F = 128
OUT = 128

def prelu(x, w):
    return jnp.where(x >= 0, x, w[0] * x)

def setup_inputs(seed: int = 0):
    key = jax.random.key(seed)
    ks = jax.random.split(key, 10)
    X0 = jax.random.normal(ks[0], (N, F), dtype=jnp.float32)
    edge_index = jax.random.randint(ks[1], (E, 2), 0, N, dtype=jnp.int32)
    tri_index = jax.random.randint(ks[2], (T, 3), 0, N, dtype=jnp.int32)
    tri_edge_index = jax.random.randint(ks[3], (T, 3), 0, E, dtype=jnp.int32)
    W_n = jax.random.normal(ks[4], (F, OUT), dtype=jnp.float32) * 0.02
    b_n = jnp.zeros((OUT,), dtype=jnp.float32)
    W_e = jax.random.normal(ks[5], (F, OUT), dtype=jnp.float32) * 0.02
    b_e = jnp.zeros((OUT,), dtype=jnp.float32)
    W_t = jax.random.normal(ks[6], (F, OUT), dtype=jnp.float32) * 0.02
    b_t = jnp.zeros((OUT,), dtype=jnp.float32)
    W_tri = jax.random.normal(ks[7], (OUT, OUT), dtype=jnp.float32) * 0.02
    b_tri = jnp.zeros((OUT,), dtype=jnp.float32)
    prelu_w = jnp.full((1,), 0.25, dtype=jnp.float32)
    return {"X0": X0, "edge_index": edge_index, "tri_index": tri_index,
            "tri_edge_index": tri_edge_index, "W_n": W_n, "b_n": b_n,
            "W_e": W_e, "b_e": b_e, "W_t": W_t, "b_t": b_t,
            "W_tri": W_tri, "b_tri": b_tri, "prelu_w": prelu_w}

def reference(X0, edge_index, tri_index, tri_edge_index, W_n, b_n, W_e, b_e, W_t, b_t, W_tri, b_tri, prelu_w):
    # X0[X0 != 0] = 1  (zeros stay zero)
    X0b = jnp.where(X0 != 0, jnp.float32(1.0), X0)
    # edge features: AND of endpoint node features (gathers)
    X1_in = X0b[edge_index[:, 0]]
    X1_out = X0b[edge_index[:, 1]]
    X1 = (X1_in.astype(bool) & X1_out.astype(bool)).astype(jnp.float32)
    # triangle features: AND of the three vertices (gathers)
    X2i = X0b[tri_index[:, 0]]
    X2j = X0b[tri_index[:, 1]]
    X2k = X0b[tri_index[:, 2]]
    X2 = (X2i.astype(bool) & X2j.astype(bool) & X2k.astype(bool)).astype(jnp.float32)
    # SCNLayer with k=1: chebyshev(L, x, 1) = x, so the layer is Linear(x)
    H0 = prelu(X0b @ W_n + b_n, prelu_w)
    H1 = prelu(X1 @ W_e + b_e, prelu_w)
    H2 = prelu(X2 @ W_t + b_t, prelu_w)
    # boundary operators as signed scatter-adds
    s1 = jnp.array([-1.0, 1.0], dtype=jnp.float32)          # B1 column signs (tail, head)
    s2 = jnp.array([1.0, -1.0, 1.0], dtype=jnp.float32)     # B2 column signs per triangle edge
    # B2 @ H2 : [E, OUT]
    B2X2 = jnp.zeros((E, OUT), dtype=jnp.float32).at[tri_edge_index.reshape(-1)].add(
        (H2[:, None, :] * s2[None, :, None]).reshape(-1, OUT))
    tri_out = B2X2 @ W_tri + b_tri
    # B1 @ H1 : [N, OUT]
    B1H1 = jnp.zeros((N, OUT), dtype=jnp.float32).at[edge_index.reshape(-1)].add(
        (H1[:, None, :] * s1[None, :, None]).reshape(-1, OUT))
    # B1 @ tri_out : [N, OUT]
    B1T = jnp.zeros((N, OUT), dtype=jnp.float32).at[edge_index.reshape(-1)].add(
        (tri_out[:, None, :] * s1[None, :, None]).reshape(-1, OUT))
    out = (H0 + B1H1 + B1T) / 3.0
    return out

if __name__ == "__main__":
    import jax
    _d = setup_inputs()
    print(jax.jit(kernel)(*tuple(_d.values())))

</pallas_src>

<mosaic_0001>
#map = affine_map<(d0, d1) -> (0, 0)>
#map1 = affine_map<(d0, d1) -> (0)>
#map2 = affine_map<(d0, d1) -> (0, 0, 0)>
module attributes {stable_mosaic.version = 14 : i64} {
  func.func @_scatter_body(%arg0: i32, %arg1: i32, %arg2: memref<327680x128xf32, #tpu.memory_space<hbm>>, %arg3: memref<163840x128xf32, #tpu.memory_space<hbm>>, %arg4: memref<327680xi32, #tpu.memory_space<hbm>>, %arg5: memref<327680xi32, #tpu.memory_space<hbm>>, %arg6: memref<163840xi32, #tpu.memory_space<hbm>>, %arg7: memref<163840xi32, #tpu.memory_space<hbm>>, %arg8: memref<163840xi32, #tpu.memory_space<hbm>>, %arg9: memref<163840xi32, #tpu.memory_space<hbm>>, %arg10: memref<163840xi32, #tpu.memory_space<hbm>>, %arg11: memref<163840xi32, #tpu.memory_space<hbm>>, %arg12: memref<2x10240x128xf32, #tpu.memory_space<hbm>>, %arg13: memref<128xi32, #tpu.memory_space<vmem>>, %arg14: memref<128xi32, #tpu.memory_space<vmem>>, %arg15: memref<128xi32, #tpu.memory_space<vmem>>, %arg16: memref<128xi32, #tpu.memory_space<vmem>>, %arg17: memref<128xi32, #tpu.memory_space<vmem>>, %arg18: memref<128xi32, #tpu.memory_space<vmem>>, %arg19: memref<128xi32, #tpu.memory_space<vmem>>, %arg20: memref<128xi32, #tpu.memory_space<vmem>>, %arg21: memref<128x128xf32, #tpu.memory_space<vmem>>, %arg22: memref<128x128xf32, #tpu.memory_space<vmem>>, %arg23: memref<!tpu.dma_semaphore, #tpu.memory_space<semaphore_mem>>, %arg24: memref<!tpu.dma_semaphore, #tpu.memory_space<semaphore_mem>>, %arg25: memref<10240x128xf32, #tpu.memory_space<vmem_shared>>) attributes {dimension_semantics = [#tpu.dimension_semantics<core_parallel>, #tpu.dimension_semantics<subcore_parallel>], iteration_bounds = array<i64: 2, 16>, scalar_prefetch = 0 : i64, scratch_operands = 13 : i64, tpu.core_type = #tpu.core_type<sc_vector_subcore>, window_params = [{transform_indices = #map}, {transform_indices = #map}, {transform_indices = #map1}, {transform_indices = #map1}, {transform_indices = #map1}, {transform_indices = #map1}, {transform_indices = #map1}, {transform_indices = #map1}, {transform_indices = #map1}, {transform_indices = #map1}, {transform_indices = #map2}]} {
    %mul3A = arith.constant 2 : i32
    %mul3A_0 = arith.muli %arg1, %mul3A : i32
    %add3A = arith.addi %mul3A_0, %arg0 : i32
    %mul3A_1 = arith.constant 640 : i32
    %mul3A_2 = arith.muli %arg1, %mul3A_1 : i32
    %scan3A = arith.constant 0 : i32
    %scan3A_3 = arith.constant 0 : i32
    %scan3A_4 = arith.constant 1024 : i32
    %scan3A_5 = arith.addi %scan3A_3, %scan3A_4 : i32
    %scan3A_6 = arith.constant 1 : i32
    %scan3A_7 = scf.for %scan3A_42 = %scan3A_3 to %scan3A_5 step %scan3A_6 iter_args(%scan3A_43 = %scan3A) -> (i32)  : i32 {
      %broadcast_in_dim3A = arith.constant 0.000000e+00 : f32
      %broadcast_in_dim3A_44 = vector.broadcast %broadcast_in_dim3A : f32 to vector<16xf32>
      %jit3A = arith.constant 8 : i32
      %div3A = arith.divsi %scan3A_42, %jit3A : i32
      %sign3A = arith.constant 0 : i32
      %sign3A_45 = arith.cmpi sgt, %scan3A_42, %sign3A : i32
      %sign3A_46 = arith.extui %sign3A_45 : i1 to i32
      %sign3A_47 = arith.constant 0 : i32
      %sign3A_48 = arith.cmpi slt, %scan3A_42, %sign3A_47 : i32
      %sign3A_49 = arith.extui %sign3A_48 : i1 to i32
      %sign3A_50 = arith.subi %sign3A_46, %sign3A_49 : i32
      %sign3A_51 = arith.constant 0 : i32
      %sign3A_52 = arith.cmpi sgt, %jit3A, %sign3A_51 : i32
      %sign3A_53 = arith.extui %sign3A_52 : i1 to i32
      %sign3A_54 = arith.constant 0 : i32
      %sign3A_55 = arith.cmpi slt, %jit3A, %sign3A_54 : i32
      %sign3A_56 = arith.extui %sign3A_55 : i1 to i32
      %sign3A_57 = arith.subi %sign3A_53, %sign3A_56 : i32
      %ne3A = arith.cmpi ne, %sign3A_50, %sign3A_57 : i32
      %rem3A = arith.remsi %scan3A_42, %jit3A : i32
      %ne3A_58 = arith.constant 0 : i32
      %ne3A_59 = arith.cmpi ne, %rem3A, %ne3A_58 : i32
      %and3A = arith.andi %ne3A, %ne3A_59 : i1
      %sub3A = arith.constant 1 : i32
      %sub3A_60 = arith.subi %div3A, %sub3A : i32
      %select_n3A = arith.select %and3A, %sub3A_60, %div3A : i32
      %jit3A_61 = arith.constant 8 : i32
      %eq3A = arith.constant 0 : i32
      %eq3A_62 = arith.cmpi eq, %jit3A_61, %eq3A : i32
      %jit3A_63 = arith.constant 1 : i32
      %select_n3A_64 = arith.select %eq3A_62, %jit3A_63, %jit3A_61 : i32
      %rem3A_65 = arith.remsi %scan3A_42, %select_n3A_64 : i32
      %ne3A_66 = arith.constant 0 : i32
      %ne3A_67 = arith.cmpi ne, %rem3A_65, %ne3A_66 : i32
      %lt3A = arith.constant 0 : i32
      %lt3A_68 = arith.cmpi slt, %rem3A_65, %lt3A : i32
      %lt3A_69 = arith.constant 0 : i32
      %lt3A_70 = arith.cmpi slt, %select_n3A_64, %lt3A_69 : i32
      %ne3A_71 = arith.xori %lt3A_68, %lt3A_70 : i1
      %and3A_72 = arith.andi %ne3A_71, %ne3A_67 : i1
      %add3A_73 = arith.addi %rem3A_65, %select_n3A_64 : i32
      %select_n3A_74 = arith.select %and3A_72, %add3A_73, %rem3A_65 : i32
      %mul3A_75 = arith.constant 16 : i32
      %mul3A_76 = arith.muli %select_n3A_74, %mul3A_75 : i32
      %swap3A = arith.index_cast %select_n3A : i32 to index
      %swap3A_77 = arith.index_cast %mul3A_76 : i32 to index
      %swap3A_78 = tpu.vector_load %arg21[%swap3A, %swap3A_77] {strides = array<i32>} : memref<128x128xf32, #tpu.memory_space<vmem>>, vector<1x16xf32>,
      %swap3A_79 = vector.shape_cast %swap3A_78 : vector<1x16xf32> to vector<16xf32>
      %swap3A_80 = vector.shape_cast %broadcast_in_dim3A_44 : vector<16xf32> to vector<1x16xf32>
      tpu.vector_store %arg21[%swap3A, %swap3A_77], %swap3A_80 {strides = array<i32>} : memref<128x128xf32, #tpu.memory_space<vmem>>, vector<1x16xf32>,
      %scan3A_81 = arith.constant 0 : i32
      scf.yield %scan3A_81 : i32
    }
    %scan3A_8 = arith.constant 1024 : i32
    %scan3A_9 = arith.constant 0 : i32
    %scan3A_10 = arith.constant 0 : i32
    %scan3A_11 = arith.constant 5 : i32
    %scan3A_12 = arith.addi %scan3A_10, %scan3A_11 : i32
    %scan3A_13 = arith.constant 1 : i32
    %scan3A_14 = scf.for %scan3A_42 = %scan3A_10 to %scan3A_12 step %scan3A_13 iter_args(%scan3A_43 = %scan3A_9) -> (i32)  : i32 {
      %mul3A_44 = arith.constant 128 : i32
      %mul3A_45 = arith.muli %scan3A_42, %mul3A_44 : i32
      %add3A_46 = arith.addi %mul3A_2, %mul3A_45 : i32
      "tpu.region"() ({
        %run_scoped3A = tpu.sem_alloc : memref<!tpu.dma_semaphore, #tpu.memory_space<semaphore_mem>>
        %dma_start3A = arith.constant 0 : i32
        %dma_start3A_48 = tpu.memref_slice %arg25[%add3A_46, %dma_start3A] : memref<10240x128xf32, #tpu.memory_space<vmem_shared>> -> memref<128x128xf32, #tpu.memory_space<vmem_shared>>
        %dma_start3A_49 = arith.constant 0 : i32
        %dma_start3A_50 = tpu.memref_slice %arg25[%add3A_46, %dma_start3A_49] : memref<10240x128xf32, #tpu.memory_space<vmem_shared>> -> memref<128x128xf32, #tpu.memory_space<vmem_shared>>
        tpu.enqueue_dma source(%arg21 : memref<128x128xf32, #tpu.memory_space<vmem>>) target(%dma_start3A_50 : memref<128x128xf32, #tpu.memory_space<vmem_shared>>) target_semaphore(%run_scoped3A : memref<!tpu.dma_semaphore, #tpu.memory_space<semaphore_mem>>)
        %dma_wait3A = arith.constant 0 : i32
        %dma_wait3A_51 = tpu.memref_slice %arg25[%add3A_46, %dma_wait3A] : memref<10240x128xf32, #tpu.memory_space<vmem_shared>> -> memref<128x128xf32, #tpu.memory_space<vmem_shared>>
        %dma_wait3A_52 = arith.constant 0 : i32
        %dma_wait3A_53 = tpu.memref_slice %arg25[%add3A_46, %dma_wait3A_52] : memref<10240x128xf32, #tpu.memory_space<vmem_shared>> -> memref<128x128xf32, #tpu.memory_space<vmem_shared>>
        tpu.wait_dma2 semaphore(%run_scoped3A : memref<!tpu.dma_semaphore, #tpu.memory_space<semaphore_mem>>) src(%arg21 : memref<128x128xf32, #tpu.memory_space<vmem>>) dst(%dma_wait3A_53 : memref<128x128xf32, #tpu.memory_space<vmem_shared>>)
        tpu.yield
      }) : () -> ()
      %scan3A_47 = arith.constant 0 : i32
      scf.yield %scan3A_47 : i32
    }
    %scan3A_15 = arith.constant 5 : i32
    %barrier3A = arith.constant 0 : index
    tpu.barrier barrier_id(%barrier3A)
    %mul3A_16 = arith.constant 80 : i32
    %mul3A_17 = arith.muli %add3A, %mul3A_16 : i32
    %scan3A_18 = arith.constant 0 : i32
    %scan3A_19 = arith.constant 0 : i32
    %scan3A_20 = arith.constant 80 : i32
    %scan3A_21 = arith.addi %scan3A_19, %scan3A_20 : i32
    %scan3A_22 = arith.constant 1 : i32
    %scan3A_23 = scf.for %scan3A_42 = %scan3A_19 to %scan3A_21 step %scan3A_22 iter_args(%scan3A_43 = %scan3A_18) -> (i32)  : i32 {
      %add3A_44 = arith.addi %mul3A_17, %scan3A_42 : i32
      %mul3A_45 = arith.constant 128 : i32
      %mul3A_46 = arith.muli %add3A_44, %mul3A_45 : i32
      %dma_start3A = tpu.memref_slice %arg4[%mul3A_46] : memref<327680xi32, #tpu.memory_space<hbm>> -> memref<128xi32, #tpu.memory_space<hbm>>
      %dma_start3A_47 = tpu.memref_slice %arg4[%mul3A_46] : memref<327680xi32, #tpu.memory_space<hbm>> -> memref<128xi32, #tpu.memory_space<hbm>>
      tpu.enqueue_dma source(%dma_start3A_47 : memref<128xi32, #tpu.memory_space<hbm>>) target(%arg13 : memref<128xi32, #tpu.memory_space<vmem>>) target_semaphore(%arg23 : memref<!tpu.dma_semaphore, #tpu.memory_space<semaphore_mem>>)
      %dma_start3A_48 = tpu.memref_slice %arg5[%mul3A_46] : memref<327680xi32, #tpu.memory_space<hbm>> -> memref<128xi32, #tpu.memory_space<hbm>>
      %dma_start3A_49 = tpu.memref_slice %arg5[%mul3A_46] : memref<327680xi32, #tpu.memory_space<hbm>> -> memref<128xi32, #tpu.memory_space<hbm>>
      tpu.enqueue_dma source(%dma_start3A_49 : memref<128xi32, #tpu.memory_space<hbm>>) target(%arg14 : memref<128xi32, #tpu.memory_space<vmem>>) target_semaphore(%arg23 : memref<!tpu.dma_semaphore, #tpu.memory_space<semaphore_mem>>)
      %dma_start3A_50 = arith.constant 0 : i32
      %dma_start3A_51 = tpu.memref_slice %arg2[%mul3A_46, %dma_start3A_50] : memref<327680x128xf32, #tpu.memory_space<hbm>> -> memref<128x128xf32, #tpu.memory_space<hbm>>
      %dma_start3A_52 = arith.constant 0 : i32
      %dma_start3A_53 = tpu.memref_slice %arg2[%mul3A_46, %dma_start3A_52] : memref<327680x128xf32, #tpu.memory_space<hbm>> -> memref<128x128xf32, #tpu.memory_space<hbm>>
      tpu.enqueue_dma source(%dma_start3A_53 : memref<128x128xf32, #tpu.memory_space<hbm>>) target(%arg21 : memref<128x128xf32, #tpu.memory_space<vmem>>) target_semaphore(%arg24 : memref<!tpu.dma_semaphore, #tpu.memory_space<semaphore_mem>>)
      %dma_wait3A = tpu.memref_slice %arg4[%mul3A_46] : memref<327680xi32, #tpu.memory_space<hbm>> -> memref<128xi32, #tpu.memory_space<hbm>>
      %dma_wait3A_54 = tpu.memref_slice %arg4[%mul3A_46] : memref<327680xi32, #tpu.memory_space<hbm>> -> memref<128xi32, #tpu.memory_space<hbm>>
      tpu.wait_dma2 semaphore(%arg23 : memref<!tpu.dma_semaphore, #tpu.memory_space<semaphore_mem>>) src(%dma_wait3A_54 : memref<128xi32, #tpu.memory_space<hbm>>) dst(%arg13 : memref<128xi32, #tpu.memory_space<vmem>>)
      %dma_wait3A_55 = tpu.memref_slice %arg5[%mul3A_46] : memref<327680xi32, #tpu.memory_space<hbm>> -> memref<128xi32, #tpu.memory_space<hbm>>
      %dma_wait3A_56 = tpu.memref_slice %arg5[%mul3A_46] : memref<327680xi32, #tpu.memory_space<hbm>> -> memref<128xi32, #tpu.memory_space<hbm>>
      tpu.wait_dma2 semaphore(%arg23 : memref<!tpu.dma_semaphore, #tpu.memory_space<semaphore_mem>>) src(%dma_wait3A_56 : memref<128xi32, #tpu.memory_space<hbm>>) dst(%arg14 : memref<128xi32, #tpu.memory_space<vmem>>)
      %dma_wait3A_57 = arith.constant 0 : i32
      %dma_wait3A_58 = tpu.memref_slice %arg2[%mul3A_46, %dma_wait3A_57] : memref<327680x128xf32, #tpu.memory_space<hbm>> -> memref<128x128xf32, #tpu.memory_space<hbm>>
      %dma_wait3A_59 = arith.constant 0 : i32
      %dma_wait3A_60 = tpu.memref_slice %arg2[%mul3A_46, %dma_wait3A_59] : memref<327680x128xf32, #tpu.memory_space<hbm>> -> memref<128x128xf32, #tpu.memory_space<hbm>>
      tpu.wait_dma2 semaphore(%arg24 : memref<!tpu.dma_semaphore, #tpu.memory_space<semaphore_mem>>) src(%dma_wait3A_60 : memref<128x128xf32, #tpu.memory_space<hbm>>) dst(%arg21 : memref<128x128xf32, #tpu.memory_space<vmem>>)
      %scan3A_61 = arith.constant 0 : i32
      %scan3A_62 = arith.constant 0 : i32
      %scan3A_63 = arith.constant 128 : i32
      %scan3A_64 = arith.addi %scan3A_62, %scan3A_63 : i32
      %scan3A_65 = arith.constant 1 : i32
      %scan3A_66 = scf.for %scan3A_69 = %scan3A_62 to %scan3A_64 step %scan3A_65 iter_args(%scan3A_70 = %scan3A_61) -> (i32)  : i32 {
        %get3A = arith.index_cast %scan3A_69 : i32 to index
        %get3A_71 = arith.constant 0 : index
        %get3A_72 = tpu.vector_load %arg21[%get3A, %get3A_71] {strides = array<i32>} : memref<128x128xf32, #tpu.memory_space<vmem>>, vector<1x16xf32>,
        %get3A_73 = vector.shape_cast %get3A_72 : vector<1x16xf32> to vector<16xf32>
        %neg3A = arith.constant 0.000000e+00 : f32
        %neg3A_74 = vector.broadcast %neg3A : f32 to vector<16xf32>
        %neg3A_75 = arith.subf %neg3A_74, %get3A_73 : vector<16xf32>
        %swap3A = arith.index_cast %scan3A_69 : i32 to index
        %swap3A_76 = arith.constant 0 : index
        %swap3A_77 = tpu.vector_load %arg22[%swap3A, %swap3A_76] {strides = array<i32>} : memref<128x128xf32, #tpu.memory_space<vmem>>, vector<1x16xf32>,
        %swap3A_78 = vector.shape_cast %swap3A_77 : vector<1x16xf32> to vector<16xf32>
        %swap3A_79 = vector.shape_cast %neg3A_75 : vector<16xf32> to vector<1x16xf32>
        tpu.vector_store %arg22[%swap3A, %swap3A_76], %swap3A_79 {strides = array<i32>} : memref<128x128xf32, #tpu.memory_space<vmem>>, vector<1x16xf32>,
        %get3A_80 = arith.index_cast %scan3A_69 : i32 to index
        %get3A_81 = arith.constant 16 : index
        %get3A_82 = tpu.vector_load %arg21[%get3A_80, %get3A_81] {strides = array<i32>} : memref<128x128xf32, #tpu.memory_space<vmem>>, vector<1x16xf32>,
        %get3A_83 = vector.shape_cast %get3A_82 : vector<1x16xf32> to vector<16xf32>
        %neg3A_84 = arith.constant 0.000000e+00 : f32
        %neg3A_85 = vector.broadcast %neg3A_84 : f32 to vector<16xf32>
        %neg3A_86 = arith.subf %neg3A_85, %get3A_83 : vector<16xf32>
        %swap3A_87 = arith.index_cast %scan3A_69 : i32 to index
        %swap3A_88 = arith.constant 16 : index
        %swap3A_89 = tpu.vector_load %arg22[%swap3A_87, %swap3A_88] {strides = array<i32>} : memref<128x128xf32, #tpu.memory_space<vmem>>, vector<1x16xf32>,
        %swap3A_90 = vector.shape_cast %swap3A_89 : vector<1x16xf32> to vector<16xf32>
        %swap3A_91 = vector.shape_cast %neg3A_86 : vector<16xf32> to vector<1x16xf32>
        tpu.vector_store %arg22[%swap3A_87, %swap3A_88], %swap3A_91 {strides = array<i32>} : memref<128x128xf32, #tpu.memory_space<vmem>>, vector<1x16xf32>,
        %get3A_92 = arith.index_cast %scan3A_69 : i32 to index
        %get3A_93 = arith.constant 32 : index
        %get3A_94 = tpu.vector_load %arg21[%get3A_92, %get3A_93] {strides = array<i32>} : memref<128x128xf32, #tpu.memory_space<vmem>>, vector<1x16xf32>,
        %get3A_95 = vector.shape_cast %get3A_94 : vector<1x16xf32> to vector<16xf32>
        %neg3A_96 = arith.constant 0.000000e+00 : f32
        %neg3A_97 = vector.broadcast %neg3A_96 : f32 to vector<16xf32>
        %neg3A_98 = arith.subf %neg3A_97, %get3A_95 : vector<16xf32>
        %swap3A_99 = arith.index_cast %scan3A_69 : i32 to index
        %swap3A_100 = arith.constant 32 : index
        %swap3A_101 = tpu.vector_load %arg22[%swap3A_99, %swap3A_100] {strides = array<i32>} : memref<128x128xf32, #tpu.memory_space<vmem>>, vector<1x16xf32>,
        %swap3A_102 = vector.shape_cast %swap3A_101 : vector<1x16xf32> to vector<16xf32>
        %swap3A_103 = vector.shape_cast %neg3A_98 : vector<16xf32> to vector<1x16xf32>
        tpu.vector_store %arg22[%swap3A_99, %swap3A_100], %swap3A_103 {strides = array<i32>} : memref<128x128xf32, #tpu.memory_space<vmem>>, vector<1x16xf32>,
        %get3A_104 = arith.index_cast %scan3A_69 : i32 to index
        %get3A_105 = arith.constant 48 : index
        %get3A_106 = tpu.vector_load %arg21[%get3A_104, %get3A_105] {strides = array<i32>} : memref<128x128xf32, #tpu.memory_space<vmem>>, vector<1x16xf32>,
        %get3A_107 = vector.shape_cast %get3A_106 : vector<1x16xf32> to vector<16xf32>
        %neg3A_108 = arith.constant 0.000000e+00 : f32
        %neg3A_109 = vector.broadcast %neg3A_108 : f32 to vector<16xf32>
        %neg3A_110 = arith.subf %neg3A_109, %get3A_107 : vector<16xf32>
        %swap3A_111 = arith.index_cast %scan3A_69 : i32 to index
        %swap3A_112 = arith.constant 48 : index
        %swap3A_113 = tpu.vector_load %arg22[%swap3A_111, %swap3A_112] {strides = array<i32>} : memref<128x128xf32, #tpu.memory_space<vmem>>, vector<1x16xf32>,
        %swap3A_114 = vector.shape_cast %swap3A_113 : vector<1x16xf32> to vector<16xf32>
        %swap3A_115 = vector.shape_cast %neg3A_110 : vector<16xf32> to vector<1x16xf32>
        tpu.vector_store %arg22[%swap3A_111, %swap3A_112], %swap3A_115 {strides = array<i32>} : memref<128x128xf32, #tpu.memory_space<vmem>>, vector<1x16xf32>,
        %get3A_116 = arith.index_cast %scan3A_69 : i32 to index
        %get3A_117 = arith.constant 64 : index
        %get3A_118 = tpu.vector_load %arg21[%get3A_116, %get3A_117] {strides = array<i32>} : memref<128x128xf32, #tpu.memory_space<vmem>>, vector<1x16xf32>,
        %get3A_119 = vector.shape_cast %get3A_118 : vector<1x16xf32> to vector<16xf32>
        %neg3A_120 = arith.constant 0.000000e+00 : f32
        %neg3A_121 = vector.broadcast %neg3A_120 : f32 to vector<16xf32>
        %neg3A_122 = arith.subf %neg3A_121, %get3A_119 : vector<16xf32>
        %swap3A_123 = arith.index_cast %scan3A_69 : i32 to index
        %swap3A_124 = arith.constant 64 : index
        %swap3A_125 = tpu.vector_load %arg22[%swap3A_123, %swap3A_124] {strides = array<i32>} : memref<128x128xf32, #tpu.memory_space<vmem>>, vector<1x16xf32>,
        %swap3A_126 = vector.shape_cast %swap3A_125 : vector<1x16xf32> to vector<16xf32>
        %swap3A_127 = vector.shape_cast %neg3A_122 : vector<16xf32> to vector<1x16xf32>
        tpu.vector_store %arg22[%swap3A_123, %swap3A_124], %swap3A_127 {strides = array<i32>} : memref<128x128xf32, #tpu.memory_space<vmem>>, vector<1x16xf32>,
        %get3A_128 = arith.index_cast %scan3A_69 : i32 to index
        %get3A_129 = arith.constant 80 : index
        %get3A_130 = tpu.vector_load %arg21[%get3A_128, %get3A_129] {strides = array<i32>} : memref<128x128xf32, #tpu.memory_space<vmem>>, vector<1x16xf32>,
        %get3A_131 = vector.shape_cast %get3A_130 : vector<1x16xf32> to vector<16xf32>
        %neg3A_132 = arith.constant 0.000000e+00 : f32
        %neg3A_133 = vector.broadcast %neg3A_132 : f32 to vector<16xf32>
        %neg3A_134 = arith.subf %neg3A_133, %get3A_131 : vector<16xf32>
        %swap3A_135 = arith.index_cast %scan3A_69 : i32 to index
        %swap3A_136 = arith.constant 80 : index
        %swap3A_137 = tpu.vector_load %arg22[%swap3A_135, %swap3A_136] {strides = array<i32>} : memref<128x128xf32, #tpu.memory_space<vmem>>, vector<1x16xf32>,
        %swap3A_138 = vector.shape_cast %swap3A_137 : vector<1x16xf32> to vector<16xf32>
        %swap3A_139 = vector.shape_cast %neg3A_134 : vector<16xf32> to vector<1x16xf32>
        tpu.vector_store %arg22[%swap3A_135, %swap3A_136], %swap3A_139 {strides = array<i32>} : memref<128x128xf32, #tpu.memory_space<vmem>>, vector<1x16xf32>,
        %get3A_140 = arith.index_cast %scan3A_69 : i32 to index
        %get3A_141 = arith.constant 96 : index
        %get3A_142 = tpu.vector_load %arg21[%get3A_140, %get3A_141] {strides = array<i32>} : memref<128x128xf32, #tpu.memory_space<vmem>>, vector<1x16xf32>,
        %get3A_143 = vector.shape_cast %get3A_142 : vector<1x16xf32> to vector<16xf32>
        %neg3A_144 = arith.constant 0.000000e+00 : f32
        %neg3A_145 = vector.broadcast %neg3A_144 : f32 to vector<16xf32>
        %neg3A_146 = arith.subf %neg3A_145, %get3A_143 : vector<16xf32>
        %swap3A_147 = arith.index_cast %scan3A_69 : i32 to index
        %swap3A_148 = arith.constant 96 : index
        %swap3A_149 = tpu.vector_load %arg22[%swap3A_147, %swap3A_148] {strides = array<i32>} : memref<128x128xf32, #tpu.memory_space<vmem>>, vector<1x16xf32>,
        %swap3A_150 = vector.shape_cast %swap3A_149 : vector<1x16xf32> to vector<16xf32>
        %swap3A_151 = vector.shape_cast %neg3A_146 : vector<16xf32> to vector<1x16xf32>
        tpu.vector_store %arg22[%swap3A_147, %swap3A_148], %swap3A_151 {strides = array<i32>} : memref<128x128xf32, #tpu.memory_space<vmem>>, vector<1x16xf32>,
        %get3A_152 = arith.index_cast %scan3A_69 : i32 to index
        %get3A_153 = arith.constant 112 : index
        %get3A_154 = tpu.vector_load %arg21[%get3A_152, %get3A_153] {strides = array<i32>} : memref<128x128xf32, #tpu.memory_space<vmem>>, vector<1x16xf32>,
        %get3A_155 = vector.shape_cast %get3A_154 : vector<1x16xf32> to vector<16xf32>
        %neg3A_156 = arith.constant 0.000000e+00 : f32
        %neg3A_157 = vector.broadcast %neg3A_156 : f32 to vector<16xf32>
        %neg3A_158 = arith.subf %neg3A_157, %get3A_155 : vector<16xf32>
        %swap3A_159 = arith.index_cast %scan3A_69 : i32 to index
        %swap3A_160 = arith.constant 112 : index
        %swap3A_161 = tpu.vector_load %arg22[%swap3A_159, %swap3A_160] {strides = array<i32>} : memref<128x128xf32, #tpu.memory_space<vmem>>, vector<1x16xf32>,
        %swap3A_162 = vector.shape_cast %swap3A_161 : vector<1x16xf32> to vector<16xf32>
        %swap3A_163 = vector.shape_cast %neg3A_158 : vector<16xf32> to vector<1x16xf32>
        tpu.vector_store %arg22[%swap3A_159, %swap3A_160], %swap3A_163 {strides = array<i32>} : memref<128x128xf32, #tpu.memory_space<vmem>>, vector<1x16xf32>,
        %scan3A_164 = arith.constant 0 : i32
        scf.yield %scan3A_164 : i32
      }
      %scan3A_67 = arith.constant 128 : i32
      "tpu.region"() ({
        %run_scoped3A = tpu.sem_alloc : memref<!tpu.dma_semaphore, #tpu.memory_space<semaphore_mem>>
        %dma_start3A_69 = arith.constant 0 : i32
        %dma_start3A_70 = arith.constant 0 : i32
        %dma_start3A_71 = tpu.memref_slice %arg25[%dma_start3A_69, %dma_start3A_70] : memref<10240x128xf32, #tpu.memory_space<vmem_shared>> -> memref<10240x128xf32, #tpu.memory_space<vmem_shared>>
        tpu.enqueue_indirect_dma source(%arg21 : memref<128x128xf32, #tpu.memory_space<vmem>>) target(%dma_start3A_71 : memref<10240x128xf32, #tpu.memory_space<vmem_shared>>) offsets(%arg14 : memref<128xi32, #tpu.memory_space<vmem>>) semaphore(%run_scoped3A : memref<!tpu.dma_semaphore, #tpu.memory_space<semaphore_mem>>) {add = true}
        %dma_wait3A_72 = arith.constant 0 : i32
        %dma_wait3A_73 = arith.constant 0 : i32
        %dma_wait3A_74 = tpu.memref_slice %arg25[%dma_wait3A_72, %dma_wait3A_73] : memref<10240x128xf32, #tpu.memory_space<vmem_shared>> -> memref<10240x128xf32, #tpu.memory_space<vmem_shared>>
        tpu.wait_indirect_dma semaphore(%run_scoped3A : memref<!tpu.dma_semaphore, #tpu.memory_space<semaphore_mem>>) src(%arg21 : memref<128x128xf32, #tpu.memory_space<vmem>>) dst(%dma_wait3A_74 : memref<10240x128xf32, #tpu.memory_space<vmem_shared>>)
        tpu.yield
      }) : () -> ()
      "tpu.region"() ({
        %run_scoped3A = tpu.sem_alloc : memref<!tpu.dma_semaphore, #tpu.memory_space<semaphore_mem>>
        %dma_start3A_69 = arith.constant 0 : i32
        %dma_start3A_70 = arith.constant 0 : i32
        %dma_start3A_71 = tpu.memref_slice %arg25[%dma_start3A_69, %dma_start3A_70] : memref<10240x128xf32, #tpu.memory_space<vmem_shared>> -> memref<10240x128xf32, #tpu.memory_space<vmem_shared>>
        tpu.enqueue_indirect_dma source(%arg22 : memref<128x128xf32, #tpu.memory_space<vmem>>) target(%dma_start3A_71 : memref<10240x128xf32, #tpu.memory_space<vmem_shared>>) offsets(%arg13 : memref<128xi32, #tpu.memory_space<vmem>>) semaphore(%run_scoped3A : memref<!tpu.dma_semaphore, #tpu.memory_space<semaphore_mem>>) {add = true}
        %dma_wait3A_72 = arith.constant 0 : i32
        %dma_wait3A_73 = arith.constant 0 : i32
        %dma_wait3A_74 = tpu.memref_slice %arg25[%dma_wait3A_72, %dma_wait3A_73] : memref<10240x128xf32, #tpu.memory_space<vmem_shared>> -> memref<10240x128xf32, #tpu.memory_space<vmem_shared>>
        tpu.wait_indirect_dma semaphore(%run_scoped3A : memref<!tpu.dma_semaphore, #tpu.memory_space<semaphore_mem>>) src(%arg22 : memref<128x128xf32, #tpu.memory_space<vmem>>) dst(%dma_wait3A_74 : memref<10240x128xf32, #tpu.memory_space<vmem_shared>>)
        tpu.yield
      }) : () -> ()
      %scan3A_68 = arith.constant 0 : i32
      scf.yield %scan3A_68 : i32
    }
    %scan3A_24 = arith.constant 80 : i32
    %mul3A_25 = arith.constant 40 : i32
    %mul3A_26 = arith.muli %add3A, %mul3A_25 : i32
    %scan3A_27 = arith.constant 0 : i32
    %scan3A_28 = arith.constant 0 : i32
    %scan3A_29 = arith.constant 40 : i32
    %scan3A_30 = arith.addi %scan3A_28, %scan3A_29 : i32
    %scan3A_31 = arith.constant 1 : i32
    %scan3A_32 = scf.for %scan3A_42 = %scan3A_28 to %scan3A_30 step %scan3A_31 iter_args(%scan3A_43 = %scan3A_27) -> (i32)  : i32 {
      %add3A_44 = arith.addi %mul3A_26, %scan3A_42 : i32
      %mul3A_45 = arith.constant 128 : i32
      %mul3A_46 = arith.muli %add3A_44, %mul3A_45 : i32
      %dma_start3A = tpu.memref_slice %arg6[%mul3A_46] : memref<163840xi32, #tpu.memory_space<hbm>> -> memref<128xi32, #tpu.memory_space<hbm>>
      %dma_start3A_47 = tpu.memref_slice %arg6[%mul3A_46] : memref<163840xi32, #tpu.memory_space<hbm>> -> memref<128xi32, #tpu.memory_space<hbm>>
      tpu.enqueue_dma source(%dma_start3A_47 : memref<128xi32, #tpu.memory_space<hbm>>) target(%arg15 : memref<128xi32, #tpu.memory_space<vmem>>) target_semaphore(%arg23 : memref<!tpu.dma_semaphore, #tpu.memory_space<semaphore_mem>>)
      %dma_start3A_48 = tpu.memref_slice %arg7[%mul3A_46] : memref<163840xi32, #tpu.memory_space<hbm>> -> memref<128xi32, #tpu.memory_space<hbm>>
      %dma_start3A_49 = tpu.memref_slice %arg7[%mul3A_46] : memref<163840xi32, #tpu.memory_space<hbm>> -> memref<128xi32, #tpu.memory_space<hbm>>
      tpu.enqueue_dma source(%dma_start3A_49 : memref<128xi32, #tpu.memory_space<hbm>>) target(%arg16 : memref<128xi32, #tpu.memory_space<vmem>>) target_semaphore(%arg23 : memref<!tpu.dma_semaphore, #tpu.memory_space<semaphore_mem>>)
      %dma_start3A_50 = tpu.memref_slice %arg8[%mul3A_46] : memref<163840xi32, #tpu.memory_space<hbm>> -> memref<128xi32, #tpu.memory_space<hbm>>
      %dma_start3A_51 = tpu.memref_slice %arg8[%mul3A_46] : memref<163840xi32, #tpu.memory_space<hbm>> -> memref<128xi32, #tpu.memory_space<hbm>>
      tpu.enqueue_dma source(%dma_start3A_51 : memref<128xi32, #tpu.memory_space<hbm>>) target(%arg17 : memref<128xi32, #tpu.memory_space<vmem>>) target_semaphore(%arg23 : memref<!tpu.dma_semaphore, #tpu.memory_space<semaphore_mem>>)
      %dma_start3A_52 = tpu.memref_slice %arg9[%mul3A_46] : memref<163840xi32, #tpu.memory_space<hbm>> -> memref<128xi32, #tpu.memory_space<hbm>>
      %dma_start3A_53 = tpu.memref_slice %arg9[%mul3A_46] : memref<163840xi32, #tpu.memory_space<hbm>> -> memref<128xi32, #tpu.memory_space<hbm>>
      tpu.enqueue_dma source(%dma_start3A_53 : memref<128xi32, #tpu.memory_space<hbm>>) target(%arg18 : memref<128xi32, #tpu.memory_space<vmem>>) target_semaphore(%arg23 : memref<!tpu.dma_semaphore, #tpu.memory_space<semaphore_mem>>)
      %dma_start3A_54 = tpu.memref_slice %arg10[%mul3A_46] : memref<163840xi32, #tpu.memory_space<hbm>> -> memref<128xi32, #tpu.memory_space<hbm>>
      %dma_start3A_55 = tpu.memref_slice %arg10[%mul3A_46] : memref<163840xi32, #tpu.memory_space<hbm>> -> memref<128xi32, #tpu.memory_space<hbm>>
      tpu.enqueue_dma source(%dma_start3A_55 : memref<128xi32, #tpu.memory_space<hbm>>) target(%arg19 : memref<128xi32, #tpu.memory_space<vmem>>) target_semaphore(%arg23 : memref<!tpu.dma_semaphore, #tpu.memory_space<semaphore_mem>>)
      %dma_start3A_56 = tpu.memref_slice %arg11[%mul3A_46] : memref<163840xi32, #tpu.memory_space<hbm>> -> memref<128xi32, #tpu.memory_space<hbm>>
      %dma_start3A_57 = tpu.memref_slice %arg11[%mul3A_46] : memref<163840xi32, #tpu.memory_space<hbm>> -> memref<128xi32, #tpu.memory_space<hbm>>
      tpu.enqueue_dma source(%dma_start3A_57 : memref<128xi32, #tpu.memory_space<hbm>>) target(%arg20 : memref<128xi32, #tpu.memory_space<vmem>>) target_semaphore(%arg23 : memref<!tpu.dma_semaphore, #tpu.memory_space<semaphore_mem>>)
      %dma_start3A_58 = arith.constant 0 : i32
      %dma_start3A_59 = tpu.memref_slice %arg3[%mul3A_46, %dma_start3A_58] : memref<163840x128xf32, #tpu.memory_space<hbm>> -> memref<128x128xf32, #tpu.memory_space<hbm>>
      %dma_start3A_60 = arith.constant 0 : i32
      %dma_start3A_61 = tpu.memref_slice %arg3[%mul3A_46, %dma_start3A_60] : memref<163840x128xf32, #tpu.memory_space<hbm>> -> memref<128x128xf32, #tpu.memory_space<hbm>>
      tpu.enqueue_dma source(%dma_start3A_61 : memref<128x128xf32, #tpu.memory_space<hbm>>) target(%arg21 : memref<128x128xf32, #tpu.memory_space<vmem>>) target_semaphore(%arg24 : memref<!tpu.dma_semaphore, #tpu.memory_space<semaphore_mem>>)
      %dma_wait3A = tpu.memref_slice %arg6[%mul3A_46] : memref<163840xi32, #tpu.memory_space<hbm>> -> memref<128xi32, #tpu.memory_space<hbm>>
      %dma_wait3A_62 = tpu.memref_slice %arg6[%mul3A_46] : memref<163840xi32, #tpu.memory_space<hbm>> -> memref<128xi32, #tpu.memory_space<hbm>>
      tpu.wait_dma2 semaphore(%arg23 : memref<!tpu.dma_semaphore, #tpu.memory_space<semaphore_mem>>) src(%dma_wait3A_62 : memref<128xi32, #tpu.memory_space<hbm>>) dst(%arg15 : memref<128xi32, #tpu.memory_space<vmem>>)
      %dma_wait3A_63 = tpu.memref_slice %arg7[%mul3A_46] : memref<163840xi32, #tpu.memory_space<hbm>> -> memref<128xi32, #tpu.memory_space<hbm>>
      %dma_wait3A_64 = tpu.memref_slice %arg7[%mul3A_46] : memref<163840xi32, #tpu.memory_space<hbm>> -> memref<128xi32, #tpu.memory_space<hbm>>
      tpu.wait_dma2 semaphore(%arg23 : memref<!tpu.dma_semaphore, #tpu.memory_space<semaphore_mem>>) src(%dma_wait3A_64 : memref<128xi32, #tpu.memory_space<hbm>>) dst(%arg16 : memref<128xi32, #tpu.memory_space<vmem>>)
      %dma_wait3A_65 = tpu.memref_slice %arg8[%mul3A_46] : memref<163840xi32, #tpu.memory_space<hbm>> -> memref<128xi32, #tpu.memory_space<hbm>>
      %dma_wait3A_66 = tpu.memref_slice %arg8[%mul3A_46] : memref<163840xi32, #tpu.memory_space<hbm>> -> memref<128xi32, #tpu.memory_space<hbm>>
      tpu.wait_dma2 semaphore(%arg23 : memref<!tpu.dma_semaphore, #tpu.memory_space<semaphore_mem>>) src(%dma_wait3A_66 : memref<128xi32, #tpu.memory_space<hbm>>) dst(%arg17 : memref<128xi32, #tpu.memory_space<vmem>>)
      %dma_wait3A_67 = tpu.memref_slice %arg9[%mul3A_46] : memref<163840xi32, #tpu.memory_space<hbm>> -> memref<128xi32, #tpu.memory_space<hbm>>
      %dma_wait3A_68 = tpu.memref_slice %arg9[%mul3A_46] : memref<163840xi32, #tpu.memory_space<hbm>> -> memref<128xi32, #tpu.memory_space<hbm>>
      tpu.wait_dma2 semaphore(%arg23 : memref<!tpu.dma_semaphore, #tpu.memory_space<semaphore_mem>>) src(%dma_wait3A_68 : memref<128xi32, #tpu.memory_space<hbm>>) dst(%arg18 : memref<128xi32, #tpu.memory_space<vmem>>)
      %dma_wait3A_69 = tpu.memref_slice %arg10[%mul3A_46] : memref<163840xi32, #tpu.memory_space<hbm>> -> memref<128xi32, #tpu.memory_space<hbm>>
      %dma_wait3A_70 = tpu.memref_slice %arg10[%mul3A_46] : memref<163840xi32, #tpu.memory_space<hbm>> -> memref<128xi32, #tpu.memory_space<hbm>>
      tpu.wait_dma2 semaphore(%arg23 : memref<!tpu.dma_semaphore, #tpu.memory_space<semaphore_mem>>) src(%dma_wait3A_70 : memref<128xi32, #tpu.memory_space<hbm>>) dst(%arg19 : memref<128xi32, #tpu.memory_space<vmem>>)
      %dma_wait3A_71 = tpu.memref_slice %arg11[%mul3A_46] : memref<163840xi32, #tpu.memory_space<hbm>> -> memref<128xi32, #tpu.memory_space<hbm>>
      %dma_wait3A_72 = tpu.memref_slice %arg11[%mul3A_46] : memref<163840xi32, #tpu.memory_space<hbm>> -> memref<128xi32, #tpu.memory_space<hbm>>
      tpu.wait_dma2 semaphore(%arg23 : memref<!tpu.dma_semaphore, #tpu.memory_space<semaphore_mem>>) src(%dma_wait3A_72 : memref<128xi32, #tpu.memory_space<hbm>>) dst(%arg20 : memref<128xi32, #tpu.memory_space<vmem>>)
      %dma_wait3A_73 = arith.constant 0 : i32
      %dma_wait3A_74 = tpu.memref_slice %arg3[%mul3A_46, %dma_wait3A_73] : memref<163840x128xf32, #tpu.memory_space<hbm>> -> memref<128x128xf32, #tpu.memory_space<hbm>>
      %dma_wait3A_75 = arith.constant 0 : i32
      %dma_wait3A_76 = tpu.memref_slice %arg3[%mul3A_46, %dma_wait3A_75] : memref<163840x128xf32, #tpu.memory_space<hbm>> -> memref<128x128xf32, #tpu.memory_space<hbm>>
      tpu.wait_dma2 semaphore(%arg24 : memref<!tpu.dma_semaphore, #tpu.memory_space<semaphore_mem>>) src(%dma_wait3A_76 : memref<128x128xf32, #tpu.memory_space<hbm>>) dst(%arg21 : memref<128x128xf32, #tpu.memory_space<vmem>>)
      %scan3A_77 = arith.constant 0 : i32
      %scan3A_78 = arith.constant 0 : i32
      %scan3A_79 = arith.constant 128 : i32
      %scan3A_80 = arith.addi %scan3A_78, %scan3A_79 : i32
      %scan3A_81 = arith.constant 1 : i32
      %scan3A_82 = scf.for %scan3A_85 = %scan3A_78 to %scan3A_80 step %scan3A_81 iter_args(%scan3A_86 = %scan3A_77) -> (i32)  : i32 {
        %get3A = arith.index_cast %scan3A_85 : i32 to index
        %get3A_87 = arith.constant 0 : index
        %get3A_88 = tpu.vector_load %arg21[%get3A, %get3A_87] {strides = array<i32>} : memref<128x128xf32, #tpu.memory_space<vmem>>, vector<1x16xf32>,
        %get3A_89 = vector.shape_cast %get3A_88 : vector<1x16xf32> to vector<16xf32>
        %neg3A = arith.constant 0.000000e+00 : f32
        %neg3A_90 = vector.broadcast %neg3A : f32 to vector<16xf32>
        %neg3A_91 = arith.subf %neg3A_90, %get3A_89 : vector<16xf32>
        %swap3A = arith.index_cast %scan3A_85 : i32 to index
        %swap3A_92 = arith.constant 0 : index
        %swap3A_93 = tpu.vector_load %arg22[%swap3A, %swap3A_92] {strides = array<i32>} : memref<128x128xf32, #tpu.memory_space<vmem>>, vector<1x16xf32>,
        %swap3A_94 = vector.shape_cast %swap3A_93 : vector<1x16xf32> to vector<16xf32>
        %swap3A_95 = vector.shape_cast %neg3A_91 : vector<16xf32> to vector<1x16xf32>
        tpu.vector_store %arg22[%swap3A, %swap3A_92], %swap3A_95 {strides = array<i32>} : memref<128x128xf32, #tpu.memory_space<vmem>>, vector<1x16xf32>,
        %get3A_96 = arith.index_cast %scan3A_85 : i32 to index
        %get3A_97 = arith.constant 16 : index
        %get3A_98 = tpu.vector_load %arg21[%get3A_96, %get3A_97] {strides = array<i32>} : memref<128x128xf32, #tpu.memory_space<vmem>>, vector<1x16xf32>,
        %get3A_99 = vector.shape_cast %get3A_98 : vector<1x16xf32> to vector<16xf32>
        %neg3A_100 = arith.constant 0.000000e+00 : f32
        %neg3A_101 = vector.broadcast %neg3A_100 : f32 to vector<16xf32>
        %neg3A_102 = arith.subf %neg3A_101, %get3A_99 : vector<16xf32>
        %swap3A_103 = arith.index_cast %scan3A_85 : i32 to index
        %swap3A_104 = arith.constant 16 : index
        %swap3A_105 = tpu.vector_load %arg22[%swap3A_103, %swap3A_104] {strides = array<i32>} : memref<128x128xf32, #tpu.memory_space<vmem>>, vector<1x16xf32>,
        %swap3A_106 = vector.shape_cast %swap3A_105 : vector<1x16xf32> to vector<16xf32>
        %swap3A_107 = vector.shape_cast %neg3A_102 : vector<16xf32> to vector<1x16xf32>
        tpu.vector_store %arg22[%swap3A_103, %swap3A_104], %swap3A_107 {strides = array<i32>} : memref<128x128xf32, #tpu.memory_space<vmem>>, vector<1x16xf32>,
        %get3A_108 = arith.index_cast %scan3A_85 : i32 to index
        %get3A_109 = arith.constant 32 : index
        %get3A_110 = tpu.vector_load %arg21[%get3A_108, %get3A_109] {strides = array<i32>} : memref<128x128xf32, #tpu.memory_space<vmem>>, vector<1x16xf32>,
        %get3A_111 = vector.shape_cast %get3A_110 : vector<1x16xf32> to vector<16xf32>
        %neg3A_112 = arith.constant 0.000000e+00 : f32
        %neg3A_113 = vector.broadcast %neg3A_112 : f32 to vector<16xf32>
        %neg3A_114 = arith.subf %neg3A_113, %get3A_111 : vector<16xf32>
        %swap3A_115 = arith.index_cast %scan3A_85 : i32 to index
        %swap3A_116 = arith.constant 32 : index
        %swap3A_117 = tpu.vector_load %arg22[%swap3A_115, %swap3A_116] {strides = array<i32>} : memref<128x128xf32, #tpu.memory_space<vmem>>, vector<1x16xf32>,
        %swap3A_118 = vector.shape_cast %swap3A_117 : vector<1x16xf32> to vector<16xf32>
        %swap3A_119 = vector.shape_cast %neg3A_114 : vector<16xf32> to vector<1x16xf32>
        tpu.vector_store %arg22[%swap3A_115, %swap3A_116], %swap3A_119 {strides = array<i32>} : memref<128x128xf32, #tpu.memory_space<vmem>>, vector<1x16xf32>,
        %get3A_120 = arith.index_cast %scan3A_85 : i32 to index
        %get3A_121 = arith.constant 48 : index
        %get3A_122 = tpu.vector_load %arg21[%get3A_120, %get3A_121] {strides = array<i32>} : memref<128x128xf32, #tpu.memory_space<vmem>>, vector<1x16xf32>,
        %get3A_123 = vector.shape_cast %get3A_122 : vector<1x16xf32> to vector<16xf32>
        %neg3A_124 = arith.constant 0.000000e+00 : f32
        %neg3A_125 = vector.broadcast %neg3A_124 : f32 to vector<16xf32>
        %neg3A_126 = arith.subf %neg3A_125, %get3A_123 : vector<16xf32>
        %swap3A_127 = arith.index_cast %scan3A_85 : i32 to index
        %swap3A_128 = arith.constant 48 : index
        %swap3A_129 = tpu.vector_load %arg22[%swap3A_127, %swap3A_128] {strides = array<i32>} : memref<128x128xf32, #tpu.memory_space<vmem>>, vector<1x16xf32>,
        %swap3A_130 = vector.shape_cast %swap3A_129 : vector<1x16xf32> to vector<16xf32>
        %swap3A_131 = vector.shape_cast %neg3A_126 : vector<16xf32> to vector<1x16xf32>
        tpu.vector_store %arg22[%swap3A_127, %swap3A_128], %swap3A_131 {strides = array<i32>} : memref<128x128xf32, #tpu.memory_space<vmem>>, vector<1x16xf32>,
        %get3A_132 = arith.index_cast %scan3A_85 : i32 to index
        %get3A_133 = arith.constant 64 : index
        %get3A_134 = tpu.vector_load %arg21[%get3A_132, %get3A_133] {strides = array<i32>} : memref<128x128xf32, #tpu.memory_space<vmem>>, vector<1x16xf32>,
        %get3A_135 = vector.shape_cast %get3A_134 : vector<1x16xf32> to vector<16xf32>
        %neg3A_136 = arith.constant 0.000000e+00 : f32
        %neg3A_137 = vector.broadcast %neg3A_136 : f32 to vector<16xf32>
        %neg3A_138 = arith.subf %neg3A_137, %get3A_135 : vector<16xf32>
        %swap3A_139 = arith.index_cast %scan3A_85 : i32 to index
        %swap3A_140 = arith.constant 64 : index
        %swap3A_141 = tpu.vector_load %arg22[%swap3A_139, %swap3A_140] {strides = array<i32>} : memref<128x128xf32, #tpu.memory_space<vmem>>, vector<1x16xf32>,
        %swap3A_142 = vector.shape_cast %swap3A_141 : vector<1x16xf32> to vector<16xf32>
        %swap3A_143 = vector.shape_cast %neg3A_138 : vector<16xf32> to vector<1x16xf32>
        tpu.vector_store %arg22[%swap3A_139, %swap3A_140], %swap3A_143 {strides = array<i32>} : memref<128x128xf32, #tpu.memory_space<vmem>>, vector<1x16xf32>,
        %get3A_144 = arith.index_cast %scan3A_85 : i32 to index
        %get3A_145 = arith.constant 80 : index
        %get3A_146 = tpu.vector_load %arg21[%get3A_144, %get3A_145] {strides = array<i32>} : memref<128x128xf32, #tpu.memory_space<vmem>>, vector<1x16xf32>,
        %get3A_147 = vector.shape_cast %get3A_146 : vector<1x16xf32> to vector<16xf32>
        %neg3A_148 = arith.constant 0.000000e+00 : f32
        %neg3A_149 = vector.broadcast %neg3A_148 : f32 to vector<16xf32>
        %neg3A_150 = arith.subf %neg3A_149, %get3A_147 : vector<16xf32>
        %swap3A_151 = arith.index_cast %scan3A_85 : i32 to index
        %swap3A_152 = arith.constant 80 : index
        %swap3A_153 = tpu.vector_load %arg22[%swap3A_151, %swap3A_152] {strides = array<i32>} : memref<128x128xf32, #tpu.memory_space<vmem>>, vector<1x16xf32>,
        %swap3A_154 = vector.shape_cast %swap3A_153 : vector<1x16xf32> to vector<16xf32>
        %swap3A_155 = vector.shape_cast %neg3A_150 : vector<16xf32> to vector<1x16xf32>
        tpu.vector_store %arg22[%swap3A_151, %swap3A_152], %swap3A_155 {strides = array<i32>} : memref<128x128xf32, #tpu.memory_space<vmem>>, vector<1x16xf32>,
        %get3A_156 = arith.index_cast %scan3A_85 : i32 to index
        %get3A_157 = arith.constant 96 : index
        %get3A_158 = tpu.vector_load %arg21[%get3A_156, %get3A_157] {strides = array<i32>} : memref<128x128xf32, #tpu.memory_space<vmem>>, vector<1x16xf32>,
        %get3A_159 = vector.shape_cast %get3A_158 : vector<1x16xf32> to vector<16xf32>
        %neg3A_160 = arith.constant 0.000000e+00 : f32
        %neg3A_161 = vector.broadcast %neg3A_160 : f32 to vector<16xf32>
        %neg3A_162 = arith.subf %neg3A_161, %get3A_159 : vector<16xf32>
        %swap3A_163 = arith.index_cast %scan3A_85 : i32 to index
        %swap3A_164 = arith.constant 96 : index
        %swap3A_165 = tpu.vector_load %arg22[%swap3A_163, %swap3A_164] {strides = array<i32>} : memref<128x128xf32, #tpu.memory_space<vmem>>, vector<1x16xf32>,
        %swap3A_166 = vector.shape_cast %swap3A_165 : vector<1x16xf32> to vector<16xf32>
        %swap3A_167 = vector.shape_cast %neg3A_162 : vector<16xf32> to vector<1x16xf32>
        tpu.vector_store %arg22[%swap3A_163, %swap3A_164], %swap3A_167 {strides = array<i32>} : memref<128x128xf32, #tpu.memory_space<vmem>>, vector<1x16xf32>,
        %get3A_168 = arith.index_cast %scan3A_85 : i32 to index
        %get3A_169 = arith.constant 112 : index
        %get3A_170 = tpu.vector_load %arg21[%get3A_168, %get3A_169] {strides = array<i32>} : memref<128x128xf32, #tpu.memory_space<vmem>>, vector<1x16xf32>,
        %get3A_171 = vector.shape_cast %get3A_170 : vector<1x16xf32> to vector<16xf32>
        %neg3A_172 = arith.constant 0.000000e+00 : f32
        %neg3A_173 = vector.broadcast %neg3A_172 : f32 to vector<16xf32>
        %neg3A_174 = arith.subf %neg3A_173, %get3A_171 : vector<16xf32>
        %swap3A_175 = arith.index_cast %scan3A_85 : i32 to index
        %swap3A_176 = arith.constant 112 : index
        %swap3A_177 = tpu.vector_load %arg22[%swap3A_175, %swap3A_176] {strides = array<i32>} : memref<128x128xf32, #tpu.memory_space<vmem>>, vector<1x16xf32>,
        %swap3A_178 = vector.shape_cast %swap3A_177 : vector<1x16xf32> to vector<16xf32>
        %swap3A_179 = vector.shape_cast %neg3A_174 : vector<16xf32> to vector<1x16xf32>
        tpu.vector_store %arg22[%swap3A_175, %swap3A_176], %swap3A_179 {strides = array<i32>} : memref<128x128xf32, #tpu.memory_space<vmem>>, vector<1x16xf32>,
        %scan3A_180 = arith.constant 0 : i32
        scf.yield %scan3A_180 : i32
      }
      %scan3A_83 = arith.constant 128 : i32
      "tpu.region"() ({
        %run_scoped3A = tpu.sem_alloc : memref<!tpu.dma_semaphore, #tpu.memory_space<semaphore_mem>>
        %dma_start3A_85 = arith.constant 0 : i32
        %dma_start3A_86 = arith.constant 0 : i32
        %dma_start3A_87 = tpu.memref_slice %arg25[%dma_start3A_85, %dma_start3A_86] : memref<10240x128xf32, #tpu.memory_space<vmem_shared>> -> memref<10240x128xf32, #tpu.memory_space<vmem_shared>>
        tpu.enqueue_indirect_dma source(%arg21 : memref<128x128xf32, #tpu.memory_space<vmem>>) target(%dma_start3A_87 : memref<10240x128xf32, #tpu.memory_space<vmem_shared>>) offsets(%arg15 : memref<128xi32, #tpu.memory_space<vmem>>) semaphore(%run_scoped3A : memref<!tpu.dma_semaphore, #tpu.memory_space<semaphore_mem>>) {add = true}
        %dma_wait3A_88 = arith.constant 0 : i32
        %dma_wait3A_89 = arith.constant 0 : i32
        %dma_wait3A_90 = tpu.memref_slice %arg25[%dma_wait3A_88, %dma_wait3A_89] : memref<10240x128xf32, #tpu.memory_space<vmem_shared>> -> memref<10240x128xf32, #tpu.memory_space<vmem_shared>>
        tpu.wait_indirect_dma semaphore(%run_scoped3A : memref<!tpu.dma_semaphore, #tpu.memory_space<semaphore_mem>>) src(%arg21 : memref<128x128xf32, #tpu.memory_space<vmem>>) dst(%dma_wait3A_90 : memref<10240x128xf32, #tpu.memory_space<vmem_shared>>)
        tpu.yield
      }) : () -> ()
      "tpu.region"() ({
        %run_scoped3A = tpu.sem_alloc : memref<!tpu.dma_semaphore, #tpu.memory_space<semaphore_mem>>
        %dma_start3A_85 = arith.constant 0 : i32
        %dma_start3A_86 = arith.constant 0 : i32
        %dma_start3A_87 = tpu.memref_slice %arg25[%dma_start3A_85, %dma_start3A_86] : memref<10240x128xf32, #tpu.memory_space<vmem_shared>> -> memref<10240x128xf32, #tpu.memory_space<vmem_shared>>
        tpu.enqueue_indirect_dma source(%arg21 : memref<128x128xf32, #tpu.memory_space<vmem>>) target(%dma_start3A_87 : memref<10240x128xf32, #tpu.memory_space<vmem_shared>>) offsets(%arg16 : memref<128xi32, #tpu.memory_space<vmem>>) semaphore(%run_scoped3A : memref<!tpu.dma_semaphore, #tpu.memory_space<semaphore_mem>>) {add = true}
        %dma_wait3A_88 = arith.constant 0 : i32
        %dma_wait3A_89 = arith.constant 0 : i32
        %dma_wait3A_90 = tpu.memref_slice %arg25[%dma_wait3A_88, %dma_wait3A_89] : memref<10240x128xf32, #tpu.memory_space<vmem_shared>> -> memref<10240x128xf32, #tpu.memory_space<vmem_shared>>
        tpu.wait_indirect_dma semaphore(%run_scoped3A : memref<!tpu.dma_semaphore, #tpu.memory_space<semaphore_mem>>) src(%arg21 : memref<128x128xf32, #tpu.memory_space<vmem>>) dst(%dma_wait3A_90 : memref<10240x128xf32, #tpu.memory_space<vmem_shared>>)
        tpu.yield
      }) : () -> ()
      "tpu.region"() ({
        %run_scoped3A = tpu.sem_alloc : memref<!tpu.dma_semaphore, #tpu.memory_space<semaphore_mem>>
        %dma_start3A_85 = arith.constant 0 : i32
        %dma_start3A_86 = arith.constant 0 : i32
        %dma_start3A_87 = tpu.memref_slice %arg25[%dma_start3A_85, %dma_start3A_86] : memref<10240x128xf32, #tpu.memory_space<vmem_shared>> -> memref<10240x128xf32, #tpu.memory_space<vmem_shared>>
        tpu.enqueue_indirect_dma source(%arg21 : memref<128x128xf32, #tpu.memory_space<vmem>>) target(%dma_start3A_87 : memref<10240x128xf32, #tpu.memory_space<vmem_shared>>) offsets(%arg17 : memref<128xi32, #tpu.memory_space<vmem>>) semaphore(%run_scoped3A : memref<!tpu.dma_semaphore, #tpu.memory_space<semaphore_mem>>) {add = true}
        %dma_wait3A_88 = arith.constant 0 : i32
        %dma_wait3A_89 = arith.constant 0 : i32
        %dma_wait3A_90 = tpu.memref_slice %arg25[%dma_wait3A_88, %dma_wait3A_89] : memref<10240x128xf32, #tpu.memory_space<vmem_shared>> -> memref<10240x128xf32, #tpu.memory_space<vmem_shared>>
        tpu.wait_indirect_dma semaphore(%run_scoped3A : memref<!tpu.dma_semaphore, #tpu.memory_space<semaphore_mem>>) src(%arg21 : memref<128x128xf32, #tpu.memory_space<vmem>>) dst(%dma_wait3A_90 : memref<10240x128xf32, #tpu.memory_space<vmem_shared>>)
        tpu.yield
      }) : () -> ()
      "tpu.region"() ({
        %run_scoped3A = tpu.sem_alloc : memref<!tpu.dma_semaphore, #tpu.memory_space<semaphore_mem>>
        %dma_start3A_85 = arith.constant 0 : i32
        %dma_start3A_86 = arith.constant 0 : i32
        %dma_start3A_87 = tpu.memref_slice %arg25[%dma_start3A_85, %dma_start3A_86] : memref<10240x128xf32, #tpu.memory_space<vmem_shared>> -> memref<10240x128xf32, #tpu.memory_space<vmem_shared>>
        tpu.enqueue_indirect_dma source(%arg22 : memref<128x128xf32, #tpu.memory_space<vmem>>) target(%dma_start3A_87 : memref<10240x128xf32, #tpu.memory_space<vmem_shared>>) offsets(%arg18 : memref<128xi32, #tpu.memory_space<vmem>>) semaphore(%run_scoped3A : memref<!tpu.dma_semaphore, #tpu.memory_space<semaphore_mem>>) {add = true}
        %dma_wait3A_88 = arith.constant 0 : i32
        %dma_wait3A_89 = arith.constant 0 : i32
        %dma_wait3A_90 = tpu.memref_slice %arg25[%dma_wait3A_88, %dma_wait3A_89] : memref<10240x128xf32, #tpu.memory_space<vmem_shared>> -> memref<10240x128xf32, #tpu.memory_space<vmem_shared>>
        tpu.wait_indirect_dma semaphore(%run_scoped3A : memref<!tpu.dma_semaphore, #tpu.memory_space<semaphore_mem>>) src(%arg22 : memref<128x128xf32, #tpu.memory_space<vmem>>) dst(%dma_wait3A_90 : memref<10240x128xf32, #tpu.memory_space<vmem_shared>>)
        tpu.yield
      }) : () -> ()
      "tpu.region"() ({
        %run_scoped3A = tpu.sem_alloc : memref<!tpu.dma_semaphore, #tpu.memory_space<semaphore_mem>>
        %dma_start3A_85 = arith.constant 0 : i32
        %dma_start3A_86 = arith.constant 0 : i32
        %dma_start3A_87 = tpu.memref_slice %arg25[%dma_start3A_85, %dma_start3A_86] : memref<10240x128xf32, #tpu.memory_space<vmem_shared>> -> memref<10240x128xf32, #tpu.memory_space<vmem_shared>>
        tpu.enqueue_indirect_dma source(%arg22 : memref<128x128xf32, #tpu.memory_space<vmem>>) target(%dma_start3A_87 : memref<10240x128xf32, #tpu.memory_space<vmem_shared>>) offsets(%arg19 : memref<128xi32, #tpu.memory_space<vmem>>) semaphore(%run_scoped3A : memref<!tpu.dma_semaphore, #tpu.memory_space<semaphore_mem>>) {add = true}
        %dma_wait3A_88 = arith.constant 0 : i32
        %dma_wait3A_89 = arith.constant 0 : i32
        %dma_wait3A_90 = tpu.memref_slice %arg25[%dma_wait3A_88, %dma_wait3A_89] : memref<10240x128xf32, #tpu.memory_space<vmem_shared>> -> memref<10240x128xf32, #tpu.memory_space<vmem_shared>>
        tpu.wait_indirect_dma semaphore(%run_scoped3A : memref<!tpu.dma_semaphore, #tpu.memory_space<semaphore_mem>>) src(%arg22 : memref<128x128xf32, #tpu.memory_space<vmem>>) dst(%dma_wait3A_90 : memref<10240x128xf32, #tpu.memory_space<vmem_shared>>)
        tpu.yield
      }) : () -> ()
      "tpu.region"() ({
        %run_scoped3A = tpu.sem_alloc : memref<!tpu.dma_semaphore, #tpu.memory_space<semaphore_mem>>
        %dma_start3A_85 = arith.constant 0 : i32
        %dma_start3A_86 = arith.constant 0 : i32
        %dma_start3A_87 = tpu.memref_slice %arg25[%dma_start3A_85, %dma_start3A_86] : memref<10240x128xf32, #tpu.memory_space<vmem_shared>> -> memref<10240x128xf32, #tpu.memory_space<vmem_shared>>
        tpu.enqueue_indirect_dma source(%arg22 : memref<128x128xf32, #tpu.memory_space<vmem>>) target(%dma_start3A_87 : memref<10240x128xf32, #tpu.memory_space<vmem_shared>>) offsets(%arg20 : memref<128xi32, #tpu.memory_space<vmem>>) semaphore(%run_scoped3A : memref<!tpu.dma_semaphore, #tpu.memory_space<semaphore_mem>>) {add = true}
        %dma_wait3A_88 = arith.constant 0 : i32
        %dma_wait3A_89 = arith.constant 0 : i32
        %dma_wait3A_90 = tpu.memref_slice %arg25[%dma_wait3A_88, %dma_wait3A_89] : memref<10240x128xf32, #tpu.memory_space<vmem_shared>> -> memref<10240x128xf32, #tpu.memory_space<vmem_shared>>
        tpu.wait_indirect_dma semaphore(%run_scoped3A : memref<!tpu.dma_semaphore, #tpu.memory_space<semaphore_mem>>) src(%arg22 : memref<128x128xf32, #tpu.memory_space<vmem>>) dst(%dma_wait3A_90 : memref<10240x128xf32, #tpu.memory_space<vmem_shared>>)
        tpu.yield
      }) : () -> ()
      %scan3A_84 = arith.constant 0 : i32
      scf.yield %scan3A_84 : i32
    }
    %scan3A_33 = arith.constant 40 : i32
    %barrier3A_34 = arith.constant 0 : index
    tpu.barrier barrier_id(%barrier3A_34)
    %scan3A_35 = arith.constant 0 : i32
    %scan3A_36 = arith.constant 0 : i32
    %scan3A_37 = arith.constant 5 : i32
    %scan3A_38 = arith.addi %scan3A_36, %scan3A_37 : i32
    %scan3A_39 = arith.constant 1 : i32
    %scan3A_40 = scf.for %scan3A_42 = %scan3A_36 to %scan3A_38 step %scan3A_39 iter_args(%scan3A_43 = %scan3A_35) -> (i32)  : i32 {
      %mul3A_44 = arith.constant 128 : i32
      %mul3A_45 = arith.muli %scan3A_42, %mul3A_44 : i32
      %add3A_46 = arith.addi %mul3A_2, %mul3A_45 : i32
      "tpu.region"() ({
        %run_scoped3A = tpu.sem_alloc : memref<!tpu.dma_semaphore, #tpu.memory_space<semaphore_mem>>
        %dma_start3A = arith.constant 0 : i32
        %dma_start3A_48 = tpu.memref_slice %arg12[%arg0, %add3A_46, %dma_start3A] : memref<2x10240x128xf32, #tpu.memory_space<hbm>> -> memref<1x128x128xf32, #tpu.memory_space<hbm>>
        %dma_start3A_49 = tpu.memref_squeeze %dma_start3A_48 : memref<1x128x128xf32, #tpu.memory_space<hbm>> -> memref<128x128xf32, #tpu.memory_space<hbm>>
        %dma_start3A_50 = arith.constant 0 : i32
        %dma_start3A_51 = tpu.memref_slice %arg25[%add3A_46, %dma_start3A_50] : memref<10240x128xf32, #tpu.memory_space<vmem_shared>> -> memref<128x128xf32, #tpu.memory_space<vmem_shared>>
        tpu.enqueue_dma source(%dma_start3A_51 : memref<128x128xf32, #tpu.memory_space<vmem_shared>>) target(%dma_start3A_49 : memref<128x128xf32, #tpu.memory_space<hbm>>) target_semaphore(%run_scoped3A : memref<!tpu.dma_semaphore, #tpu.memory_space<semaphore_mem>>)
        %dma_wait3A = arith.constant 0 : i32
        %dma_wait3A_52 = tpu.memref_slice %arg12[%arg0, %add3A_46, %dma_wait3A] : memref<2x10240x128xf32, #tpu.memory_space<hbm>> -> memref<1x128x128xf32, #tpu.memory_space<hbm>>
        %dma_wait3A_53 = tpu.memref_squeeze %dma_wait3A_52 : memref<1x128x128xf32, #tpu.memory_space<hbm>> -> memref<128x128xf32, #tpu.memory_space<hbm>>
        %dma_wait3A_54 = arith.constant 0 : i32
        %dma_wait3A_55 = tpu.memref_slice %arg25[%add3A_46, %dma_wait3A_54] : memref<10240x128xf32, #tpu.memory_space<vmem_shared>> -> memref<128x128xf32, #tpu.memory_space<vmem_shared>>
        tpu.wait_dma2 semaphore(%run_scoped3A : memref<!tpu.dma_semaphore, #tpu.memory_space<semaphore_mem>>) src(%dma_wait3A_55 : memref<128x128xf32, #tpu.memory_space<vmem_shared>>) dst(%dma_wait3A_53 : memref<128x128xf32, #tpu.memory_space<hbm>>)
        tpu.yield
      }) : () -> ()
      %scan3A_47 = arith.constant 0 : i32
      scf.yield %scan3A_47 : i32
    }
    %scan3A_41 = arith.constant 5 : i32
    return
  }
}

#map = affine_map<(d0, d1) -> (0, 0)>
module attributes {stable_mosaic.version = 14 : i64} {
  func.func @_and_body(%arg0: i32, %arg1: i32, %arg2: memref<10240x128xf32, #tpu.memory_space<hbm>>, %arg3: memref<2560x128xi32, #tpu.memory_space<hbm>>, %arg4: memref<2560x128xi32, #tpu.memory_space<hbm>>, %arg5: memref<1280x128xi32, #tpu.memory_space<hbm>>, %arg6: memref<1280x128xi32, #tpu.memory_space<hbm>>, %arg7: memref<1280x128xi32, #tpu.memory_space<hbm>>, %arg8: memref<327680x128xf32, #tpu.memory_space<hbm>>, %arg9: memref<163840x128xf32, #tpu.memory_space<hbm>>, %arg10: memref<40x128xi32, #tpu.memory_space<vmem>>, %arg11: memref<40x128xi32, #tpu.memory_space<vmem>>, %arg12: memref<8x128xi32, #tpu.memory_space<vmem>>, %arg13: memref<8x128xi32, #tpu.memory_space<vmem>>, %arg14: memref<8x128xi32, #tpu.memory_space<vmem>>, %arg15: memref<128x128xf32, #tpu.memory_space<vmem>>, %arg16: memref<128x128xf32, #tpu.memory_space<vmem>>, %arg17: memref<!tpu.dma_semaphore, #tpu.memory_space<semaphore_mem>>, %arg18: memref<10240x128xf32, #tpu.memory_space<vmem_shared>>) attributes {dimension_semantics = [#tpu.dimension_semantics<core_parallel>, #tpu.dimension_semantics<subcore_parallel>], iteration_bounds = array<i64: 2, 16>, scalar_prefetch = 0 : i64, scratch_operands = 9 : i64, tpu.core_type = #tpu.core_type<sc_vector_subcore>, window_params = [{transform_indices = #map}, {transform_indices = #map}, {transform_indices = #map}, {transform_indices = #map}, {transform_indices = #map}, {transform_indices = #map}, {transform_indices = #map}, {transform_indices = #map}]} {
    %mul3A = arith.constant 2 : i32
    %mul3A_0 = arith.muli %arg1, %mul3A : i32
    %add3A = arith.addi %mul3A_0, %arg0 : i32
    %mul3A_1 = arith.constant 640 : i32
    %mul3A_2 = arith.muli %arg1, %mul3A_1 : i32
    "tpu.region"() ({
      %run_scoped3A = tpu.sem_alloc : memref<!tpu.dma_semaphore, #tpu.memory_space<semaphore_mem>>
      %dma_start3A = arith.constant 0 : i32
      %dma_start3A_69 = tpu.memref_slice %arg18[%mul3A_2, %dma_start3A] : memref<10240x128xf32, #tpu.memory_space<vmem_shared>> -> memref<640x128xf32, #tpu.memory_space<vmem_shared>>
      %dma_start3A_70 = arith.constant 0 : i32
      %dma_start3A_71 = tpu.memref_slice %arg2[%mul3A_2, %dma_start3A_70] : memref<10240x128xf32, #tpu.memory_space<hbm>> -> memref<640x128xf32, #tpu.memory_space<hbm>>
      tpu.enqueue_dma source(%dma_start3A_71 : memref<640x128xf32, #tpu.memory_space<hbm>>) target(%dma_start3A_69 : memref<640x128xf32, #tpu.memory_space<vmem_shared>>) target_semaphore(%run_scoped3A : memref<!tpu.dma_semaphore, #tpu.memory_space<semaphore_mem>>)
      %dma_wait3A = arith.constant 0 : i32
      %dma_wait3A_72 = tpu.memref_slice %arg18[%mul3A_2, %dma_wait3A] : memref<10240x128xf32, #tpu.memory_space<vmem_shared>> -> memref<640x128xf32, #tpu.memory_space<vmem_shared>>
      %dma_wait3A_73 = arith.constant 0 : i32
      %dma_wait3A_74 = tpu.memref_slice %arg2[%mul3A_2, %dma_wait3A_73] : memref<10240x128xf32, #tpu.memory_space<hbm>> -> memref<640x128xf32, #tpu.memory_space<hbm>>
      tpu.wait_dma2 semaphore(%run_scoped3A : memref<!tpu.dma_semaphore, #tpu.memory_space<semaphore_mem>>) src(%dma_wait3A_74 : memref<640x128xf32, #tpu.memory_space<hbm>>) dst(%dma_wait3A_72 : memref<640x128xf32, #tpu.memory_space<vmem_shared>>)
      tpu.yield
    }) : () -> ()
    %barrier3A = arith.constant 0 : index
    tpu.barrier barrier_id(%barrier3A)
    %mul3A_3 = arith.constant 80 : i32
    %mul3A_4 = arith.muli %add3A, %mul3A_3 : i32
    %add3A_5 = arith.constant 0 : i32
    %add3A_6 = arith.addi %mul3A_4, %add3A_5 : i32
    "tpu.region"() ({
      %run_scoped3A = tpu.sem_alloc : memref<!tpu.dma_semaphore, #tpu.memory_space<semaphore_mem>>
      %dma_start3A = arith.constant 0 : i32
      %dma_start3A_69 = tpu.memref_slice %arg3[%add3A_6, %dma_start3A] : memref<2560x128xi32, #tpu.memory_space<hbm>> -> memref<40x128xi32, #tpu.memory_space<hbm>>
      %dma_start3A_70 = arith.constant 0 : i32
      %dma_start3A_71 = tpu.memref_slice %arg3[%add3A_6, %dma_start3A_70] : memref<2560x128xi32, #tpu.memory_space<hbm>> -> memref<40x128xi32, #tpu.memory_space<hbm>>
      tpu.enqueue_dma source(%dma_start3A_71 : memref<40x128xi32, #tpu.memory_space<hbm>>) target(%arg10 : memref<40x128xi32, #tpu.memory_space<vmem>>) target_semaphore(%run_scoped3A : memref<!tpu.dma_semaphore, #tpu.memory_space<semaphore_mem>>)
      %dma_wait3A = arith.constant 0 : i32
      %dma_wait3A_72 = tpu.memref_slice %arg3[%add3A_6, %dma_wait3A] : memref<2560x128xi32, #tpu.memory_space<hbm>> -> memref<40x128xi32, #tpu.memory_space<hbm>>
      %dma_wait3A_73 = arith.constant 0 : i32
      %dma_wait3A_74 = tpu.memref_slice %arg3[%add3A_6, %dma_wait3A_73] : memref<2560x128xi32, #tpu.memory_space<hbm>> -> memref<40x128xi32, #tpu.memory_space<hbm>>
      tpu.wait_dma2 semaphore(%run_scoped3A : memref<!tpu.dma_semaphore, #tpu.memory_space<semaphore_mem>>) src(%dma_wait3A_74 : memref<40x128xi32, #tpu.memory_space<hbm>>) dst(%arg10 : memref<40x128xi32, #tpu.memory_space<vmem>>)
      tpu.yield
    }) : () -> ()
    "tpu.region"() ({
      %run_scoped3A = tpu.sem_alloc : memref<!tpu.dma_semaphore, #tpu.memory_space<semaphore_mem>>
      %dma_start3A = arith.constant 0 : i32
      %dma_start3A_69 = tpu.memref_slice %arg4[%add3A_6, %dma_start3A] : memref<2560x128xi32, #tpu.memory_space<hbm>> -> memref<40x128xi32, #tpu.memory_space<hbm>>
      %dma_start3A_70 = arith.constant 0 : i32
      %dma_start3A_71 = tpu.memref_slice %arg4[%add3A_6, %dma_start3A_70] : memref<2560x128xi32, #tpu.memory_space<hbm>> -> memref<40x128xi32, #tpu.memory_space<hbm>>
      tpu.enqueue_dma source(%dma_start3A_71 : memref<40x128xi32, #tpu.memory_space<hbm>>) target(%arg11 : memref<40x128xi32, #tpu.memory_space<vmem>>) target_semaphore(%run_scoped3A : memref<!tpu.dma_semaphore, #tpu.memory_space<semaphore_mem>>)
      %dma_wait3A = arith.constant 0 : i32
      %dma_wait3A_72 = tpu.memref_slice %arg4[%add3A_6, %dma_wait3A] : memref<2560x128xi32, #tpu.memory_space<hbm>> -> memref<40x128xi32, #tpu.memory_space<hbm>>
      %dma_wait3A_73 = arith.constant 0 : i32
      %dma_wait3A_74 = tpu.memref_slice %arg4[%add3A_6, %dma_wait3A_73] : memref<2560x128xi32, #tpu.memory_space<hbm>> -> memref<40x128xi32, #tpu.memory_space<hbm>>
      tpu.wait_dma2 semaphore(%run_scoped3A : memref<!tpu.dma_semaphore, #tpu.memory_space<semaphore_mem>>) src(%dma_wait3A_74 : memref<40x128xi32, #tpu.memory_space<hbm>>) dst(%arg11 : memref<40x128xi32, #tpu.memory_space<vmem>>)
      tpu.yield
    }) : () -> ()
    %scan3A = arith.constant 0 : i32
    %scan3A_7 = arith.constant 0 : i32
    %scan3A_8 = arith.constant 40 : i32
    %scan3A_9 = arith.addi %scan3A_7, %scan3A_8 : i32
    %scan3A_10 = arith.constant 1 : i32
    %scan3A_11 = scf.for %scan3A_69 = %scan3A_7 to %scan3A_9 step %scan3A_10 iter_args(%scan3A_70 = %scan3A) -> (i32)  : i32 {
      %dma_start3A = arith.constant 0 : i32
      %dma_start3A_71 = tpu.memref_slice %arg10[%scan3A_69, %dma_start3A] : memref<40x128xi32, #tpu.memory_space<vmem>> -> memref<1x128xi32, #tpu.memory_space<vmem>>
      %dma_start3A_72 = tpu.memref_squeeze %dma_start3A_71 : memref<1x128xi32, #tpu.memory_space<vmem>> -> memref<128xi32, #tpu.memory_space<vmem>>
      %dma_start3A_73 = arith.constant 0 : i32
      %dma_start3A_74 = arith.constant 0 : i32
      %dma_start3A_75 = tpu.memref_slice %arg18[%dma_start3A_73, %dma_start3A_74] : memref<10240x128xf32, #tpu.memory_space<vmem_shared>> -> memref<10240x128xf32, #tpu.memory_space<vmem_shared>>
      tpu.enqueue_indirect_dma source(%dma_start3A_75 : memref<10240x128xf32, #tpu.memory_space<vmem_shared>>) target(%arg15 : memref<128x128xf32, #tpu.memory_space<vmem>>) offsets(%dma_start3A_72 : memref<128xi32, #tpu.memory_space<vmem>>) semaphore(%arg17 : memref<!tpu.dma_semaphore, #tpu.memory_space<semaphore_mem>>)
      %dma_start3A_76 = arith.constant 0 : i32
      %dma_start3A_77 = tpu.memref_slice %arg11[%scan3A_69, %dma_start3A_76] : memref<40x128xi32, #tpu.memory_space<vmem>> -> memref<1x128xi32, #tpu.memory_space<vmem>>
      %dma_start3A_78 = tpu.memref_squeeze %dma_start3A_77 : memref<1x128xi32, #tpu.memory_space<vmem>> -> memref<128xi32, #tpu.memory_space<vmem>>
      %dma_start3A_79 = arith.constant 0 : i32
      %dma_start3A_80 = arith.constant 0 : i32
      %dma_start3A_81 = tpu.memref_slice %arg18[%dma_start3A_79, %dma_start3A_80] : memref<10240x128xf32, #tpu.memory_space<vmem_shared>> -> memref<10240x128xf32, #tpu.memory_space<vmem_shared>>
      tpu.enqueue_indirect_dma source(%dma_start3A_81 : memref<10240x128xf32, #tpu.memory_space<vmem_shared>>) target(%arg16 : memref<128x128xf32, #tpu.memory_space<vmem>>) offsets(%dma_start3A_78 : memref<128xi32, #tpu.memory_space<vmem>>) semaphore(%arg17 : memref<!tpu.dma_semaphore, #tpu.memory_space<semaphore_mem>>)
      %dma_wait3A = arith.constant 0 : i32
      %dma_wait3A_82 = tpu.memref_slice %arg10[%scan3A_69, %dma_wait3A] : memref<40x128xi32, #tpu.memory_space<vmem>> -> memref<1x128xi32, #tpu.memory_space<vmem>>
      %dma_wait3A_83 = tpu.memref_squeeze %dma_wait3A_82 : memref<1x128xi32, #tpu.memory_space<vmem>> -> memref<128xi32, #tpu.memory_space<vmem>>
      %dma_wait3A_84 = arith.constant 0 : i32
      %dma_wait3A_85 = arith.constant 0 : i32
      %dma_wait3A_86 = tpu.memref_slice %arg18[%dma_wait3A_84, %dma_wait3A_85] : memref<10240x128xf32, #tpu.memory_space<vmem_shared>> -> memref<10240x128xf32, #tpu.memory_space<vmem_shared>>
      tpu.wait_indirect_dma semaphore(%arg17 : memref<!tpu.dma_semaphore, #tpu.memory_space<semaphore_mem>>) src(%dma_wait3A_86 : memref<10240x128xf32, #tpu.memory_space<vmem_shared>>) dst(%arg15 : memref<128x128xf32, #tpu.memory_space<vmem>>)
      %dma_wait3A_87 = arith.constant 0 : i32
      %dma_wait3A_88 = tpu.memref_slice %arg11[%scan3A_69, %dma_wait3A_87] : memref<40x128xi32, #tpu.memory_space<vmem>> -> memref<1x128xi32, #tpu.memory_space<vmem>>
      %dma_wait3A_89 = tpu.memref_squeeze %dma_wait3A_88 : memref<1x128xi32, #tpu.memory_space<vmem>> -> memref<128xi32, #tpu.memory_space<vmem>>
      %dma_wait3A_90 = arith.constant 0 : i32
      %dma_wait3A_91 = arith.constant 0 : i32
      %dma_wait3A_92 = tpu.memref_slice %arg18[%dma_wait3A_90, %dma_wait3A_91] : memref<10240x128xf32, #tpu.memory_space<vmem_shared>> -> memref<10240x128xf32, #tpu.memory_space<vmem_shared>>
      tpu.wait_indirect_dma semaphore(%arg17 : memref<!tpu.dma_semaphore, #tpu.memory_space<semaphore_mem>>) src(%dma_wait3A_92 : memref<10240x128xf32, #tpu.memory_space<vmem_shared>>) dst(%arg16 : memref<128x128xf32, #tpu.memory_space<vmem>>)
      %scan3A_93 = arith.constant 0 : i32
      %scan3A_94 = arith.constant 0 : i32
      %scan3A_95 = arith.constant 128 : i32
      %scan3A_96 = arith.addi %scan3A_94, %scan3A_95 : i32
      %scan3A_97 = arith.constant 1 : i32
      %scan3A_98 = scf.for %scan3A_104 = %scan3A_94 to %scan3A_96 step %scan3A_97 iter_args(%scan3A_105 = %scan3A_93) -> (i32)  : i32 {
        %get3A = arith.index_cast %scan3A_104 : i32 to index
        %get3A_106 = arith.constant 0 : index
        %get3A_107 = tpu.vector_load %arg15[%get3A, %get3A_106] {strides = array<i32>} : memref<128x128xf32, #tpu.memory_space<vmem>>, vector<1x16xf32>,
        %get3A_108 = vector.shape_cast %get3A_107 : vector<1x16xf32> to vector<16xf32>
        %get3A_109 = arith.index_cast %scan3A_104 : i32 to index
        %get3A_110 = arith.constant 0 : index
        %get3A_111 = tpu.vector_load %arg16[%get3A_109, %get3A_110] {strides = array<i32>} : memref<128x128xf32, #tpu.memory_space<vmem>>, vector<1x16xf32>,
        %get3A_112 = vector.shape_cast %get3A_111 : vector<1x16xf32> to vector<16xf32>
        %mul3A_113 = arith.mulf %get3A_108, %get3A_112 : vector<16xf32>
        %swap3A = arith.index_cast %scan3A_104 : i32 to index
        %swap3A_114 = arith.constant 0 : index
        %swap3A_115 = tpu.vector_load %arg15[%swap3A, %swap3A_114] {strides = array<i32>} : memref<128x128xf32, #tpu.memory_space<vmem>>, vector<1x16xf32>,
        %swap3A_116 = vector.shape_cast %swap3A_115 : vector<1x16xf32> to vector<16xf32>
        %swap3A_117 = vector.shape_cast %mul3A_113 : vector<16xf32> to vector<1x16xf32>
        tpu.vector_store %arg15[%swap3A, %swap3A_114], %swap3A_117 {strides = array<i32>} : memref<128x128xf32, #tpu.memory_space<vmem>>, vector<1x16xf32>,
        %get3A_118 = arith.index_cast %scan3A_104 : i32 to index
        %get3A_119 = arith.constant 16 : index
        %get3A_120 = tpu.vector_load %arg15[%get3A_118, %get3A_119] {strides = array<i32>} : memref<128x128xf32, #tpu.memory_space<vmem>>, vector<1x16xf32>,
        %get3A_121 = vector.shape_cast %get3A_120 : vector<1x16xf32> to vector<16xf32>
        %get3A_122 = arith.index_cast %scan3A_104 : i32 to index
        %get3A_123 = arith.constant 16 : index
        %get3A_124 = tpu.vector_load %arg16[%get3A_122, %get3A_123] {strides = array<i32>} : memref<128x128xf32, #tpu.memory_space<vmem>>, vector<1x16xf32>,
        %get3A_125 = vector.shape_cast %get3A_124 : vector<1x16xf32> to vector<16xf32>
        %mul3A_126 = arith.mulf %get3A_121, %get3A_125 : vector<16xf32>
        %swap3A_127 = arith.index_cast %scan3A_104 : i32 to index
        %swap3A_128 = arith.constant 16 : index
        %swap3A_129 = tpu.vector_load %arg15[%swap3A_127, %swap3A_128] {strides = array<i32>} : memref<128x128xf32, #tpu.memory_space<vmem>>, vector<1x16xf32>,
        %swap3A_130 = vector.shape_cast %swap3A_129 : vector<1x16xf32> to vector<16xf32>
        %swap3A_131 = vector.shape_cast %mul3A_126 : vector<16xf32> to vector<1x16xf32>
        tpu.vector_store %arg15[%swap3A_127, %swap3A_128], %swap3A_131 {strides = array<i32>} : memref<128x128xf32, #tpu.memory_space<vmem>>, vector<1x16xf32>,
        %get3A_132 = arith.index_cast %scan3A_104 : i32 to index
        %get3A_133 = arith.constant 32 : index
        %get3A_134 = tpu.vector_load %arg15[%get3A_132, %get3A_133] {strides = array<i32>} : memref<128x128xf32, #tpu.memory_space<vmem>>, vector<1x16xf32>,
        %get3A_135 = vector.shape_cast %get3A_134 : vector<1x16xf32> to vector<16xf32>
        %get3A_136 = arith.index_cast %scan3A_104 : i32 to index
        %get3A_137 = arith.constant 32 : index
        %get3A_138 = tpu.vector_load %arg16[%get3A_136, %get3A_137] {strides = array<i32>} : memref<128x128xf32, #tpu.memory_space<vmem>>, vector<1x16xf32>,
        %get3A_139 = vector.shape_cast %get3A_138 : vector<1x16xf32> to vector<16xf32>
        %mul3A_140 = arith.mulf %get3A_135, %get3A_139 : vector<16xf32>
        %swap3A_141 = arith.index_cast %scan3A_104 : i32 to index
        %swap3A_142 = arith.constant 32 : index
        %swap3A_143 = tpu.vector_load %arg15[%swap3A_141, %swap3A_142] {strides = array<i32>} : memref<128x128xf32, #tpu.memory_space<vmem>>, vector<1x16xf32>,
        %swap3A_144 = vector.shape_cast %swap3A_143 : vector<1x16xf32> to vector<16xf32>
        %swap3A_145 = vector.shape_cast %mul3A_140 : vector<16xf32> to vector<1x16xf32>
        tpu.vector_store %arg15[%swap3A_141, %swap3A_142], %swap3A_145 {strides = array<i32>} : memref<128x128xf32, #tpu.memory_space<vmem>>, vector<1x16xf32>,
        %get3A_146 = arith.index_cast %scan3A_104 : i32 to index
        %get3A_147 = arith.constant 48 : index
        %get3A_148 = tpu.vector_load %arg15[%get3A_146, %get3A_147] {strides = array<i32>} : memref<128x128xf32, #tpu.memory_space<vmem>>, vector<1x16xf32>,
        %get3A_149 = vector.shape_cast %get3A_148 : vector<1x16xf32> to vector<16xf32>
        %get3A_150 = arith.index_cast %scan3A_104 : i32 to index
        %get3A_151 = arith.constant 48 : index
        %get3A_152 = tpu.vector_load %arg16[%get3A_150, %get3A_151] {strides = array<i32>} : memref<128x128xf32, #tpu.memory_space<vmem>>, vector<1x16xf32>,
        %get3A_153 = vector.shape_cast %get3A_152 : vector<1x16xf32> to vector<16xf32>
        %mul3A_154 = arith.mulf %get3A_149, %get3A_153 : vector<16xf32>
        %swap3A_155 = arith.index_cast %scan3A_104 : i32 to index
        %swap3A_156 = arith.constant 48 : index
        %swap3A_157 = tpu.vector_load %arg15[%swap3A_155, %swap3A_156] {strides = array<i32>} : memref<128x128xf32, #tpu.memory_space<vmem>>, vector<1x16xf32>,
        %swap3A_158 = vector.shape_cast %swap3A_157 : vector<1x16xf32> to vector<16xf32>
        %swap3A_159 = vector.shape_cast %mul3A_154 : vector<16xf32> to vector<1x16xf32>
        tpu.vector_store %arg15[%swap3A_155, %swap3A_156], %swap3A_159 {strides = array<i32>} : memref<128x128xf32, #tpu.memory_space<vmem>>, vector<1x16xf32>,
        %get3A_160 = arith.index_cast %scan3A_104 : i32 to index
        %get3A_161 = arith.constant 64 : index
        %get3A_162 = tpu.vector_load %arg15[%get3A_160, %get3A_161] {strides = array<i32>} : memref<128x128xf32, #tpu.memory_space<vmem>>, vector<1x16xf32>,
        %get3A_163 = vector.shape_cast %get3A_162 : vector<1x16xf32> to vector<16xf32>
        %get3A_164 = arith.index_cast %scan3A_104 : i32 to index
        %get3A_165 = arith.constant 64 : index
        %get3A_166 = tpu.vector_load %arg16[%get3A_164, %get3A_165] {strides = array<i32>} : memref<128x128xf32, #tpu.memory_space<vmem>>, vector<1x16xf32>,
        %get3A_167 = vector.shape_cast %get3A_166 : vector<1x16xf32> to vector<16xf32>
        %mul3A_168 = arith.mulf %get3A_163, %get3A_167 : vector<16xf32>
        %swap3A_169 = arith.index_cast %scan3A_104 : i32 to index
        %swap3A_170 = arith.constant 64 : index
        %swap3A_171 = tpu.vector_load %arg15[%swap3A_169, %swap3A_170] {strides = array<i32>} : memref<128x128xf32, #tpu.memory_space<vmem>>, vector<1x16xf32>,
        %swap3A_172 = vector.shape_cast %swap3A_171 : vector<1x16xf32> to vector<16xf32>
        %swap3A_173 = vector.shape_cast %mul3A_168 : vector<16xf32> to vector<1x16xf32>
        tpu.vector_store %arg15[%swap3A_169, %swap3A_170], %swap3A_173 {strides = array<i32>} : memref<128x128xf32, #tpu.memory_space<vmem>>, vector<1x16xf32>,
        %get3A_174 = arith.index_cast %scan3A_104 : i32 to index
        %get3A_175 = arith.constant 80 : index
        %get3A_176 = tpu.vector_load %arg15[%get3A_174, %get3A_175] {strides = array<i32>} : memref<128x128xf32, #tpu.memory_space<vmem>>, vector<1x16xf32>,
        %get3A_177 = vector.shape_cast %get3A_176 : vector<1x16xf32> to vector<16xf32>
        %get3A_178 = arith.index_cast %scan3A_104 : i32 to index
        %get3A_179 = arith.constant 80 : index
        %get3A_180 = tpu.vector_load %arg16[%get3A_178, %get3A_179] {strides = array<i32>} : memref<128x128xf32, #tpu.memory_space<vmem>>, vector<1x16xf32>,
        %get3A_181 = vector.shape_cast %get3A_180 : vector<1x16xf32> to vector<16xf32>
        %mul3A_182 = arith.mulf %get3A_177, %get3A_181 : vector<16xf32>
        %swap3A_183 = arith.index_cast %scan3A_104 : i32 to index
        %swap3A_184 = arith.constant 80 : index
        %swap3A_185 = tpu.vector_load %arg15[%swap3A_183, %swap3A_184] {strides = array<i32>} : memref<128x128xf32, #tpu.memory_space<vmem>>, vector<1x16xf32>,
        %swap3A_186 = vector.shape_cast %swap3A_185 : vector<1x16xf32> to vector<16xf32>
        %swap3A_187 = vector.shape_cast %mul3A_182 : vector<16xf32> to vector<1x16xf32>
        tpu.vector_store %arg15[%swap3A_183, %swap3A_184], %swap3A_187 {strides = array<i32>} : memref<128x128xf32, #tpu.memory_space<vmem>>, vector<1x16xf32>,
        %get3A_188 = arith.index_cast %scan3A_104 : i32 to index
        %get3A_189 = arith.constant 96 : index
        %get3A_190 = tpu.vector_load %arg15[%get3A_188, %get3A_189] {strides = array<i32>} : memref<128x128xf32, #tpu.memory_space<vmem>>, vector<1x16xf32>,
        %get3A_191 = vector.shape_cast %get3A_190 : vector<1x16xf32> to vector<16xf32>
        %get3A_192 = arith.index_cast %scan3A_104 : i32 to index
        %get3A_193 = arith.constant 96 : index
        %get3A_194 = tpu.vector_load %arg16[%get3A_192, %get3A_193] {strides = array<i32>} : memref<128x128xf32, #tpu.memory_space<vmem>>, vector<1x16xf32>,
        %get3A_195 = vector.shape_cast %get3A_194 : vector<1x16xf32> to vector<16xf32>
        %mul3A_196 = arith.mulf %get3A_191, %get3A_195 : vector<16xf32>
        %swap3A_197 = arith.index_cast %scan3A_104 : i32 to index
        %swap3A_198 = arith.constant 96 : index
        %swap3A_199 = tpu.vector_load %arg15[%swap3A_197, %swap3A_198] {strides = array<i32>} : memref<128x128xf32, #tpu.memory_space<vmem>>, vector<1x16xf32>,
        %swap3A_200 = vector.shape_cast %swap3A_199 : vector<1x16xf32> to vector<16xf32>
        %swap3A_201 = vector.shape_cast %mul3A_196 : vector<16xf32> to vector<1x16xf32>
        tpu.vector_store %arg15[%swap3A_197, %swap3A_198], %swap3A_201 {strides = array<i32>} : memref<128x128xf32, #tpu.memory_space<vmem>>, vector<1x16xf32>,
        %get3A_202 = arith.index_cast %scan3A_104 : i32 to index
        %get3A_203 = arith.constant 112 : index
        %get3A_204 = tpu.vector_load %arg15[%get3A_202, %get3A_203] {strides = array<i32>} : memref<128x128xf32, #tpu.memory_space<vmem>>, vector<1x16xf32>,
        %get3A_205 = vector.shape_cast %get3A_204 : vector<1x16xf32> to vector<16xf32>
        %get3A_206 = arith.index_cast %scan3A_104 : i32 to index
        %get3A_207 = arith.constant 112 : index
        %get3A_208 = tpu.vector_load %arg16[%get3A_206, %get3A_207] {strides = array<i32>} : memref<128x128xf32, #tpu.memory_space<vmem>>, vector<1x16xf32>,
        %get3A_209 = vector.shape_cast %get3A_208 : vector<1x16xf32> to vector<16xf32>
        %mul3A_210 = arith.mulf %get3A_205, %get3A_209 : vector<16xf32>
        %swap3A_211 = arith.index_cast %scan3A_104 : i32 to index
        %swap3A_212 = arith.constant 112 : index
        %swap3A_213 = tpu.vector_load %arg15[%swap3A_211, %swap3A_212] {strides = array<i32>} : memref<128x128xf32, #tpu.memory_space<vmem>>, vector<1x16xf32>,
        %swap3A_214 = vector.shape_cast %swap3A_213 : vector<1x16xf32> to vector<16xf32>
        %swap3A_215 = vector.shape_cast %mul3A_210 : vector<16xf32> to vector<1x16xf32>
        tpu.vector_store %arg15[%swap3A_211, %swap3A_212], %swap3A_215 {strides = array<i32>} : memref<128x128xf32, #tpu.memory_space<vmem>>, vector<1x16xf32>,
        %scan3A_216 = arith.constant 0 : i32
        scf.yield %scan3A_216 : i32
      }
      %scan3A_99 = arith.constant 128 : i32
      %add3A_100 = arith.addi %add3A_6, %scan3A_69 : i32
      %mul3A_101 = arith.constant 128 : i32
      %mul3A_102 = arith.muli %add3A_100, %mul3A_101 : i32
      "tpu.region"() ({
        %run_scoped3A = tpu.sem_alloc : memref<!tpu.dma_semaphore, #tpu.memory_space<semaphore_mem>>
        %dma_start3A_104 = arith.constant 0 : i32
        %dma_start3A_105 = tpu.memref_slice %arg8[%mul3A_102, %dma_start3A_104] : memref<327680x128xf32, #tpu.memory_space<hbm>> -> memref<128x128xf32, #tpu.memory_space<hbm>>
        %dma_start3A_106 = arith.constant 0 : i32
        %dma_start3A_107 = tpu.memref_slice %arg8[%mul3A_102, %dma_start3A_106] : memref<327680x128xf32, #tpu.memory_space<hbm>> -> memref<128x128xf32, #tpu.memory_space<hbm>>
        tpu.enqueue_dma source(%arg15 : memref<128x128xf32, #tpu.memory_space<vmem>>) target(%dma_start3A_107 : memref<128x128xf32, #tpu.memory_space<hbm>>) target_semaphore(%run_scoped3A : memref<!tpu.dma_semaphore, #tpu.memory_space<semaphore_mem>>)
        %dma_wait3A_108 = arith.constant 0 : i32
        %dma_wait3A_109 = tpu.memref_slice %arg8[%mul3A_102, %dma_wait3A_108] : memref<327680x128xf32, #tpu.memory_space<hbm>> -> memref<128x128xf32, #tpu.memory_space<hbm>>
        %dma_wait3A_110 = arith.constant 0 : i32
        %dma_wait3A_111 = tpu.memref_slice %arg8[%mul3A_102, %dma_wait3A_110] : memref<327680x128xf32, #tpu.memory_space<hbm>> -> memref<128x128xf32, #tpu.memory_space<hbm>>
        tpu.wait_dma2 semaphore(%run_scoped3A : memref<!tpu.dma_semaphore, #tpu.memory_space<semaphore_mem>>) src(%arg15 : memref<128x128xf32, #tpu.memory_space<vmem>>) dst(%dma_wait3A_111 : memref<128x128xf32, #tpu.memory_space<hbm>>)
        tpu.yield
      }) : () -> ()
      %scan3A_103 = arith.constant 0 : i32
      scf.yield %scan3A_103 : i32
    }
    %scan3A_12 = arith.constant 40 : i32
    %add3A_13 = arith.constant 40 : i32
    %add3A_14 = arith.addi %mul3A_4, %add3A_13 : i32
    "tpu.region"() ({
      %run_scoped3A = tpu.sem_alloc : memref<!tpu.dma_semaphore, #tpu.memory_space<semaphore_mem>>
      %dma_start3A = arith.constant 0 : i32
      %dma_start3A_69 = tpu.memref_slice %arg3[%add3A_14, %dma_start3A] : memref<2560x128xi32, #tpu.memory_space<hbm>> -> memref<40x128xi32, #tpu.memory_space<hbm>>
      %dma_start3A_70 = arith.constant 0 : i32
      %dma_start3A_71 = tpu.memref_slice %arg3[%add3A_14, %dma_start3A_70] : memref<2560x128xi32, #tpu.memory_space<hbm>> -> memref<40x128xi32, #tpu.memory_space<hbm>>
      tpu.enqueue_dma source(%dma_start3A_71 : memref<40x128xi32, #tpu.memory_space<hbm>>) target(%arg10 : memref<40x128xi32, #tpu.memory_space<vmem>>) target_semaphore(%run_scoped3A : memref<!tpu.dma_semaphore, #tpu.memory_space<semaphore_mem>>)
      %dma_wait3A = arith.constant 0 : i32
      %dma_wait3A_72 = tpu.memref_slice %arg3[%add3A_14, %dma_wait3A] : memref<2560x128xi32, #tpu.memory_space<hbm>> -> memref<40x128xi32, #tpu.memory_space<hbm>>
      %dma_wait3A_73 = arith.constant 0 : i32
      %dma_wait3A_74 = tpu.memref_slice %arg3[%add3A_14, %dma_wait3A_73] : memref<2560x128xi32, #tpu.memory_space<hbm>> -> memref<40x128xi32, #tpu.memory_space<hbm>>
      tpu.wait_dma2 semaphore(%run_scoped3A : memref<!tpu.dma_semaphore, #tpu.memory_space<semaphore_mem>>) src(%dma_wait3A_74 : memref<40x128xi32, #tpu.memory_space<hbm>>) dst(%arg10 : memref<40x128xi32, #tpu.memory_space<vmem>>)
      tpu.yield
    }) : () -> ()
    "tpu.region"() ({
      %run_scoped3A = tpu.sem_alloc : memref<!tpu.dma_semaphore, #tpu.memory_space<semaphore_mem>>
      %dma_start3A = arith.constant 0 : i32
      %dma_start3A_69 = tpu.memref_slice %arg4[%add3A_14, %dma_start3A] : memref<2560x128xi32, #tpu.memory_space<hbm>> -> memref<40x128xi32, #tpu.memory_space<hbm>>
      %dma_start3A_70 = arith.constant 0 : i32
      %dma_start3A_71 = tpu.memref_slice %arg4[%add3A_14, %dma_start3A_70] : memref<2560x128xi32, #tpu.memory_space<hbm>> -> memref<40x128xi32, #tpu.memory_space<hbm>>
      tpu.enqueue_dma source(%dma_start3A_71 : memref<40x128xi32, #tpu.memory_space<hbm>>) target(%arg11 : memref<40x128xi32, #tpu.memory_space<vmem>>) target_semaphore(%run_scoped3A : memref<!tpu.dma_semaphore, #tpu.memory_space<semaphore_mem>>)
      %dma_wait3A = arith.constant 0 : i32
      %dma_wait3A_72 = tpu.memref_slice %arg4[%add3A_14, %dma_wait3A] : memref<2560x128xi32, #tpu.memory_space<hbm>> -> memref<40x128xi32, #tpu.memory_space<hbm>>
      %dma_wait3A_73 = arith.constant 0 : i32
      %dma_wait3A_74 = tpu.memref_slice %arg4[%add3A_14, %dma_wait3A_73] : memref<2560x128xi32, #tpu.memory_space<hbm>> -> memref<40x128xi32, #tpu.memory_space<hbm>>
      tpu.wait_dma2 semaphore(%run_scoped3A : memref<!tpu.dma_semaphore, #tpu.memory_space<semaphore_mem>>) src(%dma_wait3A_74 : memref<40x128xi32, #tpu.memory_space<hbm>>) dst(%arg11 : memref<40x128xi32, #tpu.memory_space<vmem>>)
      tpu.yield
    }) : () -> ()
    %scan3A_15 = arith.constant 0 : i32
    %scan3A_16 = arith.constant 0 : i32
    %scan3A_17 = arith.constant 40 : i32
    %scan3A_18 = arith.addi %scan3A_16, %scan3A_17 : i32
    %scan3A_19 = arith.constant 1 : i32
    %scan3A_20 = scf.for %scan3A_69 = %scan3A_16 to %scan3A_18 step %scan3A_19 iter_args(%scan3A_70 = %scan3A_15) -> (i32)  : i32 {
      %dma_start3A = arith.constant 0 : i32
      %dma_start3A_71 = tpu.memref_slice %arg10[%scan3A_69, %dma_start3A] : memref<40x128xi32, #tpu.memory_space<vmem>> -> memref<1x128xi32, #tpu.memory_space<vmem>>
      %dma_start3A_72 = tpu.memref_squeeze %dma_start3A_71 : memref<1x128xi32, #tpu.memory_space<vmem>> -> memref<128xi32, #tpu.memory_space<vmem>>
      %dma_start3A_73 = arith.constant 0 : i32
      %dma_start3A_74 = arith.constant 0 : i32
      %dma_start3A_75 = tpu.memref_slice %arg18[%dma_start3A_73, %dma_start3A_74] : memref<10240x128xf32, #tpu.memory_space<vmem_shared>> -> memref<10240x128xf32, #tpu.memory_space<vmem_shared>>
      tpu.enqueue_indirect_dma source(%dma_start3A_75 : memref<10240x128xf32, #tpu.memory_space<vmem_shared>>) target(%arg15 : memref<128x128xf32, #tpu.memory_space<vmem>>) offsets(%dma_start3A_72 : memref<128xi32, #tpu.memory_space<vmem>>) semaphore(%arg17 : memref<!tpu.dma_semaphore, #tpu.memory_space<semaphore_mem>>)
      %dma_start3A_76 = arith.constant 0 : i32
      %dma_start3A_77 = tpu.memref_slice %arg11[%scan3A_69, %dma_start3A_76] : memref<40x128xi32, #tpu.memory_space<vmem>> -> memref<1x128xi32, #tpu.memory_space<vmem>>
      %dma_start3A_78 = tpu.memref_squeeze %dma_start3A_77 : memref<1x128xi32, #tpu.memory_space<vmem>> -> memref<128xi32, #tpu.memory_space<vmem>>
      %dma_start3A_79 = arith.constant 0 : i32
      %dma_start3A_80 = arith.constant 0 : i32
      %dma_start3A_81 = tpu.memref_slice %arg18[%dma_start3A_79, %dma_start3A_80] : memref<10240x128xf32, #tpu.memory_space<vmem_shared>> -> memref<10240x128xf32, #tpu.memory_space<vmem_shared>>
      tpu.enqueue_indirect_dma source(%dma_start3A_81 : memref<10240x128xf32, #tpu.memory_space<vmem_shared>>) target(%arg16 : memref<128x128xf32, #tpu.memory_space<vmem>>) offsets(%dma_start3A_78 : memref<128xi32, #tpu.memory_space<vmem>>) semaphore(%arg17 : memref<!tpu.dma_semaphore, #tpu.memory_space<semaphore_mem>>)
      %dma_wait3A = arith.constant 0 : i32
      %dma_wait3A_82 = tpu.memref_slice %arg10[%scan3A_69, %dma_wait3A] : memref<40x128xi32, #tpu.memory_space<vmem>> -> memref<1x128xi32, #tpu.memory_space<vmem>>
      %dma_wait3A_83 = tpu.memref_squeeze %dma_wait3A_82 : memref<1x128xi32, #tpu.memory_space<vmem>> -> memref<128xi32, #tpu.memory_space<vmem>>
      %dma_wait3A_84 = arith.constant 0 : i32
      %dma_wait3A_85 = arith.constant 0 : i32
      %dma_wait3A_86 = tpu.memref_slice %arg18[%dma_wait3A_84, %dma_wait3A_85] : memref<10240x128xf32, #tpu.memory_space<vmem_shared>> -> memref<10240x128xf32, #tpu.memory_space<vmem_shared>>
      tpu.wait_indirect_dma semaphore(%arg17 : memref<!tpu.dma_semaphore, #tpu.memory_space<semaphore_mem>>) src(%dma_wait3A_86 : memref<10240x128xf32, #tpu.memory_space<vmem_shared>>) dst(%arg15 : memref<128x128xf32, #tpu.memory_space<vmem>>)
      %dma_wait3A_87 = arith.constant 0 : i32
      %dma_wait3A_88 = tpu.memref_slice %arg11[%scan3A_69, %dma_wait3A_87] : memref<40x128xi32, #tpu.memory_space<vmem>> -> memref<1x128xi32, #tpu.memory_space<vmem>>
      %dma_wait3A_89 = tpu.memref_squeeze %dma_wait3A_88 : memref<1x128xi32, #tpu.memory_space<vmem>> -> memref<128xi32, #tpu.memory_space<vmem>>
      %dma_wait3A_90 = arith.constant 0 : i32
      %dma_wait3A_91 = arith.constant 0 : i32
      %dma_wait3A_92 = tpu.memref_slice %arg18[%dma_wait3A_90, %dma_wait3A_91] : memref<10240x128xf32, #tpu.memory_space<vmem_shared>> -> memref<10240x128xf32, #tpu.memory_space<vmem_shared>>
      tpu.wait_indirect_dma semaphore(%arg17 : memref<!tpu.dma_semaphore, #tpu.memory_space<semaphore_mem>>) src(%dma_wait3A_92 : memref<10240x128xf32, #tpu.memory_space<vmem_shared>>) dst(%arg16 : memref<128x128xf32, #tpu.memory_space<vmem>>)
      %scan3A_93 = arith.constant 0 : i32
      %scan3A_94 = arith.constant 0 : i32
      %scan3A_95 = arith.constant 128 : i32
      %scan3A_96 = arith.addi %scan3A_94, %scan3A_95 : i32
      %scan3A_97 = arith.constant 1 : i32
      %scan3A_98 = scf.for %scan3A_104 = %scan3A_94 to %scan3A_96 step %scan3A_97 iter_args(%scan3A_105 = %scan3A_93) -> (i32)  : i32 {
        %get3A = arith.index_cast %scan3A_104 : i32 to index
        %get3A_106 = arith.constant 0 : index
        %get3A_107 = tpu.vector_load %arg15[%get3A, %get3A_106] {strides = array<i32>} : memref<128x128xf32, #tpu.memory_space<vmem>>, vector<1x16xf32>,
        %get3A_108 = vector.shape_cast %get3A_107 : vector<1x16xf32> to vector<16xf32>
        %get3A_109 = arith.index_cast %scan3A_104 : i32 to index
        %get3A_110 = arith.constant 0 : index
        %get3A_111 = tpu.vector_load %arg16[%get3A_109, %get3A_110] {strides = array<i32>} : memref<128x128xf32, #tpu.memory_space<vmem>>, vector<1x16xf32>,
        %get3A_112 = vector.shape_cast %get3A_111 : vector<1x16xf32> to vector<16xf32>
        %mul3A_113 = arith.mulf %get3A_108, %get3A_112 : vector<16xf32>
        %swap3A = arith.index_cast %scan3A_104 : i32 to index
        %swap3A_114 = arith.constant 0 : index
        %swap3A_115 = tpu.vector_load %arg15[%swap3A, %swap3A_114] {strides = array<i32>} : memref<128x128xf32, #tpu.memory_space<vmem>>, vector<1x16xf32>,
        %swap3A_116 = vector.shape_cast %swap3A_115 : vector<1x16xf32> to vector<16xf32>
        %swap3A_117 = vector.shape_cast %mul3A_113 : vector<16xf32> to vector<1x16xf32>
        tpu.vector_store %arg15[%swap3A, %swap3A_114], %swap3A_117 {strides = array<i32>} : memref<128x128xf32, #tpu.memory_space<vmem>>, vector<1x16xf32>,
        %get3A_118 = arith.index_cast %scan3A_104 : i32 to index
        %get3A_119 = arith.constant 16 : index
        %get3A_120 = tpu.vector_load %arg15[%get3A_118, %get3A_119] {strides = array<i32>} : memref<128x128xf32, #tpu.memory_space<vmem>>, vector<1x16xf32>,
        %get3A_121 = vector.shape_cast %get3A_120 : vector<1x16xf32> to vector<16xf32>
        %get3A_122 = arith.index_cast %scan3A_104 : i32 to index
        %get3A_123 = arith.constant 16 : index
        %get3A_124 = tpu.vector_load %arg16[%get3A_122, %get3A_123] {strides = array<i32>} : memref<128x128xf32, #tpu.memory_space<vmem>>, vector<1x16xf32>,
        %get3A_125 = vector.shape_cast %get3A_124 : vector<1x16xf32> to vector<16xf32>
        %mul3A_126 = arith.mulf %get3A_121, %get3A_125 : vector<16xf32>
        %swap3A_127 = arith.index_cast %scan3A_104 : i32 to index
        %swap3A_128 = arith.constant 16 : index
        %swap3A_129 = tpu.vector_load %arg15[%swap3A_127, %swap3A_128] {strides = array<i32>} : memref<128x128xf32, #tpu.memory_space<vmem>>, vector<1x16xf32>,
        %swap3A_130 = vector.shape_cast %swap3A_129 : vector<1x16xf32> to vector<16xf32>
        %swap3A_131 = vector.shape_cast %mul3A_126 : vector<16xf32> to vector<1x16xf32>
        tpu.vector_store %arg15[%swap3A_127, %swap3A_128], %swap3A_131 {strides = array<i32>} : memref<128x128xf32, #tpu.memory_space<vmem>>, vector<1x16xf32>,
        %get3A_132 = arith.index_cast %scan3A_104 : i32 to index
        %get3A_133 = arith.constant 32 : index
        %get3A_134 = tpu.vector_load %arg15[%get3A_132, %get3A_133] {strides = array<i32>} : memref<128x128xf32, #tpu.memory_space<vmem>>, vector<1x16xf32>,
        %get3A_135 = vector.shape_cast %get3A_134 : vector<1x16xf32> to vector<16xf32>
        %get3A_136 = arith.index_cast %scan3A_104 : i32 to index
        %get3A_137 = arith.constant 32 : index
        %get3A_138 = tpu.vector_load %arg16[%get3A_136, %get3A_137] {strides = array<i32>} : memref<128x128xf32, #tpu.memory_space<vmem>>, vector<1x16xf32>,
        %get3A_139 = vector.shape_cast %get3A_138 : vector<1x16xf32> to vector<16xf32>
        %mul3A_140 = arith.mulf %get3A_135, %get3A_139 : vector<16xf32>
        %swap3A_141 = arith.index_cast %scan3A_104 : i32 to index
        %swap3A_142 = arith.constant 32 : index
        %swap3A_143 = tpu.vector_load %arg15[%swap3A_141, %swap3A_142] {strides = array<i32>} : memref<128x128xf32, #tpu.memory_space<vmem>>, vector<1x16xf32>,
        %swap3A_144 = vector.shape_cast %swap3A_143 : vector<1x16xf32> to vector<16xf32>
        %swap3A_145 = vector.shape_cast %mul3A_140 : vector<16xf32> to vector<1x16xf32>
        tpu.vector_store %arg15[%swap3A_141, %swap3A_142], %swap3A_145 {strides = array<i32>} : memref<128x128xf32, #tpu.memory_space<vmem>>, vector<1x16xf32>,
        %get3A_146 = arith.index_cast %scan3A_104 : i32 to index
        %get3A_147 = arith.constant 48 : index
        %get3A_148 = tpu.vector_load %arg15[%get3A_146, %get3A_147] {strides = array<i32>} : memref<128x128xf32, #tpu.memory_space<vmem>>, vector<1x16xf32>,
        %get3A_149 = vector.shape_cast %get3A_148 : vector<1x16xf32> to vector<16xf32>
        %get3A_150 = arith.index_cast %scan3A_104 : i32 to index
        %get3A_151 = arith.constant 48 : index
        %get3A_152 = tpu.vector_load %arg16[%get3A_150, %get3A_151] {strides = array<i32>} : memref<128x128xf32, #tpu.memory_space<vmem>>, vector<1x16xf32>,
        %get3A_153 = vector.shape_cast %get3A_152 : vector<1x16xf32> to vector<16xf32>
        %mul3A_154 = arith.mulf %get3A_149, %get3A_153 : vector<16xf32>
        %swap3A_155 = arith.index_cast %scan3A_104 : i32 to index
        %swap3A_156 = arith.constant 48 : index
        %swap3A_157 = tpu.vector_load %arg15[%swap3A_155, %swap3A_156] {strides = array<i32>} : memref<128x128xf32, #tpu.memory_space<vmem>>, vector<1x16xf32>,
        %swap3A_158 = vector.shape_cast %swap3A_157 : vector<1x16xf32> to vector<16xf32>
        %swap3A_159 = vector.shape_cast %mul3A_154 : vector<16xf32> to vector<1x16xf32>
        tpu.vector_store %arg15[%swap3A_155, %swap3A_156], %swap3A_159 {strides = array<i32>} : memref<128x128xf32, #tpu.memory_space<vmem>>, vector<1x16xf32>,
        %get3A_160 = arith.index_cast %scan3A_104 : i32 to index
        %get3A_161 = arith.constant 64 : index
        %get3A_162 = tpu.vector_load %arg15[%get3A_160, %get3A_161] {strides = array<i32>} : memref<128x128xf32, #tpu.memory_space<vmem>>, vector<1x16xf32>,
        %get3A_163 = vector.shape_cast %get3A_162 : vector<1x16xf32> to vector<16xf32>
        %get3A_164 = arith.index_cast %scan3A_104 : i32 to index
        %get3A_165 = arith.constant 64 : index
        %get3A_166 = tpu.vector_load %arg16[%get3A_164, %get3A_165] {strides = array<i32>} : memref<128x128xf32, #tpu.memory_space<vmem>>, vector<1x16xf32>,
        %get3A_167 = vector.shape_cast %get3A_166 : vector<1x16xf32> to vector<16xf32>
        %mul3A_168 = arith.mulf %get3A_163, %get3A_167 : vector<16xf32>
        %swap3A_169 = arith.index_cast %scan3A_104 : i32 to index
        %swap3A_170 = arith.constant 64 : index
        %swap3A_171 = tpu.vector_load %arg15[%swap3A_169, %swap3A_170] {strides = array<i32>} : memref<128x128xf32, #tpu.memory_space<vmem>>, vector<1x16xf32>,
        %swap3A_172 = vector.shape_cast %swap3A_171 : vector<1x16xf32> to vector<16xf32>
        %swap3A_173 = vector.shape_cast %mul3A_168 : vector<16xf32> to vector<1x16xf32>
        tpu.vector_store %arg15[%swap3A_169, %swap3A_170], %swap3A_173 {strides = array<i32>} : memref<128x128xf32, #tpu.memory_space<vmem>>, vector<1x16xf32>,
        %get3A_174 = arith.index_cast %scan3A_104 : i32 to index
        %get3A_175 = arith.constant 80 : index
        %get3A_176 = tpu.vector_load %arg15[%get3A_174, %get3A_175] {strides = array<i32>} : memref<128x128xf32, #tpu.memory_space<vmem>>, vector<1x16xf32>,
        %get3A_177 = vector.shape_cast %get3A_176 : vector<1x16xf32> to vector<16xf32>
        %get3A_178 = arith.index_cast %scan3A_104 : i32 to index
        %get3A_179 = arith.constant 80 : index
        %get3A_180 = tpu.vector_load %arg16[%get3A_178, %get3A_179] {strides = array<i32>} : memref<128x128xf32, #tpu.memory_space<vmem>>, vector<1x16xf32>,
        %get3A_181 = vector.shape_cast %get3A_180 : vector<1x16xf32> to vector<16xf32>
        %mul3A_182 = arith.mulf %get3A_177, %get3A_181 : vector<16xf32>
        %swap3A_183 = arith.index_cast %scan3A_104 : i32 to index
        %swap3A_184 = arith.constant 80 : index
        %swap3A_185 = tpu.vector_load %arg15[%swap3A_183, %swap3A_184] {strides = array<i32>} : memref<128x128xf32, #tpu.memory_space<vmem>>, vector<1x16xf32>,
        %swap3A_186 = vector.shape_cast %swap3A_185 : vector<1x16xf32> to vector<16xf32>
        %swap3A_187 = vector.shape_cast %mul3A_182 : vector<16xf32> to vector<1x16xf32>
        tpu.vector_store %arg15[%swap3A_183, %swap3A_184], %swap3A_187 {strides = array<i32>} : memref<128x128xf32, #tpu.memory_space<vmem>>, vector<1x16xf32>,
        %get3A_188 = arith.index_cast %scan3A_104 : i32 to index
        %get3A_189 = arith.constant 96 : index
        %get3A_190 = tpu.vector_load %arg15[%get3A_188, %get3A_189] {strides = array<i32>} : memref<128x128xf32, #tpu.memory_space<vmem>>, vector<1x16xf32>,
        %get3A_191 = vector.shape_cast %get3A_190 : vector<1x16xf32> to vector<16xf32>
        %get3A_192 = arith.index_cast %scan3A_104 : i32 to index
        %get3A_193 = arith.constant 96 : index
        %get3A_194 = tpu.vector_load %arg16[%get3A_192, %get3A_193] {strides = array<i32>} : memref<128x128xf32, #tpu.memory_space<vmem>>, vector<1x16xf32>,
        %get3A_195 = vector.shape_cast %get3A_194 : vector<1x16xf32> to vector<16xf32>
        %mul3A_196 = arith.mulf %get3A_191, %get3A_195 : vector<16xf32>
        %swap3A_197 = arith.index_cast %scan3A_104 : i32 to index
        %swap3A_198 = arith.constant 96 : index
        %swap3A_199 = tpu.vector_load %arg15[%swap3A_197, %swap3A_198] {strides = array<i32>} : memref<128x128xf32, #tpu.memory_space<vmem>>, vector<1x16xf32>,
        %swap3A_200 = vector.shape_cast %swap3A_199 : vector<1x16xf32> to vector<16xf32>
        %swap3A_201 = vector.shape_cast %mul3A_196 : vector<16xf32> to vector<1x16xf32>
        tpu.vector_store %arg15[%swap3A_197, %swap3A_198], %swap3A_201 {strides = array<i32>} : memref<128x128xf32, #tpu.memory_space<vmem>>, vector<1x16xf32>,
        %get3A_202 = arith.index_cast %scan3A_104 : i32 to index
        %get3A_203 = arith.constant 112 : index
        %get3A_204 = tpu.vector_load %arg15[%get3A_202, %get3A_203] {strides = array<i32>} : memref<128x128xf32, #tpu.memory_space<vmem>>, vector<1x16xf32>,
        %get3A_205 = vector.shape_cast %get3A_204 : vector<1x16xf32> to vector<16xf32>
        %get3A_206 = arith.index_cast %scan3A_104 : i32 to index
        %get3A_207 = arith.constant 112 : index
        %get3A_208 = tpu.vector_load %arg16[%get3A_206, %get3A_207] {strides = array<i32>} : memref<128x128xf32, #tpu.memory_space<vmem>>, vector<1x16xf32>,
        %get3A_209 = vector.shape_cast %get3A_208 : vector<1x16xf32> to vector<16xf32>
        %mul3A_210 = arith.mulf %get3A_205, %get3A_209 : vector<16xf32>
        %swap3A_211 = arith.index_cast %scan3A_104 : i32 to index
        %swap3A_212 = arith.constant 112 : index
        %swap3A_213 = tpu.vector_load %arg15[%swap3A_211, %swap3A_212] {strides = array<i32>} : memref<128x128xf32, #tpu.memory_space<vmem>>, vector<1x16xf32>,
        %swap3A_214 = vector.shape_cast %swap3A_213 : vector<1x16xf32> to vector<16xf32>
        %swap3A_215 = vector.shape_cast %mul3A_210 : vector<16xf32> to vector<1x16xf32>
        tpu.vector_store %arg15[%swap3A_211, %swap3A_212], %swap3A_215 {strides = array<i32>} : memref<128x128xf32, #tpu.memory_space<vmem>>, vector<1x16xf32>,
        %scan3A_216 = arith.constant 0 : i32
        scf.yield %scan3A_216 : i32
      }
      %scan3A_99 = arith.constant 128 : i32
      %add3A_100 = arith.addi %add3A_14, %scan3A_69 : i32
      %mul3A_101 = arith.constant 128 : i32
      %mul3A_102 = arith.muli %add3A_100, %mul3A_101 : i32
      "tpu.region"() ({
        %run_scoped3A = tpu.sem_alloc : memref<!tpu.dma_semaphore, #tpu.memory_space<semaphore_mem>>
        %dma_start3A_104 = arith.constant 0 : i32
        %dma_start3A_105 = tpu.memref_slice %arg8[%mul3A_102, %dma_start3A_104] : memref<327680x128xf32, #tpu.memory_space<hbm>> -> memref<128x128xf32, #tpu.memory_space<hbm>>
        %dma_start3A_106 = arith.constant 0 : i32
        %dma_start3A_107 = tpu.memref_slice %arg8[%mul3A_102, %dma_start3A_106] : memref<327680x128xf32, #tpu.memory_space<hbm>> -> memref<128x128xf32, #tpu.memory_space<hbm>>
        tpu.enqueue_dma source(%arg15 : memref<128x128xf32, #tpu.memory_space<vmem>>) target(%dma_start3A_107 : memref<128x128xf32, #tpu.memory_space<hbm>>) target_semaphore(%run_scoped3A : memref<!tpu.dma_semaphore, #tpu.memory_space<semaphore_mem>>)
        %dma_wait3A_108 = arith.constant 0 : i32
        %dma_wait3A_109 = tpu.memref_slice %arg8[%mul3A_102, %dma_wait3A_108] : memref<327680x128xf32, #tpu.memory_space<hbm>> -> memref<128x128xf32, #tpu.memory_space<hbm>>
        %dma_wait3A_110 = arith.constant 0 : i32
        %dma_wait3A_111 = tpu.memref_slice %arg8[%mul3A_102, %dma_wait3A_110] : memref<327680x128xf32, #tpu.memory_space<hbm>> -> memref<128x128xf32, #tpu.memory_space<hbm>>
        tpu.wait_dma2 semaphore(%run_scoped3A : memref<!tpu.dma_semaphore, #tpu.memory_space<semaphore_mem>>) src(%arg15 : memref<128x128xf32, #tpu.memory_space<vmem>>) dst(%dma_wait3A_111 : memref<128x128xf32, #tpu.memory_space<hbm>>)
        tpu.yield
      }) : () -> ()
      %scan3A_103 = arith.constant 0 : i32
      scf.yield %scan3A_103 : i32
    }
    %scan3A_21 = arith.constant 40 : i32
    %mul3A_22 = arith.constant 40 : i32
    %mul3A_23 = arith.muli %add3A, %mul3A_22 : i32
    %add3A_24 = arith.constant 0 : i32
    %add3A_25 = arith.addi %mul3A_23, %add3A_24 : i32
    "tpu.region"() ({
      %run_scoped3A = tpu.sem_alloc : memref<!tpu.dma_semaphore, #tpu.memory_space<semaphore_mem>>
      %dma_start3A = arith.constant 0 : i32
      %dma_start3A_69 = tpu.memref_slice %arg5[%add3A_25, %dma_start3A] : memref<1280x128xi32, #tpu.memory_space<hbm>> -> memref<8x128xi32, #tpu.memory_space<hbm>>
      %dma_start3A_70 = arith.constant 0 : i32
      %dma_start3A_71 = tpu.memref_slice %arg5[%add3A_25, %dma_start3A_70] : memref<1280x128xi32, #tpu.memory_space<hbm>> -> memref<8x128xi32, #tpu.memory_space<hbm>>
      tpu.enqueue_dma source(%dma_start3A_71 : memref<8x128xi32, #tpu.memory_space<hbm>>) target(%arg12 : memref<8x128xi32, #tpu.memory_space<vmem>>) target_semaphore(%run_scoped3A : memref<!tpu.dma_semaphore, #tpu.memory_space<semaphore_mem>>)
      %dma_wait3A = arith.constant 0 : i32
      %dma_wait3A_72 = tpu.memref_slice %arg5[%add3A_25, %dma_wait3A] : memref<1280x128xi32, #tpu.memory_space<hbm>> -> memref<8x128xi32, #tpu.memory_space<hbm>>
      %dma_wait3A_73 = arith.constant 0 : i32
      %dma_wait3A_74 = tpu.memref_slice %arg5[%add3A_25, %dma_wait3A_73] : memref<1280x128xi32, #tpu.memory_space<hbm>> -> memref<8x128xi32, #tpu.memory_space<hbm>>
      tpu.wait_dma2 semaphore(%run_scoped3A : memref<!tpu.dma_semaphore, #tpu.memory_space<semaphore_mem>>) src(%dma_wait3A_74 : memref<8x128xi32, #tpu.memory_space<hbm>>) dst(%arg12 : memref<8x128xi32, #tpu.memory_space<vmem>>)
      tpu.yield
    }) : () -> ()
    "tpu.region"() ({
      %run_scoped3A = tpu.sem_alloc : memref<!tpu.dma_semaphore, #tpu.memory_space<semaphore_mem>>
      %dma_start3A = arith.constant 0 : i32
      %dma_start3A_69 = tpu.memref_slice %arg6[%add3A_25, %dma_start3A] : memref<1280x128xi32, #tpu.memory_space<hbm>> -> memref<8x128xi32, #tpu.memory_space<hbm>>
      %dma_start3A_70 = arith.constant 0 : i32
      %dma_start3A_71 = tpu.memref_slice %arg6[%add3A_25, %dma_start3A_70] : memref<1280x128xi32, #tpu.memory_space<hbm>> -> memref<8x128xi32, #tpu.memory_space<hbm>>
      tpu.enqueue_dma source(%dma_start3A_71 : memref<8x128xi32, #tpu.memory_space<hbm>>) target(%arg13 : memref<8x128xi32, #tpu.memory_space<vmem>>) target_semaphore(%run_scoped3A : memref<!tpu.dma_semaphore, #tpu.memory_space<semaphore_mem>>)
      %dma_wait3A = arith.constant 0 : i32
      %dma_wait3A_72 = tpu.memref_slice %arg6[%add3A_25, %dma_wait3A] : memref<1280x128xi32, #tpu.memory_space<hbm>> -> memref<8x128xi32, #tpu.memory_space<hbm>>
      %dma_wait3A_73 = arith.constant 0 : i32
      %dma_wait3A_74 = tpu.memref_slice %arg6[%add3A_25, %dma_wait3A_73] : memref<1280x128xi32, #tpu.memory_space<hbm>> -> memref<8x128xi32, #tpu.memory_space<hbm>>
      tpu.wait_dma2 semaphore(%run_scoped3A : memref<!tpu.dma_semaphore, #tpu.memory_space<semaphore_mem>>) src(%dma_wait3A_74 : memref<8x128xi32, #tpu.memory_space<hbm>>) dst(%arg13 : memref<8x128xi32, #tpu.memory_space<vmem>>)
      tpu.yield
    }) : () -> ()
    "tpu.region"() ({
      %run_scoped3A = tpu.sem_alloc : memref<!tpu.dma_semaphore, #tpu.memory_space<semaphore_mem>>
      %dma_start3A = arith.constant 0 : i32
      %dma_start3A_69 = tpu.memref_slice %arg7[%add3A_25, %dma_start3A] : memref<1280x128xi32, #tpu.memory_space<hbm>> -> memref<8x128xi32, #tpu.memory_space<hbm>>
      %dma_start3A_70 = arith.constant 0 : i32
      %dma_start3A_71 = tpu.memref_slice %arg7[%add3A_25, %dma_start3A_70] : memref<1280x128xi32, #tpu.memory_space<hbm>> -> memref<8x128xi32, #tpu.memory_space<hbm>>
      tpu.enqueue_dma source(%dma_start3A_71 : memref<8x128xi32, #tpu.memory_space<hbm>>) target(%arg14 : memref<8x128xi32, #tpu.memory_space<vmem>>) target_semaphore(%run_scoped3A : memref<!tpu.dma_semaphore, #tpu.memory_space<semaphore_mem>>)
      %dma_wait3A = arith.constant 0 : i32
      %dma_wait3A_72 = tpu.memref_slice %arg7[%add3A_25, %dma_wait3A] : memref<1280x128xi32, #tpu.memory_space<hbm>> -> memref<8x128xi32, #tpu.memory_space<hbm>>
      %dma_wait3A_73 = arith.constant 0 : i32
      %dma_wait3A_74 = tpu.memref_slice %arg7[%add3A_25, %dma_wait3A_73] : memref<1280x128xi32, #tpu.memory_space<hbm>> -> memref<8x128xi32, #tpu.memory_space<hbm>>
      tpu.wait_dma2 semaphore(%run_scoped3A : memref<!tpu.dma_semaphore, #tpu.memory_space<semaphore_mem>>) src(%dma_wait3A_74 : memref<8x128xi32, #tpu.memory_space<hbm>>) dst(%arg14 : memref<8x128xi32, #tpu.memory_space<vmem>>)
      tpu.yield
    }) : () -> ()
    %scan3A_26 = arith.constant 0 : i32
    %scan3A_27 = arith.constant 0 : i32
    %scan3A_28 = arith.constant 8 : i32
    %scan3A_29 = arith.addi %scan3A_27, %scan3A_28 : i32
    %scan3A_30 = arith.constant 1 : i32
    %scan3A_31 = scf.for %scan3A_69 = %scan3A_27 to %scan3A_29 step %scan3A_30 iter_args(%scan3A_70 = %scan3A_26) -> (i32)  : i32 {
      %dma_start3A = arith.constant 0 : i32
      %dma_start3A_71 = tpu.memref_slice %arg12[%scan3A_69, %dma_start3A] : memref<8x128xi32, #tpu.memory_space<vmem>> -> memref<1x128xi32, #tpu.memory_space<vmem>>
      %dma_start3A_72 = tpu.memref_squeeze %dma_start3A_71 : memref<1x128xi32, #tpu.memory_space<vmem>> -> memref<128xi32, #tpu.memory_space<vmem>>
      %dma_start3A_73 = arith.constant 0 : i32
      %dma_start3A_74 = arith.constant 0 : i32
      %dma_start3A_75 = tpu.memref_slice %arg18[%dma_start3A_73, %dma_start3A_74] : memref<10240x128xf32, #tpu.memory_space<vmem_shared>> -> memref<10240x128xf32, #tpu.memory_space<vmem_shared>>
      tpu.enqueue_indirect_dma source(%dma_start3A_75 : memref<10240x128xf32, #tpu.memory_space<vmem_shared>>) target(%arg15 : memref<128x128xf32, #tpu.memory_space<vmem>>) offsets(%dma_start3A_72 : memref<128xi32, #tpu.memory_space<vmem>>) semaphore(%arg17 : memref<!tpu.dma_semaphore, #tpu.memory_space<semaphore_mem>>)
      %dma_start3A_76 = arith.constant 0 : i32
      %dma_start3A_77 = tpu.memref_slice %arg13[%scan3A_69, %dma_start3A_76] : memref<8x128xi32, #tpu.memory_space<vmem>> -> memref<1x128xi32, #tpu.memory_space<vmem>>
      %dma_start3A_78 = tpu.memref_squeeze %dma_start3A_77 : memref<1x128xi32, #tpu.memory_space<vmem>> -> memref<128xi32, #tpu.memory_space<vmem>>
      %dma_start3A_79 = arith.constant 0 : i32
      %dma_start3A_80 = arith.constant 0 : i32
      %dma_start3A_81 = tpu.memref_slice %arg18[%dma_start3A_79, %dma_start3A_80] : memref<10240x128xf32, #tpu.memory_space<vmem_shared>> -> memref<10240x128xf32, #tpu.memory_space<vmem_shared>>
      tpu.enqueue_indirect_dma source(%dma_start3A_81 : memref<10240x128xf32, #tpu.memory_space<vmem_shared>>) target(%arg16 : memref<128x128xf32, #tpu.memory_space<vmem>>) offsets(%dma_start3A_78 : memref<128xi32, #tpu.memory_space<vmem>>) semaphore(%arg17 : memref<!tpu.dma_semaphore, #tpu.memory_space<semaphore_mem>>)
      %dma_wait3A = arith.constant 0 : i32
      %dma_wait3A_82 = tpu.memref_slice %arg12[%scan3A_69, %dma_wait3A] : memref<8x128xi32, #tpu.memory_space<vmem>> -> memref<1x128xi32, #tpu.memory_space<vmem>>
      %dma_wait3A_83 = tpu.memref_squeeze %dma_wait3A_82 : memref<1x128xi32, #tpu.memory_space<vmem>> -> memref<128xi32, #tpu.memory_space<vmem>>
      %dma_wait3A_84 = arith.constant 0 : i32
      %dma_wait3A_85 = arith.constant 0 : i32
      %dma_wait3A_86 = tpu.memref_slice %arg18[%dma_wait3A_84, %dma_wait3A_85] : memref<10240x128xf32, #tpu.memory_space<vmem_shared>> -> memref<10240x128xf32, #tpu.memory_space<vmem_shared>>
      tpu.wait_indirect_dma semaphore(%arg17 : memref<!tpu.dma_semaphore, #tpu.memory_space<semaphore_mem>>) src(%dma_wait3A_86 : memref<10240x128xf32, #tpu.memory_space<vmem_shared>>) dst(%arg15 : memref<128x128xf32, #tpu.memory_space<vmem>>)
      %dma_wait3A_87 = arith.constant 0 : i32
      %dma_wait3A_88 = tpu.memref_slice %arg13[%scan3A_69, %dma_wait3A_87] : memref<8x128xi32, #tpu.memory_space<vmem>> -> memref<1x128xi32, #tpu.memory_space<vmem>>
      %dma_wait3A_89 = tpu.memref_squeeze %dma_wait3A_88 : memref<1x128xi32, #tpu.memory_space<vmem>> -> memref<128xi32, #tpu.memory_space<vmem>>
      %dma_wait3A_90 = arith.constant 0 : i32
      %dma_wait3A_91 = arith.constant 0 : i32
      %dma_wait3A_92 = tpu.memref_slice %arg18[%dma_wait3A_90, %dma_wait3A_91] : memref<10240x128xf32, #tpu.memory_space<vmem_shared>> -> memref<10240x128xf32, #tpu.memory_space<vmem_shared>>
      tpu.wait_indirect_dma semaphore(%arg17 : memref<!tpu.dma_semaphore, #tpu.memory_space<semaphore_mem>>) src(%dma_wait3A_92 : memref<10240x128xf32, #tpu.memory_space<vmem_shared>>) dst(%arg16 : memref<128x128xf32, #tpu.memory_space<vmem>>)
      %scan3A_93 = arith.constant 0 : i32
      %scan3A_94 = arith.constant 0 : i32
      %scan3A_95 = arith.constant 128 : i32
      %scan3A_96 = arith.addi %scan3A_94, %scan3A_95 : i32
      %scan3A_97 = arith.constant 1 : i32
      %scan3A_98 = scf.for %scan3A_123 = %scan3A_94 to %scan3A_96 step %scan3A_97 iter_args(%scan3A_124 = %scan3A_93) -> (i32)  : i32 {
        %get3A = arith.index_cast %scan3A_123 : i32 to index
        %get3A_125 = arith.constant 0 : index
        %get3A_126 = tpu.vector_load %arg15[%get3A, %get3A_125] {strides = array<i32>} : memref<128x128xf32, #tpu.memory_space<vmem>>, vector<1x16xf32>,
        %get3A_127 = vector.shape_cast %get3A_126 : vector<1x16xf32> to vector<16xf32>
        %get3A_128 = arith.index_cast %scan3A_123 : i32 to index
        %get3A_129 = arith.constant 0 : index
        %get3A_130 = tpu.vector_load %arg16[%get3A_128, %get3A_129] {strides = array<i32>} : memref<128x128xf32, #tpu.memory_space<vmem>>, vector<1x16xf32>,
        %get3A_131 = vector.shape_cast %get3A_130 : vector<1x16xf32> to vector<16xf32>
        %mul3A_132 = arith.mulf %get3A_127, %get3A_131 : vector<16xf32>
        %swap3A = arith.index_cast %scan3A_123 : i32 to index
        %swap3A_133 = arith.constant 0 : index
        %swap3A_134 = tpu.vector_load %arg15[%swap3A, %swap3A_133] {strides = array<i32>} : memref<128x128xf32, #tpu.memory_space<vmem>>, vector<1x16xf32>,
        %swap3A_135 = vector.shape_cast %swap3A_134 : vector<1x16xf32> to vector<16xf32>
        %swap3A_136 = vector.shape_cast %mul3A_132 : vector<16xf32> to vector<1x16xf32>
        tpu.vector_store %arg15[%swap3A, %swap3A_133], %swap3A_136 {strides = array<i32>} : memref<128x128xf32, #tpu.memory_space<vmem>>, vector<1x16xf32>,
        %get3A_137 = arith.index_cast %scan3A_123 : i32 to index
        %get3A_138 = arith.constant 16 : index
        %get3A_139 = tpu.vector_load %arg15[%get3A_137, %get3A_138] {strides = array<i32>} : memref<128x128xf32, #tpu.memory_space<vmem>>, vector<1x16xf32>,
        %get3A_140 = vector.shape_cast %get3A_139 : vector<1x16xf32> to vector<16xf32>
        %get3A_141 = arith.index_cast %scan3A_123 : i32 to index
        %get3A_142 = arith.constant 16 : index
        %get3A_143 = tpu.vector_load %arg16[%get3A_141, %get3A_142] {strides = array<i32>} : memref<128x128xf32, #tpu.memory_space<vmem>>, vector<1x16xf32>,
        %get3A_144 = vector.shape_cast %get3A_143 : vector<1x16xf32> to vector<16xf32>
        %mul3A_145 = arith.mulf %get3A_140, %get3A_144 : vector<16xf32>
        %swap3A_146 = arith.index_cast %scan3A_123 : i32 to index
        %swap3A_147 = arith.constant 16 : index
        %swap3A_148 = tpu.vector_load %arg15[%swap3A_146, %swap3A_147] {strides = array<i32>} : memref<128x128xf32, #tpu.memory_space<vmem>>, vector<1x16xf32>,
        %swap3A_149 = vector.shape_cast %swap3A_148 : vector<1x16xf32> to vector<16xf32>
        %swap3A_150 = vector.shape_cast %mul3A_145 : vector<16xf32> to vector<1x16xf32>
        tpu.vector_store %arg15[%swap3A_146, %swap3A_147], %swap3A_150 {strides = array<i32>} : memref<128x128xf32, #tpu.memory_space<vmem>>, vector<1x16xf32>,
        %get3A_151 = arith.index_cast %scan3A_123 : i32 to index
        %get3A_152 = arith.constant 32 : index
        %get3A_153 = tpu.vector_load %arg15[%get3A_151, %get3A_152] {strides = array<i32>} : memref<128x128xf32, #tpu.memory_space<vmem>>, vector<1x16xf32>,
        %get3A_154 = vector.shape_cast %get3A_153 : vector<1x16xf32> to vector<16xf32>
        %get3A_155 = arith.index_cast %scan3A_123 : i32 to index
        %get3A_156 = arith.constant 32 : index
        %get3A_157 = tpu.vector_load %arg16[%get3A_155, %get3A_156] {strides = array<i32>} : memref<128x128xf32, #tpu.memory_space<vmem>>, vector<1x16xf32>,
        %get3A_158 = vector.shape_cast %get3A_157 : vector<1x16xf32> to vector<16xf32>
        %mul3A_159 = arith.mulf %get3A_154, %get3A_158 : vector<16xf32>
        %swap3A_160 = arith.index_cast %scan3A_123 : i32 to index
        %swap3A_161 = arith.constant 32 : index
        %swap3A_162 = tpu.vector_load %arg15[%swap3A_160, %swap3A_161] {strides = array<i32>} : memref<128x128xf32, #tpu.memory_space<vmem>>, vector<1x16xf32>,
        %swap3A_163 = vector.shape_cast %swap3A_162 : vector<1x16xf32> to vector<16xf32>
        %swap3A_164 = vector.shape_cast %mul3A_159 : vector<16xf32> to vector<1x16xf32>
        tpu.vector_store %arg15[%swap3A_160, %swap3A_161], %swap3A_164 {strides = array<i32>} : memref<128x128xf32, #tpu.memory_space<vmem>>, vector<1x16xf32>,
        %get3A_165 = arith.index_cast %scan3A_123 : i32 to index
        %get3A_166 = arith.constant 48 : index
        %get3A_167 = tpu.vector_load %arg15[%get3A_165, %get3A_166] {strides = array<i32>} : memref<128x128xf32, #tpu.memory_space<vmem>>, vector<1x16xf32>,
        %get3A_168 = vector.shape_cast %get3A_167 : vector<1x16xf32> to vector<16xf32>
        %get3A_169 = arith.index_cast %scan3A_123 : i32 to index
        %get3A_170 = arith.constant 48 : index
        %get3A_171 = tpu.vector_load %arg16[%get3A_169, %get3A_170] {strides = array<i32>} : memref<128x128xf32, #tpu.memory_space<vmem>>, vector<1x16xf32>,
        %get3A_172 = vector.shape_cast %get3A_171 : vector<1x16xf32> to vector<16xf32>
        %mul3A_173 = arith.mulf %get3A_168, %get3A_172 : vector<16xf32>
        %swap3A_174 = arith.index_cast %scan3A_123 : i32 to index
        %swap3A_175 = arith.constant 48 : index
        %swap3A_176 = tpu.vector_load %arg15[%swap3A_174, %swap3A_175] {strides = array<i32>} : memref<128x128xf32, #tpu.memory_space<vmem>>, vector<1x16xf32>,
        %swap3A_177 = vector.shape_cast %swap3A_176 : vector<1x16xf32> to vector<16xf32>
        %swap3A_178 = vector.shape_cast %mul3A_173 : vector<16xf32> to vector<1x16xf32>
        tpu.vector_store %arg15[%swap3A_174, %swap3A_175], %swap3A_178 {strides = array<i32>} : memref<128x128xf32, #tpu.memory_space<vmem>>, vector<1x16xf32>,
        %get3A_179 = arith.index_cast %scan3A_123 : i32 to index
        %get3A_180 = arith.constant 64 : index
        %get3A_181 = tpu.vector_load %arg15[%get3A_179, %get3A_180] {strides = array<i32>} : memref<128x128xf32, #tpu.memory_space<vmem>>, vector<1x16xf32>,
        %get3A_182 = vector.shape_cast %get3A_181 : vector<1x16xf32> to vector<16xf32>
        %get3A_183 = arith.index_cast %scan3A_123 : i32 to index
        %get3A_184 = arith.constant 64 : index
        %get3A_185 = tpu.vector_load %arg16[%get3A_183, %get3A_184] {strides = array<i32>} : memref<128x128xf32, #tpu.memory_space<vmem>>, vector<1x16xf32>,
        %get3A_186 = vector.shape_cast %get3A_185 : vector<1x16xf32> to vector<16xf32>
        %mul3A_187 = arith.mulf %get3A_182, %get3A_186 : vector<16xf32>
        %swap3A_188 = arith.index_cast %scan3A_123 : i32 to index
        %swap3A_189 = arith.constant 64 : index
        %swap3A_190 = tpu.vector_load %arg15[%swap3A_188, %swap3A_189] {strides = array<i32>} : memref<128x128xf32, #tpu.memory_space<vmem>>, vector<1x16xf32>,
        %swap3A_191 = vector.shape_cast %swap3A_190 : vector<1x16xf32> to vector<16xf32>
        %swap3A_192 = vector.shape_cast %mul3A_187 : vector<16xf32> to vector<1x16xf32>
        tpu.vector_store %arg15[%swap3A_188, %swap3A_189], %swap3A_192 {strides = array<i32>} : memref<128x128xf32, #tpu.memory_space<vmem>>, vector<1x16xf32>,
        %get3A_193 = arith.index_cast %scan3A_123 : i32 to index
        %get3A_194 = arith.constant 80 : index
        %get3A_195 = tpu.vector_load %arg15[%get3A_193, %get3A_194] {strides = array<i32>} : memref<128x128xf32, #tpu.memory_space<vmem>>, vector<1x16xf32>,
        %get3A_196 = vector.shape_cast %get3A_195 : vector<1x16xf32> to vector<16xf32>
        %get3A_197 = arith.index_cast %scan3A_123 : i32 to index
        %get3A_198 = arith.constant 80 : index
        %get3A_199 = tpu.vector_load %arg16[%get3A_197, %get3A_198] {strides = array<i32>} : memref<128x128xf32, #tpu.memory_space<vmem>>, vector<1x16xf32>,
        %get3A_200 = vector.shape_cast %get3A_199 : vector<1x16xf32> to vector<16xf32>
        %mul3A_201 = arith.mulf %get3A_196, %get3A_200 : vector<16xf32>
        %swap3A_202 = arith.index_cast %scan3A_123 : i32 to index
        %swap3A_203 = arith.constant 80 : index
        %swap3A_204 = tpu.vector_load %arg15[%swap3A_202, %swap3A_203] {strides = array<i32>} : memref<128x128xf32, #tpu.memory_space<vmem>>, vector<1x16xf32>,
        %swap3A_205 = vector.shape_cast %swap3A_204 : vector<1x16xf32> to vector<16xf32>
        %swap3A_206 = vector.shape_cast %mul3A_201 : vector<16xf32> to vector<1x16xf32>
        tpu.vector_store %arg15[%swap3A_202, %swap3A_203], %swap3A_206 {strides = array<i32>} : memref<128x128xf32, #tpu.memory_space<vmem>>, vector<1x16xf32>,
        %get3A_207 = arith.index_cast %scan3A_123 : i32 to index
        %get3A_208 = arith.constant 96 : index
        %get3A_209 = tpu.vector_load %arg15[%get3A_207, %get3A_208] {strides = array<i32>} : memref<128x128xf32, #tpu.memory_space<vmem>>, vector<1x16xf32>,
        %get3A_210 = vector.shape_cast %get3A_209 : vector<1x16xf32> to vector<16xf32>
        %get3A_211 = arith.index_cast %scan3A_123 : i32 to index
        %get3A_212 = arith.constant 96 : index
        %get3A_213 = tpu.vector_load %arg16[%get3A_211, %get3A_212] {strides = array<i32>} : memref<128x128xf32, #tpu.memory_space<vmem>>, vector<1x16xf32>,
        %get3A_214 = vector.shape_cast %get3A_213 : vector<1x16xf32> to vector<16xf32>
        %mul3A_215 = arith.mulf %get3A_210, %get3A_214 : vector<16xf32>
        %swap3A_216 = arith.index_cast %scan3A_123 : i32 to index
        %swap3A_217 = arith.constant 96 : index
        %swap3A_218 = tpu.vector_load %arg15[%swap3A_216, %swap3A_217] {strides = array<i32>} : memref<128x128xf32, #tpu.memory_space<vmem>>, vector<1x16xf32>,
        %swap3A_219 = vector.shape_cast %swap3A_218 : vector<1x16xf32> to vector<16xf32>
        %swap3A_220 = vector.shape_cast %mul3A_215 : vector<16xf32> to vector<1x16xf32>
        tpu.vector_store %arg15[%swap3A_216, %swap3A_217], %swap3A_220 {strides = array<i32>} : memref<128x128xf32, #tpu.memory_space<vmem>>, vector<1x16xf32>,
        %get3A_221 = arith.index_cast %scan3A_123 : i32 to index
        %get3A_222 = arith.constant 112 : index
        %get3A_223 = tpu.vector_load %arg15[%get3A_221, %get3A_222] {strides = array<i32>} : memref<128x128xf32, #tpu.memory_space<vmem>>, vector<1x16xf32>,
        %get3A_224 = vector.shape_cast %get3A_223 : vector<1x16xf32> to vector<16xf32>
        %get3A_225 = arith.index_cast %scan3A_123 : i32 to index
        %get3A_226 = arith.constant 112 : index
        %get3A_227 = tpu.vector_load %arg16[%get3A_225, %get3A_226] {strides = array<i32>} : memref<128x128xf32, #tpu.memory_space<vmem>>, vector<1x16xf32>,
        %get3A_228 = vector.shape_cast %get3A_227 : vector<1x16xf32> to vector<16xf32>
        %mul3A_229 = arith.mulf %get3A_224, %get3A_228 : vector<16xf32>
        %swap3A_230 = arith.index_cast %scan3A_123 : i32 to index
        %swap3A_231 = arith.constant 112 : index
        %swap3A_232 = tpu.vector_load %arg15[%swap3A_230, %swap3A_231] {strides = array<i32>} : memref<128x128xf32, #tpu.memory_space<vmem>>, vector<1x16xf32>,
        %swap3A_233 = vector.shape_cast %swap3A_232 : vector<1x16xf32> to vector<16xf32>
        %swap3A_234 = vector.shape_cast %mul3A_229 : vector<16xf32> to vector<1x16xf32>
        tpu.vector_store %arg15[%swap3A_230, %swap3A_231], %swap3A_234 {strides = array<i32>} : memref<128x128xf32, #tpu.memory_space<vmem>>, vector<1x16xf32>,
        %scan3A_235 = arith.constant 0 : i32
        scf.yield %scan3A_235 : i32
      }
      %scan3A_99 = arith.constant 128 : i32
      %dma_start3A_100 = arith.constant 0 : i32
      %dma_start3A_101 = tpu.memref_slice %arg14[%scan3A_69, %dma_start3A_100] : memref<8x128xi32, #tpu.memory_space<vmem>> -> memref<1x128xi32, #tpu.memory_space<vmem>>
      %dma_start3A_102 = tpu.memref_squeeze %dma_start3A_101 : memref<1x128xi32, #tpu.memory_space<vmem>> -> memref<128xi32, #tpu.memory_space<vmem>>
      %dma_start3A_103 = arith.constant 0 : i32
      %dma_start3A_104 = arith.constant 0 : i32
      %dma_start3A_105 = tpu.memref_slice %arg18[%dma_start3A_103, %dma_start3A_104] : memref<10240x128xf32, #tpu.memory_space<vmem_shared>> -> memref<10240x128xf32, #tpu.memory_space<vmem_shared>>
      tpu.enqueue_indirect_dma source(%dma_start3A_105 : memref<10240x128xf32, #tpu.memory_space<vmem_shared>>) target(%arg16 : memref<128x128xf32, #tpu.memory_space<vmem>>) offsets(%dma_start3A_102 : memref<128xi32, #tpu.memory_space<vmem>>) semaphore(%arg17 : memref<!tpu.dma_semaphore, #tpu.memory_space<semaphore_mem>>)
      %dma_wait3A_106 = arith.constant 0 : i32
      %dma_wait3A_107 = tpu.memref_slice %arg14[%scan3A_69, %dma_wait3A_106] : memref<8x128xi32, #tpu.memory_space<vmem>> -> memref<1x128xi32, #tpu.memory_space<vmem>>
      %dma_wait3A_108 = tpu.memref_squeeze %dma_wait3A_107 : memref<1x128xi32, #tpu.memory_space<vmem>> -> memref<128xi32, #tpu.memory_space<vmem>>
      %dma_wait3A_109 = arith.constant 0 : i32
      %dma_wait3A_110 = arith.constant 0 : i32
      %dma_wait3A_111 = tpu.memref_slice %arg18[%dma_wait3A_109, %dma_wait3A_110] : memref<10240x128xf32, #tpu.memory_space<vmem_shared>> -> memref<10240x128xf32, #tpu.memory_space<vmem_shared>>
      tpu.wait_indirect_dma semaphore(%arg17 : memref<!tpu.dma_semaphore, #tpu.memory_space<semaphore_mem>>) src(%dma_wait3A_111 : memref<10240x128xf32, #tpu.memory_space<vmem_shared>>) dst(%arg16 : memref<128x128xf32, #tpu.memory_space<vmem>>)
      %scan3A_112 = arith.constant 0 : i32
      %scan3A_113 = arith.constant 0 : i32
      %scan3A_114 = arith.constant 128 : i32
      %scan3A_115 = arith.addi %scan3A_113, %scan3A_114 : i32
      %scan3A_116 = arith.constant 1 : i32
      %scan3A_117 = scf.for %scan3A_123 = %scan3A_113 to %scan3A_115 step %scan3A_116 iter_args(%scan3A_124 = %scan3A_112) -> (i32)  : i32 {
        %get3A = arith.index_cast %scan3A_123 : i32 to index
        %get3A_125 = arith.constant 0 : index
        %get3A_126 = tpu.vector_load %arg15[%get3A, %get3A_125] {strides = array<i32>} : memref<128x128xf32, #tpu.memory_space<vmem>>, vector<1x16xf32>,
        %get3A_127 = vector.shape_cast %get3A_126 : vector<1x16xf32> to vector<16xf32>
        %get3A_128 = arith.index_cast %scan3A_123 : i32 to index
        %get3A_129 = arith.constant 0 : index
        %get3A_130 = tpu.vector_load %arg16[%get3A_128, %get3A_129] {strides = array<i32>} : memref<128x128xf32, #tpu.memory_space<vmem>>, vector<1x16xf32>,
        %get3A_131 = vector.shape_cast %get3A_130 : vector<1x16xf32> to vector<16xf32>
        %mul3A_132 = arith.mulf %get3A_127, %get3A_131 : vector<16xf32>
        %swap3A = arith.index_cast %scan3A_123 : i32 to index
        %swap3A_133 = arith.constant 0 : index
        %swap3A_134 = tpu.vector_load %arg15[%swap3A, %swap3A_133] {strides = array<i32>} : memref<128x128xf32, #tpu.memory_space<vmem>>, vector<1x16xf32>,
        %swap3A_135 = vector.shape_cast %swap3A_134 : vector<1x16xf32> to vector<16xf32>
        %swap3A_136 = vector.shape_cast %mul3A_132 : vector<16xf32> to vector<1x16xf32>
        tpu.vector_store %arg15[%swap3A, %swap3A_133], %swap3A_136 {strides = array<i32>} : memref<128x128xf32, #tpu.memory_space<vmem>>, vector<1x16xf32>,
        %get3A_137 = arith.index_cast %scan3A_123 : i32 to index
        %get3A_138 = arith.constant 16 : index
        %get3A_139 = tpu.vector_load %arg15[%get3A_137, %get3A_138] {strides = array<i32>} : memref<128x128xf32, #tpu.memory_space<vmem>>, vector<1x16xf32>,
        %get3A_140 = vector.shape_cast %get3A_139 : vector<1x16xf32> to vector<16xf32>
        %get3A_141 = arith.index_cast %scan3A_123 : i32 to index
        %get3A_142 = arith.constant 16 : index
        %get3A_143 = tpu.vector_load %arg16[%get3A_141, %get3A_142] {strides = array<i32>} : memref<128x128xf32, #tpu.memory_space<vmem>>, vector<1x16xf32>,
        %get3A_144 = vector.shape_cast %get3A_143 : vector<1x16xf32> to vector<16xf32>
        %mul3A_145 = arith.mulf %get3A_140, %get3A_144 : vector<16xf32>
        %swap3A_146 = arith.index_cast %scan3A_123 : i32 to index
        %swap3A_147 = arith.constant 16 : index
        %swap3A_148 = tpu.vector_load %arg15[%swap3A_146, %swap3A_147] {strides = array<i32>} : memref<128x128xf32, #tpu.memory_space<vmem>>, vector<1x16xf32>,
        %swap3A_149 = vector.shape_cast %swap3A_148 : vector<1x16xf32> to vector<16xf32>
        %swap3A_150 = vector.shape_cast %mul3A_145 : vector<16xf32> to vector<1x16xf32>
        tpu.vector_store %arg15[%swap3A_146, %swap3A_147], %swap3A_150 {strides = array<i32>} : memref<128x128xf32, #tpu.memory_space<vmem>>, vector<1x16xf32>,
        %get3A_151 = arith.index_cast %scan3A_123 : i32 to index
        %get3A_152 = arith.constant 32 : index
        %get3A_153 = tpu.vector_load %arg15[%get3A_151, %get3A_152] {strides = array<i32>} : memref<128x128xf32, #tpu.memory_space<vmem>>, vector<1x16xf32>,
        %get3A_154 = vector.shape_cast %get3A_153 : vector<1x16xf32> to vector<16xf32>
        %get3A_155 = arith.index_cast %scan3A_123 : i32 to index
        %get3A_156 = arith.constant 32 : index
        %get3A_157 = tpu.vector_load %arg16[%get3A_155, %get3A_156] {strides = array<i32>} : memref<128x128xf32, #tpu.memory_space<vmem>>, vector<1x16xf32>,
        %get3A_158 = vector.shape_cast %get3A_157 : vector<1x16xf32> to vector<16xf32>
        %mul3A_159 = arith.mulf %get3A_154, %get3A_158 : vector<16xf32>
        %swap3A_160 = arith.index_cast %scan3A_123 : i32 to index
        %swap3A_161 = arith.constant 32 : index
        %swap3A_162 = tpu.vector_load %arg15[%swap3A_160, %swap3A_161] {strides = array<i32>} : memref<128x128xf32, #tpu.memory_space<vmem>>, vector<1x16xf32>,
        %swap3A_163 = vector.shape_cast %swap3A_162 : vector<1x16xf32> to vector<16xf32>
        %swap3A_164 = vector.shape_cast %mul3A_159 : vector<16xf32> to vector<1x16xf32>
        tpu.vector_store %arg15[%swap3A_160, %swap3A_161], %swap3A_164 {strides = array<i32>} : memref<128x128xf32, #tpu.memory_space<vmem>>, vector<1x16xf32>,
        %get3A_165 = arith.index_cast %scan3A_123 : i32 to index
        %get3A_166 = arith.constant 48 : index
        %get3A_167 = tpu.vector_load %arg15[%get3A_165, %get3A_166] {strides = array<i32>} : memref<128x128xf32, #tpu.memory_space<vmem>>, vector<1x16xf32>,
        %get3A_168 = vector.shape_cast %get3A_167 : vector<1x16xf32> to vector<16xf32>
        %get3A_169 = arith.index_cast %scan3A_123 : i32 to index
        %get3A_170 = arith.constant 48 : index
        %get3A_171 = tpu.vector_load %arg16[%get3A_169, %get3A_170] {strides = array<i32>} : memref<128x128xf32, #tpu.memory_space<vmem>>, vector<1x16xf32>,
        %get3A_172 = vector.shape_cast %get3A_171 : vector<1x16xf32> to vector<16xf32>
        %mul3A_173 = arith.mulf %get3A_168, %get3A_172 : vector<16xf32>
        %swap3A_174 = arith.index_cast %scan3A_123 : i32 to index
        %swap3A_175 = arith.constant 48 : index
        %swap3A_176 = tpu.vector_load %arg15[%swap3A_174, %swap3A_175] {strides = array<i32>} : memref<128x128xf32, #tpu.memory_space<vmem>>, vector<1x16xf32>,
        %swap3A_177 = vector.shape_cast %swap3A_176 : vector<1x16xf32> to vector<16xf32>
        %swap3A_178 = vector.shape_cast %mul3A_173 : vector<16xf32> to vector<1x16xf32>
        tpu.vector_store %arg15[%swap3A_174, %swap3A_175], %swap3A_178 {strides = array<i32>} : memref<128x128xf32, #tpu.memory_space<vmem>>, vector<1x16xf32>,
        %get3A_179 = arith.index_cast %scan3A_123 : i32 to index
        %get3A_180 = arith.constant 64 : index
        %get3A_181 = tpu.vector_load %arg15[%get3A_179, %get3A_180] {strides = array<i32>} : memref<128x128xf32, #tpu.memory_space<vmem>>, vector<1x16xf32>,
        %get3A_182 = vector.shape_cast %get3A_181 : vector<1x16xf32> to vector<16xf32>
        %get3A_183 = arith.index_cast %scan3A_123 : i32 to index
        %get3A_184 = arith.constant 64 : index
        %get3A_185 = tpu.vector_load %arg16[%get3A_183, %get3A_184] {strides = array<i32>} : memref<128x128xf32, #tpu.memory_space<vmem>>, vector<1x16xf32>,
        %get3A_186 = vector.shape_cast %get3A_185 : vector<1x16xf32> to vector<16xf32>
        %mul3A_187 = arith.mulf %get3A_182, %get3A_186 : vector<16xf32>
        %swap3A_188 = arith.index_cast %scan3A_123 : i32 to index
        %swap3A_189 = arith.constant 64 : index
        %swap3A_190 = tpu.vector_load %arg15[%swap3A_188, %swap3A_189] {strides = array<i32>} : memref<128x128xf32, #tpu.memory_space<vmem>>, vector<1x16xf32>,
        %swap3A_191 = vector.shape_cast %swap3A_190 : vector<1x16xf32> to vector<16xf32>
        %swap3A_192 = vector.shape_cast %mul3A_187 : vector<16xf32> to vector<1x16xf32>
        tpu.vector_store %arg15[%swap3A_188, %swap3A_189], %swap3A_192 {strides = array<i32>} : memref<128x128xf32, #tpu.memory_space<vmem>>, vector<1x16xf32>,
        %get3A_193 = arith.index_cast %scan3A_123 : i32 to index
        %get3A_194 = arith.constant 80 : index
        %get3A_195 = tpu.vector_load %arg15[%get3A_193, %get3A_194] {strides = array<i32>} : memref<128x128xf32, #tpu.memory_space<vmem>>, vector<1x16xf32>,
        %get3A_196 = vector.shape_cast %get3A_195 : vector<1x16xf32> to vector<16xf32>
        %get3A_197 = arith.index_cast %scan3A_123 : i32 to index
        %get3A_198 = arith.constant 80 : index
        %get3A_199 = tpu.vector_load %arg16[%get3A_197, %get3A_198] {strides = array<i32>} : memref<128x128xf32, #tpu.memory_space<vmem>>, vector<1x16xf32>,
        %get3A_200 = vector.shape_cast %get3A_199 : vector<1x16xf32> to vector<16xf32>
        %mul3A_201 = arith.mulf %get3A_196, %get3A_200 : vector<16xf32>
        %swap3A_202 = arith.index_cast %scan3A_123 : i32 to index
        %swap3A_203 = arith.constant 80 : index
        %swap3A_204 = tpu.vector_load %arg15[%swap3A_202, %swap3A_203] {strides = array<i32>} : memref<128x128xf32, #tpu.memory_space<vmem>>, vector<1x16xf32>,
        %swap3A_205 = vector.shape_cast %swap3A_204 : vector<1x16xf32> to vector<16xf32>
        %swap3A_206 = vector.shape_cast %mul3A_201 : vector<16xf32> to vector<1x16xf32>
        tpu.vector_store %arg15[%swap3A_202, %swap3A_203], %swap3A_206 {strides = array<i32>} : memref<128x128xf32, #tpu.memory_space<vmem>>, vector<1x16xf32>,
        %get3A_207 = arith.index_cast %scan3A_123 : i32 to index
        %get3A_208 = arith.constant 96 : index
        %get3A_209 = tpu.vector_load %arg15[%get3A_207, %get3A_208] {strides = array<i32>} : memref<128x128xf32, #tpu.memory_space<vmem>>, vector<1x16xf32>,
        %get3A_210 = vector.shape_cast %get3A_209 : vector<1x16xf32> to vector<16xf32>
        %get3A_211 = arith.index_cast %scan3A_123 : i32 to index
        %get3A_212 = arith.constant 96 : index
        %get3A_213 = tpu.vector_load %arg16[%get3A_211, %get3A_212] {strides = array<i32>} : memref<128x128xf32, #tpu.memory_space<vmem>>, vector<1x16xf32>,
        %get3A_214 = vector.shape_cast %get3A_213 : vector<1x16xf32> to vector<16xf32>
        %mul3A_215 = arith.mulf %get3A_210, %get3A_214 : vector<16xf32>
        %swap3A_216 = arith.index_cast %scan3A_123 : i32 to index
        %swap3A_217 = arith.constant 96 : index
        %swap3A_218 = tpu.vector_load %arg15[%swap3A_216, %swap3A_217] {strides = array<i32>} : memref<128x128xf32, #tpu.memory_space<vmem>>, vector<1x16xf32>,
        %swap3A_219 = vector.shape_cast %swap3A_218 : vector<1x16xf32> to vector<16xf32>
        %swap3A_220 = vector.shape_cast %mul3A_215 : vector<16xf32> to vector<1x16xf32>
        tpu.vector_store %arg15[%swap3A_216, %swap3A_217], %swap3A_220 {strides = array<i32>} : memref<128x128xf32, #tpu.memory_space<vmem>>, vector<1x16xf32>,
        %get3A_221 = arith.index_cast %scan3A_123 : i32 to index
        %get3A_222 = arith.constant 112 : index
        %get3A_223 = tpu.vector_load %arg15[%get3A_221, %get3A_222] {strides = array<i32>} : memref<128x128xf32, #tpu.memory_space<vmem>>, vector<1x16xf32>,
        %get3A_224 = vector.shape_cast %get3A_223 : vector<1x16xf32> to vector<16xf32>
        %get3A_225 = arith.index_cast %scan3A_123 : i32 to index
        %get3A_226 = arith.constant 112 : index
        %get3A_227 = tpu.vector_load %arg16[%get3A_225, %get3A_226] {strides = array<i32>} : memref<128x128xf32, #tpu.memory_space<vmem>>, vector<1x16xf32>,
        %get3A_228 = vector.shape_cast %get3A_227 : vector<1x16xf32> to vector<16xf32>
        %mul3A_229 = arith.mulf %get3A_224, %get3A_228 : vector<16xf32>
        %swap3A_230 = arith.index_cast %scan3A_123 : i32 to index
        %swap3A_231 = arith.constant 112 : index
        %swap3A_232 = tpu.vector_load %arg15[%swap3A_230, %swap3A_231] {strides = array<i32>} : memref<128x128xf32, #tpu.memory_space<vmem>>, vector<1x16xf32>,
        %swap3A_233 = vector.shape_cast %swap3A_232 : vector<1x16xf32> to vector<16xf32>
        %swap3A_234 = vector.shape_cast %mul3A_229 : vector<16xf32> to vector<1x16xf32>
        tpu.vector_store %arg15[%swap3A_230, %swap3A_231], %swap3A_234 {strides = array<i32>} : memref<128x128xf32, #tpu.memory_space<vmem>>, vector<1x16xf32>,
        %scan3A_235 = arith.constant 0 : i32
        scf.yield %scan3A_235 : i32
      }
      %scan3A_118 = arith.constant 128 : i32
      %add3A_119 = arith.addi %add3A_25, %scan3A_69 : i32
      %mul3A_120 = arith.constant 128 : i32
      %mul3A_121 = arith.muli %add3A_119, %mul3A_120 : i32
      "tpu.region"() ({
        %run_scoped3A = tpu.sem_alloc : memref<!tpu.dma_semaphore, #tpu.memory_space<semaphore_mem>>
        %dma_start3A_123 = arith.constant 0 : i32
        %dma_start3A_124 = tpu.memref_slice %arg9[%mul3A_121, %dma_start3A_123] : memref<163840x128xf32, #tpu.memory_space<hbm>> -> memref<128x128xf32, #tpu.memory_space<hbm>>
        %dma_start3A_125 = arith.constant 0 : i32
        %dma_start3A_126 = tpu.memref_slice %arg9[%mul3A_121, %dma_start3A_125] : memref<163840x128xf32, #tpu.memory_space<hbm>> -> memref<128x128xf32, #tpu.memory_space<hbm>>
        tpu.enqueue_dma source(%arg15 : memref<128x128xf32, #tpu.memory_space<vmem>>) target(%dma_start3A_126 : memref<128x128xf32, #tpu.memory_space<hbm>>) target_semaphore(%run_scoped3A : memref<!tpu.dma_semaphore, #tpu.memory_space<semaphore_mem>>)
        %dma_wait3A_127 = arith.constant 0 : i32
        %dma_wait3A_128 = tpu.memref_slice %arg9[%mul3A_121, %dma_wait3A_127] : memref<163840x128xf32, #tpu.memory_space<hbm>> -> memref<128x128xf32, #tpu.memory_space<hbm>>
        %dma_wait3A_129 = arith.constant 0 : i32
        %dma_wait3A_130 = tpu.memref_slice %arg9[%mul3A_121, %dma_wait3A_129] : memref<163840x128xf32, #tpu.memory_space<hbm>> -> memref<128x128xf32, #tpu.memory_space<hbm>>
        tpu.wait_dma2 semaphore(%run_scoped3A : memref<!tpu.dma_semaphore, #tpu.memory_space<semaphore_mem>>) src(%arg15 : memref<128x128xf32, #tpu.memory_space<vmem>>) dst(%dma_wait3A_130 : memref<128x128xf32, #tpu.memory_space<hbm>>)
        tpu.yield
      }) : () -> ()
      %scan3A_122 = arith.constant 0 : i32
      scf.yield %scan3A_122 : i32
    }
    %scan3A_32 = arith.constant 8 : i32
    %add3A_33 = arith.constant 8 : i32
    %add3A_34 = arith.addi %mul3A_23, %add3A_33 : i32
    "tpu.region"() ({
      %run_scoped3A = tpu.sem_alloc : memref<!tpu.dma_semaphore, #tpu.memory_space<semaphore_mem>>
      %dma_start3A = arith.constant 0 : i32
      %dma_start3A_69 = tpu.memref_slice %arg5[%add3A_34, %dma_start3A] : memref<1280x128xi32, #tpu.memory_space<hbm>> -> memref<8x128xi32, #tpu.memory_space<hbm>>
      %dma_start3A_70 = arith.constant 0 : i32
      %dma_start3A_71 = tpu.memref_slice %arg5[%add3A_34, %dma_start3A_70] : memref<1280x128xi32, #tpu.memory_space<hbm>> -> memref<8x128xi32, #tpu.memory_space<hbm>>
      tpu.enqueue_dma source(%dma_start3A_71 : memref<8x128xi32, #tpu.memory_space<hbm>>) target(%arg12 : memref<8x128xi32, #tpu.memory_space<vmem>>) target_semaphore(%run_scoped3A : memref<!tpu.dma_semaphore, #tpu.memory_space<semaphore_mem>>)
      %dma_wait3A = arith.constant 0 : i32
      %dma_wait3A_72 = tpu.memref_slice %arg5[%add3A_34, %dma_wait3A] : memref<1280x128xi32, #tpu.memory_space<hbm>> -> memref<8x128xi32, #tpu.memory_space<hbm>>
      %dma_wait3A_73 = arith.constant 0 : i32
      %dma_wait3A_74 = tpu.memref_slice %arg5[%add3A_34, %dma_wait3A_73] : memref<1280x128xi32, #tpu.memory_space<hbm>> -> memref<8x128xi32, #tpu.memory_space<hbm>>
      tpu.wait_dma2 semaphore(%run_scoped3A : memref<!tpu.dma_semaphore, #tpu.memory_space<semaphore_mem>>) src(%dma_wait3A_74 : memref<8x128xi32, #tpu.memory_space<hbm>>) dst(%arg12 : memref<8x128xi32, #tpu.memory_space<vmem>>)
      tpu.yield
    }) : () -> ()
    "tpu.region"() ({
      %run_scoped3A = tpu.sem_alloc : memref<!tpu.dma_semaphore, #tpu.memory_space<semaphore_mem>>
      %dma_start3A = arith.constant 0 : i32
      %dma_start3A_69 = tpu.memref_slice %arg6[%add3A_34, %dma_start3A] : memref<1280x128xi32, #tpu.memory_space<hbm>> -> memref<8x128xi32, #tpu.memory_space<hbm>>
      %dma_start3A_70 = arith.constant 0 : i32
      %dma_start3A_71 = tpu.memref_slice %arg6[%add3A_34, %dma_start3A_70] : memref<1280x128xi32, #tpu.memory_space<hbm>> -> memref<8x128xi32, #tpu.memory_space<hbm>>
      tpu.enqueue_dma source(%dma_start3A_71 : memref<8x128xi32, #tpu.memory_space<hbm>>) target(%arg13 : memref<8x128xi32, #tpu.memory_space<vmem>>) target_semaphore(%run_scoped3A : memref<!tpu.dma_semaphore, #tpu.memory_space<semaphore_mem>>)
      %dma_wait3A = arith.constant 0 : i32
      %dma_wait3A_72 = tpu.memref_slice %arg6[%add3A_34, %dma_wait3A] : memref<1280x128xi32, #tpu.memory_space<hbm>> -> memref<8x128xi32, #tpu.memory_space<hbm>>
      %dma_wait3A_73 = arith.constant 0 : i32
      %dma_wait3A_74 = tpu.memref_slice %arg6[%add3A_34, %dma_wait3A_73] : memref<1280x128xi32, #tpu.memory_space<hbm>> -> memref<8x128xi32, #tpu.memory_space<hbm>>
      tpu.wait_dma2 semaphore(%run_scoped3A : memref<!tpu.dma_semaphore, #tpu.memory_space<semaphore_mem>>) src(%dma_wait3A_74 : memref<8x128xi32, #tpu.memory_space<hbm>>) dst(%arg13 : memref<8x128xi32, #tpu.memory_space<vmem>>)
      tpu.yield
    }) : () -> ()
    "tpu.region"() ({
      %run_scoped3A = tpu.sem_alloc : memref<!tpu.dma_semaphore, #tpu.memory_space<semaphore_mem>>
      %dma_start3A = arith.constant 0 : i32
      %dma_start3A_69 = tpu.memref_slice %arg7[%add3A_34, %dma_start3A] : memref<1280x128xi32, #tpu.memory_space<hbm>> -> memref<8x128xi32, #tpu.memory_space<hbm>>
      %dma_start3A_70 = arith.constant 0 : i32
      %dma_start3A_71 = tpu.memref_slice %arg7[%add3A_34, %dma_start3A_70] : memref<1280x128xi32, #tpu.memory_space<hbm>> -> memref<8x128xi32, #tpu.memory_space<hbm>>
      tpu.enqueue_dma source(%dma_start3A_71 : memref<8x128xi32, #tpu.memory_space<hbm>>) target(%arg14 : memref<8x128xi32, #tpu.memory_space<vmem>>) target_semaphore(%run_scoped3A : memref<!tpu.dma_semaphore, #tpu.memory_space<semaphore_mem>>)
      %dma_wait3A = arith.constant 0 : i32
      %dma_wait3A_72 = tpu.memref_slice %arg7[%add3A_34, %dma_wait3A] : memref<1280x128xi32, #tpu.memory_space<hbm>> -> memref<8x128xi32, #tpu.memory_space<hbm>>
      %dma_wait3A_73 = arith.constant 0 : i32
      %dma_wait3A_74 = tpu.memref_slice %arg7[%add3A_34, %dma_wait3A_73] : memref<1280x128xi32, #tpu.memory_space<hbm>> -> memref<8x128xi32, #tpu.memory_space<hbm>>
      tpu.wait_dma2 semaphore(%run_scoped3A : memref<!tpu.dma_semaphore, #tpu.memory_space<semaphore_mem>>) src(%dma_wait3A_74 : memref<8x128xi32, #tpu.memory_space<hbm>>) dst(%arg14 : memref<8x128xi32, #tpu.memory_space<vmem>>)
      tpu.yield
    }) : () -> ()
    %scan3A_35 = arith.constant 0 : i32
    %scan3A_36 = arith.constant 0 : i32
    %scan3A_37 = arith.constant 8 : i32
    %scan3A_38 = arith.addi %scan3A_36, %scan3A_37 : i32
    %scan3A_39 = arith.constant 1 : i32
    %scan3A_40 = scf.for %scan3A_69 = %scan3A_36 to %scan3A_38 step %scan3A_39 iter_args(%scan3A_70 = %scan3A_35) -> (i32)  : i32 {
      %dma_start3A = arith.constant 0 : i32
      %dma_start3A_71 = tpu.memref_slice %arg12[%scan3A_69, %dma_start3A] : memref<8x128xi32, #tpu.memory_space<vmem>> -> memref<1x128xi32, #tpu.memory_space<vmem>>
      %dma_start3A_72 = tpu.memref_squeeze %dma_start3A_71 : memref<1x128xi32, #tpu.memory_space<vmem>> -> memref<128xi32, #tpu.memory_space<vmem>>
      %dma_start3A_73 = arith.constant 0 : i32
      %dma_start3A_74 = arith.constant 0 : i32
      %dma_start3A_75 = tpu.memref_slice %arg18[%dma_start3A_73, %dma_start3A_74] : memref<10240x128xf32, #tpu.memory_space<vmem_shared>> -> memref<10240x128xf32, #tpu.memory_space<vmem_shared>>
      tpu.enqueue_indirect_dma source(%dma_start3A_75 : memref<10240x128xf32, #tpu.memory_space<vmem_shared>>) target(%arg15 : memref<128x128xf32, #tpu.memory_space<vmem>>) offsets(%dma_start3A_72 : memref<128xi32, #tpu.memory_space<vmem>>) semaphore(%arg17 : memref<!tpu.dma_semaphore, #tpu.memory_space<semaphore_mem>>)
      %dma_start3A_76 = arith.constant 0 : i32
      %dma_start3A_77 = tpu.memref_slice %arg13[%scan3A_69, %dma_start3A_76] : memref<8x128xi32, #tpu.memory_space<vmem>> -> memref<1x128xi32, #tpu.memory_space<vmem>>
      %dma_start3A_78 = tpu.memref_squeeze %dma_start3A_77 : memref<1x128xi32, #tpu.memory_space<vmem>> -> memref<128xi32, #tpu.memory_space<vmem>>
      %dma_start3A_79 = arith.constant 0 : i32
      %dma_start3A_80 = arith.constant 0 : i32
      %dma_start3A_81 = tpu.memref_slice %arg18[%dma_start3A_79, %dma_start3A_80] : memref<10240x128xf32, #tpu.memory_space<vmem_shared>> -> memref<10240x128xf32, #tpu.memory_space<vmem_shared>>
      tpu.enqueue_indirect_dma source(%dma_start3A_81 : memref<10240x128xf32, #tpu.memory_space<vmem_shared>>) target(%arg16 : memref<128x128xf32, #tpu.memory_space<vmem>>) offsets(%dma_start3A_78 : memref<128xi32, #tpu.memory_space<vmem>>) semaphore(%arg17 : memref<!tpu.dma_semaphore, #tpu.memory_space<semaphore_mem>>)
      %dma_wait3A = arith.constant 0 : i32
      %dma_wait3A_82 = tpu.memref_slice %arg12[%scan3A_69, %dma_wait3A] : memref<8x128xi32, #tpu.memory_space<vmem>> -> memref<1x128xi32, #tpu.memory_space<vmem>>
      %dma_wait3A_83 = tpu.memref_squeeze %dma_wait3A_82 : memref<1x128xi32, #tpu.memory_space<vmem>> -> memref<128xi32, #tpu.memory_space<vmem>>
      %dma_wait3A_84 = arith.constant 0 : i32
      %dma_wait3A_85 = arith.constant 0 : i32
      %dma_wait3A_86 = tpu.memref_slice %arg18[%dma_wait3A_84, %dma_wait3A_85] : memref<10240x128xf32, #tpu.memory_space<vmem_shared>> -> memref<10240x128xf32, #tpu.memory_space<vmem_shared>>
      tpu.wait_indirect_dma semaphore(%arg17 : memref<!tpu.dma_semaphore, #tpu.memory_space<semaphore_mem>>) src(%dma_wait3A_86 : memref<10240x128xf32, #tpu.memory_space<vmem_shared>>) dst(%arg15 : memref<128x128xf32, #tpu.memory_space<vmem>>)
      %dma_wait3A_87 = arith.constant 0 : i32
      %dma_wait3A_88 = tpu.memref_slice %arg13[%scan3A_69, %dma_wait3A_87] : memref<8x128xi32, #tpu.memory_space<vmem>> -> memref<1x128xi32, #tpu.memory_space<vmem>>
      %dma_wait3A_89 = tpu.memref_squeeze %dma_wait3A_88 : memref<1x128xi32, #tpu.memory_space<vmem>> -> memref<128xi32, #tpu.memory_space<vmem>>
      %dma_wait3A_90 = arith.constant 0 : i32
      %dma_wait3A_91 = arith.constant 0 : i32
      %dma_wait3A_92 = tpu.memref_slice %arg18[%dma_wait3A_90, %dma_wait3A_91] : memref<10240x128xf32, #tpu.memory_space<vmem_shared>> -> memref<10240x128xf32, #tpu.memory_space<vmem_shared>>
      tpu.wait_indirect_dma semaphore(%arg17 : memref<!tpu.dma_semaphore, #tpu.memory_space<semaphore_mem>>) src(%dma_wait3A_92 : memref<10240x128xf32, #tpu.memory_space<vmem_shared>>) dst(%arg16 : memref<128x128xf32, #tpu.memory_space<vmem>>)
      %scan3A_93 = arith.constant 0 : i32
      %scan3A_94 = arith.constant 0 : i32
      %scan3A_95 = arith.constant 128 : i32
      %scan3A_96 = arith.addi %scan3A_94, %scan3A_95 : i32
      %scan3A_97 = arith.constant 1 : i32
      %scan3A_98 = scf.for %scan3A_123 = %scan3A_94 to %scan3A_96 step %scan3A_97 iter_args(%scan3A_124 = %scan3A_93) -> (i32)  : i32 {
        %get3A = arith.index_cast %scan3A_123 : i32 to index
        %get3A_125 = arith.constant 0 : index
        %get3A_126 = tpu.vector_load %arg15[%get3A, %get3A_125] {strides = array<i32>} : memref<128x128xf32, #tpu.memory_space<vmem>>, vector<1x16xf32>,
        %get3A_127 = vector.shape_cast %get3A_126 : vector<1x16xf32> to vector<16xf32>
        %get3A_128 = arith.index_cast %scan3A_123 : i32 to index
        %get3A_129 = arith.constant 0 : index
        %get3A_130 = tpu.vector_load %arg16[%get3A_128, %get3A_129] {strides = array<i32>} : memref<128x128xf32, #tpu.memory_space<vmem>>, vector<1x16xf32>,
        %get3A_131 = vector.shape_cast %get3A_130 : vector<1x16xf32> to vector<16xf32>
        %mul3A_132 = arith.mulf %get3A_127, %get3A_131 : vector<16xf32>
        %swap3A = arith.index_cast %scan3A_123 : i32 to index
        %swap3A_133 = arith.constant 0 : index
        %swap3A_134 = tpu.vector_load %arg15[%swap3A, %swap3A_133] {strides = array<i32>} : memref<128x128xf32, #tpu.memory_space<vmem>>, vector<1x16xf32>,
        %swap3A_135 = vector.shape_cast %swap3A_134 : vector<1x16xf32> to vector<16xf32>
        %swap3A_136 = vector.shape_cast %mul3A_132 : vector<16xf32> to vector<1x16xf32>
        tpu.vector_store %arg15[%swap3A, %swap3A_133], %swap3A_136 {strides = array<i32>} : memref<128x128xf32, #tpu.memory_space<vmem>>, vector<1x16xf32>,
        %get3A_137 = arith.index_cast %scan3A_123 : i32 to index
        %get3A_138 = arith.constant 16 : index
        %get3A_139 = tpu.vector_load %arg15[%get3A_137, %get3A_138] {strides = array<i32>} : memref<128x128xf32, #tpu.memory_space<vmem>>, vector<1x16xf32>,
        %get3A_140 = vector.shape_cast %get3A_139 : vector<1x16xf32> to vector<16xf32>
        %get3A_141 = arith.index_cast %scan3A_123 : i32 to index
        %get3A_142 = arith.constant 16 : index
        %get3A_143 = tpu.vector_load %arg16[%get3A_141, %get3A_142] {strides = array<i32>} : memref<128x128xf32, #tpu.memory_space<vmem>>, vector<1x16xf32>,
        %get3A_144 = vector.shape_cast %get3A_143 : vector<1x16xf32> to vector<16xf32>
        %mul3A_145 = arith.mulf %get3A_140, %get3A_144 : vector<16xf32>
        %swap3A_146 = arith.index_cast %scan3A_123 : i32 to index
        %swap3A_147 = arith.constant 16 : index
        %swap3A_148 = tpu.vector_load %arg15[%swap3A_146, %swap3A_147] {strides = array<i32>} : memref<128x128xf32, #tpu.memory_space<vmem>>, vector<1x16xf32>,
        %swap3A_149 = vector.shape_cast %swap3A_148 : vector<1x16xf32> to vector<16xf32>
        %swap3A_150 = vector.shape_cast %mul3A_145 : vector<16xf32> to vector<1x16xf32>
        tpu.vector_store %arg15[%swap3A_146, %swap3A_147], %swap3A_150 {strides = array<i32>} : memref<128x128xf32, #tpu.memory_space<vmem>>, vector<1x16xf32>,
        %get3A_151 = arith.index_cast %scan3A_123 : i32 to index
        %get3A_152 = arith.constant 32 : index
        %get3A_153 = tpu.vector_load %arg15[%get3A_151, %get3A_152] {strides = array<i32>} : memref<128x128xf32, #tpu.memory_space<vmem>>, vector<1x16xf32>,
        %get3A_154 = vector.shape_cast %get3A_153 : vector<1x16xf32> to vector<16xf32>
        %get3A_155 = arith.index_cast %scan3A_123 : i32 to index
        %get3A_156 = arith.constant 32 : index
        %get3A_157 = tpu.vector_load %arg16[%get3A_155, %get3A_156] {strides = array<i32>} : memref<128x128xf32, #tpu.memory_space<vmem>>, vector<1x16xf32>,
        %get3A_158 = vector.shape_cast %get3A_157 : vector<1x16xf32> to vector<16xf32>
        %mul3A_159 = arith.mulf %get3A_154, %get3A_158 : vector<16xf32>
        %swap3A_160 = arith.index_cast %scan3A_123 : i32 to index
        %swap3A_161 = arith.constant 32 : index
        %swap3A_162 = tpu.vector_load %arg15[%swap3A_160, %swap3A_161] {strides = array<i32>} : memref<128x128xf32, #tpu.memory_space<vmem>>, vector<1x16xf32>,
        %swap3A_163 = vector.shape_cast %swap3A_162 : vector<1x16xf32> to vector<16xf32>
        %swap3A_164 = vector.shape_cast %mul3A_159 : vector<16xf32> to vector<1x16xf32>
        tpu.vector_store %arg15[%swap3A_160, %swap3A_161], %swap3A_164 {strides = array<i32>} : memref<128x128xf32, #tpu.memory_space<vmem>>, vector<1x16xf32>,
        %get3A_165 = arith.index_cast %scan3A_123 : i32 to index
        %get3A_166 = arith.constant 48 : index
        %get3A_167 = tpu.vector_load %arg15[%get3A_165, %get3A_166] {strides = array<i32>} : memref<128x128xf32, #tpu.memory_space<vmem>>, vector<1x16xf32>,
        %get3A_168 = vector.shape_cast %get3A_167 : vector<1x16xf32> to vector<16xf32>
        %get3A_169 = arith.index_cast %scan3A_123 : i32 to index
        %get3A_170 = arith.constant 48 : index
        %get3A_171 = tpu.vector_load %arg16[%get3A_169, %get3A_170] {strides = array<i32>} : memref<128x128xf32, #tpu.memory_space<vmem>>, vector<1x16xf32>,
        %get3A_172 = vector.shape_cast %get3A_171 : vector<1x16xf32> to vector<16xf32>
        %mul3A_173 = arith.mulf %get3A_168, %get3A_172 : vector<16xf32>
        %swap3A_174 = arith.index_cast %scan3A_123 : i32 to index
        %swap3A_175 = arith.constant 48 : index
        %swap3A_176 = tpu.vector_load %arg15[%swap3A_174, %swap3A_175] {strides = array<i32>} : memref<128x128xf32, #tpu.memory_space<vmem>>, vector<1x16xf32>,
        %swap3A_177 = vector.shape_cast %swap3A_176 : vector<1x16xf32> to vector<16xf32>
        %swap3A_178 = vector.shape_cast %mul3A_173 : vector<16xf32> to vector<1x16xf32>
        tpu.vector_store %arg15[%swap3A_174, %swap3A_175], %swap3A_178 {strides = array<i32>} : memref<128x128xf32, #tpu.memory_space<vmem>>, vector<1x16xf32>,
        %get3A_179 = arith.index_cast %scan3A_123 : i32 to index
        %get3A_180 = arith.constant 64 : index
        %get3A_181 = tpu.vector_load %arg15[%get3A_179, %get3A_180] {strides = array<i32>} : memref<128x128xf32, #tpu.memory_space<vmem>>, vector<1x16xf32>,
        %get3A_182 = vector.shape_cast %get3A_181 : vector<1x16xf32> to vector<16xf32>
        %get3A_183 = arith.index_cast %scan3A_123 : i32 to index
        %get3A_184 = arith.constant 64 : index
        %get3A_185 = tpu.vector_load %arg16[%get3A_183, %get3A_184] {strides = array<i32>} : memref<128x128xf32, #tpu.memory_space<vmem>>, vector<1x16xf32>,
        %get3A_186 = vector.shape_cast %get3A_185 : vector<1x16xf32> to vector<16xf32>
        %mul3A_187 = arith.mulf %get3A_182, %get3A_186 : vector<16xf32>
        %swap3A_188 = arith.index_cast %scan3A_123 : i32 to index
        %swap3A_189 = arith.constant 64 : index
        %swap3A_190 = tpu.vector_load %arg15[%swap3A_188, %swap3A_189] {strides = array<i32>} : memref<128x128xf32, #tpu.memory_space<vmem>>, vector<1x16xf32>,
        %swap3A_191 = vector.shape_cast %swap3A_190 : vector<1x16xf32> to vector<16xf32>
        %swap3A_192 = vector.shape_cast %mul3A_187 : vector<16xf32> to vector<1x16xf32>
        tpu.vector_store %arg15[%swap3A_188, %swap3A_189], %swap3A_192 {strides = array<i32>} : memref<128x128xf32, #tpu.memory_space<vmem>>, vector<1x16xf32>,
        %get3A_193 = arith.index_cast %scan3A_123 : i32 to index
        %get3A_194 = arith.constant 80 : index
        %get3A_195 = tpu.vector_load %arg15[%get3A_193, %get3A_194] {strides = array<i32>} : memref<128x128xf32, #tpu.memory_space<vmem>>, vector<1x16xf32>,
        %get3A_196 = vector.shape_cast %get3A_195 : vector<1x16xf32> to vector<16xf32>
        %get3A_197 = arith.index_cast %scan3A_123 : i32 to index
        %get3A_198 = arith.constant 80 : index
        %get3A_199 = tpu.vector_load %arg16[%get3A_197, %get3A_198] {strides = array<i32>} : memref<128x128xf32, #tpu.memory_space<vmem>>, vector<1x16xf32>,
        %get3A_200 = vector.shape_cast %get3A_199 : vector<1x16xf32> to vector<16xf32>
        %mul3A_201 = arith.mulf %get3A_196, %get3A_200 : vector<16xf32>
        %swap3A_202 = arith.index_cast %scan3A_123 : i32 to index
        %swap3A_203 = arith.constant 80 : index
        %swap3A_204 = tpu.vector_load %arg15[%swap3A_202, %swap3A_203] {strides = array<i32>} : memref<128x128xf32, #tpu.memory_space<vmem>>, vector<1x16xf32>,
        %swap3A_205 = vector.shape_cast %swap3A_204 : vector<1x16xf32> to vector<16xf32>
        %swap3A_206 = vector.shape_cast %mul3A_201 : vector<16xf32> to vector<1x16xf32>
        tpu.vector_store %arg15[%swap3A_202, %swap3A_203], %swap3A_206 {strides = array<i32>} : memref<128x128xf32, #tpu.memory_space<vmem>>, vector<1x16xf32>,
        %get3A_207 = arith.index_cast %scan3A_123 : i32 to index
        %get3A_208 = arith.constant 96 : index
        %get3A_209 = tpu.vector_load %arg15[%get3A_207, %get3A_208] {strides = array<i32>} : memref<128x128xf32, #tpu.memory_space<vmem>>, vector<1x16xf32>,
        %get3A_210 = vector.shape_cast %get3A_209 : vector<1x16xf32> to vector<16xf32>
        %get3A_211 = arith.index_cast %scan3A_123 : i32 to index
        %get3A_212 = arith.constant 96 : index
        %get3A_213 = tpu.vector_load %arg16[%get3A_211, %get3A_212] {strides = array<i32>} : memref<128x128xf32, #tpu.memory_space<vmem>>, vector<1x16xf32>,
        %get3A_214 = vector.shape_cast %get3A_213 : vector<1x16xf32> to vector<16xf32>
        %mul3A_215 = arith.mulf %get3A_210, %get3A_214 : vector<16xf32>
        %swap3A_216 = arith.index_cast %scan3A_123 : i32 to index
        %swap3A_217 = arith.constant 96 : index
        %swap3A_218 = tpu.vector_load %arg15[%swap3A_216, %swap3A_217] {strides = array<i32>} : memref<128x128xf32, #tpu.memory_space<vmem>>, vector<1x16xf32>,
        %swap3A_219 = vector.shape_cast %swap3A_218 : vector<1x16xf32> to vector<16xf32>
        %swap3A_220 = vector.shape_cast %mul3A_215 : vector<16xf32> to vector<1x16xf32>
        tpu.vector_store %arg15[%swap3A_216, %swap3A_217], %swap3A_220 {strides = array<i32>} : memref<128x128xf32, #tpu.memory_space<vmem>>, vector<1x16xf32>,
        %get3A_221 = arith.index_cast %scan3A_123 : i32 to index
        %get3A_222 = arith.constant 112 : index
        %get3A_223 = tpu.vector_load %arg15[%get3A_221, %get3A_222] {strides = array<i32>} : memref<128x128xf32, #tpu.memory_space<vmem>>, vector<1x16xf32>,
        %get3A_224 = vector.shape_cast %get3A_223 : vector<1x16xf32> to vector<16xf32>
        %get3A_225 = arith.index_cast %scan3A_123 : i32 to index
        %get3A_226 = arith.constant 112 : index
        %get3A_227 = tpu.vector_load %arg16[%get3A_225, %get3A_226] {strides = array<i32>} : memref<128x128xf32, #tpu.memory_space<vmem>>, vector<1x16xf32>,
        %get3A_228 = vector.shape_cast %get3A_227 : vector<1x16xf32> to vector<16xf32>
        %mul3A_229 = arith.mulf %get3A_224, %get3A_228 : vector<16xf32>
        %swap3A_230 = arith.index_cast %scan3A_123 : i32 to index
        %swap3A_231 = arith.constant 112 : index
        %swap3A_232 = tpu.vector_load %arg15[%swap3A_230, %swap3A_231] {strides = array<i32>} : memref<128x128xf32, #tpu.memory_space<vmem>>, vector<1x16xf32>,
        %swap3A_233 = vector.shape_cast %swap3A_232 : vector<1x16xf32> to vector<16xf32>
        %swap3A_234 = vector.shape_cast %mul3A_229 : vector<16xf32> to vector<1x16xf32>
        tpu.vector_store %arg15[%swap3A_230, %swap3A_231], %swap3A_234 {strides = array<i32>} : memref<128x128xf32, #tpu.memory_space<vmem>>, vector<1x16xf32>,
        %scan3A_235 = arith.constant 0 : i32
        scf.yield %scan3A_235 : i32
      }
      %scan3A_99 = arith.constant 128 : i32
      %dma_start3A_100 = arith.constant 0 : i32
      %dma_start3A_101 = tpu.memref_slice %arg14[%scan3A_69, %dma_start3A_100] : memref<8x128xi32, #tpu.memory_space<vmem>> -> memref<1x128xi32, #tpu.memory_space<vmem>>
      %dma_start3A_102 = tpu.memref_squeeze %dma_start3A_101 : memref<1x128xi32, #tpu.memory_space<vmem>> -> memref<128xi32, #tpu.memory_space<vmem>>
      %dma_start3A_103 = arith.constant 0 : i32
      %dma_start3A_104 = arith.constant 0 : i32
      %dma_start3A_105 = tpu.memref_slice %arg18[%dma_start3A_103, %dma_start3A_104] : memref<10240x128xf32, #tpu.memory_space<vmem_shared>> -> memref<10240x128xf32, #tpu.memory_space<vmem_shared>>
      tpu.enqueue_indirect_dma source(%dma_start3A_105 : memref<10240x128xf32, #tpu.memory_space<vmem_shared>>) target(%arg16 : memref<128x128xf32, #tpu.memory_space<vmem>>) offsets(%dma_start3A_102 : memref<128xi32, #tpu.memory_space<vmem>>) semaphore(%arg17 : memref<!tpu.dma_semaphore, #tpu.memory_space<semaphore_mem>>)
      %dma_wait3A_106 = arith.constant 0 : i32
      %dma_wait3A_107 = tpu.memref_slice %arg14[%scan3A_69, %dma_wait3A_106] : memref<8x128xi32, #tpu.memory_space<vmem>> -> memref<1x128xi32, #tpu.memory_space<vmem>>
      %dma_wait3A_108 = tpu.memref_squeeze %dma_wait3A_107 : memref<1x128xi32, #tpu.memory_space<vmem>> -> memref<128xi32, #tpu.memory_space<vmem>>
      %dma_wait3A_109 = arith.constant 0 : i32
      %dma_wait3A_110 = arith.constant 0 : i32
      %dma_wait3A_111 = tpu.memref_slice %arg18[%dma_wait3A_109, %dma_wait3A_110] : memref<10240x128xf32, #tpu.memory_space<vmem_shared>> -> memref<10240x128xf32, #tpu.memory_space<vmem_shared>>
      tpu.wait_indirect_dma semaphore(%arg17 : memref<!tpu.dma_semaphore, #tpu.memory_space<semaphore_mem>>) src(%dma_wait3A_111 : memref<10240x128xf32, #tpu.memory_space<vmem_shared>>) dst(%arg16 : memref<128x128xf32, #tpu.memory_space<vmem>>)
      %scan3A_112 = arith.constant 0 : i32
      %scan3A_113 = arith.constant 0 : i32
      %scan3A_114 = arith.constant 128 : i32
      %scan3A_115 = arith.addi %scan3A_113, %scan3A_114 : i32
      %scan3A_116 = arith.constant 1 : i32
      %scan3A_117 = scf.for %scan3A_123 = %scan3A_113 to %scan3A_115 step %scan3A_116 iter_args(%scan3A_124 = %scan3A_112) -> (i32)  : i32 {
        %get3A = arith.index_cast %scan3A_123 : i32 to index
        %get3A_125 = arith.constant 0 : index
        %get3A_126 = tpu.vector_load %arg15[%get3A, %get3A_125] {strides = array<i32>} : memref<128x128xf32, #tpu.memory_space<vmem>>, vector<1x16xf32>,
        %get3A_127 = vector.shape_cast %get3A_126 : vector<1x16xf32> to vector<16xf32>
        %get3A_128 = arith.index_cast %scan3A_123 : i32 to index
        %get3A_129 = arith.constant 0 : index
        %get3A_130 = tpu.vector_load %arg16[%get3A_128, %get3A_129] {strides = array<i32>} : memref<128x128xf32, #tpu.memory_space<vmem>>, vector<1x16xf32>,
        %get3A_131 = vector.shape_cast %get3A_130 : vector<1x16xf32> to vector<16xf32>
        %mul3A_132 = arith.mulf %get3A_127, %get3A_131 : vector<16xf32>
        %swap3A = arith.index_cast %scan3A_123 : i32 to index
        %swap3A_133 = arith.constant 0 : index
        %swap3A_134 = tpu.vector_load %arg15[%swap3A, %swap3A_133] {strides = array<i32>} : memref<128x128xf32, #tpu.memory_space<vmem>>, vector<1x16xf32>,
        %swap3A_135 = vector.shape_cast %swap3A_134 : vector<1x16xf32> to vector<16xf32>
        %swap3A_136 = vector.shape_cast %mul3A_132 : vector<16xf32> to vector<1x16xf32>
        tpu.vector_store %arg15[%swap3A, %swap3A_133], %swap3A_136 {strides = array<i32>} : memref<128x128xf32, #tpu.memory_space<vmem>>, vector<1x16xf32>,
        %get3A_137 = arith.index_cast %scan3A_123 : i32 to index
        %get3A_138 = arith.constant 16 : index
        %get3A_139 = tpu.vector_load %arg15[%get3A_137, %get3A_138] {strides = array<i32>} : memref<128x128xf32, #tpu.memory_space<vmem>>, vector<1x16xf32>,
        %get3A_140 = vector.shape_cast %get3A_139 : vector<1x16xf32> to vector<16xf32>
        %get3A_141 = arith.index_cast %scan3A_123 : i32 to index
        %get3A_142 = arith.constant 16 : index
        %get3A_143 = tpu.vector_load %arg16[%get3A_141, %get3A_142] {strides = array<i32>} : memref<128x128xf32, #tpu.memory_space<vmem>>, vector<1x16xf32>,
        %get3A_144 = vector.shape_cast %get3A_143 : vector<1x16xf32> to vector<16xf32>
        %mul3A_145 = arith.mulf %get3A_140, %get3A_144 : vector<16xf32>
        %swap3A_146 = arith.index_cast %scan3A_123 : i32 to index
        %swap3A_147 = arith.constant 16 : index
        %swap3A_148 = tpu.vector_load %arg15[%swap3A_146, %swap3A_147] {strides = array<i32>} : memref<128x128xf32, #tpu.memory_space<vmem>>, vector<1x16xf32>,
        %swap3A_149 = vector.shape_cast %swap3A_148 : vector<1x16xf32> to vector<16xf32>
        %swap3A_150 = vector.shape_cast %mul3A_145 : vector<16xf32> to vector<1x16xf32>
        tpu.vector_store %arg15[%swap3A_146, %swap3A_147], %swap3A_150 {strides = array<i32>} : memref<128x128xf32, #tpu.memory_space<vmem>>, vector<1x16xf32>,
        %get3A_151 = arith.index_cast %scan3A_123 : i32 to index
        %get3A_152 = arith.constant 32 : index
        %get3A_153 = tpu.vector_load %arg15[%get3A_151, %get3A_152] {strides = array<i32>} : memref<128x128xf32, #tpu.memory_space<vmem>>, vector<1x16xf32>,
        %get3A_154 = vector.shape_cast %get3A_153 : vector<1x16xf32> to vector<16xf32>
        %get3A_155 = arith.index_cast %scan3A_123 : i32 to index
        %get3A_156 = arith.constant 32 : index
        %get3A_157 = tpu.vector_load %arg16[%get3A_155, %get3A_156] {strides = array<i32>} : memref<128x128xf32, #tpu.memory_space<vmem>>, vector<1x16xf32>,
        %get3A_158 = vector.shape_cast %get3A_157 : vector<1x16xf32> to vector<16xf32>
        %mul3A_159 = arith.mulf %get3A_154, %get3A_158 : vector<16xf32>
        %swap3A_160 = arith.index_cast %scan3A_123 : i32 to index
        %swap3A_161 = arith.constant 32 : index
        %swap3A_162 = tpu.vector_load %arg15[%swap3A_160, %swap3A_161] {strides = array<i32>} : memref<128x128xf32, #tpu.memory_space<vmem>>, vector<1x16xf32>,
        %swap3A_163 = vector.shape_cast %swap3A_162 : vector<1x16xf32> to vector<16xf32>
        %swap3A_164 = vector.shape_cast %mul3A_159 : vector<16xf32> to vector<1x16xf32>
        tpu.vector_store %arg15[%swap3A_160, %swap3A_161], %swap3A_164 {strides = array<i32>} : memref<128x128xf32, #tpu.memory_space<vmem>>, vector<1x16xf32>,
        %get3A_165 = arith.index_cast %scan3A_123 : i32 to index
        %get3A_166 = arith.constant 48 : index
        %get3A_167 = tpu.vector_load %arg15[%get3A_165, %get3A_166] {strides = array<i32>} : memref<128x128xf32, #tpu.memory_space<vmem>>, vector<1x16xf32>,
        %get3A_168 = vector.shape_cast %get3A_167 : vector<1x16xf32> to vector<16xf32>
        %get3A_169 = arith.index_cast %scan3A_123 : i32 to index
        %get3A_170 = arith.constant 48 : index
        %get3A_171 = tpu.vector_load %arg16[%get3A_169, %get3A_170] {strides = array<i32>} : memref<128x128xf32, #tpu.memory_space<vmem>>, vector<1x16xf32>,
        %get3A_172 = vector.shape_cast %get3A_171 : vector<1x16xf32> to vector<16xf32>
        %mul3A_173 = arith.mulf %get3A_168, %get3A_172 : vector<16xf32>
        %swap3A_174 = arith.index_cast %scan3A_123 : i32 to index
        %swap3A_175 = arith.constant 48 : index
        %swap3A_176 = tpu.vector_load %arg15[%swap3A_174, %swap3A_175] {strides = array<i32>} : memref<128x128xf32, #tpu.memory_space<vmem>>, vector<1x16xf32>,
        %swap3A_177 = vector.shape_cast %swap3A_176 : vector<1x16xf32> to vector<16xf32>
        %swap3A_178 = vector.shape_cast %mul3A_173 : vector<16xf32> to vector<1x16xf32>
        tpu.vector_store %arg15[%swap3A_174, %swap3A_175], %swap3A_178 {strides = array<i32>} : memref<128x128xf32, #tpu.memory_space<vmem>>, vector<1x16xf32>,
        %get3A_179 = arith.index_cast %scan3A_123 : i32 to index
        %get3A_180 = arith.constant 64 : index
        %get3A_181 = tpu.vector_load %arg15[%get3A_179, %get3A_180] {strides = array<i32>} : memref<128x128xf32, #tpu.memory_space<vmem>>, vector<1x16xf32>,
        %get3A_182 = vector.shape_cast %get3A_181 : vector<1x16xf32> to vector<16xf32>
        %get3A_183 = arith.index_cast %scan3A_123 : i32 to index
        %get3A_184 = arith.constant 64 : index
        %get3A_185 = tpu.vector_load %arg16[%get3A_183, %get3A_184] {strides = array<i32>} : memref<128x128xf32, #tpu.memory_space<vmem>>, vector<1x16xf32>,
        %get3A_186 = vector.shape_cast %get3A_185 : vector<1x16xf32> to vector<16xf32>
        %mul3A_187 = arith.mulf %get3A_182, %get3A_186 : vector<16xf32>
        %swap3A_188 = arith.index_cast %scan3A_123 : i32 to index
        %swap3A_189 = arith.constant 64 : index
        %swap3A_190 = tpu.vector_load %arg15[%swap3A_188, %swap3A_189] {strides = array<i32>} : memref<128x128xf32, #tpu.memory_space<vmem>>, vector<1x16xf32>,
        %swap3A_191 = vector.shape_cast %swap3A_190 : vector<1x16xf32> to vector<16xf32>
        %swap3A_192 = vector.shape_cast %mul3A_187 : vector<16xf32> to vector<1x16xf32>
        tpu.vector_store %arg15[%swap3A_188, %swap3A_189], %swap3A_192 {strides = array<i32>} : memref<128x128xf32, #tpu.memory_space<vmem>>, vector<1x16xf32>,
        %get3A_193 = arith.index_cast %scan3A_123 : i32 to index
        %get3A_194 = arith.constant 80 : index
        %get3A_195 = tpu.vector_load %arg15[%get3A_193, %get3A_194] {strides = array<i32>} : memref<128x128xf32, #tpu.memory_space<vmem>>, vector<1x16xf32>,
        %get3A_196 = vector.shape_cast %get3A_195 : vector<1x16xf32> to vector<16xf32>
        %get3A_197 = arith.index_cast %scan3A_123 : i32 to index
        %get3A_198 = arith.constant 80 : index
        %get3A_199 = tpu.vector_load %arg16[%get3A_197, %get3A_198] {strides = array<i32>} : memref<128x128xf32, #tpu.memory_space<vmem>>, vector<1x16xf32>,
        %get3A_200 = vector.shape_cast %get3A_199 : vector<1x16xf32> to vector<16xf32>
        %mul3A_201 = arith.mulf %get3A_196, %get3A_200 : vector<16xf32>
        %swap3A_202 = arith.index_cast %scan3A_123 : i32 to index
        %swap3A_203 = arith.constant 80 : index
        %swap3A_204 = tpu.vector_load %arg15[%swap3A_202, %swap3A_203] {strides = array<i32>} : memref<128x128xf32, #tpu.memory_space<vmem>>, vector<1x16xf32>,
        %swap3A_205 = vector.shape_cast %swap3A_204 : vector<1x16xf32> to vector<16xf32>
        %swap3A_206 = vector.shape_cast %mul3A_201 : vector<16xf32> to vector<1x16xf32>
        tpu.vector_store %arg15[%swap3A_202, %swap3A_203], %swap3A_206 {strides = array<i32>} : memref<128x128xf32, #tpu.memory_space<vmem>>, vector<1x16xf32>,
        %get3A_207 = arith.index_cast %scan3A_123 : i32 to index
        %get3A_208 = arith.constant 96 : index
        %get3A_209 = tpu.vector_load %arg15[%get3A_207, %get3A_208] {strides = array<i32>} : memref<128x128xf32, #tpu.memory_space<vmem>>, vector<1x16xf32>,
        %get3A_210 = vector.shape_cast %get3A_209 : vector<1x16xf32> to vector<16xf32>
        %get3A_211 = arith.index_cast %scan3A_123 : i32 to index
        %get3A_212 = arith.constant 96 : index
        %get3A_213 = tpu.vector_load %arg16[%get3A_211, %get3A_212] {strides = array<i32>} : memref<128x128xf32, #tpu.memory_space<vmem>>, vector<1x16xf32>,
        %get3A_214 = vector.shape_cast %get3A_213 : vector<1x16xf32> to vector<16xf32>
        %mul3A_215 = arith.mulf %get3A_210, %get3A_214 : vector<16xf32>
        %swap3A_216 = arith.index_cast %scan3A_123 : i32 to index
        %swap3A_217 = arith.constant 96 : index
        %swap3A_218 = tpu.vector_load %arg15[%swap3A_216, %swap3A_217] {strides = array<i32>} : memref<128x128xf32, #tpu.memory_space<vmem>>, vector<1x16xf32>,
        %swap3A_219 = vector.shape_cast %swap3A_218 : vector<1x16xf32> to vector<16xf32>
        %swap3A_220 = vector.shape_cast %mul3A_215 : vector<16xf32> to vector<1x16xf32>
        tpu.vector_store %arg15[%swap3A_216, %swap3A_217], %swap3A_220 {strides = array<i32>} : memref<128x128xf32, #tpu.memory_space<vmem>>, vector<1x16xf32>,
        %get3A_221 = arith.index_cast %scan3A_123 : i32 to index
        %get3A_222 = arith.constant 112 : index
        %get3A_223 = tpu.vector_load %arg15[%get3A_221, %get3A_222] {strides = array<i32>} : memref<128x128xf32, #tpu.memory_space<vmem>>, vector<1x16xf32>,
        %get3A_224 = vector.shape_cast %get3A_223 : vector<1x16xf32> to vector<16xf32>
        %get3A_225 = arith.index_cast %scan3A_123 : i32 to index
        %get3A_226 = arith.constant 112 : index
        %get3A_227 = tpu.vector_load %arg16[%get3A_225, %get3A_226] {strides = array<i32>} : memref<128x128xf32, #tpu.memory_space<vmem>>, vector<1x16xf32>,
        %get3A_228 = vector.shape_cast %get3A_227 : vector<1x16xf32> to vector<16xf32>
        %mul3A_229 = arith.mulf %get3A_224, %get3A_228 : vector<16xf32>
        %swap3A_230 = arith.index_cast %scan3A_123 : i32 to index
        %swap3A_231 = arith.constant 112 : index
        %swap3A_232 = tpu.vector_load %arg15[%swap3A_230, %swap3A_231] {strides = array<i32>} : memref<128x128xf32, #tpu.memory_space<vmem>>, vector<1x16xf32>,
        %swap3A_233 = vector.shape_cast %swap3A_232 : vector<1x16xf32> to vector<16xf32>
        %swap3A_234 = vector.shape_cast %mul3A_229 : vector<16xf32> to vector<1x16xf32>
        tpu.vector_store %arg15[%swap3A_230, %swap3A_231], %swap3A_234 {strides = array<i32>} : memref<128x128xf32, #tpu.memory_space<vmem>>, vector<1x16xf32>,
        %scan3A_235 = arith.constant 0 : i32
        scf.yield %scan3A_235 : i32
      }
      %scan3A_118 = arith.constant 128 : i32
      %add3A_119 = arith.addi %add3A_34, %scan3A_69 : i32
      %mul3A_120 = arith.constant 128 : i32
      %mul3A_121 = arith.muli %add3A_119, %mul3A_120 : i32
      "tpu.region"() ({
        %run_scoped3A = tpu.sem_alloc : memref<!tpu.dma_semaphore, #tpu.memory_space<semaphore_mem>>
        %dma_start3A_123 = arith.constant 0 : i32
        %dma_start3A_124 = tpu.memref_slice %arg9[%mul3A_121, %dma_start3A_123] : memref<163840x128xf32, #tpu.memory_space<hbm>> -> memref<128x128xf32, #tpu.memory_space<hbm>>
        %dma_start3A_125 = arith.constant 0 : i32
        %dma_start3A_126 = tpu.memref_slice %arg9[%mul3A_121, %dma_start3A_125] : memref<163840x128xf32, #tpu.memory_space<hbm>> -> memref<128x128xf32, #tpu.memory_space<hbm>>
        tpu.enqueue_dma source(%arg15 : memref<128x128xf32, #tpu.memory_space<vmem>>) target(%dma_start3A_126 : memref<128x128xf32, #tpu.memory_space<hbm>>) target_semaphore(%run_scoped3A : memref<!tpu.dma_semaphore, #tpu.memory_space<semaphore_mem>>)
        %dma_wait3A_127 = arith.constant 0 : i32
        %dma_wait3A_128 = tpu.memref_slice %arg9[%mul3A_121, %dma_wait3A_127] : memref<163840x128xf32, #tpu.memory_space<hbm>> -> memref<128x128xf32, #tpu.memory_space<hbm>>
        %dma_wait3A_129 = arith.constant 0 : i32
        %dma_wait3A_130 = tpu.memref_slice %arg9[%mul3A_121, %dma_wait3A_129] : memref<163840x128xf32, #tpu.memory_space<hbm>> -> memref<128x128xf32, #tpu.memory_space<hbm>>
        tpu.wait_dma2 semaphore(%run_scoped3A : memref<!tpu.dma_semaphore, #tpu.memory_space<semaphore_mem>>) src(%arg15 : memref<128x128xf32, #tpu.memory_space<vmem>>) dst(%dma_wait3A_130 : memref<128x128xf32, #tpu.memory_space<hbm>>)
        tpu.yield
      }) : () -> ()
      %scan3A_122 = arith.constant 0 : i32
      scf.yield %scan3A_122 : i32
    }
    %scan3A_41 = arith.constant 8 : i32
    %add3A_42 = arith.constant 16 : i32
    %add3A_43 = arith.addi %mul3A_23, %add3A_42 : i32
    "tpu.region"() ({
      %run_scoped3A = tpu.sem_alloc : memref<!tpu.dma_semaphore, #tpu.memory_space<semaphore_mem>>
      %dma_start3A = arith.constant 0 : i32
      %dma_start3A_69 = tpu.memref_slice %arg5[%add3A_43, %dma_start3A] : memref<1280x128xi32, #tpu.memory_space<hbm>> -> memref<8x128xi32, #tpu.memory_space<hbm>>
      %dma_start3A_70 = arith.constant 0 : i32
      %dma_start3A_71 = tpu.memref_slice %arg5[%add3A_43, %dma_start3A_70] : memref<1280x128xi32, #tpu.memory_space<hbm>> -> memref<8x128xi32, #tpu.memory_space<hbm>>
      tpu.enqueue_dma source(%dma_start3A_71 : memref<8x128xi32, #tpu.memory_space<hbm>>) target(%arg12 : memref<8x128xi32, #tpu.memory_space<vmem>>) target_semaphore(%run_scoped3A : memref<!tpu.dma_semaphore, #tpu.memory_space<semaphore_mem>>)
      %dma_wait3A = arith.constant 0 : i32
      %dma_wait3A_72 = tpu.memref_slice %arg5[%add3A_43, %dma_wait3A] : memref<1280x128xi32, #tpu.memory_space<hbm>> -> memref<8x128xi32, #tpu.memory_space<hbm>>
      %dma_wait3A_73 = arith.constant 0 : i32
      %dma_wait3A_74 = tpu.memref_slice %arg5[%add3A_43, %dma_wait3A_73] : memref<1280x128xi32, #tpu.memory_space<hbm>> -> memref<8x128xi32, #tpu.memory_space<hbm>>
      tpu.wait_dma2 semaphore(%run_scoped3A : memref<!tpu.dma_semaphore, #tpu.memory_space<semaphore_mem>>) src(%dma_wait3A_74 : memref<8x128xi32, #tpu.memory_space<hbm>>) dst(%arg12 : memref<8x128xi32, #tpu.memory_space<vmem>>)
      tpu.yield
    }) : () -> ()
    "tpu.region"() ({
      %run_scoped3A = tpu.sem_alloc : memref<!tpu.dma_semaphore, #tpu.memory_space<semaphore_mem>>
      %dma_start3A = arith.constant 0 : i32
      %dma_start3A_69 = tpu.memref_slice %arg6[%add3A_43, %dma_start3A] : memref<1280x128xi32, #tpu.memory_space<hbm>> -> memref<8x128xi32, #tpu.memory_space<hbm>>
      %dma_start3A_70 = arith.constant 0 : i32
      %dma_start3A_71 = tpu.memref_slice %arg6[%add3A_43, %dma_start3A_70] : memref<1280x128xi32, #tpu.memory_space<hbm>> -> memref<8x128xi32, #tpu.memory_space<hbm>>
      tpu.enqueue_dma source(%dma_start3A_71 : memref<8x128xi32, #tpu.memory_space<hbm>>) target(%arg13 : memref<8x128xi32, #tpu.memory_space<vmem>>) target_semaphore(%run_scoped3A : memref<!tpu.dma_semaphore, #tpu.memory_space<semaphore_mem>>)
      %dma_wait3A = arith.constant 0 : i32
      %dma_wait3A_72 = tpu.memref_slice %arg6[%add3A_43, %dma_wait3A] : memref<1280x128xi32, #tpu.memory_space<hbm>> -> memref<8x128xi32, #tpu.memory_space<hbm>>
      %dma_wait3A_73 = arith.constant 0 : i32
      %dma_wait3A_74 = tpu.memref_slice %arg6[%add3A_43, %dma_wait3A_73] : memref<1280x128xi32, #tpu.memory_space<hbm>> -> memref<8x128xi32, #tpu.memory_space<hbm>>
      tpu.wait_dma2 semaphore(%run_scoped3A : memref<!tpu.dma_semaphore, #tpu.memory_space<semaphore_mem>>) src(%dma_wait3A_74 : memref<8x128xi32, #tpu.memory_space<hbm>>) dst(%arg13 : memref<8x128xi32, #tpu.memory_space<vmem>>)
      tpu.yield
    }) : () -> ()
    "tpu.region"() ({
      %run_scoped3A = tpu.sem_alloc : memref<!tpu.dma_semaphore, #tpu.memory_space<semaphore_mem>>
      %dma_start3A = arith.constant 0 : i32
      %dma_start3A_69 = tpu.memref_slice %arg7[%add3A_43, %dma_start3A] : memref<1280x128xi32, #tpu.memory_space<hbm>> -> memref<8x128xi32, #tpu.memory_space<hbm>>
      %dma_start3A_70 = arith.constant 0 : i32
      %dma_start3A_71 = tpu.memref_slice %arg7[%add3A_43, %dma_start3A_70] : memref<1280x128xi32, #tpu.memory_space<hbm>> -> memref<8x128xi32, #tpu.memory_space<hbm>>
      tpu.enqueue_dma source(%dma_start3A_71 : memref<8x128xi32, #tpu.memory_space<hbm>>) target(%arg14 : memref<8x128xi32, #tpu.memory_space<vmem>>) target_semaphore(%run_scoped3A : memref<!tpu.dma_semaphore, #tpu.memory_space<semaphore_mem>>)
      %dma_wait3A = arith.constant 0 : i32
      %dma_wait3A_72 = tpu.memref_slice %arg7[%add3A_43, %dma_wait3A] : memref<1280x128xi32, #tpu.memory_space<hbm>> -> memref<8x128xi32, #tpu.memory_space<hbm>>
      %dma_wait3A_73 = arith.constant 0 : i32
      %dma_wait3A_74 = tpu.memref_slice %arg7[%add3A_43, %dma_wait3A_73] : memref<1280x128xi32, #tpu.memory_space<hbm>> -> memref<8x128xi32, #tpu.memory_space<hbm>>
      tpu.wait_dma2 semaphore(%run_scoped3A : memref<!tpu.dma_semaphore, #tpu.memory_space<semaphore_mem>>) src(%dma_wait3A_74 : memref<8x128xi32, #tpu.memory_space<hbm>>) dst(%arg14 : memref<8x128xi32, #tpu.memory_space<vmem>>)
      tpu.yield
    }) : () -> ()
    %scan3A_44 = arith.constant 0 : i32
    %scan3A_45 = arith.constant 0 : i32
    %scan3A_46 = arith.constant 8 : i32
    %scan3A_47 = arith.addi %scan3A_45, %scan3A_46 : i32
    %scan3A_48 = arith.constant 1 : i32
    %scan3A_49 = scf.for %scan3A_69 = %scan3A_45 to %scan3A_47 step %scan3A_48 iter_args(%scan3A_70 = %scan3A_44) -> (i32)  : i32 {
      %dma_start3A = arith.constant 0 : i32
      %dma_start3A_71 = tpu.memref_slice %arg12[%scan3A_69, %dma_start3A] : memref<8x128xi32, #tpu.memory_space<vmem>> -> memref<1x128xi32, #tpu.memory_space<vmem>>
      %dma_start3A_72 = tpu.memref_squeeze %dma_start3A_71 : memref<1x128xi32, #tpu.memory_space<vmem>> -> memref<128xi32, #tpu.memory_space<vmem>>
      %dma_start3A_73 = arith.constant 0 : i32
      %dma_start3A_74 = arith.constant 0 : i32
      %dma_start3A_75 = tpu.memref_slice %arg18[%dma_start3A_73, %dma_start3A_74] : memref<10240x128xf32, #tpu.memory_space<vmem_shared>> -> memref<10240x128xf32, #tpu.memory_space<vmem_shared>>
      tpu.enqueue_indirect_dma source(%dma_start3A_75 : memref<10240x128xf32, #tpu.memory_space<vmem_shared>>) target(%arg15 : memref<128x128xf32, #tpu.memory_space<vmem>>) offsets(%dma_start3A_72 : memref<128xi32, #tpu.memory_space<vmem>>) semaphore(%arg17 : memref<!tpu.dma_semaphore, #tpu.memory_space<semaphore_mem>>)
      %dma_start3A_76 = arith.constant 0 : i32
      %dma_start3A_77 = tpu.memref_slice %arg13[%scan3A_69, %dma_start3A_76] : memref<8x128xi32, #tpu.memory_space<vmem>> -> memref<1x128xi32, #tpu.memory_space<vmem>>
      %dma_start3A_78 = tpu.memref_squeeze %dma_start3A_77 : memref<1x128xi32, #tpu.memory_space<vmem>> -> memref<128xi32, #tpu.memory_space<vmem>>
      %dma_start3A_79 = arith.constant 0 : i32
      %dma_start3A_80 = arith.constant 0 : i32
      %dma_start3A_81 = tpu.memref_slice %arg18[%dma_start3A_79, %dma_start3A_80] : memref<10240x128xf32, #tpu.memory_space<vmem_shared>> -> memref<10240x128xf32, #tpu.memory_space<vmem_shared>>
      tpu.enqueue_indirect_dma source(%dma_start3A_81 : memref<10240x128xf32, #tpu.memory_space<vmem_shared>>) target(%arg16 : memref<128x128xf32, #tpu.memory_space<vmem>>) offsets(%dma_start3A_78 : memref<128xi32, #tpu.memory_space<vmem>>) semaphore(%arg17 : memref<!tpu.dma_semaphore, #tpu.memory_space<semaphore_mem>>)
      %dma_wait3A = arith.constant 0 : i32
      %dma_wait3A_82 = tpu.memref_slice %arg12[%scan3A_69, %dma_wait3A] : memref<8x128xi32, #tpu.memory_space<vmem>> -> memref<1x128xi32, #tpu.memory_space<vmem>>
      %dma_wait3A_83 = tpu.memref_squeeze %dma_wait3A_82 : memref<1x128xi32, #tpu.memory_space<vmem>> -> memref<128xi32, #tpu.memory_space<vmem>>
      %dma_wait3A_84 = arith.constant 0 : i32
      %dma_wait3A_85 = arith.constant 0 : i32
      %dma_wait3A_86 = tpu.memref_slice %arg18[%dma_wait3A_84, %dma_wait3A_85] : memref<10240x128xf32, #tpu.memory_space<vmem_shared>> -> memref<10240x128xf32, #tpu.memory_space<vmem_shared>>
      tpu.wait_indirect_dma semaphore(%arg17 : memref<!tpu.dma_semaphore, #tpu.memory_space<semaphore_mem>>) src(%dma_wait3A_86 : memref<10240x128xf32, #tpu.memory_space<vmem_shared>>) dst(%arg15 : memref<128x128xf32, #tpu.memory_space<vmem>>)
      %dma_wait3A_87 = arith.constant 0 : i32
      %dma_wait3A_88 = tpu.memref_slice %arg13[%scan3A_69, %dma_wait3A_87] : memref<8x128xi32, #tpu.memory_space<vmem>> -> memref<1x128xi32, #tpu.memory_space<vmem>>
      %dma_wait3A_89 = tpu.memref_squeeze %dma_wait3A_88 : memref<1x128xi32, #tpu.memory_space<vmem>> -> memref<128xi32, #tpu.memory_space<vmem>>
      %dma_wait3A_90 = arith.constant 0 : i32
      %dma_wait3A_91 = arith.constant 0 : i32
      %dma_wait3A_92 = tpu.memref_slice %arg18[%dma_wait3A_90, %dma_wait3A_91] : memref<10240x128xf32, #tpu.memory_space<vmem_shared>> -> memref<10240x128xf32, #tpu.memory_space<vmem_shared>>
      tpu.wait_indirect_dma semaphore(%arg17 : memref<!tpu.dma_semaphore, #tpu.memory_space<semaphore_mem>>) src(%dma_wait3A_92 : memref<10240x128xf32, #tpu.memory_space<vmem_shared>>) dst(%arg16 : memref<128x128xf32, #tpu.memory_space<vmem>>)
      %scan3A_93 = arith.constant 0 : i32
      %scan3A_94 = arith.constant 0 : i32
      %scan3A_95 = arith.constant 128 : i32
      %scan3A_96 = arith.addi %scan3A_94, %scan3A_95 : i32
      %scan3A_97 = arith.constant 1 : i32
      %scan3A_98 = scf.for %scan3A_123 = %scan3A_94 to %scan3A_96 step %scan3A_97 iter_args(%scan3A_124 = %scan3A_93) -> (i32)  : i32 {
        %get3A = arith.index_cast %scan3A_123 : i32 to index
        %get3A_125 = arith.constant 0 : index
        %get3A_126 = tpu.vector_load %arg15[%get3A, %get3A_125] {strides = array<i32>} : memref<128x128xf32, #tpu.memory_space<vmem>>, vector<1x16xf32>,
        %get3A_127 = vector.shape_cast %get3A_126 : vector<1x16xf32> to vector<16xf32>
        %get3A_128 = arith.index_cast %scan3A_123 : i32 to index
        %get3A_129 = arith.constant 0 : index
        %get3A_130 = tpu.vector_load %arg16[%get3A_128, %get3A_129] {strides = array<i32>} : memref<128x128xf32, #tpu.memory_space<vmem>>, vector<1x16xf32>,
        %get3A_131 = vector.shape_cast %get3A_130 : vector<1x16xf32> to vector<16xf32>
        %mul3A_132 = arith.mulf %get3A_127, %get3A_131 : vector<16xf32>
        %swap3A = arith.index_cast %scan3A_123 : i32 to index
        %swap3A_133 = arith.constant 0 : index
        %swap3A_134 = tpu.vector_load %arg15[%swap3A, %swap3A_133] {strides = array<i32>} : memref<128x128xf32, #tpu.memory_space<vmem>>, vector<1x16xf32>,
        %swap3A_135 = vector.shape_cast %swap3A_134 : vector<1x16xf32> to vector<16xf32>
        %swap3A_136 = vector.shape_cast %mul3A_132 : vector<16xf32> to vector<1x16xf32>
        tpu.vector_store %arg15[%swap3A, %swap3A_133], %swap3A_136 {strides = array<i32>} : memref<128x128xf32, #tpu.memory_space<vmem>>, vector<1x16xf32>,
        %get3A_137 = arith.index_cast %scan3A_123 : i32 to index
        %get3A_138 = arith.constant 16 : index
        %get3A_139 = tpu.vector_load %arg15[%get3A_137, %get3A_138] {strides = array<i32>} : memref<128x128xf32, #tpu.memory_space<vmem>>, vector<1x16xf32>,
        %get3A_140 = vector.shape_cast %get3A_139 : vector<1x16xf32> to vector<16xf32>
        %get3A_141 = arith.index_cast %scan3A_123 : i32 to index
        %get3A_142 = arith.constant 16 : index
        %get3A_143 = tpu.vector_load %arg16[%get3A_141, %get3A_142] {strides = array<i32>} : memref<128x128xf32, #tpu.memory_space<vmem>>, vector<1x16xf32>,
        %get3A_144 = vector.shape_cast %get3A_143 : vector<1x16xf32> to vector<16xf32>
        %mul3A_145 = arith.mulf %get3A_140, %get3A_144 : vector<16xf32>
        %swap3A_146 = arith.index_cast %scan3A_123 : i32 to index
        %swap3A_147 = arith.constant 16 : index
        %swap3A_148 = tpu.vector_load %arg15[%swap3A_146, %swap3A_147] {strides = array<i32>} : memref<128x128xf32, #tpu.memory_space<vmem>>, vector<1x16xf32>,
        %swap3A_149 = vector.shape_cast %swap3A_148 : vector<1x16xf32> to vector<16xf32>
        %swap3A_150 = vector.shape_cast %mul3A_145 : vector<16xf32> to vector<1x16xf32>
        tpu.vector_store %arg15[%swap3A_146, %swap3A_147], %swap3A_150 {strides = array<i32>} : memref<128x128xf32, #tpu.memory_space<vmem>>, vector<1x16xf32>,
        %get3A_151 = arith.index_cast %scan3A_123 : i32 to index
        %get3A_152 = arith.constant 32 : index
        %get3A_153 = tpu.vector_load %arg15[%get3A_151, %get3A_152] {strides = array<i32>} : memref<128x128xf32, #tpu.memory_space<vmem>>, vector<1x16xf32>,
        %get3A_154 = vector.shape_cast %get3A_153 : vector<1x16xf32> to vector<16xf32>
        %get3A_155 = arith.index_cast %scan3A_123 : i32 to index
        %get3A_156 = arith.constant 32 : index
        %get3A_157 = tpu.vector_load %arg16[%get3A_155, %get3A_156] {strides = array<i32>} : memref<128x128xf32, #tpu.memory_space<vmem>>, vector<1x16xf32>,
        %get3A_158 = vector.shape_cast %get3A_157 : vector<1x16xf32> to vector<16xf32>
        %mul3A_159 = arith.mulf %get3A_154, %get3A_158 : vector<16xf32>
        %swap3A_160 = arith.index_cast %scan3A_123 : i32 to index
        %swap3A_161 = arith.constant 32 : index
        %swap3A_162 = tpu.vector_load %arg15[%swap3A_160, %swap3A_161] {strides = array<i32>} : memref<128x128xf32, #tpu.memory_space<vmem>>, vector<1x16xf32>,
        %swap3A_163 = vector.shape_cast %swap3A_162 : vector<1x16xf32> to vector<16xf32>
        %swap3A_164 = vector.shape_cast %mul3A_159 : vector<16xf32> to vector<1x16xf32>
        tpu.vector_store %arg15[%swap3A_160, %swap3A_161], %swap3A_164 {strides = array<i32>} : memref<128x128xf32, #tpu.memory_space<vmem>>, vector<1x16xf32>,
        %get3A_165 = arith.index_cast %scan3A_123 : i32 to index
        %get3A_166 = arith.constant 48 : index
        %get3A_167 = tpu.vector_load %arg15[%get3A_165, %get3A_166] {strides = array<i32>} : memref<128x128xf32, #tpu.memory_space<vmem>>, vector<1x16xf32>,
        %get3A_168 = vector.shape_cast %get3A_167 : vector<1x16xf32> to vector<16xf32>
        %get3A_169 = arith.index_cast %scan3A_123 : i32 to index
        %get3A_170 = arith.constant 48 : index
        %get3A_171 = tpu.vector_load %arg16[%get3A_169, %get3A_170] {strides = array<i32>} : memref<128x128xf32, #tpu.memory_space<vmem>>, vector<1x16xf32>,
        %get3A_172 = vector.shape_cast %get3A_171 : vector<1x16xf32> to vector<16xf32>
        %mul3A_173 = arith.mulf %get3A_168, %get3A_172 : vector<16xf32>
        %swap3A_174 = arith.index_cast %scan3A_123 : i32 to index
        %swap3A_175 = arith.constant 48 : index
        %swap3A_176 = tpu.vector_load %arg15[%swap3A_174, %swap3A_175] {strides = array<i32>} : memref<128x128xf32, #tpu.memory_space<vmem>>, vector<1x16xf32>,
        %swap3A_177 = vector.shape_cast %swap3A_176 : vector<1x16xf32> to vector<16xf32>
        %swap3A_178 = vector.shape_cast %mul3A_173 : vector<16xf32> to vector<1x16xf32>
        tpu.vector_store %arg15[%swap3A_174, %swap3A_175], %swap3A_178 {strides = array<i32>} : memref<128x128xf32, #tpu.memory_space<vmem>>, vector<1x16xf32>,
        %get3A_179 = arith.index_cast %scan3A_123 : i32 to index
        %get3A_180 = arith.constant 64 : index
        %get3A_181 = tpu.vector_load %arg15[%get3A_179, %get3A_180] {strides = array<i32>} : memref<128x128xf32, #tpu.memory_space<vmem>>, vector<1x16xf32>,
        %get3A_182 = vector.shape_cast %get3A_181 : vector<1x16xf32> to vector<16xf32>
        %get3A_183 = arith.index_cast %scan3A_123 : i32 to index
        %get3A_184 = arith.constant 64 : index
        %get3A_185 = tpu.vector_load %arg16[%get3A_183, %get3A_184] {strides = array<i32>} : memref<128x128xf32, #tpu.memory_space<vmem>>, vector<1x16xf32>,
        %get3A_186 = vector.shape_cast %get3A_185 : vector<1x16xf32> to vector<16xf32>
        %mul3A_187 = arith.mulf %get3A_182, %get3A_186 : vector<16xf32>
        %swap3A_188 = arith.index_cast %scan3A_123 : i32 to index
        %swap3A_189 = arith.constant 64 : index
        %swap3A_190 = tpu.vector_load %arg15[%swap3A_188, %swap3A_189] {strides = array<i32>} : memref<128x128xf32, #tpu.memory_space<vmem>>, vector<1x16xf32>,
        %swap3A_191 = vector.shape_cast %swap3A_190 : vector<1x16xf32> to vector<16xf32>
        %swap3A_192 = vector.shape_cast %mul3A_187 : vector<16xf32> to vector<1x16xf32>
        tpu.vector_store %arg15[%swap3A_188, %swap3A_189], %swap3A_192 {strides = array<i32>} : memref<128x128xf32, #tpu.memory_space<vmem>>, vector<1x16xf32>,
        %get3A_193 = arith.index_cast %scan3A_123 : i32 to index
        %get3A_194 = arith.constant 80 : index
        %get3A_195 = tpu.vector_load %arg15[%get3A_193, %get3A_194] {strides = array<i32>} : memref<128x128xf32, #tpu.memory_space<vmem>>, vector<1x16xf32>,
        %get3A_196 = vector.shape_cast %get3A_195 : vector<1x16xf32> to vector<16xf32>
        %get3A_197 = arith.index_cast %scan3A_123 : i32 to index
        %get3A_198 = arith.constant 80 : index
        %get3A_199 = tpu.vector_load %arg16[%get3A_197, %get3A_198] {strides = array<i32>} : memref<128x128xf32, #tpu.memory_space<vmem>>, vector<1x16xf32>,
        %get3A_200 = vector.shape_cast %get3A_199 : vector<1x16xf32> to vector<16xf32>
        %mul3A_201 = arith.mulf %get3A_196, %get3A_200 : vector<16xf32>
        %swap3A_202 = arith.index_cast %scan3A_123 : i32 to index
        %swap3A_203 = arith.constant 80 : index
        %swap3A_204 = tpu.vector_load %arg15[%swap3A_202, %swap3A_203] {strides = array<i32>} : memref<128x128xf32, #tpu.memory_space<vmem>>, vector<1x16xf32>,
        %swap3A_205 = vector.shape_cast %swap3A_204 : vector<1x16xf32> to vector<16xf32>
        %swap3A_206 = vector.shape_cast %mul3A_201 : vector<16xf32> to vector<1x16xf32>
        tpu.vector_store %arg15[%swap3A_202, %swap3A_203], %swap3A_206 {strides = array<i32>} : memref<128x128xf32, #tpu.memory_space<vmem>>, vector<1x16xf32>,
        %get3A_207 = arith.index_cast %scan3A_123 : i32 to index
        %get3A_208 = arith.constant 96 : index
        %get3A_209 = tpu.vector_load %arg15[%get3A_207, %get3A_208] {strides = array<i32>} : memref<128x128xf32, #tpu.memory_space<vmem>>, vector<1x16xf32>,
        %get3A_210 = vector.shape_cast %get3A_209 : vector<1x16xf32> to vector<16xf32>
        %get3A_211 = arith.index_cast %scan3A_123 : i32 to index
        %get3A_212 = arith.constant 96 : index
        %get3A_213 = tpu.vector_load %arg16[%get3A_211, %get3A_212] {strides = array<i32>} : memref<128x128xf32, #tpu.memory_space<vmem>>, vector<1x16xf32>,
        %get3A_214 = vector.shape_cast %get3A_213 : vector<1x16xf32> to vector<16xf32>
        %mul3A_215 = arith.mulf %get3A_210, %get3A_214 : vector<16xf32>
        %swap3A_216 = arith.index_cast %scan3A_123 : i32 to index
        %swap3A_217 = arith.constant 96 : index
        %swap3A_218 = tpu.vector_load %arg15[%swap3A_216, %swap3A_217] {strides = array<i32>} : memref<128x128xf32, #tpu.memory_space<vmem>>, vector<1x16xf32>,
        %swap3A_219 = vector.shape_cast %swap3A_218 : vector<1x16xf32> to vector<16xf32>
        %swap3A_220 = vector.shape_cast %mul3A_215 : vector<16xf32> to vector<1x16xf32>
        tpu.vector_store %arg15[%swap3A_216, %swap3A_217], %swap3A_220 {strides = array<i32>} : memref<128x128xf32, #tpu.memory_space<vmem>>, vector<1x16xf32>,
        %get3A_221 = arith.index_cast %scan3A_123 : i32 to index
        %get3A_222 = arith.constant 112 : index
        %get3A_223 = tpu.vector_load %arg15[%get3A_221, %get3A_222] {strides = array<i32>} : memref<128x128xf32, #tpu.memory_space<vmem>>, vector<1x16xf32>,
        %get3A_224 = vector.shape_cast %get3A_223 : vector<1x16xf32> to vector<16xf32>
        %get3A_225 = arith.index_cast %scan3A_123 : i32 to index
        %get3A_226 = arith.constant 112 : index
        %get3A_227 = tpu.vector_load %arg16[%get3A_225, %get3A_226] {strides = array<i32>} : memref<128x128xf32, #tpu.memory_space<vmem>>, vector<1x16xf32>,
        %get3A_228 = vector.shape_cast %get3A_227 : vector<1x16xf32> to vector<16xf32>
        %mul3A_229 = arith.mulf %get3A_224, %get3A_228 : vector<16xf32>
        %swap3A_230 = arith.index_cast %scan3A_123 : i32 to index
        %swap3A_231 = arith.constant 112 : index
        %swap3A_232 = tpu.vector_load %arg15[%swap3A_230, %swap3A_231] {strides = array<i32>} : memref<128x128xf32, #tpu.memory_space<vmem>>, vector<1x16xf32>,
        %swap3A_233 = vector.shape_cast %swap3A_232 : vector<1x16xf32> to vector<16xf32>
        %swap3A_234 = vector.shape_cast %mul3A_229 : vector<16xf32> to vector<1x16xf32>
        tpu.vector_store %arg15[%swap3A_230, %swap3A_231], %swap3A_234 {strides = array<i32>} : memref<128x128xf32, #tpu.memory_space<vmem>>, vector<1x16xf32>,
        %scan3A_235 = arith.constant 0 : i32
        scf.yield %scan3A_235 : i32
      }
      %scan3A_99 = arith.constant 128 : i32
      %dma_start3A_100 = arith.constant 0 : i32
      %dma_start3A_101 = tpu.memref_slice %arg14[%scan3A_69, %dma_start3A_100] : memref<8x128xi32, #tpu.memory_space<vmem>> -> memref<1x128xi32, #tpu.memory_space<vmem>>
      %dma_start3A_102 = tpu.memref_squeeze %dma_start3A_101 : memref<1x128xi32, #tpu.memory_space<vmem>> -> memref<128xi32, #tpu.memory_space<vmem>>
      %dma_start3A_103 = arith.constant 0 : i32
      %dma_start3A_104 = arith.constant 0 : i32
      %dma_start3A_105 = tpu.memref_slice %arg18[%dma_start3A_103, %dma_start3A_104] : memref<10240x128xf32, #tpu.memory_space<vmem_shared>> -> memref<10240x128xf32, #tpu.memory_space<vmem_shared>>
      tpu.enqueue_indirect_dma source(%dma_start3A_105 : memref<10240x128xf32, #tpu.memory_space<vmem_shared>>) target(%arg16 : memref<128x128xf32, #tpu.memory_space<vmem>>) offsets(%dma_start3A_102 : memref<128xi32, #tpu.memory_space<vmem>>) semaphore(%arg17 : memref<!tpu.dma_semaphore, #tpu.memory_space<semaphore_mem>>)
      %dma_wait3A_106 = arith.constant 0 : i32
      %dma_wait3A_107 = tpu.memref_slice %arg14[%scan3A_69, %dma_wait3A_106] : memref<8x128xi32, #tpu.memory_space<vmem>> -> memref<1x128xi32, #tpu.memory_space<vmem>>
      %dma_wait3A_108 = tpu.memref_squeeze %dma_wait3A_107 : memref<1x128xi32, #tpu.memory_space<vmem>> -> memref<128xi32, #tpu.memory_space<vmem>>
      %dma_wait3A_109 = arith.constant 0 : i32
      %dma_wait3A_110 = arith.constant 0 : i32
      %dma_wait3A_111 = tpu.memref_slice %arg18[%dma_wait3A_109, %dma_wait3A_110] : memref<10240x128xf32, #tpu.memory_space<vmem_shared>> -> memref<10240x128xf32, #tpu.memory_space<vmem_shared>>
      tpu.wait_indirect_dma semaphore(%arg17 : memref<!tpu.dma_semaphore, #tpu.memory_space<semaphore_mem>>) src(%dma_wait3A_111 : memref<10240x128xf32, #tpu.memory_space<vmem_shared>>) dst(%arg16 : memref<128x128xf32, #tpu.memory_space<vmem>>)
      %scan3A_112 = arith.constant 0 : i32
      %scan3A_113 = arith.constant 0 : i32
      %scan3A_114 = arith.constant 128 : i32
      %scan3A_115 = arith.addi %scan3A_113, %scan3A_114 : i32
      %scan3A_116 = arith.constant 1 : i32
      %scan3A_117 = scf.for %scan3A_123 = %scan3A_113 to %scan3A_115 step %scan3A_116 iter_args(%scan3A_124 = %scan3A_112) -> (i32)  : i32 {
        %get3A = arith.index_cast %scan3A_123 : i32 to index
        %get3A_125 = arith.constant 0 : index
        %get3A_126 = tpu.vector_load %arg15[%get3A, %get3A_125] {strides = array<i32>} : memref<128x128xf32, #tpu.memory_space<vmem>>, vector<1x16xf32>,
        %get3A_127 = vector.shape_cast %get3A_126 : vector<1x16xf32> to vector<16xf32>
        %get3A_128 = arith.index_cast %scan3A_123 : i32 to index
        %get3A_129 = arith.constant 0 : index
        %get3A_130 = tpu.vector_load %arg16[%get3A_128, %get3A_129] {strides = array<i32>} : memref<128x128xf32, #tpu.memory_space<vmem>>, vector<1x16xf32>,
        %get3A_131 = vector.shape_cast %get3A_130 : vector<1x16xf32> to vector<16xf32>
        %mul3A_132 = arith.mulf %get3A_127, %get3A_131 : vector<16xf32>
        %swap3A = arith.index_cast %scan3A_123 : i32 to index
        %swap3A_133 = arith.constant 0 : index
        %swap3A_134 = tpu.vector_load %arg15[%swap3A, %swap3A_133] {strides = array<i32>} : memref<128x128xf32, #tpu.memory_space<vmem>>, vector<1x16xf32>,
        %swap3A_135 = vector.shape_cast %swap3A_134 : vector<1x16xf32> to vector<16xf32>
        %swap3A_136 = vector.shape_cast %mul3A_132 : vector<16xf32> to vector<1x16xf32>
        tpu.vector_store %arg15[%swap3A, %swap3A_133], %swap3A_136 {strides = array<i32>} : memref<128x128xf32, #tpu.memory_space<vmem>>, vector<1x16xf32>,
        %get3A_137 = arith.index_cast %scan3A_123 : i32 to index
        %get3A_138 = arith.constant 16 : index
        %get3A_139 = tpu.vector_load %arg15[%get3A_137, %get3A_138] {strides = array<i32>} : memref<128x128xf32, #tpu.memory_space<vmem>>, vector<1x16xf32>,
        %get3A_140 = vector.shape_cast %get3A_139 : vector<1x16xf32> to vector<16xf32>
        %get3A_141 = arith.index_cast %scan3A_123 : i32 to index
        %get3A_142 = arith.constant 16 : index
        %get3A_143 = tpu.vector_load %arg16[%get3A_141, %get3A_142] {strides = array<i32>} : memref<128x128xf32, #tpu.memory_space<vmem>>, vector<1x16xf32>,
        %get3A_144 = vector.shape_cast %get3A_143 : vector<1x16xf32> to vector<16xf32>
        %mul3A_145 = arith.mulf %get3A_140, %get3A_144 : vector<16xf32>
        %swap3A_146 = arith.index_cast %scan3A_123 : i32 to index
        %swap3A_147 = arith.constant 16 : index
        %swap3A_148 = tpu.vector_load %arg15[%swap3A_146, %swap3A_147] {strides = array<i32>} : memref<128x128xf32, #tpu.memory_space<vmem>>, vector<1x16xf32>,
        %swap3A_149 = vector.shape_cast %swap3A_148 : vector<1x16xf32> to vector<16xf32>
        %swap3A_150 = vector.shape_cast %mul3A_145 : vector<16xf32> to vector<1x16xf32>
        tpu.vector_store %arg15[%swap3A_146, %swap3A_147], %swap3A_150 {strides = array<i32>} : memref<128x128xf32, #tpu.memory_space<vmem>>, vector<1x16xf32>,
        %get3A_151 = arith.index_cast %scan3A_123 : i32 to index
        %get3A_152 = arith.constant 32 : index
        %get3A_153 = tpu.vector_load %arg15[%get3A_151, %get3A_152] {strides = array<i32>} : memref<128x128xf32, #tpu.memory_space<vmem>>, vector<1x16xf32>,
        %get3A_154 = vector.shape_cast %get3A_153 : vector<1x16xf32> to vector<16xf32>
        %get3A_155 = arith.index_cast %scan3A_123 : i32 to index
        %get3A_156 = arith.constant 32 : index
        %get3A_157 = tpu.vector_load %arg16[%get3A_155, %get3A_156] {strides = array<i32>} : memref<128x128xf32, #tpu.memory_space<vmem>>, vector<1x16xf32>,
        %get3A_158 = vector.shape_cast %get3A_157 : vector<1x16xf32> to vector<16xf32>
        %mul3A_159 = arith.mulf %get3A_154, %get3A_158 : vector<16xf32>
        %swap3A_160 = arith.index_cast %scan3A_123 : i32 to index
        %swap3A_161 = arith.constant 32 : index
        %swap3A_162 = tpu.vector_load %arg15[%swap3A_160, %swap3A_161] {strides = array<i32>} : memref<128x128xf32, #tpu.memory_space<vmem>>, vector<1x16xf32>,
        %swap3A_163 = vector.shape_cast %swap3A_162 : vector<1x16xf32> to vector<16xf32>
        %swap3A_164 = vector.shape_cast %mul3A_159 : vector<16xf32> to vector<1x16xf32>
        tpu.vector_store %arg15[%swap3A_160, %swap3A_161], %swap3A_164 {strides = array<i32>} : memref<128x128xf32, #tpu.memory_space<vmem>>, vector<1x16xf32>,
        %get3A_165 = arith.index_cast %scan3A_123 : i32 to index
        %get3A_166 = arith.constant 48 : index
        %get3A_167 = tpu.vector_load %arg15[%get3A_165, %get3A_166] {strides = array<i32>} : memref<128x128xf32, #tpu.memory_space<vmem>>, vector<1x16xf32>,
        %get3A_168 = vector.shape_cast %get3A_167 : vector<1x16xf32> to vector<16xf32>
        %get3A_169 = arith.index_cast %scan3A_123 : i32 to index
        %get3A_170 = arith.constant 48 : index
        %get3A_171 = tpu.vector_load %arg16[%get3A_169, %get3A_170] {strides = array<i32>} : memref<128x128xf32, #tpu.memory_space<vmem>>, vector<1x16xf32>,
        %get3A_172 = vector.shape_cast %get3A_171 : vector<1x16xf32> to vector<16xf32>
        %mul3A_173 = arith.mulf %get3A_168, %get3A_172 : vector<16xf32>
        %swap3A_174 = arith.index_cast %scan3A_123 : i32 to index
        %swap3A_175 = arith.constant 48 : index
        %swap3A_176 = tpu.vector_load %arg15[%swap3A_174, %swap3A_175] {strides = array<i32>} : memref<128x128xf32, #tpu.memory_space<vmem>>, vector<1x16xf32>,
        %swap3A_177 = vector.shape_cast %swap3A_176 : vector<1x16xf32> to vector<16xf32>
        %swap3A_178 = vector.shape_cast %mul3A_173 : vector<16xf32> to vector<1x16xf32>
        tpu.vector_store %arg15[%swap3A_174, %swap3A_175], %swap3A_178 {strides = array<i32>} : memref<128x128xf32, #tpu.memory_space<vmem>>, vector<1x16xf32>,
        %get3A_179 = arith.index_cast %scan3A_123 : i32 to index
        %get3A_180 = arith.constant 64 : index
        %get3A_181 = tpu.vector_load %arg15[%get3A_179, %get3A_180] {strides = array<i32>} : memref<128x128xf32, #tpu.memory_space<vmem>>, vector<1x16xf32>,
        %get3A_182 = vector.shape_cast %get3A_181 : vector<1x16xf32> to vector<16xf32>
        %get3A_183 = arith.index_cast %scan3A_123 : i32 to index
        %get3A_184 = arith.constant 64 : index
        %get3A_185 = tpu.vector_load %arg16[%get3A_183, %get3A_184] {strides = array<i32>} : memref<128x128xf32, #tpu.memory_space<vmem>>, vector<1x16xf32>,
        %get3A_186 = vector.shape_cast %get3A_185 : vector<1x16xf32> to vector<16xf32>
        %mul3A_187 = arith.mulf %get3A_182, %get3A_186 : vector<16xf32>
        %swap3A_188 = arith.index_cast %scan3A_123 : i32 to index
        %swap3A_189 = arith.constant 64 : index
        %swap3A_190 = tpu.vector_load %arg15[%swap3A_188, %swap3A_189] {strides = array<i32>} : memref<128x128xf32, #tpu.memory_space<vmem>>, vector<1x16xf32>,
        %swap3A_191 = vector.shape_cast %swap3A_190 : vector<1x16xf32> to vector<16xf32>
        %swap3A_192 = vector.shape_cast %mul3A_187 : vector<16xf32> to vector<1x16xf32>
        tpu.vector_store %arg15[%swap3A_188, %swap3A_189], %swap3A_192 {strides = array<i32>} : memref<128x128xf32, #tpu.memory_space<vmem>>, vector<1x16xf32>,
        %get3A_193 = arith.index_cast %scan3A_123 : i32 to index
        %get3A_194 = arith.constant 80 : index
        %get3A_195 = tpu.vector_load %arg15[%get3A_193, %get3A_194] {strides = array<i32>} : memref<128x128xf32, #tpu.memory_space<vmem>>, vector<1x16xf32>,
        %get3A_196 = vector.shape_cast %get3A_195 : vector<1x16xf32> to vector<16xf32>
        %get3A_197 = arith.index_cast %scan3A_123 : i32 to index
        %get3A_198 = arith.constant 80 : index
        %get3A_199 = tpu.vector_load %arg16[%get3A_197, %get3A_198] {strides = array<i32>} : memref<128x128xf32, #tpu.memory_space<vmem>>, vector<1x16xf32>,
        %get3A_200 = vector.shape_cast %get3A_199 : vector<1x16xf32> to vector<16xf32>
        %mul3A_201 = arith.mulf %get3A_196, %get3A_200 : vector<16xf32>
        %swap3A_202 = arith.index_cast %scan3A_123 : i32 to index
        %swap3A_203 = arith.constant 80 : index
        %swap3A_204 = tpu.vector_load %arg15[%swap3A_202, %swap3A_203] {strides = array<i32>} : memref<128x128xf32, #tpu.memory_space<vmem>>, vector<1x16xf32>,
        %swap3A_205 = vector.shape_cast %swap3A_204 : vector<1x16xf32> to vector<16xf32>
        %swap3A_206 = vector.shape_cast %mul3A_201 : vector<16xf32> to vector<1x16xf32>
        tpu.vector_store %arg15[%swap3A_202, %swap3A_203], %swap3A_206 {strides = array<i32>} : memref<128x128xf32, #tpu.memory_space<vmem>>, vector<1x16xf32>,
        %get3A_207 = arith.index_cast %scan3A_123 : i32 to index
        %get3A_208 = arith.constant 96 : index
        %get3A_209 = tpu.vector_load %arg15[%get3A_207, %get3A_208] {strides = array<i32>} : memref<128x128xf32, #tpu.memory_space<vmem>>, vector<1x16xf32>,
        %get3A_210 = vector.shape_cast %get3A_209 : vector<1x16xf32> to vector<16xf32>
        %get3A_211 = arith.index_cast %scan3A_123 : i32 to index
        %get3A_212 = arith.constant 96 : index
        %get3A_213 = tpu.vector_load %arg16[%get3A_211, %get3A_212] {strides = array<i32>} : memref<128x128xf32, #tpu.memory_space<vmem>>, vector<1x16xf32>,
        %get3A_214 = vector.shape_cast %get3A_213 : vector<1x16xf32> to vector<16xf32>
        %mul3A_215 = arith.mulf %get3A_210, %get3A_214 : vector<16xf32>
        %swap3A_216 = arith.index_cast %scan3A_123 : i32 to index
        %swap3A_217 = arith.constant 96 : index
        %swap3A_218 = tpu.vector_load %arg15[%swap3A_216, %swap3A_217] {strides = array<i32>} : memref<128x128xf32, #tpu.memory_space<vmem>>, vector<1x16xf32>,
        %swap3A_219 = vector.shape_cast %swap3A_218 : vector<1x16xf32> to vector<16xf32>
        %swap3A_220 = vector.shape_cast %mul3A_215 : vector<16xf32> to vector<1x16xf32>
        tpu.vector_store %arg15[%swap3A_216, %swap3A_217], %swap3A_220 {strides = array<i32>} : memref<128x128xf32, #tpu.memory_space<vmem>>, vector<1x16xf32>,
        %get3A_221 = arith.index_cast %scan3A_123 : i32 to index
        %get3A_222 = arith.constant 112 : index
        %get3A_223 = tpu.vector_load %arg15[%get3A_221, %get3A_222] {strides = array<i32>} : memref<128x128xf32, #tpu.memory_space<vmem>>, vector<1x16xf32>,
        %get3A_224 = vector.shape_cast %get3A_223 : vector<1x16xf32> to vector<16xf32>
        %get3A_225 = arith.index_cast %scan3A_123 : i32 to index
        %get3A_226 = arith.constant 112 : index
        %get3A_227 = tpu.vector_load %arg16[%get3A_225, %get3A_226] {strides = array<i32>} : memref<128x128xf32, #tpu.memory_space<vmem>>, vector<1x16xf32>,
        %get3A_228 = vector.shape_cast %get3A_227 : vector<1x16xf32> to vector<16xf32>
        %mul3A_229 = arith.mulf %get3A_224, %get3A_228 : vector<16xf32>
        %swap3A_230 = arith.index_cast %scan3A_123 : i32 to index
        %swap3A_231 = arith.constant 112 : index
        %swap3A_232 = tpu.vector_load %arg15[%swap3A_230, %swap3A_231] {strides = array<i32>} : memref<128x128xf32, #tpu.memory_space<vmem>>, vector<1x16xf32>,
        %swap3A_233 = vector.shape_cast %swap3A_232 : vector<1x16xf32> to vector<16xf32>
        %swap3A_234 = vector.shape_cast %mul3A_229 : vector<16xf32> to vector<1x16xf32>
        tpu.vector_store %arg15[%swap3A_230, %swap3A_231], %swap3A_234 {strides = array<i32>} : memref<128x128xf32, #tpu.memory_space<vmem>>, vector<1x16xf32>,
        %scan3A_235 = arith.constant 0 : i32
        scf.yield %scan3A_235 : i32
      }
      %scan3A_118 = arith.constant 128 : i32
      %add3A_119 = arith.addi %add3A_43, %scan3A_69 : i32
      %mul3A_120 = arith.constant 128 : i32
      %mul3A_121 = arith.muli %add3A_119, %mul3A_120 : i32
      "tpu.region"() ({
        %run_scoped3A = tpu.sem_alloc : memref<!tpu.dma_semaphore, #tpu.memory_space<semaphore_mem>>
        %dma_start3A_123 = arith.constant 0 : i32
        %dma_start3A_124 = tpu.memref_slice %arg9[%mul3A_121, %dma_start3A_123] : memref<163840x128xf32, #tpu.memory_space<hbm>> -> memref<128x128xf32, #tpu.memory_space<hbm>>
        %dma_start3A_125 = arith.constant 0 : i32
        %dma_start3A_126 = tpu.memref_slice %arg9[%mul3A_121, %dma_start3A_125] : memref<163840x128xf32, #tpu.memory_space<hbm>> -> memref<128x128xf32, #tpu.memory_space<hbm>>
        tpu.enqueue_dma source(%arg15 : memref<128x128xf32, #tpu.memory_space<vmem>>) target(%dma_start3A_126 : memref<128x128xf32, #tpu.memory_space<hbm>>) target_semaphore(%run_scoped3A : memref<!tpu.dma_semaphore, #tpu.memory_space<semaphore_mem>>)
        %dma_wait3A_127 = arith.constant 0 : i32
        %dma_wait3A_128 = tpu.memref_slice %arg9[%mul3A_121, %dma_wait3A_127] : memref<163840x128xf32, #tpu.memory_space<hbm>> -> memref<128x128xf32, #tpu.memory_space<hbm>>
        %dma_wait3A_129 = arith.constant 0 : i32
        %dma_wait3A_130 = tpu.memref_slice %arg9[%mul3A_121, %dma_wait3A_129] : memref<163840x128xf32, #tpu.memory_space<hbm>> -> memref<128x128xf32, #tpu.memory_space<hbm>>
        tpu.wait_dma2 semaphore(%run_scoped3A : memref<!tpu.dma_semaphore, #tpu.memory_space<semaphore_mem>>) src(%arg15 : memref<128x128xf32, #tpu.memory_space<vmem>>) dst(%dma_wait3A_130 : memref<128x128xf32, #tpu.memory_space<hbm>>)
        tpu.yield
      }) : () -> ()
      %scan3A_122 = arith.constant 0 : i32
      scf.yield %scan3A_122 : i32
    }
    %scan3A_50 = arith.constant 8 : i32
    %add3A_51 = arith.constant 24 : i32
    %add3A_52 = arith.addi %mul3A_23, %add3A_51 : i32
    "tpu.region"() ({
      %run_scoped3A = tpu.sem_alloc : memref<!tpu.dma_semaphore, #tpu.memory_space<semaphore_mem>>
      %dma_start3A = arith.constant 0 : i32
      %dma_start3A_69 = tpu.memref_slice %arg5[%add3A_52, %dma_start3A] : memref<1280x128xi32, #tpu.memory_space<hbm>> -> memref<8x128xi32, #tpu.memory_space<hbm>>
      %dma_start3A_70 = arith.constant 0 : i32
      %dma_start3A_71 = tpu.memref_slice %arg5[%add3A_52, %dma_start3A_70] : memref<1280x128xi32, #tpu.memory_space<hbm>> -> memref<8x128xi32, #tpu.memory_space<hbm>>
      tpu.enqueue_dma source(%dma_start3A_71 : memref<8x128xi32, #tpu.memory_space<hbm>>) target(%arg12 : memref<8x128xi32, #tpu.memory_space<vmem>>) target_semaphore(%run_scoped3A : memref<!tpu.dma_semaphore, #tpu.memory_space<semaphore_mem>>)
      %dma_wait3A = arith.constant 0 : i32
      %dma_wait3A_72 = tpu.memref_slice %arg5[%add3A_52, %dma_wait3A] : memref<1280x128xi32, #tpu.memory_space<hbm>> -> memref<8x128xi32, #tpu.memory_space<hbm>>
      %dma_wait3A_73 = arith.constant 0 : i32
      %dma_wait3A_74 = tpu.memref_slice %arg5[%add3A_52, %dma_wait3A_73] : memref<1280x128xi32, #tpu.memory_space<hbm>> -> memref<8x128xi32, #tpu.memory_space<hbm>>
      tpu.wait_dma2 semaphore(%run_scoped3A : memref<!tpu.dma_semaphore, #tpu.memory_space<semaphore_mem>>) src(%dma_wait3A_74 : memref<8x128xi32, #tpu.memory_space<hbm>>) dst(%arg12 : memref<8x128xi32, #tpu.memory_space<vmem>>)
      tpu.yield
    }) : () -> ()
    "tpu.region"() ({
      %run_scoped3A = tpu.sem_alloc : memref<!tpu.dma_semaphore, #tpu.memory_space<semaphore_mem>>
      %dma_start3A = arith.constant 0 : i32
      %dma_start3A_69 = tpu.memref_slice %arg6[%add3A_52, %dma_start3A] : memref<1280x128xi32, #tpu.memory_space<hbm>> -> memref<8x128xi32, #tpu.memory_space<hbm>>
      %dma_start3A_70 = arith.constant 0 : i32
      %dma_start3A_71 = tpu.memref_slice %arg6[%add3A_52, %dma_start3A_70] : memref<1280x128xi32, #tpu.memory_space<hbm>> -> memref<8x128xi32, #tpu.memory_space<hbm>>
      tpu.enqueue_dma source(%dma_start3A_71 : memref<8x128xi32, #tpu.memory_space<hbm>>) target(%arg13 : memref<8x128xi32, #tpu.memory_space<vmem>>) target_semaphore(%run_scoped3A : memref<!tpu.dma_semaphore, #tpu.memory_space<semaphore_mem>>)
      %dma_wait3A = arith.constant 0 : i32
      %dma_wait3A_72 = tpu.memref_slice %arg6[%add3A_52, %dma_wait3A] : memref<1280x128xi32, #tpu.memory_space<hbm>> -> memref<8x128xi32, #tpu.memory_space<hbm>>
      %dma_wait3A_73 = arith.constant 0 : i32
      %dma_wait3A_74 = tpu.memref_slice %arg6[%add3A_52, %dma_wait3A_73] : memref<1280x128xi32, #tpu.memory_space<hbm>> -> memref<8x128xi32, #tpu.memory_space<hbm>>
      tpu.wait_dma2 semaphore(%run_scoped3A : memref<!tpu.dma_semaphore, #tpu.memory_space<semaphore_mem>>) src(%dma_wait3A_74 : memref<8x128xi32, #tpu.memory_space<hbm>>) dst(%arg13 : memref<8x128xi32, #tpu.memory_space<vmem>>)
      tpu.yield
    }) : () -> ()
    "tpu.region"() ({
      %run_scoped3A = tpu.sem_alloc : memref<!tpu.dma_semaphore, #tpu.memory_space<semaphore_mem>>
      %dma_start3A = arith.constant 0 : i32
      %dma_start3A_69 = tpu.memref_slice %arg7[%add3A_52, %dma_start3A] : memref<1280x128xi32, #tpu.memory_space<hbm>> -> memref<8x128xi32, #tpu.memory_space<hbm>>
      %dma_start3A_70 = arith.constant 0 : i32
      %dma_start3A_71 = tpu.memref_slice %arg7[%add3A_52, %dma_start3A_70] : memref<1280x128xi32, #tpu.memory_space<hbm>> -> memref<8x128xi32, #tpu.memory_space<hbm>>
      tpu.enqueue_dma source(%dma_start3A_71 : memref<8x128xi32, #tpu.memory_space<hbm>>) target(%arg14 : memref<8x128xi32, #tpu.memory_space<vmem>>) target_semaphore(%run_scoped3A : memref<!tpu.dma_semaphore, #tpu.memory_space<semaphore_mem>>)
      %dma_wait3A = arith.constant 0 : i32
      %dma_wait3A_72 = tpu.memref_slice %arg7[%add3A_52, %dma_wait3A] : memref<1280x128xi32, #tpu.memory_space<hbm>> -> memref<8x128xi32, #tpu.memory_space<hbm>>
      %dma_wait3A_73 = arith.constant 0 : i32
      %dma_wait3A_74 = tpu.memref_slice %arg7[%add3A_52, %dma_wait3A_73] : memref<1280x128xi32, #tpu.memory_space<hbm>> -> memref<8x128xi32, #tpu.memory_space<hbm>>
      tpu.wait_dma2 semaphore(%run_scoped3A : memref<!tpu.dma_semaphore, #tpu.memory_space<semaphore_mem>>) src(%dma_wait3A_74 : memref<8x128xi32, #tpu.memory_space<hbm>>) dst(%arg14 : memref<8x128xi32, #tpu.memory_space<vmem>>)
      tpu.yield
    }) : () -> ()
    %scan3A_53 = arith.constant 0 : i32
    %scan3A_54 = arith.constant 0 : i32
    %scan3A_55 = arith.constant 8 : i32
    %scan3A_56 = arith.addi %scan3A_54, %scan3A_55 : i32
    %scan3A_57 = arith.constant 1 : i32
    %scan3A_58 = scf.for %scan3A_69 = %scan3A_54 to %scan3A_56 step %scan3A_57 iter_args(%scan3A_70 = %scan3A_53) -> (i32)  : i32 {
      %dma_start3A = arith.constant 0 : i32
      %dma_start3A_71 = tpu.memref_slice %arg12[%scan3A_69, %dma_start3A] : memref<8x128xi32, #tpu.memory_space<vmem>> -> memref<1x128xi32, #tpu.memory_space<vmem>>
      %dma_start3A_72 = tpu.memref_squeeze %dma_start3A_71 : memref<1x128xi32, #tpu.memory_space<vmem>> -> memref<128xi32, #tpu.memory_space<vmem>>
      %dma_start3A_73 = arith.constant 0 : i32
      %dma_start3A_74 = arith.constant 0 : i32
      %dma_start3A_75 = tpu.memref_slice %arg18[%dma_start3A_73, %dma_start3A_74] : memref<10240x128xf32, #tpu.memory_space<vmem_shared>> -> memref<10240x128xf32, #tpu.memory_space<vmem_shared>>
      tpu.enqueue_indirect_dma source(%dma_start3A_75 : memref<10240x128xf32, #tpu.memory_space<vmem_shared>>) target(%arg15 : memref<128x128xf32, #tpu.memory_space<vmem>>) offsets(%dma_start3A_72 : memref<128xi32, #tpu.memory_space<vmem>>) semaphore(%arg17 : memref<!tpu.dma_semaphore, #tpu.memory_space<semaphore_mem>>)
      %dma_start3A_76 = arith.constant 0 : i32
      %dma_start3A_77 = tpu.memref_slice %arg13[%scan3A_69, %dma_start3A_76] : memref<8x128xi32, #tpu.memory_space<vmem>> -> memref<1x128xi32, #tpu.memory_space<vmem>>
      %dma_start3A_78 = tpu.memref_squeeze %dma_start3A_77 : memref<1x128xi32, #tpu.memory_space<vmem>> -> memref<128xi32, #tpu.memory_space<vmem>>
      %dma_start3A_79 = arith.constant 0 : i32
      %dma_start3A_80 = arith.constant 0 : i32
      %dma_start3A_81 = tpu.memref_slice %arg18[%dma_start3A_79, %dma_start3A_80] : memref<10240x128xf32, #tpu.memory_space<vmem_shared>> -> memref<10240x128xf32, #tpu.memory_space<vmem_shared>>
      tpu.enqueue_indirect_dma source(%dma_start3A_81 : memref<10240x128xf32, #tpu.memory_space<vmem_shared>>) target(%arg16 : memref<128x128xf32, #tpu.memory_space<vmem>>) offsets(%dma_start3A_78 : memref<128xi32, #tpu.memory_space<vmem>>) semaphore(%arg17 : memref<!tpu.dma_semaphore, #tpu.memory_space<semaphore_mem>>)
      %dma_wait3A = arith.constant 0 : i32
      %dma_wait3A_82 = tpu.memref_slice %arg12[%scan3A_69, %dma_wait3A] : memref<8x128xi32, #tpu.memory_space<vmem>> -> memref<1x128xi32, #tpu.memory_space<vmem>>
      %dma_wait3A_83 = tpu.memref_squeeze %dma_wait3A_82 : memref<1x128xi32, #tpu.memory_space<vmem>> -> memref<128xi32, #tpu.memory_space<vmem>>
      %dma_wait3A_84 = arith.constant 0 : i32
      %dma_wait3A_85 = arith.constant 0 : i32
      %dma_wait3A_86 = tpu.memref_slice %arg18[%dma_wait3A_84, %dma_wait3A_85] : memref<10240x128xf32, #tpu.memory_space<vmem_shared>> -> memref<10240x128xf32, #tpu.memory_space<vmem_shared>>
      tpu.wait_indirect_dma semaphore(%arg17 : memref<!tpu.dma_semaphore, #tpu.memory_space<semaphore_mem>>) src(%dma_wait3A_86 : memref<10240x128xf32, #tpu.memory_space<vmem_shared>>) dst(%arg15 : memref<128x128xf32, #tpu.memory_space<vmem>>)
      %dma_wait3A_87 = arith.constant 0 : i32
      %dma_wait3A_88 = tpu.memref_slice %arg13[%scan3A_69, %dma_wait3A_87] : memref<8x128xi32, #tpu.memory_space<vmem>> -> memref<1x128xi32, #tpu.memory_space<vmem>>
      %dma_wait3A_89 = tpu.memref_squeeze %dma_wait3A_88 : memref<1x128xi32, #tpu.memory_space<vmem>> -> memref<128xi32, #tpu.memory_space<vmem>>
      %dma_wait3A_90 = arith.constant 0 : i32
      %dma_wait3A_91 = arith.constant 0 : i32
      %dma_wait3A_92 = tpu.memref_slice %arg18[%dma_wait3A_90, %dma_wait3A_91] : memref<10240x128xf32, #tpu.memory_space<vmem_shared>> -> memref<10240x128xf32, #tpu.memory_space<vmem_shared>>
      tpu.wait_indirect_dma semaphore(%arg17 : memref<!tpu.dma_semaphore, #tpu.memory_space<semaphore_mem>>) src(%dma_wait3A_92 : memref<10240x128xf32, #tpu.memory_space<vmem_shared>>) dst(%arg16 : memref<128x128xf32, #tpu.memory_space<vmem>>)
      %scan3A_93 = arith.constant 0 : i32
      %scan3A_94 = arith.constant 0 : i32
      %scan3A_95 = arith.constant 128 : i32
      %scan3A_96 = arith.addi %scan3A_94, %scan3A_95 : i32
      %scan3A_97 = arith.constant 1 : i32
      %scan3A_98 = scf.for %scan3A_123 = %scan3A_94 to %scan3A_96 step %scan3A_97 iter_args(%scan3A_124 = %scan3A_93) -> (i32)  : i32 {
        %get3A = arith.index_cast %scan3A_123 : i32 to index
        %get3A_125 = arith.constant 0 : index
        %get3A_126 = tpu.vector_load %arg15[%get3A, %get3A_125] {strides = array<i32>} : memref<128x128xf32, #tpu.memory_space<vmem>>, vector<1x16xf32>,
        %get3A_127 = vector.shape_cast %get3A_126 : vector<1x16xf32> to vector<16xf32>
        %get3A_128 = arith.index_cast %scan3A_123 : i32 to index
        %get3A_129 = arith.constant 0 : index
        %get3A_130 = tpu.vector_load %arg16[%get3A_128, %get3A_129] {strides = array<i32>} : memref<128x128xf32, #tpu.memory_space<vmem>>, vector<1x16xf32>,
        %get3A_131 = vector.shape_cast %get3A_130 : vector<1x16xf32> to vector<16xf32>
        %mul3A_132 = arith.mulf %get3A_127, %get3A_131 : vector<16xf32>
        %swap3A = arith.index_cast %scan3A_123 : i32 to index
        %swap3A_133 = arith.constant 0 : index
        %swap3A_134 = tpu.vector_load %arg15[%swap3A, %swap3A_133] {strides = array<i32>} : memref<128x128xf32, #tpu.memory_space<vmem>>, vector<1x16xf32>,
        %swap3A_135 = vector.shape_cast %swap3A_134 : vector<1x16xf32> to vector<16xf32>
        %swap3A_136 = vector.shape_cast %mul3A_132 : vector<16xf32> to vector<1x16xf32>
        tpu.vector_store %arg15[%swap3A, %swap3A_133], %swap3A_136 {strides = array<i32>} : memref<128x128xf32, #tpu.memory_space<vmem>>, vector<1x16xf32>,
        %get3A_137 = arith.index_cast %scan3A_123 : i32 to index
        %get3A_138 = arith.constant 16 : index
        %get3A_139 = tpu.vector_load %arg15[%get3A_137, %get3A_138] {strides = array<i32>} : memref<128x128xf32, #tpu.memory_space<vmem>>, vector<1x16xf32>,
        %get3A_140 = vector.shape_cast %get3A_139 : vector<1x16xf32> to vector<16xf32>
        %get3A_141 = arith.index_cast %scan3A_123 : i32 to index
        %get3A_142 = arith.constant 16 : index
        %get3A_143 = tpu.vector_load %arg16[%get3A_141, %get3A_142] {strides = array<i32>} : memref<128x128xf32, #tpu.memory_space<vmem>>, vector<1x16xf32>,
        %get3A_144 = vector.shape_cast %get3A_143 : vector<1x16xf32> to vector<16xf32>
        %mul3A_145 = arith.mulf %get3A_140, %get3A_144 : vector<16xf32>
        %swap3A_146 = arith.index_cast %scan3A_123 : i32 to index
        %swap3A_147 = arith.constant 16 : index
        %swap3A_148 = tpu.vector_load %arg15[%swap3A_146, %swap3A_147] {strides = array<i32>} : memref<128x128xf32, #tpu.memory_space<vmem>>, vector<1x16xf32>,
        %swap3A_149 = vector.shape_cast %swap3A_148 : vector<1x16xf32> to vector<16xf32>
        %swap3A_150 = vector.shape_cast %mul3A_145 : vector<16xf32> to vector<1x16xf32>
        tpu.vector_store %arg15[%swap3A_146, %swap3A_147], %swap3A_150 {strides = array<i32>} : memref<128x128xf32, #tpu.memory_space<vmem>>, vector<1x16xf32>,
        %get3A_151 = arith.index_cast %scan3A_123 : i32 to index
        %get3A_152 = arith.constant 32 : index
        %get3A_153 = tpu.vector_load %arg15[%get3A_151, %get3A_152] {strides = array<i32>} : memref<128x128xf32, #tpu.memory_space<vmem>>, vector<1x16xf32>,
        %get3A_154 = vector.shape_cast %get3A_153 : vector<1x16xf32> to vector<16xf32>
        %get3A_155 = arith.index_cast %scan3A_123 : i32 to index
        %get3A_156 = arith.constant 32 : index
        %get3A_157 = tpu.vector_load %arg16[%get3A_155, %get3A_156] {strides = array<i32>} : memref<128x128xf32, #tpu.memory_space<vmem>>, vector<1x16xf32>,
        %get3A_158 = vector.shape_cast %get3A_157 : vector<1x16xf32> to vector<16xf32>
        %mul3A_159 = arith.mulf %get3A_154, %get3A_158 : vector<16xf32>
        %swap3A_160 = arith.index_cast %scan3A_123 : i32 to index
        %swap3A_161 = arith.constant 32 : index
        %swap3A_162 = tpu.vector_load %arg15[%swap3A_160, %swap3A_161] {strides = array<i32>} : memref<128x128xf32, #tpu.memory_space<vmem>>, vector<1x16xf32>,
        %swap3A_163 = vector.shape_cast %swap3A_162 : vector<1x16xf32> to vector<16xf32>
        %swap3A_164 = vector.shape_cast %mul3A_159 : vector<16xf32> to vector<1x16xf32>
        tpu.vector_store %arg15[%swap3A_160, %swap3A_161], %swap3A_164 {strides = array<i32>} : memref<128x128xf32, #tpu.memory_space<vmem>>, vector<1x16xf32>,
        %get3A_165 = arith.index_cast %scan3A_123 : i32 to index
        %get3A_166 = arith.constant 48 : index
        %get3A_167 = tpu.vector_load %arg15[%get3A_165, %get3A_166] {strides = array<i32>} : memref<128x128xf32, #tpu.memory_space<vmem>>, vector<1x16xf32>,
        %get3A_168 = vector.shape_cast %get3A_167 : vector<1x16xf32> to vector<16xf32>
        %get3A_169 = arith.index_cast %scan3A_123 : i32 to index
        %get3A_170 = arith.constant 48 : index
        %get3A_171 = tpu.vector_load %arg16[%get3A_169, %get3A_170] {strides = array<i32>} : memref<128x128xf32, #tpu.memory_space<vmem>>, vector<1x16xf32>,
        %get3A_172 = vector.shape_cast %get3A_171 : vector<1x16xf32> to vector<16xf32>
        %mul3A_173 = arith.mulf %get3A_168, %get3A_172 : vector<16xf32>
        %swap3A_174 = arith.index_cast %scan3A_123 : i32 to index
        %swap3A_175 = arith.constant 48 : index
        %swap3A_176 = tpu.vector_load %arg15[%swap3A_174, %swap3A_175] {strides = array<i32>} : memref<128x128xf32, #tpu.memory_space<vmem>>, vector<1x16xf32>,
        %swap3A_177 = vector.shape_cast %swap3A_176 : vector<1x16xf32> to vector<16xf32>
        %swap3A_178 = vector.shape_cast %mul3A_173 : vector<16xf32> to vector<1x16xf32>
        tpu.vector_store %arg15[%swap3A_174, %swap3A_175], %swap3A_178 {strides = array<i32>} : memref<128x128xf32, #tpu.memory_space<vmem>>, vector<1x16xf32>,
        %get3A_179 = arith.index_cast %scan3A_123 : i32 to index
        %get3A_180 = arith.constant 64 : index
        %get3A_181 = tpu.vector_load %arg15[%get3A_179, %get3A_180] {strides = array<i32>} : memref<128x128xf32, #tpu.memory_space<vmem>>, vector<1x16xf32>,
        %get3A_182 = vector.shape_cast %get3A_181 : vector<1x16xf32> to vector<16xf32>
        %get3A_183 = arith.index_cast %scan3A_123 : i32 to index
        %get3A_184 = arith.constant 64 : index
        %get3A_185 = tpu.vector_load %arg16[%get3A_183, %get3A_184] {strides = array<i32>} : memref<128x128xf32, #tpu.memory_space<vmem>>, vector<1x16xf32>,
        %get3A_186 = vector.shape_cast %get3A_185 : vector<1x16xf32> to vector<16xf32>
        %mul3A_187 = arith.mulf %get3A_182, %get3A_186 : vector<16xf32>
        %swap3A_188 = arith.index_cast %scan3A_123 : i32 to index
        %swap3A_189 = arith.constant 64 : index
        %swap3A_190 = tpu.vector_load %arg15[%swap3A_188, %swap3A_189] {strides = array<i32>} : memref<128x128xf32, #tpu.memory_space<vmem>>, vector<1x16xf32>,
        %swap3A_191 = vector.shape_cast %swap3A_190 : vector<1x16xf32> to vector<16xf32>
        %swap3A_192 = vector.shape_cast %mul3A_187 : vector<16xf32> to vector<1x16xf32>
        tpu.vector_store %arg15[%swap3A_188, %swap3A_189], %swap3A_192 {strides = array<i32>} : memref<128x128xf32, #tpu.memory_space<vmem>>, vector<1x16xf32>,
        %get3A_193 = arith.index_cast %scan3A_123 : i32 to index
        %get3A_194 = arith.constant 80 : index
        %get3A_195 = tpu.vector_load %arg15[%get3A_193, %get3A_194] {strides = array<i32>} : memref<128x128xf32, #tpu.memory_space<vmem>>, vector<1x16xf32>,
        %get3A_196 = vector.shape_cast %get3A_195 : vector<1x16xf32> to vector<16xf32>
        %get3A_197 = arith.index_cast %scan3A_123 : i32 to index
        %get3A_198 = arith.constant 80 : index
        %get3A_199 = tpu.vector_load %arg16[%get3A_197, %get3A_198] {strides = array<i32>} : memref<128x128xf32, #tpu.memory_space<vmem>>, vector<1x16xf32>,
        %get3A_200 = vector.shape_cast %get3A_199 : vector<1x16xf32> to vector<16xf32>
        %mul3A_201 = arith.mulf %get3A_196, %get3A_200 : vector<16xf32>
        %swap3A_202 = arith.index_cast %scan3A_123 : i32 to index
        %swap3A_203 = arith.constant 80 : index
        %swap3A_204 = tpu.vector_load %arg15[%swap3A_202, %swap3A_203] {strides = array<i32>} : memref<128x128xf32, #tpu.memory_space<vmem>>, vector<1x16xf32>,
        %swap3A_205 = vector.shape_cast %swap3A_204 : vector<1x16xf32> to vector<16xf32>
        %swap3A_206 = vector.shape_cast %mul3A_201 : vector<16xf32> to vector<1x16xf32>
        tpu.vector_store %arg15[%swap3A_202, %swap3A_203], %swap3A_206 {strides = array<i32>} : memref<128x128xf32, #tpu.memory_space<vmem>>, vector<1x16xf32>,
        %get3A_207 = arith.index_cast %scan3A_123 : i32 to index
        %get3A_208 = arith.constant 96 : index
        %get3A_209 = tpu.vector_load %arg15[%get3A_207, %get3A_208] {strides = array<i32>} : memref<128x128xf32, #tpu.memory_space<vmem>>, vector<1x16xf32>,
        %get3A_210 = vector.shape_cast %get3A_209 : vector<1x16xf32> to vector<16xf32>
        %get3A_211 = arith.index_cast %scan3A_123 : i32 to index
        %get3A_212 = arith.constant 96 : index
        %get3A_213 = tpu.vector_load %arg16[%get3A_211, %get3A_212] {strides = array<i32>} : memref<128x128xf32, #tpu.memory_space<vmem>>, vector<1x16xf32>,
        %get3A_214 = vector.shape_cast %get3A_213 : vector<1x16xf32> to vector<16xf32>
        %mul3A_215 = arith.mulf %get3A_210, %get3A_214 : vector<16xf32>
        %swap3A_216 = arith.index_cast %scan3A_123 : i32 to index
        %swap3A_217 = arith.constant 96 : index
        %swap3A_218 = tpu.vector_load %arg15[%swap3A_216, %swap3A_217] {strides = array<i32>} : memref<128x128xf32, #tpu.memory_space<vmem>>, vector<1x16xf32>,
        %swap3A_219 = vector.shape_cast %swap3A_218 : vector<1x16xf32> to vector<16xf32>
        %swap3A_220 = vector.shape_cast %mul3A_215 : vector<16xf32> to vector<1x16xf32>
        tpu.vector_store %arg15[%swap3A_216, %swap3A_217], %swap3A_220 {strides = array<i32>} : memref<128x128xf32, #tpu.memory_space<vmem>>, vector<1x16xf32>,
        %get3A_221 = arith.index_cast %scan3A_123 : i32 to index
        %get3A_222 = arith.constant 112 : index
        %get3A_223 = tpu.vector_load %arg15[%get3A_221, %get3A_222] {strides = array<i32>} : memref<128x128xf32, #tpu.memory_space<vmem>>, vector<1x16xf32>,
        %get3A_224 = vector.shape_cast %get3A_223 : vector<1x16xf32> to vector<16xf32>
        %get3A_225 = arith.index_cast %scan3A_123 : i32 to index
        %get3A_226 = arith.constant 112 : index
        %get3A_227 = tpu.vector_load %arg16[%get3A_225, %get3A_226] {strides = array<i32>} : memref<128x128xf32, #tpu.memory_space<vmem>>, vector<1x16xf32>,
        %get3A_228 = vector.shape_cast %get3A_227 : vector<1x16xf32> to vector<16xf32>
        %mul3A_229 = arith.mulf %get3A_224, %get3A_228 : vector<16xf32>
        %swap3A_230 = arith.index_cast %scan3A_123 : i32 to index
        %swap3A_231 = arith.constant 112 : index
        %swap3A_232 = tpu.vector_load %arg15[%swap3A_230, %swap3A_231] {strides = array<i32>} : memref<128x128xf32, #tpu.memory_space<vmem>>, vector<1x16xf32>,
        %swap3A_233 = vector.shape_cast %swap3A_232 : vector<1x16xf32> to vector<16xf32>
        %swap3A_234 = vector.shape_cast %mul3A_229 : vector<16xf32> to vector<1x16xf32>
        tpu.vector_store %arg15[%swap3A_230, %swap3A_231], %swap3A_234 {strides = array<i32>} : memref<128x128xf32, #tpu.memory_space<vmem>>, vector<1x16xf32>,
        %scan3A_235 = arith.constant 0 : i32
        scf.yield %scan3A_235 : i32
      }
      %scan3A_99 = arith.constant 128 : i32
      %dma_start3A_100 = arith.constant 0 : i32
      %dma_start3A_101 = tpu.memref_slice %arg14[%scan3A_69, %dma_start3A_100] : memref<8x128xi32, #tpu.memory_space<vmem>> -> memref<1x128xi32, #tpu.memory_space<vmem>>
      %dma_start3A_102 = tpu.memref_squeeze %dma_start3A_101 : memref<1x128xi32, #tpu.memory_space<vmem>> -> memref<128xi32, #tpu.memory_space<vmem>>
      %dma_start3A_103 = arith.constant 0 : i32
      %dma_start3A_104 = arith.constant 0 : i32
      %dma_start3A_105 = tpu.memref_slice %arg18[%dma_start3A_103, %dma_start3A_104] : memref<10240x128xf32, #tpu.memory_space<vmem_shared>> -> memref<10240x128xf32, #tpu.memory_space<vmem_shared>>
      tpu.enqueue_indirect_dma source(%dma_start3A_105 : memref<10240x128xf32, #tpu.memory_space<vmem_shared>>) target(%arg16 : memref<128x128xf32, #tpu.memory_space<vmem>>) offsets(%dma_start3A_102 : memref<128xi32, #tpu.memory_space<vmem>>) semaphore(%arg17 : memref<!tpu.dma_semaphore, #tpu.memory_space<semaphore_mem>>)
      %dma_wait3A_106 = arith.constant 0 : i32
      %dma_wait3A_107 = tpu.memref_slice %arg14[%scan3A_69, %dma_wait3A_106] : memref<8x128xi32, #tpu.memory_space<vmem>> -> memref<1x128xi32, #tpu.memory_space<vmem>>
      %dma_wait3A_108 = tpu.memref_squeeze %dma_wait3A_107 : memref<1x128xi32, #tpu.memory_space<vmem>> -> memref<128xi32, #tpu.memory_space<vmem>>
      %dma_wait3A_109 = arith.constant 0 : i32
      %dma_wait3A_110 = arith.constant 0 : i32
      %dma_wait3A_111 = tpu.memref_slice %arg18[%dma_wait3A_109, %dma_wait3A_110] : memref<10240x128xf32, #tpu.memory_space<vmem_shared>> -> memref<10240x128xf32, #tpu.memory_space<vmem_shared>>
      tpu.wait_indirect_dma semaphore(%arg17 : memref<!tpu.dma_semaphore, #tpu.memory_space<semaphore_mem>>) src(%dma_wait3A_111 : memref<10240x128xf32, #tpu.memory_space<vmem_shared>>) dst(%arg16 : memref<128x128xf32, #tpu.memory_space<vmem>>)
      %scan3A_112 = arith.constant 0 : i32
      %scan3A_113 = arith.constant 0 : i32
      %scan3A_114 = arith.constant 128 : i32
      %scan3A_115 = arith.addi %scan3A_113, %scan3A_114 : i32
      %scan3A_116 = arith.constant 1 : i32
      %scan3A_117 = scf.for %scan3A_123 = %scan3A_113 to %scan3A_115 step %scan3A_116 iter_args(%scan3A_124 = %scan3A_112) -> (i32)  : i32 {
        %get3A = arith.index_cast %scan3A_123 : i32 to index
        %get3A_125 = arith.constant 0 : index
        %get3A_126 = tpu.vector_load %arg15[%get3A, %get3A_125] {strides = array<i32>} : memref<128x128xf32, #tpu.memory_space<vmem>>, vector<1x16xf32>,
        %get3A_127 = vector.shape_cast %get3A_126 : vector<1x16xf32> to vector<16xf32>
        %get3A_128 = arith.index_cast %scan3A_123 : i32 to index
        %get3A_129 = arith.constant 0 : index
        %get3A_130 = tpu.vector_load %arg16[%get3A_128, %get3A_129] {strides = array<i32>} : memref<128x128xf32, #tpu.memory_space<vmem>>, vector<1x16xf32>,
        %get3A_131 = vector.shape_cast %get3A_130 : vector<1x16xf32> to vector<16xf32>
        %mul3A_132 = arith.mulf %get3A_127, %get3A_131 : vector<16xf32>
        %swap3A = arith.index_cast %scan3A_123 : i32 to index
        %swap3A_133 = arith.constant 0 : index
        %swap3A_134 = tpu.vector_load %arg15[%swap3A, %swap3A_133] {strides = array<i32>} : memref<128x128xf32, #tpu.memory_space<vmem>>, vector<1x16xf32>,
        %swap3A_135 = vector.shape_cast %swap3A_134 : vector<1x16xf32> to vector<16xf32>
        %swap3A_136 = vector.shape_cast %mul3A_132 : vector<16xf32> to vector<1x16xf32>
        tpu.vector_store %arg15[%swap3A, %swap3A_133], %swap3A_136 {strides = array<i32>} : memref<128x128xf32, #tpu.memory_space<vmem>>, vector<1x16xf32>,
        %get3A_137 = arith.index_cast %scan3A_123 : i32 to index
        %get3A_138 = arith.constant 16 : index
        %get3A_139 = tpu.vector_load %arg15[%get3A_137, %get3A_138] {strides = array<i32>} : memref<128x128xf32, #tpu.memory_space<vmem>>, vector<1x16xf32>,
        %get3A_140 = vector.shape_cast %get3A_139 : vector<1x16xf32> to vector<16xf32>
        %get3A_141 = arith.index_cast %scan3A_123 : i32 to index
        %get3A_142 = arith.constant 16 : index
        %get3A_143 = tpu.vector_load %arg16[%get3A_141, %get3A_142] {strides = array<i32>} : memref<128x128xf32, #tpu.memory_space<vmem>>, vector<1x16xf32>,
        %get3A_144 = vector.shape_cast %get3A_143 : vector<1x16xf32> to vector<16xf32>
        %mul3A_145 = arith.mulf %get3A_140, %get3A_144 : vector<16xf32>
        %swap3A_146 = arith.index_cast %scan3A_123 : i32 to index
        %swap3A_147 = arith.constant 16 : index
        %swap3A_148 = tpu.vector_load %arg15[%swap3A_146, %swap3A_147] {strides = array<i32>} : memref<128x128xf32, #tpu.memory_space<vmem>>, vector<1x16xf32>,
        %swap3A_149 = vector.shape_cast %swap3A_148 : vector<1x16xf32> to vector<16xf32>
        %swap3A_150 = vector.shape_cast %mul3A_145 : vector<16xf32> to vector<1x16xf32>
        tpu.vector_store %arg15[%swap3A_146, %swap3A_147], %swap3A_150 {strides = array<i32>} : memref<128x128xf32, #tpu.memory_space<vmem>>, vector<1x16xf32>,
        %get3A_151 = arith.index_cast %scan3A_123 : i32 to index
        %get3A_152 = arith.constant 32 : index
        %get3A_153 = tpu.vector_load %arg15[%get3A_151, %get3A_152] {strides = array<i32>} : memref<128x128xf32, #tpu.memory_space<vmem>>, vector<1x16xf32>,
        %get3A_154 = vector.shape_cast %get3A_153 : vector<1x16xf32> to vector<16xf32>
        %get3A_155 = arith.index_cast %scan3A_123 : i32 to index
        %get3A_156 = arith.constant 32 : index
        %get3A_157 = tpu.vector_load %arg16[%get3A_155, %get3A_156] {strides = array<i32>} : memref<128x128xf32, #tpu.memory_space<vmem>>, vector<1x16xf32>,
        %get3A_158 = vector.shape_cast %get3A_157 : vector<1x16xf32> to vector<16xf32>
        %mul3A_159 = arith.mulf %get3A_154, %get3A_158 : vector<16xf32>
        %swap3A_160 = arith.index_cast %scan3A_123 : i32 to index
        %swap3A_161 = arith.constant 32 : index
        %swap3A_162 = tpu.vector_load %arg15[%swap3A_160, %swap3A_161] {strides = array<i32>} : memref<128x128xf32, #tpu.memory_space<vmem>>, vector<1x16xf32>,
        %swap3A_163 = vector.shape_cast %swap3A_162 : vector<1x16xf32> to vector<16xf32>
        %swap3A_164 = vector.shape_cast %mul3A_159 : vector<16xf32> to vector<1x16xf32>
        tpu.vector_store %arg15[%swap3A_160, %swap3A_161], %swap3A_164 {strides = array<i32>} : memref<128x128xf32, #tpu.memory_space<vmem>>, vector<1x16xf32>,
        %get3A_165 = arith.index_cast %scan3A_123 : i32 to index
        %get3A_166 = arith.constant 48 : index
        %get3A_167 = tpu.vector_load %arg15[%get3A_165, %get3A_166] {strides = array<i32>} : memref<128x128xf32, #tpu.memory_space<vmem>>, vector<1x16xf32>,
        %get3A_168 = vector.shape_cast %get3A_167 : vector<1x16xf32> to vector<16xf32>
        %get3A_169 = arith.index_cast %scan3A_123 : i32 to index
        %get3A_170 = arith.constant 48 : index
        %get3A_171 = tpu.vector_load %arg16[%get3A_169, %get3A_170] {strides = array<i32>} : memref<128x128xf32, #tpu.memory_space<vmem>>, vector<1x16xf32>,
        %get3A_172 = vector.shape_cast %get3A_171 : vector<1x16xf32> to vector<16xf32>
        %mul3A_173 = arith.mulf %get3A_168, %get3A_172 : vector<16xf32>
        %swap3A_174 = arith.index_cast %scan3A_123 : i32 to index
        %swap3A_175 = arith.constant 48 : index
        %swap3A_176 = tpu.vector_load %arg15[%swap3A_174, %swap3A_175] {strides = array<i32>} : memref<128x128xf32, #tpu.memory_space<vmem>>, vector<1x16xf32>,
        %swap3A_177 = vector.shape_cast %swap3A_176 : vector<1x16xf32> to vector<16xf32>
        %swap3A_178 = vector.shape_cast %mul3A_173 : vector<16xf32> to vector<1x16xf32>
        tpu.vector_store %arg15[%swap3A_174, %swap3A_175], %swap3A_178 {strides = array<i32>} : memref<128x128xf32, #tpu.memory_space<vmem>>, vector<1x16xf32>,
        %get3A_179 = arith.index_cast %scan3A_123 : i32 to index
        %get3A_180 = arith.constant 64 : index
        %get3A_181 = tpu.vector_load %arg15[%get3A_179, %get3A_180] {strides = array<i32>} : memref<128x128xf32, #tpu.memory_space<vmem>>, vector<1x16xf32>,
        %get3A_182 = vector.shape_cast %get3A_181 : vector<1x16xf32> to vector<16xf32>
        %get3A_183 = arith.index_cast %scan3A_123 : i32 to index
        %get3A_184 = arith.constant 64 : index
        %get3A_185 = tpu.vector_load %arg16[%get3A_183, %get3A_184] {strides = array<i32>} : memref<128x128xf32, #tpu.memory_space<vmem>>, vector<1x16xf32>,
        %get3A_186 = vector.shape_cast %get3A_185 : vector<1x16xf32> to vector<16xf32>
        %mul3A_187 = arith.mulf %get3A_182, %get3A_186 : vector<16xf32>
        %swap3A_188 = arith.index_cast %scan3A_123 : i32 to index
        %swap3A_189 = arith.constant 64 : index
        %swap3A_190 = tpu.vector_load %arg15[%swap3A_188, %swap3A_189] {strides = array<i32>} : memref<128x128xf32, #tpu.memory_space<vmem>>, vector<1x16xf32>,
        %swap3A_191 = vector.shape_cast %swap3A_190 : vector<1x16xf32> to vector<16xf32>
        %swap3A_192 = vector.shape_cast %mul3A_187 : vector<16xf32> to vector<1x16xf32>
        tpu.vector_store %arg15[%swap3A_188, %swap3A_189], %swap3A_192 {strides = array<i32>} : memref<128x128xf32, #tpu.memory_space<vmem>>, vector<1x16xf32>,
        %get3A_193 = arith.index_cast %scan3A_123 : i32 to index
        %get3A_194 = arith.constant 80 : index
        %get3A_195 = tpu.vector_load %arg15[%get3A_193, %get3A_194] {strides = array<i32>} : memref<128x128xf32, #tpu.memory_space<vmem>>, vector<1x16xf32>,
        %get3A_196 = vector.shape_cast %get3A_195 : vector<1x16xf32> to vector<16xf32>
        %get3A_197 = arith.index_cast %scan3A_123 : i32 to index
        %get3A_198 = arith.constant 80 : index
        %get3A_199 = tpu.vector_load %arg16[%get3A_197, %get3A_198] {strides = array<i32>} : memref<128x128xf32, #tpu.memory_space<vmem>>, vector<1x16xf32>,
        %get3A_200 = vector.shape_cast %get3A_199 : vector<1x16xf32> to vector<16xf32>
        %mul3A_201 = arith.mulf %get3A_196, %get3A_200 : vector<16xf32>
        %swap3A_202 = arith.index_cast %scan3A_123 : i32 to index
        %swap3A_203 = arith.constant 80 : index
        %swap3A_204 = tpu.vector_load %arg15[%swap3A_202, %swap3A_203] {strides = array<i32>} : memref<128x128xf32, #tpu.memory_space<vmem>>, vector<1x16xf32>,
        %swap3A_205 = vector.shape_cast %swap3A_204 : vector<1x16xf32> to vector<16xf32>
        %swap3A_206 = vector.shape_cast %mul3A_201 : vector<16xf32> to vector<1x16xf32>
        tpu.vector_store %arg15[%swap3A_202, %swap3A_203], %swap3A_206 {strides = array<i32>} : memref<128x128xf32, #tpu.memory_space<vmem>>, vector<1x16xf32>,
        %get3A_207 = arith.index_cast %scan3A_123 : i32 to index
        %get3A_208 = arith.constant 96 : index
        %get3A_209 = tpu.vector_load %arg15[%get3A_207, %get3A_208] {strides = array<i32>} : memref<128x128xf32, #tpu.memory_space<vmem>>, vector<1x16xf32>,
        %get3A_210 = vector.shape_cast %get3A_209 : vector<1x16xf32> to vector<16xf32>
        %get3A_211 = arith.index_cast %scan3A_123 : i32 to index
        %get3A_212 = arith.constant 96 : index
        %get3A_213 = tpu.vector_load %arg16[%get3A_211, %get3A_212] {strides = array<i32>} : memref<128x128xf32, #tpu.memory_space<vmem>>, vector<1x16xf32>,
        %get3A_214 = vector.shape_cast %get3A_213 : vector<1x16xf32> to vector<16xf32>
        %mul3A_215 = arith.mulf %get3A_210, %get3A_214 : vector<16xf32>
        %swap3A_216 = arith.index_cast %scan3A_123 : i32 to index
        %swap3A_217 = arith.constant 96 : index
        %swap3A_218 = tpu.vector_load %arg15[%swap3A_216, %swap3A_217] {strides = array<i32>} : memref<128x128xf32, #tpu.memory_space<vmem>>, vector<1x16xf32>,
        %swap3A_219 = vector.shape_cast %swap3A_218 : vector<1x16xf32> to vector<16xf32>
        %swap3A_220 = vector.shape_cast %mul3A_215 : vector<16xf32> to vector<1x16xf32>
        tpu.vector_store %arg15[%swap3A_216, %swap3A_217], %swap3A_220 {strides = array<i32>} : memref<128x128xf32, #tpu.memory_space<vmem>>, vector<1x16xf32>,
        %get3A_221 = arith.index_cast %scan3A_123 : i32 to index
        %get3A_222 = arith.constant 112 : index
        %get3A_223 = tpu.vector_load %arg15[%get3A_221, %get3A_222] {strides = array<i32>} : memref<128x128xf32, #tpu.memory_space<vmem>>, vector<1x16xf32>,
        %get3A_224 = vector.shape_cast %get3A_223 : vector<1x16xf32> to vector<16xf32>
        %get3A_225 = arith.index_cast %scan3A_123 : i32 to index
        %get3A_226 = arith.constant 112 : index
        %get3A_227 = tpu.vector_load %arg16[%get3A_225, %get3A_226] {strides = array<i32>} : memref<128x128xf32, #tpu.memory_space<vmem>>, vector<1x16xf32>,
        %get3A_228 = vector.shape_cast %get3A_227 : vector<1x16xf32> to vector<16xf32>
        %mul3A_229 = arith.mulf %get3A_224, %get3A_228 : vector<16xf32>
        %swap3A_230 = arith.index_cast %scan3A_123 : i32 to index
        %swap3A_231 = arith.constant 112 : index
        %swap3A_232 = tpu.vector_load %arg15[%swap3A_230, %swap3A_231] {strides = array<i32>} : memref<128x128xf32, #tpu.memory_space<vmem>>, vector<1x16xf32>,
        %swap3A_233 = vector.shape_cast %swap3A_232 : vector<1x16xf32> to vector<16xf32>
        %swap3A_234 = vector.shape_cast %mul3A_229 : vector<16xf32> to vector<1x16xf32>
        tpu.vector_store %arg15[%swap3A_230, %swap3A_231], %swap3A_234 {strides = array<i32>} : memref<128x128xf32, #tpu.memory_space<vmem>>, vector<1x16xf32>,
        %scan3A_235 = arith.constant 0 : i32
        scf.yield %scan3A_235 : i32
      }
      %scan3A_118 = arith.constant 128 : i32
      %add3A_119 = arith.addi %add3A_52, %scan3A_69 : i32
      %mul3A_120 = arith.constant 128 : i32
      %mul3A_121 = arith.muli %add3A_119, %mul3A_120 : i32
      "tpu.region"() ({
        %run_scoped3A = tpu.sem_alloc : memref<!tpu.dma_semaphore, #tpu.memory_space<semaphore_mem>>
        %dma_start3A_123 = arith.constant 0 : i32
        %dma_start3A_124 = tpu.memref_slice %arg9[%mul3A_121, %dma_start3A_123] : memref<163840x128xf32, #tpu.memory_space<hbm>> -> memref<128x128xf32, #tpu.memory_space<hbm>>
        %dma_start3A_125 = arith.constant 0 : i32
        %dma_start3A_126 = tpu.memref_slice %arg9[%mul3A_121, %dma_start3A_125] : memref<163840x128xf32, #tpu.memory_space<hbm>> -> memref<128x128xf32, #tpu.memory_space<hbm>>
        tpu.enqueue_dma source(%arg15 : memref<128x128xf32, #tpu.memory_space<vmem>>) target(%dma_start3A_126 : memref<128x128xf32, #tpu.memory_space<hbm>>) target_semaphore(%run_scoped3A : memref<!tpu.dma_semaphore, #tpu.memory_space<semaphore_mem>>)
        %dma_wait3A_127 = arith.constant 0 : i32
        %dma_wait3A_128 = tpu.memref_slice %arg9[%mul3A_121, %dma_wait3A_127] : memref<163840x128xf32, #tpu.memory_space<hbm>> -> memref<128x128xf32, #tpu.memory_space<hbm>>
        %dma_wait3A_129 = arith.constant 0 : i32
        %dma_wait3A_130 = tpu.memref_slice %arg9[%mul3A_121, %dma_wait3A_129] : memref<163840x128xf32, #tpu.memory_space<hbm>> -> memref<128x128xf32, #tpu.memory_space<hbm>>
        tpu.wait_dma2 semaphore(%run_scoped3A : memref<!tpu.dma_semaphore, #tpu.memory_space<semaphore_mem>>) src(%arg15 : memref<128x128xf32, #tpu.memory_space<vmem>>) dst(%dma_wait3A_130 : memref<128x128xf32, #tpu.memory_space<hbm>>)
        tpu.yield
      }) : () -> ()
      %scan3A_122 = arith.constant 0 : i32
      scf.yield %scan3A_122 : i32
    }
    %scan3A_59 = arith.constant 8 : i32
    %add3A_60 = arith.constant 32 : i32
    %add3A_61 = arith.addi %mul3A_23, %add3A_60 : i32
    "tpu.region"() ({
      %run_scoped3A = tpu.sem_alloc : memref<!tpu.dma_semaphore, #tpu.memory_space<semaphore_mem>>
      %dma_start3A = arith.constant 0 : i32
      %dma_start3A_69 = tpu.memref_slice %arg5[%add3A_61, %dma_start3A] : memref<1280x128xi32, #tpu.memory_space<hbm>> -> memref<8x128xi32, #tpu.memory_space<hbm>>
      %dma_start3A_70 = arith.constant 0 : i32
      %dma_start3A_71 = tpu.memref_slice %arg5[%add3A_61, %dma_start3A_70] : memref<1280x128xi32, #tpu.memory_space<hbm>> -> memref<8x128xi32, #tpu.memory_space<hbm>>
      tpu.enqueue_dma source(%dma_start3A_71 : memref<8x128xi32, #tpu.memory_space<hbm>>) target(%arg12 : memref<8x128xi32, #tpu.memory_space<vmem>>) target_semaphore(%run_scoped3A : memref<!tpu.dma_semaphore, #tpu.memory_space<semaphore_mem>>)
      %dma_wait3A = arith.constant 0 : i32
      %dma_wait3A_72 = tpu.memref_slice %arg5[%add3A_61, %dma_wait3A] : memref<1280x128xi32, #tpu.memory_space<hbm>> -> memref<8x128xi32, #tpu.memory_space<hbm>>
      %dma_wait3A_73 = arith.constant 0 : i32
      %dma_wait3A_74 = tpu.memref_slice %arg5[%add3A_61, %dma_wait3A_73] : memref<1280x128xi32, #tpu.memory_space<hbm>> -> memref<8x128xi32, #tpu.memory_space<hbm>>
      tpu.wait_dma2 semaphore(%run_scoped3A : memref<!tpu.dma_semaphore, #tpu.memory_space<semaphore_mem>>) src(%dma_wait3A_74 : memref<8x128xi32, #tpu.memory_space<hbm>>) dst(%arg12 : memref<8x128xi32, #tpu.memory_space<vmem>>)
      tpu.yield
    }) : () -> ()
    "tpu.region"() ({
      %run_scoped3A = tpu.sem_alloc : memref<!tpu.dma_semaphore, #tpu.memory_space<semaphore_mem>>
      %dma_start3A = arith.constant 0 : i32
      %dma_start3A_69 = tpu.memref_slice %arg6[%add3A_61, %dma_start3A] : memref<1280x128xi32, #tpu.memory_space<hbm>> -> memref<8x128xi32, #tpu.memory_space<hbm>>
      %dma_start3A_70 = arith.constant 0 : i32
      %dma_start3A_71 = tpu.memref_slice %arg6[%add3A_61, %dma_start3A_70] : memref<1280x128xi32, #tpu.memory_space<hbm>> -> memref<8x128xi32, #tpu.memory_space<hbm>>
      tpu.enqueue_dma source(%dma_start3A_71 : memref<8x128xi32, #tpu.memory_space<hbm>>) target(%arg13 : memref<8x128xi32, #tpu.memory_space<vmem>>) target_semaphore(%run_scoped3A : memref<!tpu.dma_semaphore, #tpu.memory_space<semaphore_mem>>)
      %dma_wait3A = arith.constant 0 : i32
      %dma_wait3A_72 = tpu.memref_slice %arg6[%add3A_61, %dma_wait3A] : memref<1280x128xi32, #tpu.memory_space<hbm>> -> memref<8x128xi32, #tpu.memory_space<hbm>>
      %dma_wait3A_73 = arith.constant 0 : i32
      %dma_wait3A_74 = tpu.memref_slice %arg6[%add3A_61, %dma_wait3A_73] : memref<1280x128xi32, #tpu.memory_space<hbm>> -> memref<8x128xi32, #tpu.memory_space<hbm>>
      tpu.wait_dma2 semaphore(%run_scoped3A : memref<!tpu.dma_semaphore, #tpu.memory_space<semaphore_mem>>) src(%dma_wait3A_74 : memref<8x128xi32, #tpu.memory_space<hbm>>) dst(%arg13 : memref<8x128xi32, #tpu.memory_space<vmem>>)
      tpu.yield
    }) : () -> ()
    "tpu.region"() ({
      %run_scoped3A = tpu.sem_alloc : memref<!tpu.dma_semaphore, #tpu.memory_space<semaphore_mem>>
      %dma_start3A = arith.constant 0 : i32
      %dma_start3A_69 = tpu.memref_slice %arg7[%add3A_61, %dma_start3A] : memref<1280x128xi32, #tpu.memory_space<hbm>> -> memref<8x128xi32, #tpu.memory_space<hbm>>
      %dma_start3A_70 = arith.constant 0 : i32
      %dma_start3A_71 = tpu.memref_slice %arg7[%add3A_61, %dma_start3A_70] : memref<1280x128xi32, #tpu.memory_space<hbm>> -> memref<8x128xi32, #tpu.memory_space<hbm>>
      tpu.enqueue_dma source(%dma_start3A_71 : memref<8x128xi32, #tpu.memory_space<hbm>>) target(%arg14 : memref<8x128xi32, #tpu.memory_space<vmem>>) target_semaphore(%run_scoped3A : memref<!tpu.dma_semaphore, #tpu.memory_space<semaphore_mem>>)
      %dma_wait3A = arith.constant 0 : i32
      %dma_wait3A_72 = tpu.memref_slice %arg7[%add3A_61, %dma_wait3A] : memref<1280x128xi32, #tpu.memory_space<hbm>> -> memref<8x128xi32, #tpu.memory_space<hbm>>
      %dma_wait3A_73 = arith.constant 0 : i32
      %dma_wait3A_74 = tpu.memref_slice %arg7[%add3A_61, %dma_wait3A_73] : memref<1280x128xi32, #tpu.memory_space<hbm>> -> memref<8x128xi32, #tpu.memory_space<hbm>>
      tpu.wait_dma2 semaphore(%run_scoped3A : memref<!tpu.dma_semaphore, #tpu.memory_space<semaphore_mem>>) src(%dma_wait3A_74 : memref<8x128xi32, #tpu.memory_space<hbm>>) dst(%arg14 : memref<8x128xi32, #tpu.memory_space<vmem>>)
      tpu.yield
    }) : () -> ()
    %scan3A_62 = arith.constant 0 : i32
    %scan3A_63 = arith.constant 0 : i32
    %scan3A_64 = arith.constant 8 : i32
    %scan3A_65 = arith.addi %scan3A_63, %scan3A_64 : i32
    %scan3A_66 = arith.constant 1 : i32
    %scan3A_67 = scf.for %scan3A_69 = %scan3A_63 to %scan3A_65 step %scan3A_66 iter_args(%scan3A_70 = %scan3A_62) -> (i32)  : i32 {
      %dma_start3A = arith.constant 0 : i32
      %dma_start3A_71 = tpu.memref_slice %arg12[%scan3A_69, %dma_start3A] : memref<8x128xi32, #tpu.memory_space<vmem>> -> memref<1x128xi32, #tpu.memory_space<vmem>>
      %dma_start3A_72 = tpu.memref_squeeze %dma_start3A_71 : memref<1x128xi32, #tpu.memory_space<vmem>> -> memref<128xi32, #tpu.memory_space<vmem>>
      %dma_start3A_73 = arith.constant 0 : i32
      %dma_start3A_74 = arith.constant 0 : i32
      %dma_start3A_75 = tpu.memref_slice %arg18[%dma_start3A_73, %dma_start3A_74] : memref<10240x128xf32, #tpu.memory_space<vmem_shared>> -> memref<10240x128xf32, #tpu.memory_space<vmem_shared>>
      tpu.enqueue_indirect_dma source(%dma_start3A_75 : memref<10240x128xf32, #tpu.memory_space<vmem_shared>>) target(%arg15 : memref<128x128xf32, #tpu.memory_space<vmem>>) offsets(%dma_start3A_72 : memref<128xi32, #tpu.memory_space<vmem>>) semaphore(%arg17 : memref<!tpu.dma_semaphore, #tpu.memory_space<semaphore_mem>>)
      %dma_start3A_76 = arith.constant 0 : i32
      %dma_start3A_77 = tpu.memref_slice %arg13[%scan3A_69, %dma_start3A_76] : memref<8x128xi32, #tpu.memory_space<vmem>> -> memref<1x128xi32, #tpu.memory_space<vmem>>
      %dma_start3A_78 = tpu.memref_squeeze %dma_start3A_77 : memref<1x128xi32, #tpu.memory_space<vmem>> -> memref<128xi32, #tpu.memory_space<vmem>>
      %dma_start3A_79 = arith.constant 0 : i32
      %dma_start3A_80 = arith.constant 0 : i32
      %dma_start3A_81 = tpu.memref_slice %arg18[%dma_start3A_79, %dma_start3A_80] : memref<10240x128xf32, #tpu.memory_space<vmem_shared>> -> memref<10240x128xf32, #tpu.memory_space<vmem_shared>>
      tpu.enqueue_indirect_dma source(%dma_start3A_81 : memref<10240x128xf32, #tpu.memory_space<vmem_shared>>) target(%arg16 : memref<128x128xf32, #tpu.memory_space<vmem>>) offsets(%dma_start3A_78 : memref<128xi32, #tpu.memory_space<vmem>>) semaphore(%arg17 : memref<!tpu.dma_semaphore, #tpu.memory_space<semaphore_mem>>)
      %dma_wait3A = arith.constant 0 : i32
      %dma_wait3A_82 = tpu.memref_slice %arg12[%scan3A_69, %dma_wait3A] : memref<8x128xi32, #tpu.memory_space<vmem>> -> memref<1x128xi32, #tpu.memory_space<vmem>>
      %dma_wait3A_83 = tpu.memref_squeeze %dma_wait3A_82 : memref<1x128xi32, #tpu.memory_space<vmem>> -> memref<128xi32, #tpu.memory_space<vmem>>
      %dma_wait3A_84 = arith.constant 0 : i32
      %dma_wait3A_85 = arith.constant 0 : i32
      %dma_wait3A_86 = tpu.memref_slice %arg18[%dma_wait3A_84, %dma_wait3A_85] : memref<10240x128xf32, #tpu.memory_space<vmem_shared>> -> memref<10240x128xf32, #tpu.memory_space<vmem_shared>>
      tpu.wait_indirect_dma semaphore(%arg17 : memref<!tpu.dma_semaphore, #tpu.memory_space<semaphore_mem>>) src(%dma_wait3A_86 : memref<10240x128xf32, #tpu.memory_space<vmem_shared>>) dst(%arg15 : memref<128x128xf32, #tpu.memory_space<vmem>>)
      %dma_wait3A_87 = arith.constant 0 : i32
      %dma_wait3A_88 = tpu.memref_slice %arg13[%scan3A_69, %dma_wait3A_87] : memref<8x128xi32, #tpu.memory_space<vmem>> -> memref<1x128xi32, #tpu.memory_space<vmem>>
      %dma_wait3A_89 = tpu.memref_squeeze %dma_wait3A_88 : memref<1x128xi32, #tpu.memory_space<vmem>> -> memref<128xi32, #tpu.memory_space<vmem>>
      %dma_wait3A_90 = arith.constant 0 : i32
      %dma_wait3A_91 = arith.constant 0 : i32
      %dma_wait3A_92 = tpu.memref_slice %arg18[%dma_wait3A_90, %dma_wait3A_91] : memref<10240x128xf32, #tpu.memory_space<vmem_shared>> -> memref<10240x128xf32, #tpu.memory_space<vmem_shared>>
      tpu.wait_indirect_dma semaphore(%arg17 : memref<!tpu.dma_semaphore, #tpu.memory_space<semaphore_mem>>) src(%dma_wait3A_92 : memref<10240x128xf32, #tpu.memory_space<vmem_shared>>) dst(%arg16 : memref<128x128xf32, #tpu.memory_space<vmem>>)
      %scan3A_93 = arith.constant 0 : i32
      %scan3A_94 = arith.constant 0 : i32
      %scan3A_95 = arith.constant 128 : i32
      %scan3A_96 = arith.addi %scan3A_94, %scan3A_95 : i32
      %scan3A_97 = arith.constant 1 : i32
      %scan3A_98 = scf.for %scan3A_123 = %scan3A_94 to %scan3A_96 step %scan3A_97 iter_args(%scan3A_124 = %scan3A_93) -> (i32)  : i32 {
        %get3A = arith.index_cast %scan3A_123 : i32 to index
        %get3A_125 = arith.constant 0 : index
        %get3A_126 = tpu.vector_load %arg15[%get3A, %get3A_125] {strides = array<i32>} : memref<128x128xf32, #tpu.memory_space<vmem>>, vector<1x16xf32>,
        %get3A_127 = vector.shape_cast %get3A_126 : vector<1x16xf32> to vector<16xf32>
        %get3A_128 = arith.index_cast %scan3A_123 : i32 to index
        %get3A_129 = arith.constant 0 : index
        %get3A_130 = tpu.vector_load %arg16[%get3A_128, %get3A_129] {strides = array<i32>} : memref<128x128xf32, #tpu.memory_space<vmem>>, vector<1x16xf32>,
        %get3A_131 = vector.shape_cast %get3A_130 : vector<1x16xf32> to vector<16xf32>
        %mul3A_132 = arith.mulf %get3A_127, %get3A_131 : vector<16xf32>
        %swap3A = arith.index_cast %scan3A_123 : i32 to index
        %swap3A_133 = arith.constant 0 : index
        %swap3A_134 = tpu.vector_load %arg15[%swap3A, %swap3A_133] {strides = array<i32>} : memref<128x128xf32, #tpu.memory_space<vmem>>, vector<1x16xf32>,
        %swap3A_135 = vector.shape_cast %swap3A_134 : vector<1x16xf32> to vector<16xf32>
        %swap3A_136 = vector.shape_cast %mul3A_132 : vector<16xf32> to vector<1x16xf32>
        tpu.vector_store %arg15[%swap3A, %swap3A_133], %swap3A_136 {strides = array<i32>} : memref<128x128xf32, #tpu.memory_space<vmem>>, vector<1x16xf32>,
        %get3A_137 = arith.index_cast %scan3A_123 : i32 to index
        %get3A_138 = arith.constant 16 : index
        %get3A_139 = tpu.vector_load %arg15[%get3A_137, %get3A_138] {strides = array<i32>} : memref<128x128xf32, #tpu.memory_space<vmem>>, vector<1x16xf32>,
        %get3A_140 = vector.shape_cast %get3A_139 : vector<1x16xf32> to vector<16xf32>
        %get3A_141 = arith.index_cast %scan3A_123 : i32 to index
        %get3A_142 = arith.constant 16 : index
        %get3A_143 = tpu.vector_load %arg16[%get3A_141, %get3A_142] {strides = array<i32>} : memref<128x128xf32, #tpu.memory_space<vmem>>, vector<1x16xf32>,
        %get3A_144 = vector.shape_cast %get3A_143 : vector<1x16xf32> to vector<16xf32>
        %mul3A_145 = arith.mulf %get3A_140, %get3A_144 : vector<16xf32>
        %swap3A_146 = arith.index_cast %scan3A_123 : i32 to index
        %swap3A_147 = arith.constant 16 : index
        %swap3A_148 = tpu.vector_load %arg15[%swap3A_146, %swap3A_147] {strides = array<i32>} : memref<128x128xf32, #tpu.memory_space<vmem>>, vector<1x16xf32>,
        %swap3A_149 = vector.shape_cast %swap3A_148 : vector<1x16xf32> to vector<16xf32>
        %swap3A_150 = vector.shape_cast %mul3A_145 : vector<16xf32> to vector<1x16xf32>
        tpu.vector_store %arg15[%swap3A_146, %swap3A_147], %swap3A_150 {strides = array<i32>} : memref<128x128xf32, #tpu.memory_space<vmem>>, vector<1x16xf32>,
        %get3A_151 = arith.index_cast %scan3A_123 : i32 to index
        %get3A_152 = arith.constant 32 : index
        %get3A_153 = tpu.vector_load %arg15[%get3A_151, %get3A_152] {strides = array<i32>} : memref<128x128xf32, #tpu.memory_space<vmem>>, vector<1x16xf32>,
        %get3A_154 = vector.shape_cast %get3A_153 : vector<1x16xf32> to vector<16xf32>
        %get3A_155 = arith.index_cast %scan3A_123 : i32 to index
        %get3A_156 = arith.constant 32 : index
        %get3A_157 = tpu.vector_load %arg16[%get3A_155, %get3A_156] {strides = array<i32>} : memref<128x128xf32, #tpu.memory_space<vmem>>, vector<1x16xf32>,
        %get3A_158 = vector.shape_cast %get3A_157 : vector<1x16xf32> to vector<16xf32>
        %mul3A_159 = arith.mulf %get3A_154, %get3A_158 : vector<16xf32>
        %swap3A_160 = arith.index_cast %scan3A_123 : i32 to index
        %swap3A_161 = arith.constant 32 : index
        %swap3A_162 = tpu.vector_load %arg15[%swap3A_160, %swap3A_161] {strides = array<i32>} : memref<128x128xf32, #tpu.memory_space<vmem>>, vector<1x16xf32>,
        %swap3A_163 = vector.shape_cast %swap3A_162 : vector<1x16xf32> to vector<16xf32>
        %swap3A_164 = vector.shape_cast %mul3A_159 : vector<16xf32> to vector<1x16xf32>
        tpu.vector_store %arg15[%swap3A_160, %swap3A_161], %swap3A_164 {strides = array<i32>} : memref<128x128xf32, #tpu.memory_space<vmem>>, vector<1x16xf32>,
        %get3A_165 = arith.index_cast %scan3A_123 : i32 to index
        %get3A_166 = arith.constant 48 : index
        %get3A_167 = tpu.vector_load %arg15[%get3A_165, %get3A_166] {strides = array<i32>} : memref<128x128xf32, #tpu.memory_space<vmem>>, vector<1x16xf32>,
        %get3A_168 = vector.shape_cast %get3A_167 : vector<1x16xf32> to vector<16xf32>
        %get3A_169 = arith.index_cast %scan3A_123 : i32 to index
        %get3A_170 = arith.constant 48 : index
        %get3A_171 = tpu.vector_load %arg16[%get3A_169, %get3A_170] {strides = array<i32>} : memref<128x128xf32, #tpu.memory_space<vmem>>, vector<1x16xf32>,
        %get3A_172 = vector.shape_cast %get3A_171 : vector<1x16xf32> to vector<16xf32>
        %mul3A_173 = arith.mulf %get3A_168, %get3A_172 : vector<16xf32>
        %swap3A_174 = arith.index_cast %scan3A_123 : i32 to index
        %swap3A_175 = arith.constant 48 : index
        %swap3A_176 = tpu.vector_load %arg15[%swap3A_174, %swap3A_175] {strides = array<i32>} : memref<128x128xf32, #tpu.memory_space<vmem>>, vector<1x16xf32>,
        %swap3A_177 = vector.shape_cast %swap3A_176 : vector<1x16xf32> to vector<16xf32>
        %swap3A_178 = vector.shape_cast %mul3A_173 : vector<16xf32> to vector<1x16xf32>
        tpu.vector_store %arg15[%swap3A_174, %swap3A_175], %swap3A_178 {strides = array<i32>} : memref<128x128xf32, #tpu.memory_space<vmem>>, vector<1x16xf32>,
        %get3A_179 = arith.index_cast %scan3A_123 : i32 to index
        %get3A_180 = arith.constant 64 : index
        %get3A_181 = tpu.vector_load %arg15[%get3A_179, %get3A_180] {strides = array<i32>} : memref<128x128xf32, #tpu.memory_space<vmem>>, vector<1x16xf32>,
        %get3A_182 = vector.shape_cast %get3A_181 : vector<1x16xf32> to vector<16xf32>
        %get3A_183 = arith.index_cast %scan3A_123 : i32 to index
        %get3A_184 = arith.constant 64 : index
        %get3A_185 = tpu.vector_load %arg16[%get3A_183, %get3A_184] {strides = array<i32>} : memref<128x128xf32, #tpu.memory_space<vmem>>, vector<1x16xf32>,
        %get3A_186 = vector.shape_cast %get3A_185 : vector<1x16xf32> to vector<16xf32>
        %mul3A_187 = arith.mulf %get3A_182, %get3A_186 : vector<16xf32>
        %swap3A_188 = arith.index_cast %scan3A_123 : i32 to index
        %swap3A_189 = arith.constant 64 : index
        %swap3A_190 = tpu.vector_load %arg15[%swap3A_188, %swap3A_189] {strides = array<i32>} : memref<128x128xf32, #tpu.memory_space<vmem>>, vector<1x16xf32>,
        %swap3A_191 = vector.shape_cast %swap3A_190 : vector<1x16xf32> to vector<16xf32>
        %swap3A_192 = vector.shape_cast %mul3A_187 : vector<16xf32> to vector<1x16xf32>
        tpu.vector_store %arg15[%swap3A_188, %swap3A_189], %swap3A_192 {strides = array<i32>} : memref<128x128xf32, #tpu.memory_space<vmem>>, vector<1x16xf32>,
        %get3A_193 = arith.index_cast %scan3A_123 : i32 to index
        %get3A_194 = arith.constant 80 : index
        %get3A_195 = tpu.vector_load %arg15[%get3A_193, %get3A_194] {strides = array<i32>} : memref<128x128xf32, #tpu.memory_space<vmem>>, vector<1x16xf32>,
        %get3A_196 = vector.shape_cast %get3A_195 : vector<1x16xf32> to vector<16xf32>
        %get3A_197 = arith.index_cast %scan3A_123 : i32 to index
        %get3A_198 = arith.constant 80 : index
        %get3A_199 = tpu.vector_load %arg16[%get3A_197, %get3A_198] {strides = array<i32>} : memref<128x128xf32, #tpu.memory_space<vmem>>, vector<1x16xf32>,
        %get3A_200 = vector.shape_cast %get3A_199 : vector<1x16xf32> to vector<16xf32>
        %mul3A_201 = arith.mulf %get3A_196, %get3A_200 : vector<16xf32>
        %swap3A_202 = arith.index_cast %scan3A_123 : i32 to index
        %swap3A_203 = arith.constant 80 : index
        %swap3A_204 = tpu.vector_load %arg15[%swap3A_202, %swap3A_203] {strides = array<i32>} : memref<128x128xf32, #tpu.memory_space<vmem>>, vector<1x16xf32>,
        %swap3A_205 = vector.shape_cast %swap3A_204 : vector<1x16xf32> to vector<16xf32>
        %swap3A_206 = vector.shape_cast %mul3A_201 : vector<16xf32> to vector<1x16xf32>
        tpu.vector_store %arg15[%swap3A_202, %swap3A_203], %swap3A_206 {strides = array<i32>} : memref<128x128xf32, #tpu.memory_space<vmem>>, vector<1x16xf32>,
        %get3A_207 = arith.index_cast %scan3A_123 : i32 to index
        %get3A_208 = arith.constant 96 : index
        %get3A_209 = tpu.vector_load %arg15[%get3A_207, %get3A_208] {strides = array<i32>} : memref<128x128xf32, #tpu.memory_space<vmem>>, vector<1x16xf32>,
        %get3A_210 = vector.shape_cast %get3A_209 : vector<1x16xf32> to vector<16xf32>
        %get3A_211 = arith.index_cast %scan3A_123 : i32 to index
        %get3A_212 = arith.constant 96 : index
        %get3A_213 = tpu.vector_load %arg16[%get3A_211, %get3A_212] {strides = array<i32>} : memref<128x128xf32, #tpu.memory_space<vmem>>, vector<1x16xf32>,
        %get3A_214 = vector.shape_cast %get3A_213 : vector<1x16xf32> to vector<16xf32>
        %mul3A_215 = arith.mulf %get3A_210, %get3A_214 : vector<16xf32>
        %swap3A_216 = arith.index_cast %scan3A_123 : i32 to index
        %swap3A_217 = arith.constant 96 : index
        %swap3A_218 = tpu.vector_load %arg15[%swap3A_216, %swap3A_217] {strides = array<i32>} : memref<128x128xf32, #tpu.memory_space<vmem>>, vector<1x16xf32>,
        %swap3A_219 = vector.shape_cast %swap3A_218 : vector<1x16xf32> to vector<16xf32>
        %swap3A_220 = vector.shape_cast %mul3A_215 : vector<16xf32> to vector<1x16xf32>
        tpu.vector_store %arg15[%swap3A_216, %swap3A_217], %swap3A_220 {strides = array<i32>} : memref<128x128xf32, #tpu.memory_space<vmem>>, vector<1x16xf32>,
        %get3A_221 = arith.index_cast %scan3A_123 : i32 to index
        %get3A_222 = arith.constant 112 : index
        %get3A_223 = tpu.vector_load %arg15[%get3A_221, %get3A_222] {strides = array<i32>} : memref<128x128xf32, #tpu.memory_space<vmem>>, vector<1x16xf32>,
        %get3A_224 = vector.shape_cast %get3A_223 : vector<1x16xf32> to vector<16xf32>
        %get3A_225 = arith.index_cast %scan3A_123 : i32 to index
        %get3A_226 = arith.constant 112 : index
        %get3A_227 = tpu.vector_load %arg16[%get3A_225, %get3A_226] {strides = array<i32>} : memref<128x128xf32, #tpu.memory_space<vmem>>, vector<1x16xf32>,
        %get3A_228 = vector.shape_cast %get3A_227 : vector<1x16xf32> to vector<16xf32>
        %mul3A_229 = arith.mulf %get3A_224, %get3A_228 : vector<16xf32>
        %swap3A_230 = arith.index_cast %scan3A_123 : i32 to index
        %swap3A_231 = arith.constant 112 : index
        %swap3A_232 = tpu.vector_load %arg15[%swap3A_230, %swap3A_231] {strides = array<i32>} : memref<128x128xf32, #tpu.memory_space<vmem>>, vector<1x16xf32>,
        %swap3A_233 = vector.shape_cast %swap3A_232 : vector<1x16xf32> to vector<16xf32>
        %swap3A_234 = vector.shape_cast %mul3A_229 : vector<16xf32> to vector<1x16xf32>
        tpu.vector_store %arg15[%swap3A_230, %swap3A_231], %swap3A_234 {strides = array<i32>} : memref<128x128xf32, #tpu.memory_space<vmem>>, vector<1x16xf32>,
        %scan3A_235 = arith.constant 0 : i32
        scf.yield %scan3A_235 : i32
      }
      %scan3A_99 = arith.constant 128 : i32
      %dma_start3A_100 = arith.constant 0 : i32
      %dma_start3A_101 = tpu.memref_slice %arg14[%scan3A_69, %dma_start3A_100] : memref<8x128xi32, #tpu.memory_space<vmem>> -> memref<1x128xi32, #tpu.memory_space<vmem>>
      %dma_start3A_102 = tpu.memref_squeeze %dma_start3A_101 : memref<1x128xi32, #tpu.memory_space<vmem>> -> memref<128xi32, #tpu.memory_space<vmem>>
      %dma_start3A_103 = arith.constant 0 : i32
      %dma_start3A_104 = arith.constant 0 : i32
      %dma_start3A_105 = tpu.memref_slice %arg18[%dma_start3A_103, %dma_start3A_104] : memref<10240x128xf32, #tpu.memory_space<vmem_shared>> -> memref<10240x128xf32, #tpu.memory_space<vmem_shared>>
      tpu.enqueue_indirect_dma source(%dma_start3A_105 : memref<10240x128xf32, #tpu.memory_space<vmem_shared>>) target(%arg16 : memref<128x128xf32, #tpu.memory_space<vmem>>) offsets(%dma_start3A_102 : memref<128xi32, #tpu.memory_space<vmem>>) semaphore(%arg17 : memref<!tpu.dma_semaphore, #tpu.memory_space<semaphore_mem>>)
      %dma_wait3A_106 = arith.constant 0 : i32
      %dma_wait3A_107 = tpu.memref_slice %arg14[%scan3A_69, %dma_wait3A_106] : memref<8x128xi32, #tpu.memory_space<vmem>> -> memref<1x128xi32, #tpu.memory_space<vmem>>
      %dma_wait3A_108 = tpu.memref_squeeze %dma_wait3A_107 : memref<1x128xi32, #tpu.memory_space<vmem>> -> memref<128xi32, #tpu.memory_space<vmem>>
      %dma_wait3A_109 = arith.constant 0 : i32
      %dma_wait3A_110 = arith.constant 0 : i32
      %dma_wait3A_111 = tpu.memref_slice %arg18[%dma_wait3A_109, %dma_wait3A_110] : memref<10240x128xf32, #tpu.memory_space<vmem_shared>> -> memref<10240x128xf32, #tpu.memory_space<vmem_shared>>
      tpu.wait_indirect_dma semaphore(%arg17 : memref<!tpu.dma_semaphore, #tpu.memory_space<semaphore_mem>>) src(%dma_wait3A_111 : memref<10240x128xf32, #tpu.memory_space<vmem_shared>>) dst(%arg16 : memref<128x128xf32, #tpu.memory_space<vmem>>)
      %scan3A_112 = arith.constant 0 : i32
      %scan3A_113 = arith.constant 0 : i32
      %scan3A_114 = arith.constant 128 : i32
      %scan3A_115 = arith.addi %scan3A_113, %scan3A_114 : i32
      %scan3A_116 = arith.constant 1 : i32
      %scan3A_117 = scf.for %scan3A_123 = %scan3A_113 to %scan3A_115 step %scan3A_116 iter_args(%scan3A_124 = %scan3A_112) -> (i32)  : i32 {
        %get3A = arith.index_cast %scan3A_123 : i32 to index
        %get3A_125 = arith.constant 0 : index
        %get3A_126 = tpu.vector_load %arg15[%get3A, %get3A_125] {strides = array<i32>} : memref<128x128xf32, #tpu.memory_space<vmem>>, vector<1x16xf32>,
        %get3A_127 = vector.shape_cast %get3A_126 : vector<1x16xf32> to vector<16xf32>
        %get3A_128 = arith.index_cast %scan3A_123 : i32 to index
        %get3A_129 = arith.constant 0 : index
        %get3A_130 = tpu.vector_load %arg16[%get3A_128, %get3A_129] {strides = array<i32>} : memref<128x128xf32, #tpu.memory_space<vmem>>, vector<1x16xf32>,
        %get3A_131 = vector.shape_cast %get3A_130 : vector<1x16xf32> to vector<16xf32>
        %mul3A_132 = arith.mulf %get3A_127, %get3A_131 : vector<16xf32>
        %swap3A = arith.index_cast %scan3A_123 : i32 to index
        %swap3A_133 = arith.constant 0 : index
        %swap3A_134 = tpu.vector_load %arg15[%swap3A, %swap3A_133] {strides = array<i32>} : memref<128x128xf32, #tpu.memory_space<vmem>>, vector<1x16xf32>,
        %swap3A_135 = vector.shape_cast %swap3A_134 : vector<1x16xf32> to vector<16xf32>
        %swap3A_136 = vector.shape_cast %mul3A_132 : vector<16xf32> to vector<1x16xf32>
        tpu.vector_store %arg15[%swap3A, %swap3A_133], %swap3A_136 {strides = array<i32>} : memref<128x128xf32, #tpu.memory_space<vmem>>, vector<1x16xf32>,
        %get3A_137 = arith.index_cast %scan3A_123 : i32 to index
        %get3A_138 = arith.constant 16 : index
        %get3A_139 = tpu.vector_load %arg15[%get3A_137, %get3A_138] {strides = array<i32>} : memref<128x128xf32, #tpu.memory_space<vmem>>, vector<1x16xf32>,
        %get3A_140 = vector.shape_cast %get3A_139 : vector<1x16xf32> to vector<16xf32>
        %get3A_141 = arith.index_cast %scan3A_123 : i32 to index
        %get3A_142 = arith.constant 16 : index
        %get3A_143 = tpu.vector_load %arg16[%get3A_141, %get3A_142] {strides = array<i32>} : memref<128x128xf32, #tpu.memory_space<vmem>>, vector<1x16xf32>,
        %get3A_144 = vector.shape_cast %get3A_143 : vector<1x16xf32> to vector<16xf32>
        %mul3A_145 = arith.mulf %get3A_140, %get3A_144 : vector<16xf32>
        %swap3A_146 = arith.index_cast %scan3A_123 : i32 to index
        %swap3A_147 = arith.constant 16 : index
        %swap3A_148 = tpu.vector_load %arg15[%swap3A_146, %swap3A_147] {strides = array<i32>} : memref<128x128xf32, #tpu.memory_space<vmem>>, vector<1x16xf32>,
        %swap3A_149 = vector.shape_cast %swap3A_148 : vector<1x16xf32> to vector<16xf32>
        %swap3A_150 = vector.shape_cast %mul3A_145 : vector<16xf32> to vector<1x16xf32>
        tpu.vector_store %arg15[%swap3A_146, %swap3A_147], %swap3A_150 {strides = array<i32>} : memref<128x128xf32, #tpu.memory_space<vmem>>, vector<1x16xf32>,
        %get3A_151 = arith.index_cast %scan3A_123 : i32 to index
        %get3A_152 = arith.constant 32 : index
        %get3A_153 = tpu.vector_load %arg15[%get3A_151, %get3A_152] {strides = array<i32>} : memref<128x128xf32, #tpu.memory_space<vmem>>, vector<1x16xf32>,
        %get3A_154 = vector.shape_cast %get3A_153 : vector<1x16xf32> to vector<16xf32>
        %get3A_155 = arith.index_cast %scan3A_123 : i32 to index
        %get3A_156 = arith.constant 32 : index
        %get3A_157 = tpu.vector_load %arg16[%get3A_155, %get3A_156] {strides = array<i32>} : memref<128x128xf32, #tpu.memory_space<vmem>>, vector<1x16xf32>,
        %get3A_158 = vector.shape_cast %get3A_157 : vector<1x16xf32> to vector<16xf32>
        %mul3A_159 = arith.mulf %get3A_154, %get3A_158 : vector<16xf32>
        %swap3A_160 = arith.index_cast %scan3A_123 : i32 to index
        %swap3A_161 = arith.constant 32 : index
        %swap3A_162 = tpu.vector_load %arg15[%swap3A_160, %swap3A_161] {strides = array<i32>} : memref<128x128xf32, #tpu.memory_space<vmem>>, vector<1x16xf32>,
        %swap3A_163 = vector.shape_cast %swap3A_162 : vector<1x16xf32> to vector<16xf32>
        %swap3A_164 = vector.shape_cast %mul3A_159 : vector<16xf32> to vector<1x16xf32>
        tpu.vector_store %arg15[%swap3A_160, %swap3A_161], %swap3A_164 {strides = array<i32>} : memref<128x128xf32, #tpu.memory_space<vmem>>, vector<1x16xf32>,
        %get3A_165 = arith.index_cast %scan3A_123 : i32 to index
        %get3A_166 = arith.constant 48 : index
        %get3A_167 = tpu.vector_load %arg15[%get3A_165, %get3A_166] {strides = array<i32>} : memref<128x128xf32, #tpu.memory_space<vmem>>, vector<1x16xf32>,
        %get3A_168 = vector.shape_cast %get3A_167 : vector<1x16xf32> to vector<16xf32>
        %get3A_169 = arith.index_cast %scan3A_123 : i32 to index
        %get3A_170 = arith.constant 48 : index
        %get3A_171 = tpu.vector_load %arg16[%get3A_169, %get3A_170] {strides = array<i32>} : memref<128x128xf32, #tpu.memory_space<vmem>>, vector<1x16xf32>,
        %get3A_172 = vector.shape_cast %get3A_171 : vector<1x16xf32> to vector<16xf32>
        %mul3A_173 = arith.mulf %get3A_168, %get3A_172 : vector<16xf32>
        %swap3A_174 = arith.index_cast %scan3A_123 : i32 to index
        %swap3A_175 = arith.constant 48 : index
        %swap3A_176 = tpu.vector_load %arg15[%swap3A_174, %swap3A_175] {strides = array<i32>} : memref<128x128xf32, #tpu.memory_space<vmem>>, vector<1x16xf32>,
        %swap3A_177 = vector.shape_cast %swap3A_176 : vector<1x16xf32> to vector<16xf32>
        %swap3A_178 = vector.shape_cast %mul3A_173 : vector<16xf32> to vector<1x16xf32>
        tpu.vector_store %arg15[%swap3A_174, %swap3A_175], %swap3A_178 {strides = array<i32>} : memref<128x128xf32, #tpu.memory_space<vmem>>, vector<1x16xf32>,
        %get3A_179 = arith.index_cast %scan3A_123 : i32 to index
        %get3A_180 = arith.constant 64 : index
        %get3A_181 = tpu.vector_load %arg15[%get3A_179, %get3A_180] {strides = array<i32>} : memref<128x128xf32, #tpu.memory_space<vmem>>, vector<1x16xf32>,
        %get3A_182 = vector.shape_cast %get3A_181 : vector<1x16xf32> to vector<16xf32>
        %get3A_183 = arith.index_cast %scan3A_123 : i32 to index
        %get3A_184 = arith.constant 64 : index
        %get3A_185 = tpu.vector_load %arg16[%get3A_183, %get3A_184] {strides = array<i32>} : memref<128x128xf32, #tpu.memory_space<vmem>>, vector<1x16xf32>,
        %get3A_186 = vector.shape_cast %get3A_185 : vector<1x16xf32> to vector<16xf32>
        %mul3A_187 = arith.mulf %get3A_182, %get3A_186 : vector<16xf32>
        %swap3A_188 = arith.index_cast %scan3A_123 : i32 to index
        %swap3A_189 = arith.constant 64 : index
        %swap3A_190 = tpu.vector_load %arg15[%swap3A_188, %swap3A_189] {strides = array<i32>} : memref<128x128xf32, #tpu.memory_space<vmem>>, vector<1x16xf32>,
        %swap3A_191 = vector.shape_cast %swap3A_190 : vector<1x16xf32> to vector<16xf32>
        %swap3A_192 = vector.shape_cast %mul3A_187 : vector<16xf32> to vector<1x16xf32>
        tpu.vector_store %arg15[%swap3A_188, %swap3A_189], %swap3A_192 {strides = array<i32>} : memref<128x128xf32, #tpu.memory_space<vmem>>, vector<1x16xf32>,
        %get3A_193 = arith.index_cast %scan3A_123 : i32 to index
        %get3A_194 = arith.constant 80 : index
        %get3A_195 = tpu.vector_load %arg15[%get3A_193, %get3A_194] {strides = array<i32>} : memref<128x128xf32, #tpu.memory_space<vmem>>, vector<1x16xf32>,
        %get3A_196 = vector.shape_cast %get3A_195 : vector<1x16xf32> to vector<16xf32>
        %get3A_197 = arith.index_cast %scan3A_123 : i32 to index
        %get3A_198 = arith.constant 80 : index
        %get3A_199 = tpu.vector_load %arg16[%get3A_197, %get3A_198] {strides = array<i32>} : memref<128x128xf32, #tpu.memory_space<vmem>>, vector<1x16xf32>,
        %get3A_200 = vector.shape_cast %get3A_199 : vector<1x16xf32> to vector<16xf32>
        %mul3A_201 = arith.mulf %get3A_196, %get3A_200 : vector<16xf32>
        %swap3A_202 = arith.index_cast %scan3A_123 : i32 to index
        %swap3A_203 = arith.constant 80 : index
        %swap3A_204 = tpu.vector_load %arg15[%swap3A_202, %swap3A_203] {strides = array<i32>} : memref<128x128xf32, #tpu.memory_space<vmem>>, vector<1x16xf32>,
        %swap3A_205 = vector.shape_cast %swap3A_204 : vector<1x16xf32> to vector<16xf32>
        %swap3A_206 = vector.shape_cast %mul3A_201 : vector<16xf32> to vector<1x16xf32>
        tpu.vector_store %arg15[%swap3A_202, %swap3A_203], %swap3A_206 {strides = array<i32>} : memref<128x128xf32, #tpu.memory_space<vmem>>, vector<1x16xf32>,
        %get3A_207 = arith.index_cast %scan3A_123 : i32 to index
        %get3A_208 = arith.constant 96 : index
        %get3A_209 = tpu.vector_load %arg15[%get3A_207, %get3A_208] {strides = array<i32>} : memref<128x128xf32, #tpu.memory_space<vmem>>, vector<1x16xf32>,
        %get3A_210 = vector.shape_cast %get3A_209 : vector<1x16xf32> to vector<16xf32>
        %get3A_211 = arith.index_cast %scan3A_123 : i32 to index
        %get3A_212 = arith.constant 96 : index
        %get3A_213 = tpu.vector_load %arg16[%get3A_211, %get3A_212] {strides = array<i32>} : memref<128x128xf32, #tpu.memory_space<vmem>>, vector<1x16xf32>,
        %get3A_214 = vector.shape_cast %get3A_213 : vector<1x16xf32> to vector<16xf32>
        %mul3A_215 = arith.mulf %get3A_210, %get3A_214 : vector<16xf32>
        %swap3A_216 = arith.index_cast %scan3A_123 : i32 to index
        %swap3A_217 = arith.constant 96 : index
        %swap3A_218 = tpu.vector_load %arg15[%swap3A_216, %swap3A_217] {strides = array<i32>} : memref<128x128xf32, #tpu.memory_space<vmem>>, vector<1x16xf32>,
        %swap3A_219 = vector.shape_cast %swap3A_218 : vector<1x16xf32> to vector<16xf32>
        %swap3A_220 = vector.shape_cast %mul3A_215 : vector<16xf32> to vector<1x16xf32>
        tpu.vector_store %arg15[%swap3A_216, %swap3A_217], %swap3A_220 {strides = array<i32>} : memref<128x128xf32, #tpu.memory_space<vmem>>, vector<1x16xf32>,
        %get3A_221 = arith.index_cast %scan3A_123 : i32 to index
        %get3A_222 = arith.constant 112 : index
        %get3A_223 = tpu.vector_load %arg15[%get3A_221, %get3A_222] {strides = array<i32>} : memref<128x128xf32, #tpu.memory_space<vmem>>, vector<1x16xf32>,
        %get3A_224 = vector.shape_cast %get3A_223 : vector<1x16xf32> to vector<16xf32>
        %get3A_225 = arith.index_cast %scan3A_123 : i32 to index
        %get3A_226 = arith.constant 112 : index
        %get3A_227 = tpu.vector_load %arg16[%get3A_225, %get3A_226] {strides = array<i32>} : memref<128x128xf32, #tpu.memory_space<vmem>>, vector<1x16xf32>,
        %get3A_228 = vector.shape_cast %get3A_227 : vector<1x16xf32> to vector<16xf32>
        %mul3A_229 = arith.mulf %get3A_224, %get3A_228 : vector<16xf32>
        %swap3A_230 = arith.index_cast %scan3A_123 : i32 to index
        %swap3A_231 = arith.constant 112 : index
        %swap3A_232 = tpu.vector_load %arg15[%swap3A_230, %swap3A_231] {strides = array<i32>} : memref<128x128xf32, #tpu.memory_space<vmem>>, vector<1x16xf32>,
        %swap3A_233 = vector.shape_cast %swap3A_232 : vector<1x16xf32> to vector<16xf32>
        %swap3A_234 = vector.shape_cast %mul3A_229 : vector<16xf32> to vector<1x16xf32>
        tpu.vector_store %arg15[%swap3A_230, %swap3A_231], %swap3A_234 {strides = array<i32>} : memref<128x128xf32, #tpu.memory_space<vmem>>, vector<1x16xf32>,
        %scan3A_235 = arith.constant 0 : i32
        scf.yield %scan3A_235 : i32
      }
      %scan3A_118 = arith.constant 128 : i32
      %add3A_119 = arith.addi %add3A_61, %scan3A_69 : i32
      %mul3A_120 = arith.constant 128 : i32
      %mul3A_121 = arith.muli %add3A_119, %mul3A_120 : i32
      "tpu.region"() ({
        %run_scoped3A = tpu.sem_alloc : memref<!tpu.dma_semaphore, #tpu.memory_space<semaphore_mem>>
        %dma_start3A_123 = arith.constant 0 : i32
        %dma_start3A_124 = tpu.memref_slice %arg9[%mul3A_121, %dma_start3A_123] : memref<163840x128xf32, #tpu.memory_space<hbm>> -> memref<128x128xf32, #tpu.memory_space<hbm>>
        %dma_start3A_125 = arith.constant 0 : i32
        %dma_start3A_126 = tpu.memref_slice %arg9[%mul3A_121, %dma_start3A_125] : memref<163840x128xf32, #tpu.memory_space<hbm>> -> memref<128x128xf32, #tpu.memory_space<hbm>>
        tpu.enqueue_dma source(%arg15 : memref<128x128xf32, #tpu.memory_space<vmem>>) target(%dma_start3A_126 : memref<128x128xf32, #tpu.memory_space<hbm>>) target_semaphore(%run_scoped3A : memref<!tpu.dma_semaphore, #tpu.memory_space<semaphore_mem>>)
        %dma_wait3A_127 = arith.constant 0 : i32
        %dma_wait3A_128 = tpu.memref_slice %arg9[%mul3A_121, %dma_wait3A_127] : memref<163840x128xf32, #tpu.memory_space<hbm>> -> memref<128x128xf32, #tpu.memory_space<hbm>>
        %dma_wait3A_129 = arith.constant 0 : i32
        %dma_wait3A_130 = tpu.memref_slice %arg9[%mul3A_121, %dma_wait3A_129] : memref<163840x128xf32, #tpu.memory_space<hbm>> -> memref<128x128xf32, #tpu.memory_space<hbm>>
        tpu.wait_dma2 semaphore(%run_scoped3A : memref<!tpu.dma_semaphore, #tpu.memory_space<semaphore_mem>>) src(%arg15 : memref<128x128xf32, #tpu.memory_space<vmem>>) dst(%dma_wait3A_130 : memref<128x128xf32, #tpu.memory_space<hbm>>)
        tpu.yield
      }) : () -> ()
      %scan3A_122 = arith.constant 0 : i32
      scf.yield %scan3A_122 : i32
    }
    %scan3A_68 = arith.constant 8 : i32
    return
  }
}

#map = affine_map<(d0, d1) -> (0)>
#map1 = affine_map<(d0, d1) -> (0, 0)>
module attributes {stable_mosaic.version = 14 : i64} {
  func.func @_trans_body(%arg0: i32, %arg1: i32, %arg2: memref<327680xi32, #tpu.memory_space<hbm>>, %arg3: memref<327680xi32, #tpu.memory_space<hbm>>, %arg4: memref<1280x128xi32, #tpu.memory_space<hbm>>, %arg5: memref<1280x128xi32, #tpu.memory_space<hbm>>, %arg6: memref<1280x128xi32, #tpu.memory_space<hbm>>, %arg7: memref<1280x128xi32, #tpu.memory_space<hbm>>, %arg8: memref<1280x128xi32, #tpu.memory_space<hbm>>, %arg9: memref<1280x128xi32, #tpu.memory_space<hbm>>, %arg10: memref<1280x128xi32, #tpu.memory_space<hbm>>, %arg11: memref<1280x128xi32, #tpu.memory_space<hbm>>, %arg12: memref<1280x128xi32, #tpu.memory_space<hbm>>, %arg13: memref<40x128xi32, #tpu.memory_space<vmem>>, %arg14: memref<40x128xi32, #tpu.memory_space<vmem>>, %arg15: memref<40x128xi32, #tpu.memory_space<vmem>>, %arg16: memref<40x128xi32, #tpu.memory_space<vmem>>, %arg17: memref<40x128xi32, #tpu.memory_space<vmem>>, %arg18: memref<40x128xi32, #tpu.memory_space<vmem>>, %arg19: memref<40x128xi32, #tpu.memory_space<vmem>>, %arg20: memref<40x128xi32, #tpu.memory_space<vmem>>, %arg21: memref<40x128xi32, #tpu.memory_space<vmem>>, %arg22: memref<!tpu.dma_semaphore, #tpu.memory_space<semaphore_mem>>) attributes {dimension_semantics = [#tpu.dimension_semantics<core_parallel>, #tpu.dimension_semantics<subcore_parallel>], iteration_bounds = array<i64: 2, 16>, scalar_prefetch = 0 : i64, scratch_operands = 10 : i64, tpu.core_type = #tpu.core_type<sc_vector_subcore>, window_params = [{transform_indices = #map}, {transform_indices = #map}, {transform_indices = #map1}, {transform_indices = #map1}, {transform_indices = #map1}, {transform_indices = #map1}, {transform_indices = #map1}, {transform_indices = #map1}, {transform_indices = #map1}, {transform_indices = #map1}, {transform_indices = #map1}]} {
    %mul3A = arith.constant 2 : i32
    %mul3A_0 = arith.muli %arg1, %mul3A : i32
    %add3A = arith.addi %mul3A_0, %arg0 : i32
    %mul3A_1 = arith.constant 40 : i32
    %mul3A_2 = arith.muli %add3A, %mul3A_1 : i32
    "tpu.region"() ({
      %run_scoped3A = tpu.sem_alloc : memref<!tpu.dma_semaphore, #tpu.memory_space<semaphore_mem>>
      %dma_start3A = arith.constant 0 : i32
      %dma_start3A_9 = tpu.memref_slice %arg4[%mul3A_2, %dma_start3A] : memref<1280x128xi32, #tpu.memory_space<hbm>> -> memref<40x128xi32, #tpu.memory_space<hbm>>
      %dma_start3A_10 = arith.constant 0 : i32
      %dma_start3A_11 = tpu.memref_slice %arg4[%mul3A_2, %dma_start3A_10] : memref<1280x128xi32, #tpu.memory_space<hbm>> -> memref<40x128xi32, #tpu.memory_space<hbm>>
      tpu.enqueue_dma source(%dma_start3A_11 : memref<40x128xi32, #tpu.memory_space<hbm>>) target(%arg13 : memref<40x128xi32, #tpu.memory_space<vmem>>) target_semaphore(%run_scoped3A : memref<!tpu.dma_semaphore, #tpu.memory_space<semaphore_mem>>)
      %dma_wait3A = arith.constant 0 : i32
      %dma_wait3A_12 = tpu.memref_slice %arg4[%mul3A_2, %dma_wait3A] : memref<1280x128xi32, #tpu.memory_space<hbm>> -> memref<40x128xi32, #tpu.memory_space<hbm>>
      %dma_wait3A_13 = arith.constant 0 : i32
      %dma_wait3A_14 = tpu.memref_slice %arg4[%mul3A_2, %dma_wait3A_13] : memref<1280x128xi32, #tpu.memory_space<hbm>> -> memref<40x128xi32, #tpu.memory_space<hbm>>
      tpu.wait_dma2 semaphore(%run_scoped3A : memref<!tpu.dma_semaphore, #tpu.memory_space<semaphore_mem>>) src(%dma_wait3A_14 : memref<40x128xi32, #tpu.memory_space<hbm>>) dst(%arg13 : memref<40x128xi32, #tpu.memory_space<vmem>>)
      tpu.yield
    }) : () -> ()
    "tpu.region"() ({
      %run_scoped3A = tpu.sem_alloc : memref<!tpu.dma_semaphore, #tpu.memory_space<semaphore_mem>>
      %dma_start3A = arith.constant 0 : i32
      %dma_start3A_9 = tpu.memref_slice %arg5[%mul3A_2, %dma_start3A] : memref<1280x128xi32, #tpu.memory_space<hbm>> -> memref<40x128xi32, #tpu.memory_space<hbm>>
      %dma_start3A_10 = arith.constant 0 : i32
      %dma_start3A_11 = tpu.memref_slice %arg5[%mul3A_2, %dma_start3A_10] : memref<1280x128xi32, #tpu.memory_space<hbm>> -> memref<40x128xi32, #tpu.memory_space<hbm>>
      tpu.enqueue_dma source(%dma_start3A_11 : memref<40x128xi32, #tpu.memory_space<hbm>>) target(%arg14 : memref<40x128xi32, #tpu.memory_space<vmem>>) target_semaphore(%run_scoped3A : memref<!tpu.dma_semaphore, #tpu.memory_space<semaphore_mem>>)
      %dma_wait3A = arith.constant 0 : i32
      %dma_wait3A_12 = tpu.memref_slice %arg5[%mul3A_2, %dma_wait3A] : memref<1280x128xi32, #tpu.memory_space<hbm>> -> memref<40x128xi32, #tpu.memory_space<hbm>>
      %dma_wait3A_13 = arith.constant 0 : i32
      %dma_wait3A_14 = tpu.memref_slice %arg5[%mul3A_2, %dma_wait3A_13] : memref<1280x128xi32, #tpu.memory_space<hbm>> -> memref<40x128xi32, #tpu.memory_space<hbm>>
      tpu.wait_dma2 semaphore(%run_scoped3A : memref<!tpu.dma_semaphore, #tpu.memory_space<semaphore_mem>>) src(%dma_wait3A_14 : memref<40x128xi32, #tpu.memory_space<hbm>>) dst(%arg14 : memref<40x128xi32, #tpu.memory_space<vmem>>)
      tpu.yield
    }) : () -> ()
    "tpu.region"() ({
      %run_scoped3A = tpu.sem_alloc : memref<!tpu.dma_semaphore, #tpu.memory_space<semaphore_mem>>
      %dma_start3A = arith.constant 0 : i32
      %dma_start3A_9 = tpu.memref_slice %arg6[%mul3A_2, %dma_start3A] : memref<1280x128xi32, #tpu.memory_space<hbm>> -> memref<40x128xi32, #tpu.memory_space<hbm>>
      %dma_start3A_10 = arith.constant 0 : i32
      %dma_start3A_11 = tpu.memref_slice %arg6[%mul3A_2, %dma_start3A_10] : memref<1280x128xi32, #tpu.memory_space<hbm>> -> memref<40x128xi32, #tpu.memory_space<hbm>>
      tpu.enqueue_dma source(%dma_start3A_11 : memref<40x128xi32, #tpu.memory_space<hbm>>) target(%arg15 : memref<40x128xi32, #tpu.memory_space<vmem>>) target_semaphore(%run_scoped3A : memref<!tpu.dma_semaphore, #tpu.memory_space<semaphore_mem>>)
      %dma_wait3A = arith.constant 0 : i32
      %dma_wait3A_12 = tpu.memref_slice %arg6[%mul3A_2, %dma_wait3A] : memref<1280x128xi32, #tpu.memory_space<hbm>> -> memref<40x128xi32, #tpu.memory_space<hbm>>
      %dma_wait3A_13 = arith.constant 0 : i32
      %dma_wait3A_14 = tpu.memref_slice %arg6[%mul3A_2, %dma_wait3A_13] : memref<1280x128xi32, #tpu.memory_space<hbm>> -> memref<40x128xi32, #tpu.memory_space<hbm>>
      tpu.wait_dma2 semaphore(%run_scoped3A : memref<!tpu.dma_semaphore, #tpu.memory_space<semaphore_mem>>) src(%dma_wait3A_14 : memref<40x128xi32, #tpu.memory_space<hbm>>) dst(%arg15 : memref<40x128xi32, #tpu.memory_space<vmem>>)
      tpu.yield
    }) : () -> ()
    %scan3A = arith.constant 0 : i32
    %scan3A_3 = arith.constant 0 : i32
    %scan3A_4 = arith.constant 40 : i32
    %scan3A_5 = arith.addi %scan3A_3, %scan3A_4 : i32
    %scan3A_6 = arith.constant 1 : i32
    %scan3A_7 = scf.for %scan3A_9 = %scan3A_3 to %scan3A_5 step %scan3A_6 iter_args(%scan3A_10 = %scan3A) -> (i32)  : i32 {
      %dma_start3A = arith.constant 0 : i32
      %dma_start3A_11 = tpu.memref_slice %arg16[%scan3A_9, %dma_start3A] : memref<40x128xi32, #tpu.memory_space<vmem>> -> memref<1x128xi32, #tpu.memory_space<vmem>>
      %dma_start3A_12 = tpu.memref_squeeze %dma_start3A_11 : memref<1x128xi32, #tpu.memory_space<vmem>> -> memref<128xi32, #tpu.memory_space<vmem>>
      %dma_start3A_13 = arith.constant 0 : i32
      %dma_start3A_14 = tpu.memref_slice %arg13[%scan3A_9, %dma_start3A_13] : memref<40x128xi32, #tpu.memory_space<vmem>> -> memref<1x128xi32, #tpu.memory_space<vmem>>
      %dma_start3A_15 = tpu.memref_squeeze %dma_start3A_14 : memref<1x128xi32, #tpu.memory_space<vmem>> -> memref<128xi32, #tpu.memory_space<vmem>>
      %dma_start3A_16 = arith.constant 0 : i32
      %dma_start3A_17 = tpu.memref_slice %arg3[%dma_start3A_16] : memref<327680xi32, #tpu.memory_space<hbm>> -> memref<327680xi32, #tpu.memory_space<hbm>>
      tpu.enqueue_indirect_dma source(%dma_start3A_17 : memref<327680xi32, #tpu.memory_space<hbm>>) target(%dma_start3A_12 : memref<128xi32, #tpu.memory_space<vmem>>) offsets(%dma_start3A_15 : memref<128xi32, #tpu.memory_space<vmem>>) semaphore(%arg22 : memref<!tpu.dma_semaphore, #tpu.memory_space<semaphore_mem>>)
      %dma_start3A_18 = arith.constant 0 : i32
      %dma_start3A_19 = tpu.memref_slice %arg19[%scan3A_9, %dma_start3A_18] : memref<40x128xi32, #tpu.memory_space<vmem>> -> memref<1x128xi32, #tpu.memory_space<vmem>>
      %dma_start3A_20 = tpu.memref_squeeze %dma_start3A_19 : memref<1x128xi32, #tpu.memory_space<vmem>> -> memref<128xi32, #tpu.memory_space<vmem>>
      %dma_start3A_21 = arith.constant 0 : i32
      %dma_start3A_22 = tpu.memref_slice %arg13[%scan3A_9, %dma_start3A_21] : memref<40x128xi32, #tpu.memory_space<vmem>> -> memref<1x128xi32, #tpu.memory_space<vmem>>
      %dma_start3A_23 = tpu.memref_squeeze %dma_start3A_22 : memref<1x128xi32, #tpu.memory_space<vmem>> -> memref<128xi32, #tpu.memory_space<vmem>>
      %dma_start3A_24 = arith.constant 0 : i32
      %dma_start3A_25 = tpu.memref_slice %arg2[%dma_start3A_24] : memref<327680xi32, #tpu.memory_space<hbm>> -> memref<327680xi32, #tpu.memory_space<hbm>>
      tpu.enqueue_indirect_dma source(%dma_start3A_25 : memref<327680xi32, #tpu.memory_space<hbm>>) target(%dma_start3A_20 : memref<128xi32, #tpu.memory_space<vmem>>) offsets(%dma_start3A_23 : memref<128xi32, #tpu.memory_space<vmem>>) semaphore(%arg22 : memref<!tpu.dma_semaphore, #tpu.memory_space<semaphore_mem>>)
      %dma_start3A_26 = arith.constant 0 : i32
      %dma_start3A_27 = tpu.memref_slice %arg17[%scan3A_9, %dma_start3A_26] : memref<40x128xi32, #tpu.memory_space<vmem>> -> memref<1x128xi32, #tpu.memory_space<vmem>>
      %dma_start3A_28 = tpu.memref_squeeze %dma_start3A_27 : memref<1x128xi32, #tpu.memory_space<vmem>> -> memref<128xi32, #tpu.memory_space<vmem>>
      %dma_start3A_29 = arith.constant 0 : i32
      %dma_start3A_30 = tpu.memref_slice %arg14[%scan3A_9, %dma_start3A_29] : memref<40x128xi32, #tpu.memory_space<vmem>> -> memref<1x128xi32, #tpu.memory_space<vmem>>
      %dma_start3A_31 = tpu.memref_squeeze %dma_start3A_30 : memref<1x128xi32, #tpu.memory_space<vmem>> -> memref<128xi32, #tpu.memory_space<vmem>>
      %dma_start3A_32 = arith.constant 0 : i32
      %dma_start3A_33 = tpu.memref_slice %arg2[%dma_start3A_32] : memref<327680xi32, #tpu.memory_space<hbm>> -> memref<327680xi32, #tpu.memory_space<hbm>>
      tpu.enqueue_indirect_dma source(%dma_start3A_33 : memref<327680xi32, #tpu.memory_space<hbm>>) target(%dma_start3A_28 : memref<128xi32, #tpu.memory_space<vmem>>) offsets(%dma_start3A_31 : memref<128xi32, #tpu.memory_space<vmem>>) semaphore(%arg22 : memref<!tpu.dma_semaphore, #tpu.memory_space<semaphore_mem>>)
      %dma_start3A_34 = arith.constant 0 : i32
      %dma_start3A_35 = tpu.memref_slice %arg20[%scan3A_9, %dma_start3A_34] : memref<40x128xi32, #tpu.memory_space<vmem>> -> memref<1x128xi32, #tpu.memory_space<vmem>>
      %dma_start3A_36 = tpu.memref_squeeze %dma_start3A_35 : memref<1x128xi32, #tpu.memory_space<vmem>> -> memref<128xi32, #tpu.memory_space<vmem>>
      %dma_start3A_37 = arith.constant 0 : i32
      %dma_start3A_38 = tpu.memref_slice %arg14[%scan3A_9, %dma_start3A_37] : memref<40x128xi32, #tpu.memory_space<vmem>> -> memref<1x128xi32, #tpu.memory_space<vmem>>
      %dma_start3A_39 = tpu.memref_squeeze %dma_start3A_38 : memref<1x128xi32, #tpu.memory_space<vmem>> -> memref<128xi32, #tpu.memory_space<vmem>>
      %dma_start3A_40 = arith.constant 0 : i32
      %dma_start3A_41 = tpu.memref_slice %arg3[%dma_start3A_40] : memref<327680xi32, #tpu.memory_space<hbm>> -> memref<327680xi32, #tpu.memory_space<hbm>>
      tpu.enqueue_indirect_dma source(%dma_start3A_41 : memref<327680xi32, #tpu.memory_space<hbm>>) target(%dma_start3A_36 : memref<128xi32, #tpu.memory_space<vmem>>) offsets(%dma_start3A_39 : memref<128xi32, #tpu.memory_space<vmem>>) semaphore(%arg22 : memref<!tpu.dma_semaphore, #tpu.memory_space<semaphore_mem>>)
      %dma_start3A_42 = arith.constant 0 : i32
      %dma_start3A_43 = tpu.memref_slice %arg18[%scan3A_9, %dma_start3A_42] : memref<40x128xi32, #tpu.memory_space<vmem>> -> memref<1x128xi32, #tpu.memory_space<vmem>>
      %dma_start3A_44 = tpu.memref_squeeze %dma_start3A_43 : memref<1x128xi32, #tpu.memory_space<vmem>> -> memref<128xi32, #tpu.memory_space<vmem>>
      %dma_start3A_45 = arith.constant 0 : i32
      %dma_start3A_46 = tpu.memref_slice %arg15[%scan3A_9, %dma_start3A_45] : memref<40x128xi32, #tpu.memory_space<vmem>> -> memref<1x128xi32, #tpu.memory_space<vmem>>
      %dma_start3A_47 = tpu.memref_squeeze %dma_start3A_46 : memref<1x128xi32, #tpu.memory_space<vmem>> -> memref<128xi32, #tpu.memory_space<vmem>>
      %dma_start3A_48 = arith.constant 0 : i32
      %dma_start3A_49 = tpu.memref_slice %arg3[%dma_start3A_48] : memref<327680xi32, #tpu.memory_space<hbm>> -> memref<327680xi32, #tpu.memory_space<hbm>>
      tpu.enqueue_indirect_dma source(%dma_start3A_49 : memref<327680xi32, #tpu.memory_space<hbm>>) target(%dma_start3A_44 : memref<128xi32, #tpu.memory_space<vmem>>) offsets(%dma_start3A_47 : memref<128xi32, #tpu.memory_space<vmem>>) semaphore(%arg22 : memref<!tpu.dma_semaphore, #tpu.memory_space<semaphore_mem>>)
      %dma_start3A_50 = arith.constant 0 : i32
      %dma_start3A_51 = tpu.memref_slice %arg21[%scan3A_9, %dma_start3A_50] : memref<40x128xi32, #tpu.memory_space<vmem>> -> memref<1x128xi32, #tpu.memory_space<vmem>>
      %dma_start3A_52 = tpu.memref_squeeze %dma_start3A_51 : memref<1x128xi32, #tpu.memory_space<vmem>> -> memref<128xi32, #tpu.memory_space<vmem>>
      %dma_start3A_53 = arith.constant 0 : i32
      %dma_start3A_54 = tpu.memref_slice %arg15[%scan3A_9, %dma_start3A_53] : memref<40x128xi32, #tpu.memory_space<vmem>> -> memref<1x128xi32, #tpu.memory_space<vmem>>
      %dma_start3A_55 = tpu.memref_squeeze %dma_start3A_54 : memref<1x128xi32, #tpu.memory_space<vmem>> -> memref<128xi32, #tpu.memory_space<vmem>>
      %dma_start3A_56 = arith.constant 0 : i32
      %dma_start3A_57 = tpu.memref_slice %arg2[%dma_start3A_56] : memref<327680xi32, #tpu.memory_space<hbm>> -> memref<327680xi32, #tpu.memory_space<hbm>>
      tpu.enqueue_indirect_dma source(%dma_start3A_57 : memref<327680xi32, #tpu.memory_space<hbm>>) target(%dma_start3A_52 : memref<128xi32, #tpu.memory_space<vmem>>) offsets(%dma_start3A_55 : memref<128xi32, #tpu.memory_space<vmem>>) semaphore(%arg22 : memref<!tpu.dma_semaphore, #tpu.memory_space<semaphore_mem>>)
      %dma_wait3A = arith.constant 0 : i32
      %dma_wait3A_58 = tpu.memref_slice %arg16[%scan3A_9, %dma_wait3A] : memref<40x128xi32, #tpu.memory_space<vmem>> -> memref<1x128xi32, #tpu.memory_space<vmem>>
      %dma_wait3A_59 = tpu.memref_squeeze %dma_wait3A_58 : memref<1x128xi32, #tpu.memory_space<vmem>> -> memref<128xi32, #tpu.memory_space<vmem>>
      %dma_wait3A_60 = arith.constant 0 : i32
      %dma_wait3A_61 = tpu.memref_slice %arg13[%scan3A_9, %dma_wait3A_60] : memref<40x128xi32, #tpu.memory_space<vmem>> -> memref<1x128xi32, #tpu.memory_space<vmem>>
      %dma_wait3A_62 = tpu.memref_squeeze %dma_wait3A_61 : memref<1x128xi32, #tpu.memory_space<vmem>> -> memref<128xi32, #tpu.memory_space<vmem>>
      %dma_wait3A_63 = arith.constant 0 : i32
      %dma_wait3A_64 = tpu.memref_slice %arg3[%dma_wait3A_63] : memref<327680xi32, #tpu.memory_space<hbm>> -> memref<327680xi32, #tpu.memory_space<hbm>>
      tpu.wait_indirect_dma semaphore(%arg22 : memref<!tpu.dma_semaphore, #tpu.memory_space<semaphore_mem>>) src(%dma_wait3A_64 : memref<327680xi32, #tpu.memory_space<hbm>>) dst(%dma_wait3A_59 : memref<128xi32, #tpu.memory_space<vmem>>)
      %dma_wait3A_65 = arith.constant 0 : i32
      %dma_wait3A_66 = tpu.memref_slice %arg19[%scan3A_9, %dma_wait3A_65] : memref<40x128xi32, #tpu.memory_space<vmem>> -> memref<1x128xi32, #tpu.memory_space<vmem>>
      %dma_wait3A_67 = tpu.memref_squeeze %dma_wait3A_66 : memref<1x128xi32, #tpu.memory_space<vmem>> -> memref<128xi32, #tpu.memory_space<vmem>>
      %dma_wait3A_68 = arith.constant 0 : i32
      %dma_wait3A_69 = tpu.memref_slice %arg13[%scan3A_9, %dma_wait3A_68] : memref<40x128xi32, #tpu.memory_space<vmem>> -> memref<1x128xi32, #tpu.memory_space<vmem>>
      %dma_wait3A_70 = tpu.memref_squeeze %dma_wait3A_69 : memref<1x128xi32, #tpu.memory_space<vmem>> -> memref<128xi32, #tpu.memory_space<vmem>>
      %dma_wait3A_71 = arith.constant 0 : i32
      %dma_wait3A_72 = tpu.memref_slice %arg2[%dma_wait3A_71] : memref<327680xi32, #tpu.memory_space<hbm>> -> memref<327680xi32, #tpu.memory_space<hbm>>
      tpu.wait_indirect_dma semaphore(%arg22 : memref<!tpu.dma_semaphore, #tpu.memory_space<semaphore_mem>>) src(%dma_wait3A_72 : memref<327680xi32, #tpu.memory_space<hbm>>) dst(%dma_wait3A_67 : memref<128xi32, #tpu.memory_space<vmem>>)
      %dma_wait3A_73 = arith.constant 0 : i32
      %dma_wait3A_74 = tpu.memref_slice %arg17[%scan3A_9, %dma_wait3A_73] : memref<40x128xi32, #tpu.memory_space<vmem>> -> memref<1x128xi32, #tpu.memory_space<vmem>>
      %dma_wait3A_75 = tpu.memref_squeeze %dma_wait3A_74 : memref<1x128xi32, #tpu.memory_space<vmem>> -> memref<128xi32, #tpu.memory_space<vmem>>
      %dma_wait3A_76 = arith.constant 0 : i32
      %dma_wait3A_77 = tpu.memref_slice %arg14[%scan3A_9, %dma_wait3A_76] : memref<40x128xi32, #tpu.memory_space<vmem>> -> memref<1x128xi32, #tpu.memory_space<vmem>>
      %dma_wait3A_78 = tpu.memref_squeeze %dma_wait3A_77 : memref<1x128xi32, #tpu.memory_space<vmem>> -> memref<128xi32, #tpu.memory_space<vmem>>
      %dma_wait3A_79 = arith.constant 0 : i32
      %dma_wait3A_80 = tpu.memref_slice %arg2[%dma_wait3A_79] : memref<327680xi32, #tpu.memory_space<hbm>> -> memref<327680xi32, #tpu.memory_space<hbm>>
      tpu.wait_indirect_dma semaphore(%arg22 : memref<!tpu.dma_semaphore, #tpu.memory_space<semaphore_mem>>) src(%dma_wait3A_80 : memref<327680xi32, #tpu.memory_space<hbm>>) dst(%dma_wait3A_75 : memref<128xi32, #tpu.memory_space<vmem>>)
      %dma_wait3A_81 = arith.constant 0 : i32
      %dma_wait3A_82 = tpu.memref_slice %arg20[%scan3A_9, %dma_wait3A_81] : memref<40x128xi32, #tpu.memory_space<vmem>> -> memref<1x128xi32, #tpu.memory_space<vmem>>
      %dma_wait3A_83 = tpu.memref_squeeze %dma_wait3A_82 : memref<1x128xi32, #tpu.memory_space<vmem>> -> memref<128xi32, #tpu.memory_space<vmem>>
      %dma_wait3A_84 = arith.constant 0 : i32
      %dma_wait3A_85 = tpu.memref_slice %arg14[%scan3A_9, %dma_wait3A_84] : memref<40x128xi32, #tpu.memory_space<vmem>> -> memref<1x128xi32, #tpu.memory_space<vmem>>
      %dma_wait3A_86 = tpu.memref_squeeze %dma_wait3A_85 : memref<1x128xi32, #tpu.memory_space<vmem>> -> memref<128xi32, #tpu.memory_space<vmem>>
      %dma_wait3A_87 = arith.constant 0 : i32
      %dma_wait3A_88 = tpu.memref_slice %arg3[%dma_wait3A_87] : memref<327680xi32, #tpu.memory_space<hbm>> -> memref<327680xi32, #tpu.memory_space<hbm>>
      tpu.wait_indirect_dma semaphore(%arg22 : memref<!tpu.dma_semaphore, #tpu.memory_space<semaphore_mem>>) src(%dma_wait3A_88 : memref<327680xi32, #tpu.memory_space<hbm>>) dst(%dma_wait3A_83 : memref<128xi32, #tpu.memory_space<vmem>>)
      %dma_wait3A_89 = arith.constant 0 : i32
      %dma_wait3A_90 = tpu.memref_slice %arg18[%scan3A_9, %dma_wait3A_89] : memref<40x128xi32, #tpu.memory_space<vmem>> -> memref<1x128xi32, #tpu.memory_space<vmem>>
      %dma_wait3A_91 = tpu.memref_squeeze %dma_wait3A_90 : memref<1x128xi32, #tpu.memory_space<vmem>> -> memref<128xi32, #tpu.memory_space<vmem>>
      %dma_wait3A_92 = arith.constant 0 : i32
      %dma_wait3A_93 = tpu.memref_slice %arg15[%scan3A_9, %dma_wait3A_92] : memref<40x128xi32, #tpu.memory_space<vmem>> -> memref<1x128xi32, #tpu.memory_space<vmem>>
      %dma_wait3A_94 = tpu.memref_squeeze %dma_wait3A_93 : memref<1x128xi32, #tpu.memory_space<vmem>> -> memref<128xi32, #tpu.memory_space<vmem>>
      %dma_wait3A_95 = arith.constant 0 : i32
      %dma_wait3A_96 = tpu.memref_slice %arg3[%dma_wait3A_95] : memref<327680xi32, #tpu.memory_space<hbm>> -> memref<327680xi32, #tpu.memory_space<hbm>>
      tpu.wait_indirect_dma semaphore(%arg22 : memref<!tpu.dma_semaphore, #tpu.memory_space<semaphore_mem>>) src(%dma_wait3A_96 : memref<327680xi32, #tpu.memory_space<hbm>>) dst(%dma_wait3A_91 : memref<128xi32, #tpu.memory_space<vmem>>)
      %dma_wait3A_97 = arith.constant 0 : i32
      %dma_wait3A_98 = tpu.memref_slice %arg21[%scan3A_9, %dma_wait3A_97] : memref<40x128xi32, #tpu.memory_space<vmem>> -> memref<1x128xi32, #tpu.memory_space<vmem>>
      %dma_wait3A_99 = tpu.memref_squeeze %dma_wait3A_98 : memref<1x128xi32, #tpu.memory_space<vmem>> -> memref<128xi32, #tpu.memory_space<vmem>>
      %dma_wait3A_100 = arith.constant 0 : i32
      %dma_wait3A_101 = tpu.memref_slice %arg15[%scan3A_9, %dma_wait3A_100] : memref<40x128xi32, #tpu.memory_space<vmem>> -> memref<1x128xi32, #tpu.memory_space<vmem>>
      %dma_wait3A_102 = tpu.memref_squeeze %dma_wait3A_101 : memref<1x128xi32, #tpu.memory_space<vmem>> -> memref<128xi32, #tpu.memory_space<vmem>>
      %dma_wait3A_103 = arith.constant 0 : i32
      %dma_wait3A_104 = tpu.memref_slice %arg2[%dma_wait3A_103] : memref<327680xi32, #tpu.memory_space<hbm>> -> memref<327680xi32, #tpu.memory_space<hbm>>
      tpu.wait_indirect_dma semaphore(%arg22 : memref<!tpu.dma_semaphore, #tpu.memory_space<semaphore_mem>>) src(%dma_wait3A_104 : memref<327680xi32, #tpu.memory_space<hbm>>) dst(%dma_wait3A_99 : memref<128xi32, #tpu.memory_space<vmem>>)
      %scan3A_105 = arith.constant 0 : i32
      scf.yield %scan3A_105 : i32
    }
    %scan3A_8 = arith.constant 40 : i32
    "tpu.region"() ({
      %run_scoped3A = tpu.sem_alloc : memref<!tpu.dma_semaphore, #tpu.memory_space<semaphore_mem>>
      %dma_start3A = arith.constant 0 : i32
      %dma_start3A_9 = tpu.memref_slice %arg7[%mul3A_2, %dma_start3A] : memref<1280x128xi32, #tpu.memory_space<hbm>> -> memref<40x128xi32, #tpu.memory_space<hbm>>
      %dma_start3A_10 = arith.constant 0 : i32
      %dma_start3A_11 = tpu.memref_slice %arg7[%mul3A_2, %dma_start3A_10] : memref<1280x128xi32, #tpu.memory_space<hbm>> -> memref<40x128xi32, #tpu.memory_space<hbm>>
      tpu.enqueue_dma source(%arg16 : memref<40x128xi32, #tpu.memory_space<vmem>>) target(%dma_start3A_11 : memref<40x128xi32, #tpu.memory_space<hbm>>) target_semaphore(%run_scoped3A : memref<!tpu.dma_semaphore, #tpu.memory_space<semaphore_mem>>)
      %dma_wait3A = arith.constant 0 : i32
      %dma_wait3A_12 = tpu.memref_slice %arg7[%mul3A_2, %dma_wait3A] : memref<1280x128xi32, #tpu.memory_space<hbm>> -> memref<40x128xi32, #tpu.memory_space<hbm>>
      %dma_wait3A_13 = arith.constant 0 : i32
      %dma_wait3A_14 = tpu.memref_slice %arg7[%mul3A_2, %dma_wait3A_13] : memref<1280x128xi32, #tpu.memory_space<hbm>> -> memref<40x128xi32, #tpu.memory_space<hbm>>
      tpu.wait_dma2 semaphore(%run_scoped3A : memref<!tpu.dma_semaphore, #tpu.memory_space<semaphore_mem>>) src(%arg16 : memref<40x128xi32, #tpu.memory_space<vmem>>) dst(%dma_wait3A_14 : memref<40x128xi32, #tpu.memory_space<hbm>>)
      tpu.yield
    }) : () -> ()
    "tpu.region"() ({
      %run_scoped3A = tpu.sem_alloc : memref<!tpu.dma_semaphore, #tpu.memory_space<semaphore_mem>>
      %dma_start3A = arith.constant 0 : i32
      %dma_start3A_9 = tpu.memref_slice %arg8[%mul3A_2, %dma_start3A] : memref<1280x128xi32, #tpu.memory_space<hbm>> -> memref<40x128xi32, #tpu.memory_space<hbm>>
      %dma_start3A_10 = arith.constant 0 : i32
      %dma_start3A_11 = tpu.memref_slice %arg8[%mul3A_2, %dma_start3A_10] : memref<1280x128xi32, #tpu.memory_space<hbm>> -> memref<40x128xi32, #tpu.memory_space<hbm>>
      tpu.enqueue_dma source(%arg17 : memref<40x128xi32, #tpu.memory_space<vmem>>) target(%dma_start3A_11 : memref<40x128xi32, #tpu.memory_space<hbm>>) target_semaphore(%run_scoped3A : memref<!tpu.dma_semaphore, #tpu.memory_space<semaphore_mem>>)
      %dma_wait3A = arith.constant 0 : i32
      %dma_wait3A_12 = tpu.memref_slice %arg8[%mul3A_2, %dma_wait3A] : memref<1280x128xi32, #tpu.memory_space<hbm>> -> memref<40x128xi32, #tpu.memory_space<hbm>>
      %dma_wait3A_13 = arith.constant 0 : i32
      %dma_wait3A_14 = tpu.memref_slice %arg8[%mul3A_2, %dma_wait3A_13] : memref<1280x128xi32, #tpu.memory_space<hbm>> -> memref<40x128xi32, #tpu.memory_space<hbm>>
      tpu.wait_dma2 semaphore(%run_scoped3A : memref<!tpu.dma_semaphore, #tpu.memory_space<semaphore_mem>>) src(%arg17 : memref<40x128xi32, #tpu.memory_space<vmem>>) dst(%dma_wait3A_14 : memref<40x128xi32, #tpu.memory_space<hbm>>)
      tpu.yield
    }) : () -> ()
    "tpu.region"() ({
      %run_scoped3A = tpu.sem_alloc : memref<!tpu.dma_semaphore, #tpu.memory_space<semaphore_mem>>
      %dma_start3A = arith.constant 0 : i32
      %dma_start3A_9 = tpu.memref_slice %arg9[%mul3A_2, %dma_start3A] : memref<1280x128xi32, #tpu.memory_space<hbm>> -> memref<40x128xi32, #tpu.memory_space<hbm>>
      %dma_start3A_10 = arith.constant 0 : i32
      %dma_start3A_11 = tpu.memref_slice %arg9[%mul3A_2, %dma_start3A_10] : memref<1280x128xi32, #tpu.memory_space<hbm>> -> memref<40x128xi32, #tpu.memory_space<hbm>>
      tpu.enqueue_dma source(%arg18 : memref<40x128xi32, #tpu.memory_space<vmem>>) target(%dma_start3A_11 : memref<40x128xi32, #tpu.memory_space<hbm>>) target_semaphore(%run_scoped3A : memref<!tpu.dma_semaphore, #tpu.memory_space<semaphore_mem>>)
      %dma_wait3A = arith.constant 0 : i32
      %dma_wait3A_12 = tpu.memref_slice %arg9[%mul3A_2, %dma_wait3A] : memref<1280x128xi32, #tpu.memory_space<hbm>> -> memref<40x128xi32, #tpu.memory_space<hbm>>
      %dma_wait3A_13 = arith.constant 0 : i32
      %dma_wait3A_14 = tpu.memref_slice %arg9[%mul3A_2, %dma_wait3A_13] : memref<1280x128xi32, #tpu.memory_space<hbm>> -> memref<40x128xi32, #tpu.memory_space<hbm>>
      tpu.wait_dma2 semaphore(%run_scoped3A : memref<!tpu.dma_semaphore, #tpu.memory_space<semaphore_mem>>) src(%arg18 : memref<40x128xi32, #tpu.memory_space<vmem>>) dst(%dma_wait3A_14 : memref<40x128xi32, #tpu.memory_space<hbm>>)
      tpu.yield
    }) : () -> ()
    "tpu.region"() ({
      %run_scoped3A = tpu.sem_alloc : memref<!tpu.dma_semaphore, #tpu.memory_space<semaphore_mem>>
      %dma_start3A = arith.constant 0 : i32
      %dma_start3A_9 = tpu.memref_slice %arg10[%mul3A_2, %dma_start3A] : memref<1280x128xi32, #tpu.memory_space<hbm>> -> memref<40x128xi32, #tpu.memory_space<hbm>>
      %dma_start3A_10 = arith.constant 0 : i32
      %dma_start3A_11 = tpu.memref_slice %arg10[%mul3A_2, %dma_start3A_10] : memref<1280x128xi32, #tpu.memory_space<hbm>> -> memref<40x128xi32, #tpu.memory_space<hbm>>
      tpu.enqueue_dma source(%arg19 : memref<40x128xi32, #tpu.memory_space<vmem>>) target(%dma_start3A_11 : memref<40x128xi32, #tpu.memory_space<hbm>>) target_semaphore(%run_scoped3A : memref<!tpu.dma_semaphore, #tpu.memory_space<semaphore_mem>>)
      %dma_wait3A = arith.constant 0 : i32
      %dma_wait3A_12 = tpu.memref_slice %arg10[%mul3A_2, %dma_wait3A] : memref<1280x128xi32, #tpu.memory_space<hbm>> -> memref<40x128xi32, #tpu.memory_space<hbm>>
      %dma_wait3A_13 = arith.constant 0 : i32
      %dma_wait3A_14 = tpu.memref_slice %arg10[%mul3A_2, %dma_wait3A_13] : memref<1280x128xi32, #tpu.memory_space<hbm>> -> memref<40x128xi32, #tpu.memory_space<hbm>>
      tpu.wait_dma2 semaphore(%run_scoped3A : memref<!tpu.dma_semaphore, #tpu.memory_space<semaphore_mem>>) src(%arg19 : memref<40x128xi32, #tpu.memory_space<vmem>>) dst(%dma_wait3A_14 : memref<40x128xi32, #tpu.memory_space<hbm>>)
      tpu.yield
    }) : () -> ()
    "tpu.region"() ({
      %run_scoped3A = tpu.sem_alloc : memref<!tpu.dma_semaphore, #tpu.memory_space<semaphore_mem>>
      %dma_start3A = arith.constant 0 : i32
      %dma_start3A_9 = tpu.memref_slice %arg11[%mul3A_2, %dma_start3A] : memref<1280x128xi32, #tpu.memory_space<hbm>> -> memref<40x128xi32, #tpu.memory_space<hbm>>
      %dma_start3A_10 = arith.constant 0 : i32
      %dma_start3A_11 = tpu.memref_slice %arg11[%mul3A_2, %dma_start3A_10] : memref<1280x128xi32, #tpu.memory_space<hbm>> -> memref<40x128xi32, #tpu.memory_space<hbm>>
      tpu.enqueue_dma source(%arg20 : memref<40x128xi32, #tpu.memory_space<vmem>>) target(%dma_start3A_11 : memref<40x128xi32, #tpu.memory_space<hbm>>) target_semaphore(%run_scoped3A : memref<!tpu.dma_semaphore, #tpu.memory_space<semaphore_mem>>)
      %dma_wait3A = arith.constant 0 : i32
      %dma_wait3A_12 = tpu.memref_slice %arg11[%mul3A_2, %dma_wait3A] : memref<1280x128xi32, #tpu.memory_space<hbm>> -> memref<40x128xi32, #tpu.memory_space<hbm>>
      %dma_wait3A_13 = arith.constant 0 : i32
      %dma_wait3A_14 = tpu.memref_slice %arg11[%mul3A_2, %dma_wait3A_13] : memref<1280x128xi32, #tpu.memory_space<hbm>> -> memref<40x128xi32, #tpu.memory_space<hbm>>
      tpu.wait_dma2 semaphore(%run_scoped3A : memref<!tpu.dma_semaphore, #tpu.memory_space<semaphore_mem>>) src(%arg20 : memref<40x128xi32, #tpu.memory_space<vmem>>) dst(%dma_wait3A_14 : memref<40x128xi32, #tpu.memory_space<hbm>>)
      tpu.yield
    }) : () -> ()
    "tpu.region"() ({
      %run_scoped3A = tpu.sem_alloc : memref<!tpu.dma_semaphore, #tpu.memory_space<semaphore_mem>>
      %dma_start3A = arith.constant 0 : i32
      %dma_start3A_9 = tpu.memref_slice %arg12[%mul3A_2, %dma_start3A] : memref<1280x128xi32, #tpu.memory_space<hbm>> -> memref<40x128xi32, #tpu.memory_space<hbm>>
      %dma_start3A_10 = arith.constant 0 : i32
      %dma_start3A_11 = tpu.memref_slice %arg12[%mul3A_2, %dma_start3A_10] : memref<1280x128xi32, #tpu.memory_space<hbm>> -> memref<40x128xi32, #tpu.memory_space<hbm>>
      tpu.enqueue_dma source(%arg21 : memref<40x128xi32, #tpu.memory_space<vmem>>) target(%dma_start3A_11 : memref<40x128xi32, #tpu.memory_space<hbm>>) target_semaphore(%run_scoped3A : memref<!tpu.dma_semaphore, #tpu.memory_space<semaphore_mem>>)
      %dma_wait3A = arith.constant 0 : i32
      %dma_wait3A_12 = tpu.memref_slice %arg12[%mul3A_2, %dma_wait3A] : memref<1280x128xi32, #tpu.memory_space<hbm>> -> memref<40x128xi32, #tpu.memory_space<hbm>>
      %dma_wait3A_13 = arith.constant 0 : i32
      %dma_wait3A_14 = tpu.memref_slice %arg12[%mul3A_2, %dma_wait3A_13] : memref<1280x128xi32, #tpu.memory_space<hbm>> -> memref<40x128xi32, #tpu.memory_space<hbm>>
      tpu.wait_dma2 semaphore(%run_scoped3A : memref<!tpu.dma_semaphore, #tpu.memory_space<semaphore_mem>>) src(%arg21 : memref<40x128xi32, #tpu.memory_space<vmem>>) dst(%dma_wait3A_14 : memref<40x128xi32, #tpu.memory_space<hbm>>)
      tpu.yield
    }) : () -> ()
    return
  }
}

module attributes {stable_mosaic.version = 14 : i64} {
  func.func @_node_body(%arg0: i32, %arg1: memref<512x128xf32, #tpu.memory_space<vmem>>, %arg2: memref<128x128xf32, #tpu.memory_space<vmem>>, %arg3: memref<1x128xf32, #tpu.memory_space<vmem>>, %arg4: memref<1x1xf32, #tpu.memory_space<vmem>>, %arg5: memref<512x128xf32, #tpu.memory_space<vmem>>, %arg6: memref<512x128xf32, #tpu.memory_space<vmem>>) attributes {dimension_semantics = [#tpu.dimension_semantics<arbitrary>], iteration_bounds = array<i64: 20>, scalar_prefetch = 0 : i64, scratch_operands = 0 : i64, tpu.core_type = #tpu.core_type<tc>, window_params = [{transform_indices = @transform_0, window_bounds = array<i64: 512, 128>}, {pipeline_mode = #tpu.pipeline_mode<synchronous>, transform_indices = @transform_1, window_bounds = array<i64: 128, 128>}, {pipeline_mode = #tpu.pipeline_mode<synchronous>, transform_indices = @transform_2, window_bounds = array<i64: 1, 128>}, {pipeline_mode = #tpu.pipeline_mode<synchronous>, transform_indices = @transform_3, window_bounds = array<i64: 1, 1>}, {transform_indices = @transform_4, window_bounds = array<i64: 512, 128>}, {transform_indices = @transform_5, window_bounds = array<i64: 512, 128>}]} {
    %get3A = arith.constant 0 : index
    %get3A_0 = arith.constant 0 : index
    %get3A_1 = vector.load %arg1[%get3A, %get3A_0] : memref<512x128xf32, #tpu.memory_space<vmem>>, vector<512x128xf32>
    %ne3A = arith.constant 0.000000e+00 : f32
    %ne3A_2 = vector.broadcast %ne3A : f32 to vector<512x128xf32>
    %ne3A_3 = arith.cmpf one, %get3A_1, %ne3A_2 : vector<512x128xf32>
    %jit3A = arith.constant 1.000000e+00 : f32
    %jit3A_4 = arith.constant 0.000000e+00 : f32
    %broadcast_in_dim3A = vector.broadcast %jit3A : f32 to vector<512x128xf32>
    %broadcast_in_dim3A_5 = vector.broadcast %jit3A_4 : f32 to vector<512x128xf32>
    %select_n3A = arith.select %ne3A_3, %broadcast_in_dim3A, %broadcast_in_dim3A_5 : vector<512x128xi1>, vector<512x128xf32>
    %swap3A = arith.constant 0 : index
    %swap3A_6 = arith.constant 0 : index
    %swap3A_7 = vector.load %arg5[%swap3A, %swap3A_6] : memref<512x128xf32, #tpu.memory_space<vmem>>, vector<512x128xf32>
    tpu.vector_store %arg5[%swap3A, %swap3A_6], %select_n3A {strides = array<i32>} : memref<512x128xf32, #tpu.memory_space<vmem>>, vector<512x128xf32>,
    %get3A_8 = arith.constant 0 : index
    %get3A_9 = arith.constant 0 : index
    %get3A_10 = vector.load %arg2[%get3A_8, %get3A_9] : memref<128x128xf32, #tpu.memory_space<vmem>>, vector<128x128xf32>
    %dot_general3A = arith.constant dense<0.000000e+00> : vector<512x128xf32>
    %dot_general3A_11 = tpu.matmul %select_n3A, %get3A_10, %dot_general3A {dimension_numbers = #tpu.dot_dimension_numbers<[1], [0], [0], [1], [0, 0, 1, 1], [], []>, transpose_lhs_hint = false} : vector<512x128xf32>, vector<128x128xf32>, vector<512x128xf32> -> vector<512x128xf32>
    %get3A_12 = arith.constant 0 : index
    %get3A_13 = arith.constant 0 : index
    %get3A_14 = vector.load %arg3[%get3A_12, %get3A_13] : memref<1x128xf32, #tpu.memory_space<vmem>>, vector<1x128xf32>
    %add3A = vector.broadcast %get3A_14 : vector<1x128xf32> to vector<512x128xf32>
    %add3A_15 = arith.addf %dot_general3A_11, %add3A : vector<512x128xf32>
    %ge3A = arith.constant 0.000000e+00 : f32
    %ge3A_16 = vector.broadcast %ge3A : f32 to vector<512x128xf32>
    %ge3A_17 = arith.cmpf oge, %add3A_15, %ge3A_16 : vector<512x128xf32>
    %get3A_18 = arith.constant 0 : index
    %get3A_19 = arith.constant 0 : index
    %get3A_20 = vector.load %arg4[%get3A_18, %get3A_19] : memref<1x1xf32, #tpu.memory_space<vmem>>, vector<1x1xf32>
    %get3A_21 = vector.extract %get3A_20[0, 0] : f32 from vector<1x1xf32>
    %mul3A = vector.broadcast %get3A_21 : f32 to vector<512x128xf32>
    %mul3A_22 = arith.mulf %mul3A, %add3A_15 : vector<512x128xf32>
    %select_n3A_23 = arith.select %ge3A_17, %add3A_15, %mul3A_22 : vector<512x128xi1>, vector<512x128xf32>
    %swap3A_24 = arith.constant 0 : index
    %swap3A_25 = arith.constant 0 : index
    %swap3A_26 = vector.load %arg6[%swap3A_24, %swap3A_25] : memref<512x128xf32, #tpu.memory_space<vmem>>, vector<512x128xf32>
    tpu.vector_store %arg6[%swap3A_24, %swap3A_25], %select_n3A_23 {strides = array<i32>} : memref<512x128xf32, #tpu.memory_space<vmem>>, vector<512x128xf32>,
    return
  }
  func.func @transform_0(%arg0: i32) -> (i32, i32) {
    %c0_i32 = arith.constant 0 : i32
    %c0_i32_0 = arith.constant 0 : i32
    return %arg0, %c0_i32 : i32, i32
  }
  func.func @transform_1(%arg0: i32) -> (i32, i32) {
    %c0_i32 = arith.constant 0 : i32
    %c0_i32_0 = arith.constant 0 : i32
    %c0_i32_1 = arith.constant 0 : i32
    return %c0_i32, %c0_i32_0 : i32, i32
  }
  func.func @transform_2(%arg0: i32) -> (i32, i32) {
    %c0_i32 = arith.constant 0 : i32
    %c0_i32_0 = arith.constant 0 : i32
    %c0_i32_1 = arith.constant 0 : i32
    return %c0_i32, %c0_i32_0 : i32, i32
  }
  func.func @transform_3(%arg0: i32) -> (i32, i32) {
    %c0_i32 = arith.constant 0 : i32
    %c0_i32_0 = arith.constant 0 : i32
    %c0_i32_1 = arith.constant 0 : i32
    return %c0_i32, %c0_i32_0 : i32, i32
  }
  func.func @transform_4(%arg0: i32) -> (i32, i32) {
    %c0_i32 = arith.constant 0 : i32
    %c0_i32_0 = arith.constant 0 : i32
    return %arg0, %c0_i32 : i32, i32
  }
  func.func @transform_5(%arg0: i32) -> (i32, i32) {
    %c0_i32 = arith.constant 0 : i32
    %c0_i32_0 = arith.constant 0 : i32
    return %arg0, %c0_i32 : i32, i32
  }
}

module attributes {stable_mosaic.version = 14 : i64} {
  func.func @_edge_mm_body(%arg0: i32, %arg1: memref<512x128xf32, #tpu.memory_space<vmem>>, %arg2: memref<128x128xf32, #tpu.memory_space<vmem>>, %arg3: memref<1x128xf32, #tpu.memory_space<vmem>>, %arg4: memref<1x128xf32, #tpu.memory_space<vmem>>, %arg5: memref<1x1xf32, #tpu.memory_space<vmem>>, %arg6: memref<512x128xf32, #tpu.memory_space<vmem>>) attributes {dimension_semantics = [#tpu.dimension_semantics<arbitrary>], iteration_bounds = array<i64: 640>, scalar_prefetch = 0 : i64, scratch_operands = 0 : i64, tpu.core_type = #tpu.core_type<tc>, window_params = [{transform_indices = @transform_0, window_bounds = array<i64: 512, 128>}, {pipeline_mode = #tpu.pipeline_mode<synchronous>, transform_indices = @transform_1, window_bounds = array<i64: 128, 128>}, {pipeline_mode = #tpu.pipeline_mode<synchronous>, transform_indices = @transform_2, window_bounds = array<i64: 1, 128>}, {pipeline_mode = #tpu.pipeline_mode<synchronous>, transform_indices = @transform_3, window_bounds = array<i64: 1, 128>}, {pipeline_mode = #tpu.pipeline_mode<synchronous>, transform_indices = @transform_4, window_bounds = array<i64: 1, 1>}, {transform_indices = @transform_5, window_bounds = array<i64: 512, 128>}]} {
    %get3A = arith.constant 0 : index
    %get3A_0 = arith.constant 0 : index
    %get3A_1 = vector.load %arg1[%get3A, %get3A_0] : memref<512x128xf32, #tpu.memory_space<vmem>>, vector<512x128xf32>
    %get3A_2 = arith.constant 0 : index
    %get3A_3 = arith.constant 0 : index
    %get3A_4 = vector.load %arg2[%get3A_2, %get3A_3] : memref<128x128xf32, #tpu.memory_space<vmem>>, vector<128x128xf32>
    %dot_general3A = arith.constant dense<0.000000e+00> : vector<512x128xf32>
    %dot_general3A_5 = tpu.matmul %get3A_1, %get3A_4, %dot_general3A {dimension_numbers = #tpu.dot_dimension_numbers<[1], [0], [0], [1], [0, 0, 1, 1], [], []>, transpose_lhs_hint = false} : vector<512x128xf32>, vector<128x128xf32>, vector<512x128xf32> -> vector<512x128xf32>
    %get3A_6 = arith.constant 0 : index
    %get3A_7 = arith.constant 0 : index
    %get3A_8 = vector.load %arg3[%get3A_6, %get3A_7] : memref<1x128xf32, #tpu.memory_space<vmem>>, vector<1x128xf32>
    %add3A = vector.broadcast %get3A_8 : vector<1x128xf32> to vector<512x128xf32>
    %add3A_9 = arith.addf %dot_general3A_5, %add3A : vector<512x128xf32>
    %ge3A = arith.constant 0.000000e+00 : f32
    %ge3A_10 = vector.broadcast %ge3A : f32 to vector<512x128xf32>
    %ge3A_11 = arith.cmpf oge, %add3A_9, %ge3A_10 : vector<512x128xf32>
    %get3A_12 = arith.constant 0 : index
    %get3A_13 = arith.constant 0 : index
    %get3A_14 = vector.load %arg5[%get3A_12, %get3A_13] : memref<1x1xf32, #tpu.memory_space<vmem>>, vector<1x1xf32>
    %get3A_15 = vector.extract %get3A_14[0, 0] : f32 from vector<1x1xf32>
    %mul3A = vector.broadcast %get3A_15 : f32 to vector<512x128xf32>
    %mul3A_16 = arith.mulf %mul3A, %add3A_9 : vector<512x128xf32>
    %select_n3A = arith.select %ge3A_11, %add3A_9, %mul3A_16 : vector<512x128xi1>, vector<512x128xf32>
    %get3A_17 = arith.constant 0 : index
    %get3A_18 = arith.constant 0 : index
    %get3A_19 = vector.load %arg4[%get3A_17, %get3A_18] : memref<1x128xf32, #tpu.memory_space<vmem>>, vector<1x128xf32>
    %add3A_20 = vector.broadcast %get3A_19 : vector<1x128xf32> to vector<512x128xf32>
    %add3A_21 = arith.addf %select_n3A, %add3A_20 : vector<512x128xf32>
    %swap3A = arith.constant 0 : index
    %swap3A_22 = arith.constant 0 : index
    %swap3A_23 = vector.load %arg6[%swap3A, %swap3A_22] : memref<512x128xf32, #tpu.memory_space<vmem>>, vector<512x128xf32>
    tpu.vector_store %arg6[%swap3A, %swap3A_22], %add3A_21 {strides = array<i32>} : memref<512x128xf32, #tpu.memory_space<vmem>>, vector<512x128xf32>,
    return
  }
  func.func @transform_0(%arg0: i32) -> (i32, i32) {
    %c0_i32 = arith.constant 0 : i32
    %c0_i32_0 = arith.constant 0 : i32
    return %arg0, %c0_i32 : i32, i32
  }
  func.func @transform_1(%arg0: i32) -> (i32, i32) {
    %c0_i32 = arith.constant 0 : i32
    %c0_i32_0 = arith.constant 0 : i32
    %c0_i32_1 = arith.constant 0 : i32
    return %c0_i32, %c0_i32_0 : i32, i32
  }
  func.func @transform_2(%arg0: i32) -> (i32, i32) {
    %c0_i32 = arith.constant 0 : i32
    %c0_i32_0 = arith.constant 0 : i32
    %c0_i32_1 = arith.constant 0 : i32
    return %c0_i32, %c0_i32_0 : i32, i32
  }
  func.func @transform_3(%arg0: i32) -> (i32, i32) {
    %c0_i32 = arith.constant 0 : i32
    %c0_i32_0 = arith.constant 0 : i32
    %c0_i32_1 = arith.constant 0 : i32
    return %c0_i32, %c0_i32_0 : i32, i32
  }
  func.func @transform_4(%arg0: i32) -> (i32, i32) {
    %c0_i32 = arith.constant 0 : i32
    %c0_i32_0 = arith.constant 0 : i32
    %c0_i32_1 = arith.constant 0 : i32
    return %c0_i32, %c0_i32_0 : i32, i32
  }
  func.func @transform_5(%arg0: i32) -> (i32, i32) {
    %c0_i32 = arith.constant 0 : i32
    %c0_i32_0 = arith.constant 0 : i32
    return %arg0, %c0_i32 : i32, i32
  }
}

module attributes {stable_mosaic.version = 14 : i64} {
  func.func @_tri_mm_body(%arg0: i32, %arg1: memref<512x128xf32, #tpu.memory_space<vmem>>, %arg2: memref<128x128xf32, #tpu.memory_space<vmem>>, %arg3: memref<1x128xf32, #tpu.memory_space<vmem>>, %arg4: memref<128x128xf32, #tpu.memory_space<vmem>>, %arg5: memref<1x1xf32, #tpu.memory_space<vmem>>, %arg6: memref<512x128xf32, #tpu.memory_space<vmem>>) attributes {dimension_semantics = [#tpu.dimension_semantics<arbitrary>], iteration_bounds = array<i64: 320>, scalar_prefetch = 0 : i64, scratch_operands = 0 : i64, tpu.core_type = #tpu.core_type<tc>, window_params = [{transform_indices = @transform_0, window_bounds = array<i64: 512, 128>}, {pipeline_mode = #tpu.pipeline_mode<synchronous>, transform_indices = @transform_1, window_bounds = array<i64: 128, 128>}, {pipeline_mode = #tpu.pipeline_mode<synchronous>, transform_indices = @transform_2, window_bounds = array<i64: 1, 128>}, {pipeline_mode = #tpu.pipeline_mode<synchronous>, transform_indices = @transform_3, window_bounds = array<i64: 128, 128>}, {pipeline_mode = #tpu.pipeline_mode<synchronous>, transform_indices = @transform_4, window_bounds = array<i64: 1, 1>}, {transform_indices = @transform_5, window_bounds = array<i64: 512, 128>}]} {
    %get3A = arith.constant 0 : index
    %get3A_0 = arith.constant 0 : index
    %get3A_1 = vector.load %arg1[%get3A, %get3A_0] : memref<512x128xf32, #tpu.memory_space<vmem>>, vector<512x128xf32>
    %get3A_2 = arith.constant 0 : index
    %get3A_3 = arith.constant 0 : index
    %get3A_4 = vector.load %arg2[%get3A_2, %get3A_3] : memref<128x128xf32, #tpu.memory_space<vmem>>, vector<128x128xf32>
    %dot_general3A = arith.constant dense<0.000000e+00> : vector<512x128xf32>
    %dot_general3A_5 = tpu.matmul %get3A_1, %get3A_4, %dot_general3A {dimension_numbers = #tpu.dot_dimension_numbers<[1], [0], [0], [1], [0, 0, 1, 1], [], []>, transpose_lhs_hint = false} : vector<512x128xf32>, vector<128x128xf32>, vector<512x128xf32> -> vector<512x128xf32>
    %get3A_6 = arith.constant 0 : index
    %get3A_7 = arith.constant 0 : index
    %get3A_8 = vector.load %arg3[%get3A_6, %get3A_7] : memref<1x128xf32, #tpu.memory_space<vmem>>, vector<1x128xf32>
    %add3A = vector.broadcast %get3A_8 : vector<1x128xf32> to vector<512x128xf32>
    %add3A_9 = arith.addf %dot_general3A_5, %add3A : vector<512x128xf32>
    %ge3A = arith.constant 0.000000e+00 : f32
    %ge3A_10 = vector.broadcast %ge3A : f32 to vector<512x128xf32>
    %ge3A_11 = arith.cmpf oge, %add3A_9, %ge3A_10 : vector<512x128xf32>
    %get3A_12 = arith.constant 0 : index
    %get3A_13 = arith.constant 0 : index
    %get3A_14 = vector.load %arg5[%get3A_12, %get3A_13] : memref<1x1xf32, #tpu.memory_space<vmem>>, vector<1x1xf32>
    %get3A_15 = vector.extract %get3A_14[0, 0] : f32 from vector<1x1xf32>
    %mul3A = vector.broadcast %get3A_15 : f32 to vector<512x128xf32>
    %mul3A_16 = arith.mulf %mul3A, %add3A_9 : vector<512x128xf32>
    %select_n3A = arith.select %ge3A_11, %add3A_9, %mul3A_16 : vector<512x128xi1>, vector<512x128xf32>
    %get3A_17 = arith.constant 0 : index
    %get3A_18 = arith.constant 0 : index
    %get3A_19 = vector.load %arg4[%get3A_17, %get3A_18] : memref<128x128xf32, #tpu.memory_space<vmem>>, vector<128x128xf32>
    %dot_general3A_20 = arith.constant dense<0.000000e+00> : vector<512x128xf32>
    %dot_general3A_21 = tpu.matmul %select_n3A, %get3A_19, %dot_general3A_20 {dimension_numbers = #tpu.dot_dimension_numbers<[1], [0], [0], [1], [0, 0, 1, 1], [], []>, transpose_lhs_hint = false} : vector<512x128xf32>, vector<128x128xf32>, vector<512x128xf32> -> vector<512x128xf32>
    %swap3A = arith.constant 0 : index
    %swap3A_22 = arith.constant 0 : index
    %swap3A_23 = vector.load %arg6[%swap3A, %swap3A_22] : memref<512x128xf32, #tpu.memory_space<vmem>>, vector<512x128xf32>
    tpu.vector_store %arg6[%swap3A, %swap3A_22], %dot_general3A_21 {strides = array<i32>} : memref<512x128xf32, #tpu.memory_space<vmem>>, vector<512x128xf32>,
    return
  }
  func.func @transform_0(%arg0: i32) -> (i32, i32) {
    %c0_i32 = arith.constant 0 : i32
    %c0_i32_0 = arith.constant 0 : i32
    return %arg0, %c0_i32 : i32, i32
  }
  func.func @transform_1(%arg0: i32) -> (i32, i32) {
    %c0_i32 = arith.constant 0 : i32
    %c0_i32_0 = arith.constant 0 : i32
    %c0_i32_1 = arith.constant 0 : i32
    return %c0_i32, %c0_i32_0 : i32, i32
  }
  func.func @transform_2(%arg0: i32) -> (i32, i32) {
    %c0_i32 = arith.constant 0 : i32
    %c0_i32_0 = arith.constant 0 : i32
    %c0_i32_1 = arith.constant 0 : i32
    return %c0_i32, %c0_i32_0 : i32, i32
  }
  func.func @transform_3(%arg0: i32) -> (i32, i32) {
    %c0_i32 = arith.constant 0 : i32
    %c0_i32_0 = arith.constant 0 : i32
    %c0_i32_1 = arith.constant 0 : i32
    return %c0_i32, %c0_i32_0 : i32, i32
  }
  func.func @transform_4(%arg0: i32) -> (i32, i32) {
    %c0_i32 = arith.constant 0 : i32
    %c0_i32_0 = arith.constant 0 : i32
    %c0_i32_1 = arith.constant 0 : i32
    return %c0_i32, %c0_i32_0 : i32, i32
  }
  func.func @transform_5(%arg0: i32) -> (i32, i32) {
    %c0_i32 = arith.constant 0 : i32
    %c0_i32_0 = arith.constant 0 : i32
    return %arg0, %c0_i32 : i32, i32
  }
}

module attributes {stable_mosaic.version = 14 : i64} {
  func.func @_combine_body(%arg0: i32, %arg1: memref<512x128xf32, #tpu.memory_space<vmem>>, %arg2: memref<512x128xf32, #tpu.memory_space<vmem>>, %arg3: memref<512x128xf32, #tpu.memory_space<vmem>>, %arg4: memref<512x128xf32, #tpu.memory_space<vmem>>) attributes {dimension_semantics = [#tpu.dimension_semantics<arbitrary>], iteration_bounds = array<i64: 20>, scalar_prefetch = 0 : i64, scratch_operands = 0 : i64, tpu.core_type = #tpu.core_type<tc>, window_params = [{transform_indices = @transform_0, window_bounds = array<i64: 512, 128>}, {transform_indices = @transform_1, window_bounds = array<i64: 512, 128>}, {transform_indices = @transform_2, window_bounds = array<i64: 512, 128>}, {transform_indices = @transform_3, window_bounds = array<i64: 512, 128>}]} {
    %get3A = arith.constant 0 : index
    %get3A_0 = arith.constant 0 : index
    %get3A_1 = vector.load %arg1[%get3A, %get3A_0] : memref<512x128xf32, #tpu.memory_space<vmem>>, vector<512x128xf32>
    %get3A_2 = arith.constant 0 : index
    %get3A_3 = arith.constant 0 : index
    %get3A_4 = vector.load %arg2[%get3A_2, %get3A_3] : memref<512x128xf32, #tpu.memory_space<vmem>>, vector<512x128xf32>
    %add3A = arith.addf %get3A_1, %get3A_4 : vector<512x128xf32>
    %get3A_5 = arith.constant 0 : index
    %get3A_6 = arith.constant 0 : index
    %get3A_7 = vector.load %arg3[%get3A_5, %get3A_6] : memref<512x128xf32, #tpu.memory_space<vmem>>, vector<512x128xf32>
    %add3A_8 = arith.addf %add3A, %get3A_7 : vector<512x128xf32>
    %mul3A = arith.constant 0.333333343 : f32
    %mul3A_9 = vector.broadcast %mul3A : f32 to vector<512x128xf32>
    %mul3A_10 = arith.mulf %add3A_8, %mul3A_9 : vector<512x128xf32>
    %swap3A = arith.constant 0 : index
    %swap3A_11 = arith.constant 0 : index
    %swap3A_12 = vector.load %arg4[%swap3A, %swap3A_11] : memref<512x128xf32, #tpu.memory_space<vmem>>, vector<512x128xf32>
    tpu.vector_store %arg4[%swap3A, %swap3A_11], %mul3A_10 {strides = array<i32>} : memref<512x128xf32, #tpu.memory_space<vmem>>, vector<512x128xf32>,
    return
  }
  func.func @transform_0(%arg0: i32) -> (i32, i32) {
    %c0_i32 = arith.constant 0 : i32
    %c0_i32_0 = arith.constant 0 : i32
    return %arg0, %c0_i32 : i32, i32
  }
  func.func @transform_1(%arg0: i32) -> (i32, i32) {
    %c0_i32 = arith.constant 0 : i32
    %c0_i32_0 = arith.constant 0 : i32
    return %arg0, %c0_i32 : i32, i32
  }
  func.func @transform_2(%arg0: i32) -> (i32, i32) {
    %c0_i32 = arith.constant 0 : i32
    %c0_i32_0 = arith.constant 0 : i32
    return %arg0, %c0_i32 : i32, i32
  }
  func.func @transform_3(%arg0: i32) -> (i32, i32) {
    %c0_i32 = arith.constant 0 : i32
    %c0_i32_0 = arith.constant 0 : i32
    return %arg0, %c0_i32 : i32, i32
  }
}

</mosaic_0001>

<sc_bundles>
// kernel: kernel.12.cloned.1.call-start
scs
__scs_entry_jumppad:
0x0: {  	(pc) =	sbr.rel $0x88, $3  }
0x1: {  	(tag) =	ssettag $0x0;
	lr =	simm.s32 $0x1  }
0x2: {  	[smem:$0x3F94] =	sst lr;
	_ =	strace $0xD0000000  }
0x3: {  	_ = 	snop  }
0x4: {  	_ = 	snop  }
0x5: {  	_ = 	snop  }
0x6: {  	_ = 	snop  }
0x7: {  	_ = 	snop  }
__scs_overlays_trampoline_lowered:
0x8: {  	[smem:$0x3FA3] =	sst s0  }
0x9: {  	[smem:$0x3FA4] =	sst s1  }
0xa: {  	[smem:$0x3FA5] =	sst s2  }
0xb: {  	[smem:$0x3FA6] =	sst s3  }
0xc: {  	[smem:$0x3FA7] =	sst s4  }
0xd: {  	[smem:$0x3FA8] =	sst s5  }
0xe: {  	[smem:$0x3FA9] =	sst s6  }
0xf: {  	[smem:$0x3FAA] =	sst s7  }
0x10: {  	[smem:$0x3FAB] =	sst s8  }
0x11: {  	[smem:$0x3FAC] =	sst s9;
	s0 =	simm.s32 @!p0 $0x0  }
0x12: {  	s1 =	sld [smem:$0x3F92];
	s0 =	simm.s32 @p0 $0x1  }
0x13: {  	[smem:$0x3FAD] =	sst s0;
	s0 =	simm.s32 @!p1 $0x0  }
0x14: {  	s2 =	sld [smem:$0x3F91];
	s0 =	simm.s32 @p1 $0x1  }
0x15: {  	[smem:$0x3FAE] =	sst s0;
	s0 =	simm.s32 @!p2 $0x0  }
0x16: {  	s3 =	sld [smem:$0x3FDB];
	s0 =	simm.s32 @p2 $0x1  }
0x17: {  	s4 =	simm.s32 $0x1BF5;
	[smem:$0x3FB0] =	sst s0  }
0x18: {  	s0 =	sld [smem:$0x3F93];
	_ =	swait.ge [sflag:s4], $0x0  }
0x19: {  	s7 =	sld [smem:$0x3F94]  }
0x1a: {  	s8 =	sadd.s32 $0xFFFFE003, lr  }
0x1b: {  	s9 =	sadd.s32 $0xFFFFFEF7, lr;
	s5 =	simm.s32 $0xFFFFFFFF;
	p2 =	slt.u32 s8, $0xFFFFF086  }
0x1c: {  	p1 =	slt.u32 s9, $0xF7A;
	s5 =	simm.s32 @!p2 $0x0  }
0x1d: {  	s5 =	simm.s32 @p1 $0x1;
	p0 =	seq.s32 s7, s2  }
0x1e: {  	s7 =	smul.u32 @!p0 $0xF7A, s2;
	p2 =	seq.s32 @!p0 s5, $0x0  }
0x1f: {  	s9 =	smul.u32 $0xF7A, s1;
	s8 =	simm.s32 @!p0 $0x1BF5;
	p2 =	por !p2, p0  }
0x20: {  	[sflag:s8] =	ssyncset.s32 @!p0 $0xFFFFF086;
	s6 =	sadd.s32 @!p0 s3, s7;
	s7 =	simm.s32 @!p0 $0x108  }
0x21: {  	s3 =	sadd.s32 s3, s9;
	s6 =	sadd.s32 @!p0 $0x88, s6;
	s7 =	simm.s32 @p2 $0x1082  }
0x22: {  	[simem:s7], [sflag:s8] =	dma.local @!p0 [hbm:s6], $0xF7A  }
0x23: {  	s9 =	sor.u32 $0xD0000000, s2;
	s6 =	simm.s32 $0x108;
	_ =	swait.ge @!p0 [sflag:s8], $0x0  }
0x24: {  	s3 =	sadd.s32 $0x88, s3;
	s6 =	simm.s32 @!p1 $0x1082;
	[sflag:s4] =	ssyncset.s32 $0xFFFFF086  }
0x25: {  	[simem:s6], [sflag:s4] =	dma.local [hbm:s3], $0xF7A  }
0x26: {  	[smem:$0x3F94] =	sst s1;
	(tag) =	ssettag s2;
	_ =	strace s9  }
0x27: {  	s1 =	sld [smem:$0x3FA4]  }
0x28: {  	s2 =	sld [smem:$0x3FA5]  }
0x29: {  	s4 =	sld [smem:$0x3FA7]  }
0x2a: {  	p0 =	seq.s32 s5, $0x0;
	s5 =	sld [smem:$0x3FA8]  }
0x2b: {  	s6 =	sld [smem:$0x3FA9]  }
0x2c: {  	s7 =	sld [smem:$0x3FAA]  }
0x2d: {  	s3 =	simm.s32 $0x108;
	s8 =	sld [smem:$0x3FAB]  }
0x2e: {  	s3 =	simm.s32 @!p0 $0x1082;
	s9 =	sld [smem:$0x3FAC]  }
0x2f: {  	lr =	sadd.s32 s0, s3;
	s0 =	sld [smem:$0x3FA3]  }
0x30: {  	s3 =	sld [smem:$0x3FA6]  }
0x31: {  	[smem:$0x3FAF] =	sst s10  }
0x32: {  	s10 =	sld [smem:$0x3FAD];
	_ =	sdelay $0x3  }
0x33: {  	p0 =	seq.s32 s10, $0x1;
	s10 =	sld [smem:$0x3FAF];
	_ =	sdelay $0x3  }
0x34: {  	[smem:$0x3FAF] =	sst s10  }
0x35: {  	s10 =	sld [smem:$0x3FAE];
	_ =	sdelay $0x3  }
0x36: {  	p1 =	seq.s32 s10, $0x1;
	s10 =	sld [smem:$0x3FAF];
	_ =	sdelay $0x3  }
0x37: {  	[smem:$0x3FAF] =	sst s10  }
0x38: {  	s10 =	sld [smem:$0x3FB0]  }
0x39: {  	_ = 	snop;
	(pc) =	sbr.ind lr, $3  }
0x3a: {  	_ = 	snop  }
0x3b: {  	_ = 	snop  }
0x3c: {  	p2 =	seq.s32 s10, $0x1;
	s10 =	sld [smem:$0x3FAF]  }
0x3d: {  	_ =	shalt  }
0x3e: {  	_ =	shalt  }
0x3f: {  	_ =	shalt  }
0x40: {  	_ =	shalt  }
0x41: {  	_ =	shalt  }
0x42: {  	_ =	shalt  }
0x43: {  	_ =	shalt  }
0x44: {  	_ =	shalt  }
0x45: {  	_ =	shalt  }
0x46: {  	_ =	shalt  }
0x47: {  	_ =	shalt  }
0x48: {  	_ =	shalt  }
0x49: {  	_ =	shalt  }
0x4a: {  	_ =	shalt  }
0x4b: {  	_ =	shalt  }
0x4c: {  	_ =	shalt  }
0x4d: {  	_ =	shalt  }
0x4e: {  	_ =	shalt  }
0x4f: {  	_ =	shalt  }
0x50: {  	_ =	shalt  }
0x51: {  	_ =	shalt  }
0x52: {  	_ =	shalt  }
0x53: {  	_ =	shalt  }
0x54: {  	_ =	shalt  }
0x55: {  	_ =	shalt  }
0x56: {  	_ =	shalt  }
0x57: {  	_ =	shalt  }
0x58: {  	_ =	shalt  }
0x59: {  	_ =	shalt  }
0x5a: {  	_ =	shalt  }
0x5b: {  	_ =	shalt  }
0x5c: {  	_ =	shalt  }
0x5d: {  	_ =	shalt  }
0x5e: {  	_ =	shalt  }
0x5f: {  	_ =	shalt  }
0x60: {  	_ =	shalt  }
0x61: {  	_ =	shalt  }
0x62: {  	_ =	shalt  }
0x63: {  	_ =	shalt  }
0x64: {  	_ =	shalt  }
0x65: {  	_ =	shalt  }
0x66: {  	_ =	shalt  }
0x67: {  	_ =	shalt  }
0x68: {  	_ =	shalt  }
0x69: {  	_ =	shalt  }
0x6a: {  	_ =	shalt  }
0x6b: {  	_ =	shalt  }
0x6c: {  	_ =	shalt  }
0x6d: {  	_ =	shalt  }
0x6e: {  	_ =	shalt  }
0x6f: {  	_ =	shalt  }
0x70: {  	_ =	shalt  }
0x71: {  	_ =	shalt  }
0x72: {  	_ =	shalt  }
0x73: {  	_ =	shalt  }
0x74: {  	_ =	shalt  }
0x75: {  	_ =	shalt  }
0x76: {  	_ =	shalt  }
0x77: {  	_ =	shalt  }
0x78: {  	_ =	shalt  }
0x79: {  	_ =	shalt  }
0x7a: {  	_ =	shalt  }
0x7b: {  	_ =	shalt  }
0x7c: {  	_ =	shalt  }
0x7d: {  	_ =	shalt  }
0x7e: {  	_ =	shalt  }
0x7f: {  	_ =	shalt  }
0x80: {  	_ =	shalt  }
0x81: {  	_ =	shalt  }
0x82: {  	_ =	shalt  }
0x83: {  	_ =	shalt  }
0x84: {  	_ =	shalt  }
0x85: {  	_ =	shalt  }
0x86: {  	_ =	shalt  }
0x87: {  	_ =	shalt  }
.Lfunc_end0:
.L_simem_size_0:
called_computation.1_lowered:
.L_overlay_start_0:
0x88: {  	s2 =	sld [smem:$0x3FD9]  }
0x89: {  	s3 =	sld [smem:$0x3FFE];
	_ =	sdelay $0x1  }
0x8a: {  	s1 =	srdreg.scid  }
0x8b: {  	s0 =	sand.u32 $0x1, s1  }
0x8c: {  	s17 =	sshll.u32 s0, $0xA;
	s2 =	sadd.s32 s3, s2  }
0x8d: {  	s2 =	sadd.s32 s2, s17  }
0x8e: {  	[smem:$0x3FBB] =	sst s2  }
0x8f: {  	_ = 	snop  }
0x90: {  	(tm) =	ssettm $0x1  }
0x91: {  	s18 =	sld [smem:$0x3FFB];
	_ =	sdelay $0x3  }
0x92: {  	_ =	strace s18  }
0x93: {  	s2 =	sld [smem:$0x3FFC];
	_ =	sdelay $0x3  }
0x94: {  	_ =	strace s2  }
0x95: {  	s2 =	sld [smem:$0x3FFD];
	_ =	sdelay $0x3  }
0x96: {  	_ =	strace s2  }
0x97: {  	_ =	strace $0x8FFFFFFF  }
0x98: {  	s19 =	sld [smem:$0x3FDB];
	_ =	sdelay $0x1  }
0x99: {  	s20 =	simm.s32 $_scs_section_size  }
0x9a: {  	s4 =	simm.s32 $_size__tile_overlayer_lowered;
	s5 =	simm.s32 $_tile_overlayer_lowered  }
0x9b: {  	s6 =	simm.s32 $0x1BFF;
	s21 =	sshll.u32 s5, $0x1;
	s3 =	sadd.s32 s20, s19  }
0x9c: {  	s22 =	simm.s32 $0x0;
	s4 =	sshll.u32 s4, $0x1;
	s5 =	sadd.s32 s21, s3  }
0x9d: {  	[timem:s22], [sflag:s6] =	dma.local [hbm:s5], s4  }
0x9e: {  	_ =	swait.ge [sflag:s6], s4  }
0x9f: {  	s4 =	ssub.s32 $0x0, s4;
	[sflag:s6] =	ssyncset.done $0x0  }
0xa0: {  	[sflag:s6] =	ssyncadd.s32 s4;
	_ =	sdelay $0x1  }
0xa1: {  	s23 =	simm.s32 $0x1B8B  }
0xa2: {  	_ =	swait.ge [sflag:s23], $0x1  }
0xa3: {  	[sflag:s23] =	ssyncset.done $0x0  }
0xa4: {  	[sflag:s23] =	ssyncadd.s32 $0xFFFFFFFF  }
0xa5: {  	s4 =	sld [smem:$0x0]  }
0xa6: {  	s5 =	sand.u32 $0xFFFFFFFE, s1  }
0xa7: {  	p0 =	sne.s32 s1, s5  }
0xa8: {  	s5 =	sshll.u32 @p0 s5, $0xE  }
0xa9: {  	s5 =	sadd.s32 @p0 $0x11B8D, s5;
	s6 =	sshll.u32 @p0 s4, $0x11  }
0xaa: {  	s5 =	sor.u32 @p0 s6, s5  }
0xab: {  	[sflag:s5] =	ssyncadd.remote.s32 @p0 $0x1;
	_ =	sdelay $0x1  }
0xac: {  	s5 =	simm.s32 @p0 $0x1B8D  }
0xad: {  	_ =	swait.eq @p0 [sflag:s5], $0x1  }
0xae: {  	[sflag:s5] =	ssyncadd.s32 @p0 $0xFFFFFFFF  }
0xaf: {  	s6 =	sshll.u32 @!p0 s1, $0xE  }
0xb0: {  	s6 =	sor.u32 @!p0 $0x4000, s6;
	s5 =	simm.s32 @!p0 $0x1B8D  }
0xb1: {  	s4 =	sshll.u32 @!p0 s4, $0x11;
	s6 =	sadd.s32 @!p0 $0x11B8D, s6;
	_ =	swait.eq @!p0 [sflag:s5], $0x1  }
0xb2: {  	s4 =	sor.u32 @!p0 s4, s6;
	[sflag:s5] =	ssyncadd.s32 @!p0 $0xFFFFFFFF  }
0xb3: {  	s25 =	simm.s32 $0x1B8E;
	s24 =	sld [smem:$0x3FFE];
	[sflag:s4] =	ssyncadd.remote.s32 @!p0 $0x1  }
0xb4: {  	s26 =	simm.s32 $execute0_lowered;
	[smem:$0x3FD2] =	sst s25  }
0xb5: {  	s5 =	sshll.u32 s26, $0x1;
	_ =	strace $0x80000049;
	[dreg:$0x1] =	wrdreg $0xFFFFFFFF  }
0xb6: {  	s28 =	simm.s32 $_size_execute0_lowered;
	s3 =	sadd.s32 s3, s5;
	[dreg:$0x0] =	wrdreg $0x0  }
0xb7: {  	s5 =	sshll.u32 s28, $0x1;
	[dreg:$0x2] =	wrdreg s3  }
0xb8: {  	[dreg:$0x3] =	wrdreg s5  }
0xb9: {  	[dreg:$0x4] =	wrdreg $0xC0  }
0xba: {  	_ =	task [dreg:s22], $0x5FFFF  }
0xbb: {  	[dreg:$0x1] =	wrdreg $0xFFFFFFFF  }
0xbc: {  	[dreg:$0x0] =	wrdreg $0x60  }
0xbd: {  	[dreg:$0x2] =	wrdreg s24  }
0xbe: {  	[dreg:$0x3] =	wrdreg $0xA  }
0xbf: {  	_ =	task.clear_ibuf [dreg:s22], $0x4FFFF;
	_ =	strace $0x90000049  }
0xc0: {  	s29 =	simm.s32 $0xA;
	_ =	strace $0x8000004B  }
0xc1: {  	_ =	swait.ge [sflag:s29], $0x1  }
0xc2: {  	[sflag:s29] =	ssyncadd.s32 $0xFFFFFFFF  }
0xc3: {  	_ =	strace $0x9000004B  }
0xc4: {  	_ =	sfence  }
0xc5: {  	s30 =	sld [smem:$0x0];
	_ =	sdelay $0x2  }
0xc6: {  	s31 =	sshll.u32 s1, $0xD;
	s1 =	sshrl.u32 s1, $0x2  }
0xc7: {  	s4 =	sand.u32 $0x4000, s31;
	s1 =	sadd.s32 s1, s30  }
0xc8: {  	s0 =	sor.u32 s4, s0;
	s1 =	sshll.u32 s1, $0x11  }
0xc9: {  	s0 =	sor.u32 s1, s0  }
0xca: {  	s0 =	sadd.s32 $0x8F2B, s0  }
0xcb: {  	[sflag:s0] =	ssyncadd.remote.s32 $0x1  }
0xcc: {  	_ =	sfence.sel $0xFFFF  }
0xcd: {  	[dreg:$0x0] =	wrdreg $0xFFFFFFFF;
	(pc) =	sbr.abs _section_cstart, $3  }
0xce: {  	[dreg:$0x1] =	wrdreg $0xFFFFFFFF  }
0xcf: {  	_ =	task.clear_ibuf [dreg:s22], $0x2FFFF;
	_ =	strace $0x9FFFFFFF  }
0xd0: {  	(tm) =	ssettm $0x7FFFFFFF  }
0xd1: {  	_ =	shalt  }
tec
execute0_lowered:
.L_overlay_start_1:
0x0: {  	(tag) =	ssettag $0x1  }
0x1: {  	s1 =	srdreg.scid;
	s0 =	stileid.u32  }
0x2: {  	s4 =	rddreg [dreg:$0x0];
	s2 =	simm.s32 $0x0;
	s15 =	simm.s32 $0x2  }
0x3: {  	s16 =	simm.s32 $0x1400;
	s17 =	simm.s32 $0x2800;
	s18 =	simm.s32 $0x80  }
0x4: {  	s19 =	simm.s32 $0x1;
	s6 =	sand.u32 $0x1, s1;
	s31 =	sshll.u32 s0, $0x1  }
0x5: {  	s20 =	simm.s32 $0x3C00;
	s21 =	simm.s32 $0x5000;
	s3 =	sor.u32 s6, s31  }
0x6: {  	s22 =	simm.s32 $0x6400;
	s23 =	simm.s32 $0x7800;
	s3 =	smul.u32 $0x280, s3  }
0x7: {  	s24 =	simm.s32 $0x8C00;
	s25 =	simm.s32 $0xA000;
	[smem:$0x7FF] =	sst s2  }
0x8: {  	s26 =	simm.s32 $0x0;
	_ =	strace $0x8000004A;
	s13 =	sadd.s32 s3, s4  }
0x9: {  	s3 =	sadd.s32 $0x4C200, s4;
	s4 =	sadd.s32 $0x42200, s4;
	s5 =	sadd.s32 $0x7E0200, s13  }
0xa: {  	s10 =	ssub.s32 $0x2, s6;
	s6 =	sadd.s32 $0x7EA200, s13;
	s7 =	sadd.s32 $0x7E5200, s13  }
0xb: {  	s11 =	sshrl.u32 s10, $0x1;
	s8 =	sadd.s32 $0x7EF200, s13;
	s9 =	sadd.s32 $0x7F4200, s13  }
0xc: {  	s14 =	ssub.s32 s10, s11;
	s10 =	sadd.s32 $0x7F9200, s13;
	s11 =	sadd.s32 $0x7FE200, s13  }
0xd: {  	s14 =	smax.u32 s14, $0x1;
	s12 =	sadd.s32 $0x803200, s13;
	s13 =	sadd.s32 $0x808200, s13  }
.LBB2_1:
0xe: {  	[tilespmem:s2], [sflag:$0x2] =	stream.linear.gather [hbm4b:s5+s2], $0x1400, $0x38;
	[tilespmem:$0xB400] =	vst v63  }
0xf: {  	_ =	swait.ge [sflag:s15], $0x1400  }
0x10: {  	[sflag:s15] =	ssyncset.done $0x0  }
0x11: {  	[sflag:s15] =	ssyncadd.s32 $0xFFFFEC00  }
0x12: {  	[tilespmem:s16], [sflag:$0x2] =	stream.linear.gather [hbm4b:s6+s2], $0x1400, $0x38;
	[tilespmem:$0xB400] =	vst v63  }
0x13: {  	_ =	swait.ge [sflag:s15], $0x1400  }
0x14: {  	[sflag:s15] =	ssyncset.done $0x0  }
0x15: {  	[sflag:s15] =	ssyncadd.s32 $0xFFFFEC00  }
0x16: {  	[tilespmem:s17], [sflag:$0x2] =	stream.linear.gather [hbm4b:s7+s2], $0x1400, $0x38;
	[tilespmem:$0xB400] =	vst v63  }
0x17: {  	_ =	swait.ge [sflag:s15], $0x1400  }
0x18: {  	[sflag:s15] =	ssyncset.done $0x0  }
0x19: {  	s28 =	simm.s32 $0x0;
	s29 =	simm.s32 $0x3C00;
	[sflag:s15] =	ssyncadd.s32 $0xFFFFEC00  }
0x1a: {  	[tilespmem:s29], [sflag:$0x1] =	stream.indirect.gather [hbm4b:s4+s18], $0x1, s28, s18, $0xb8;
	[tilespmem:$0xB400] =	vst v63  }
0x1b: {  	s29 =	simm.s32 $0x7800  }
0x1c: {  	[tilespmem:s29], [sflag:$0x1] =	stream.indirect.gather [hbm4b:s3+s18], $0x1, s28, s18, $0xb8;
	[tilespmem:$0xB400] =	vst v63  }
0x1d: {  	s28 =	simm.s32 $0x5000;
	s29 =	simm.s32 $0x1400  }
0x1e: {  	[tilespmem:s28], [sflag:$0x1] =	stream.indirect.gather [hbm4b:s3+s18], $0x1, s29, s18, $0xb8;
	[tilespmem:$0xB400] =	vst v63  }
0x1f: {  	s28 =	simm.s32 $0x8C00  }
0x20: {  	[tilespmem:s28], [sflag:$0x1] =	stream.indirect.gather [hbm4b:s4+s18], $0x1, s29, s18, $0xb8;
	[tilespmem:$0xB400] =	vst v63  }
0x21: {  	s28 =	simm.s32 $0x6400;
	s29 =	simm.s32 $0x2800  }
0x22: {  	[tilespmem:s28], [sflag:$0x1] =	stream.indirect.gather [hbm4b:s4+s18], $0x1, s29, s18, $0xb8;
	[tilespmem:$0xB400] =	vst v63  }
0x23: {  	s28 =	simm.s32 $0xA000  }
0x24: {  	[tilespmem:s28], [sflag:$0x1] =	stream.indirect.gather [hbm4b:s3+s18], $0x1, s29, s18, $0xb8;
	[tilespmem:$0xB400] =	vst v63  }
0x25: {  	_ =	swait.ge [sflag:s19], $0x80  }
0x26: {  	[sflag:s19] =	ssyncset.done $0x0  }
0x27: {  	[sflag:s19] =	ssyncadd.s32 $0xFFFFFF80  }
0x28: {  	_ =	swait.ge [sflag:s19], $0x80  }
0x29: {  	[sflag:s19] =	ssyncset.done $0x0  }
0x2a: {  	[sflag:s19] =	ssyncadd.s32 $0xFFFFFF80  }
0x2b: {  	_ =	swait.ge [sflag:s19], $0x80  }
0x2c: {  	[sflag:s19] =	ssyncset.done $0x0  }
0x2d: {  	[sflag:s19] =	ssyncadd.s32 $0xFFFFFF80  }
0x2e: {  	_ =	swait.ge [sflag:s19], $0x80  }
0x2f: {  	[sflag:s19] =	ssyncset.done $0x0  }
0x30: {  	[sflag:s19] =	ssyncadd.s32 $0xFFFFFF80  }
0x31: {  	_ =	swait.ge [sflag:s19], $0x80  }
0x32: {  	[sflag:s19] =	ssyncset.done $0x0  }
0x33: {  	[sflag:s19] =	ssyncadd.s32 $0xFFFFFF80  }
0x34: {  	_ =	swait.ge [sflag:s19], $0x80  }
0x35: {  	s29 =	simm.s32 $0x400;
	s28 =	simm.s32 $0x80;
	[sflag:s19] =	ssyncset.done $0x0  }
.LBB2_2:
0x36: {  	s30 =	sadd.s32 $0x3C00, s28  }
0x37: {  	[sflag:s19] =	ssyncadd.s32 $0xFFFFFF80;
	s31 =	smov.u32 s29;
	s1 =	sadd.s32 $0x200, s29  }
0x38: {  	[tilespmem:s30], [sflag:$0x1] =	stream.indirect.gather [hbm4b:s4+s18], $0x1, s28, s18, $0xb8;
	[tilespmem:$0xB400] =	vst v63  }
0x39: {  	p0 =	sne.s32 s29, $0x4E00;
	s29 =	sadd.s32 $0x7800, s28  }
0x3a: {  	[tilespmem:s29], [sflag:$0x1] =	stream.indirect.gather [hbm4b:s3+s18], $0x1, s28, s18, $0xb8;
	[tilespmem:$0xB400] =	vst v63  }
0x3b: {  	s30 =	sadd.s32 $0x1400, s28;
	s29 =	sadd.s32 $0x5000, s28  }
0x3c: {  	[tilespmem:s29], [sflag:$0x1] =	stream.indirect.gather [hbm4b:s3+s18], $0x1, s30, s18, $0xb8;
	[tilespmem:$0xB400] =	vst v63  }
0x3d: {  	s29 =	sadd.s32 $0x8C00, s28  }
0x3e: {  	[tilespmem:s29], [sflag:$0x1] =	stream.indirect.gather [hbm4b:s4+s18], $0x1, s30, s18, $0xb8;
	[tilespmem:$0xB400] =	vst v63  }
0x3f: {  	s29 =	sadd.s32 $0x6400, s28;
	s30 =	sadd.s32 $0x2800, s28  }
0x40: {  	[tilespmem:s29], [sflag:$0x1] =	stream.indirect.gather [hbm4b:s4+s18], $0x1, s30, s18, $0xb8;
	[tilespmem:$0xB400] =	vst v63  }
0x41: {  	s28 =	sadd.s32 $0xA000, s28  }
0x42: {  	[tilespmem:s28], [sflag:$0x1] =	stream.indirect.gather [hbm4b:s3+s18], $0x1, s30, s18, $0xb8;
	[tilespmem:$0xB400] =	vst v63  }
0x43: {  	_ =	swait.ge [sflag:s19], $0x80  }
0x44: {  	[sflag:s19] =	ssyncset.done $0x0  }
0x45: {  	[sflag:s19] =	ssyncadd.s32 $0xFFFFFF80  }
0x46: {  	_ =	swait.ge [sflag:s19], $0x80  }
0x47: {  	[sflag:s19] =	ssyncset.done $0x0  }
0x48: {  	[sflag:s19] =	ssyncadd.s32 $0xFFFFFF80  }
0x49: {  	_ =	swait.ge [sflag:s19], $0x80  }
0x4a: {  	[sflag:s19] =	ssyncset.done $0x0  }
0x4b: {  	[sflag:s19] =	ssyncadd.s32 $0xFFFFFF80  }
0x4c: {  	_ =	swait.ge [sflag:s19], $0x80  }
0x4d: {  	[sflag:s19] =	ssyncset.done $0x0  }
0x4e: {  	[sflag:s19] =	ssyncadd.s32 $0xFFFFFF80  }
.Ltmp0:
0x4f: {  	_ =	swait.ge [sflag:s19], $0x80;
	(pc) =	sbr.rel @p0 .LBB2_2-.Ltmp0, $4  }
0x50: {  	[sflag:s19] =	ssyncset.done $0x0  }
0x51: {  	[sflag:s19] =	ssyncadd.s32 $0xFFFFFF80  }
0x52: {  	_ =	swait.ge [sflag:s19], $0x80  }
0x53: {  	s29 =	smov.u32 s1;
	s28 =	sshra.s32 s31, $0x2;
	[sflag:s19] =	ssyncset.done $0x0  }
0x54: {  	s1 =	sadd.s32 $0x3C00, s28;
	[sflag:s19] =	ssyncadd.s32 $0xFFFFFF80  }
0x55: {  	[tilespmem:s1], [sflag:$0x1] =	stream.indirect.gather [hbm4b:s4+s18], $0x1, s28, s18, $0xb8;
	[tilespmem:$0xB400] =	vst v63  }
0x56: {  	s30 =	sadd.s32 $0x7800, s28  }
0x57: {  	[tilespmem:s30], [sflag:$0x1] =	stream.indirect.gather [hbm4b:s3+s18], $0x1, s28, s18, $0xb8;
	[tilespmem:$0xB400] =	vst v63  }
0x58: {  	s31 =	sadd.s32 $0x5000, s28;
	s29 =	sadd.s32 $0x1400, s28  }
0x59: {  	[tilespmem:s31], [sflag:$0x1] =	stream.indirect.gather [hbm4b:s3+s18], $0x1, s29, s18, $0xb8;
	[tilespmem:$0xB400] =	vst v63  }
0x5a: {  	s30 =	sadd.s32 $0x8C00, s28  }
0x5b: {  	[tilespmem:s30], [sflag:$0x1] =	stream.indirect.gather [hbm4b:s4+s18], $0x1, s29, s18, $0xb8;
	[tilespmem:$0xB400] =	vst v63  }
0x5c: {  	s31 =	sadd.s32 $0x6400, s28;
	s30 =	sadd.s32 $0x2800, s28  }
0x5d: {  	[tilespmem:s31], [sflag:$0x1] =	stream.indirect.gather [hbm4b:s4+s18], $0x1, s30, s18, $0xb8;
	[tilespmem:$0xB400] =	vst v63  }
0x5e: {  	s31 =	sadd.s32 $0xA000, s28  }
0x5f: {  	[tilespmem:s31], [sflag:$0x1] =	stream.indirect.gather [hbm4b:s3+s18], $0x1, s30, s18, $0xb8;
	[tilespmem:$0xB400] =	vst v63  }
0x60: {  	_ =	swait.ge [sflag:s19], $0x80  }
0x61: {  	[sflag:s19] =	ssyncset.done $0x0  }
0x62: {  	[sflag:s19] =	ssyncadd.s32 $0xFFFFFF80  }
0x63: {  	_ =	swait.ge [sflag:s19], $0x80  }
0x64: {  	[sflag:s19] =	ssyncset.done $0x0  }
0x65: {  	[sflag:s19] =	ssyncadd.s32 $0xFFFFFF80  }
0x66: {  	_ =	swait.ge [sflag:s19], $0x80  }
0x67: {  	[sflag:s19] =	ssyncset.done $0x0  }
0x68: {  	[sflag:s19] =	ssyncadd.s32 $0xFFFFFF80  }
0x69: {  	_ =	swait.ge [sflag:s19], $0x80  }
0x6a: {  	[sflag:s19] =	ssyncset.done $0x0  }
0x6b: {  	[sflag:s19] =	ssyncadd.s32 $0xFFFFFF80  }
0x6c: {  	_ =	swait.ge [sflag:s19], $0x80  }
0x6d: {  	[sflag:s19] =	ssyncset.done $0x0  }
0x6e: {  	[sflag:s19] =	ssyncadd.s32 $0xFFFFFF80  }
0x6f: {  	_ =	swait.ge [sflag:s19], $0x80  }
0x70: {  	[sflag:s19] =	ssyncset.done $0x0  }
0x71: {  	[sflag:s19] =	ssyncadd.s32 $0xFFFFFF80  }
0x72: {  	[hbm4b:s8+s2] =	stream.linear.scatter [tilespmem:s20], [sflag:$0x2], $0x1400, $0x38;
	[tilespmem:$0xB400] =	vst v63  }
0x73: {  	_ =	swait.ge [sflag:s15], $0x1400  }
0x74: {  	[sflag:s15] =	ssyncset.done $0x0  }
0x75: {  	[sflag:s15] =	ssyncadd.s32 $0xFFFFEC00  }
0x76: {  	[hbm4b:s9+s2] =	stream.linear.scatter [tilespmem:s21], [sflag:$0x2], $0x1400, $0x38;
	[tilespmem:$0xB400] =	vst v63  }
0x77: {  	_ =	swait.ge [sflag:s15], $0x1400  }
0x78: {  	[sflag:s15] =	ssyncset.done $0x0  }
0x79: {  	[sflag:s15] =	ssyncadd.s32 $0xFFFFEC00  }
0x7a: {  	[hbm4b:s10+s2] =	stream.linear.scatter [tilespmem:s22], [sflag:$0x2], $0x1400, $0x38;
	[tilespmem:$0xB400] =	vst v63  }
0x7b: {  	_ =	swait.ge [sflag:s15], $0x1400  }
0x7c: {  	[sflag:s15] =	ssyncset.done $0x0  }
0x7d: {  	[sflag:s15] =	ssyncadd.s32 $0xFFFFEC00  }
0x7e: {  	[hbm4b:s11+s2] =	stream.linear.scatter [tilespmem:s23], [sflag:$0x2], $0x1400, $0x38;
	[tilespmem:$0xB400] =	vst v63  }
0x7f: {  	_ =	swait.ge [sflag:s15], $0x1400  }
0x80: {  	[sflag:s15] =	ssyncset.done $0x0  }
0x81: {  	[sflag:s15] =	ssyncadd.s32 $0xFFFFEC00  }
0x82: {  	[hbm4b:s12+s2] =	stream.linear.scatter [tilespmem:s24], [sflag:$0x2], $0x1400, $0x38;
	[tilespmem:$0xB400] =	vst v63  }
0x83: {  	s26 =	sadd.s32 $0x1, s26;
	_ =	swait.ge [sflag:s15], $0x1400  }
0x84: {  	p0 =	sne.s32 s26, s14;
	[sflag:s15] =	ssyncset.done $0x0  }
.Ltmp1:
0x85: {  	[sflag:s15] =	ssyncadd.s32 $0xFFFFEC00;
	(pc) =	sbr.rel @p0 .LBB2_1-.Ltmp1, $4  }
0x86: {  	[hbm4b:s13+s2] =	stream.linear.scatter [tilespmem:s25], [sflag:$0x2], $0x1400, $0x38;
	[tilespmem:$0xB400] =	vst v63  }
0x87: {  	_ =	swait.ge [sflag:s15], $0x1400  }
0x88: {  	[sflag:s15] =	ssyncset.done $0x0  }
0x89: {  	[sflag:s15] =	ssyncadd.s32 $0xFFFFEC00  }
0x8a: {  	_ =	sfence.sel $0x180000  }
0x8b: {  	[bflag:$0x0] =	sbarrier.arrive $0xFFFF  }
0x8c: {  	_ =	strace $0x9000004A  }
0x8d: {  	[bflag:$0x2] =	sbarrier.arrive $0xFFFF  }
0x8e: {  	p0 =	sne.s32 s0, $0x0;
	s0 =	rddreg [dreg:$0x1]  }
0x8f: {  	s0 =	sadd.s32 @!p0 $0x100000, s0  }
0x90: {  	[sflag:s0] =	ssyncadd.tile.s32 @!p0 $0x1;
	_ =	shalt  }
.Lfunc_end2:
_tile_overlayer_lowered:
.L_overlay_start_2:
0x91: {  	(tag) =	ssettag $0x2  }
0x92: {  	s0 =	rddreg [dreg:$0x0];
	s2 =	stileid.u32  }
0x93: {  	s1 =	rddreg [dreg:$0x1];
	p0 =	sne.s32 s2, $0x0  }
0x94: {  	s3 =	rddreg [dreg:$0x2];
	[bflag:$0x3] =	sbarrier.arrive $0xFFFF;
	s2 =	simm.s32 @!p0 $0x1C02  }
0x95: {  	[timem:s3], [sflag:s2] =	dma.local @!p0 [hbm:s0], s1  }
0x96: {  	s0 =	simm.s32 @!p0 $0x2  }
0x97: {  	_ =	swait.ge @!p0 [sflag:s0], s1  }
0x98: {  	s1 =	ssub.s32 @!p0 $0x0, s1;
	[sflag:s0] =	ssyncset.done @!p0 $0x0  }
0x99: {  	[sflag:s0] =	ssyncadd.s32 @!p0 s1  }
0x9a: {  	[bflag:$0x3] =	sbarrier.arrive $0xFFFF  }
0x9b: {  	_ =	shalt  }

// kernel: kernel.15.cloned.1.call-start
scs
__scs_entry_jumppad:
0x0: {  	(pc) =	sbr.rel $0x88, $3  }
0x1: {  	(tag) =	ssettag $0x0;
	lr =	simm.s32 $0x1  }
0x2: {  	[smem:$0x3F94] =	sst lr;
	_ =	strace $0xD0000000  }
0x3: {  	_ = 	snop  }
0x4: {  	_ = 	snop  }
0x5: {  	_ = 	snop  }
0x6: {  	_ = 	snop  }
0x7: {  	_ = 	snop  }
__scs_overlays_trampoline_lowered:
0x8: {  	[smem:$0x3FA3] =	sst s0  }
0x9: {  	[smem:$0x3FA4] =	sst s1  }
0xa: {  	[smem:$0x3FA5] =	sst s2  }
0xb: {  	[smem:$0x3FA6] =	sst s3  }
0xc: {  	[smem:$0x3FA7] =	sst s4  }
0xd: {  	[smem:$0x3FA8] =	sst s5  }
0xe: {  	[smem:$0x3FA9] =	sst s6  }
0xf: {  	[smem:$0x3FAA] =	sst s7  }
0x10: {  	[smem:$0x3FAB] =	sst s8  }
0x11: {  	[smem:$0x3FAC] =	sst s9;
	s0 =	simm.s32 @!p0 $0x0  }
0x12: {  	s1 =	sld [smem:$0x3F92];
	s0 =	simm.s32 @p0 $0x1  }
0x13: {  	[smem:$0x3FAD] =	sst s0;
	s0 =	simm.s32 @!p1 $0x0  }
0x14: {  	s2 =	sld [smem:$0x3F91];
	s0 =	simm.s32 @p1 $0x1  }
0x15: {  	[smem:$0x3FAE] =	sst s0;
	s0 =	simm.s32 @!p2 $0x0  }
0x16: {  	s3 =	sld [smem:$0x3FDB];
	s0 =	simm.s32 @p2 $0x1  }
0x17: {  	s4 =	simm.s32 $0x1BF5;
	[smem:$0x3FB0] =	sst s0  }
0x18: {  	s0 =	sld [smem:$0x3F93];
	_ =	swait.ge [sflag:s4], $0x0  }
0x19: {  	s7 =	sld [smem:$0x3F94]  }
0x1a: {  	s8 =	sadd.s32 $0xFFFFE003, lr  }
0x1b: {  	s9 =	sadd.s32 $0xFFFFFEF7, lr;
	s5 =	simm.s32 $0xFFFFFFFF;
	p2 =	slt.u32 s8, $0xFFFFF086  }
0x1c: {  	p1 =	slt.u32 s9, $0xF7A;
	s5 =	simm.s32 @!p2 $0x0  }
0x1d: {  	s5 =	simm.s32 @p1 $0x1;
	p0 =	seq.s32 s7, s2  }
0x1e: {  	s7 =	smul.u32 @!p0 $0xF7A, s2;
	p2 =	seq.s32 @!p0 s5, $0x0  }
0x1f: {  	s9 =	smul.u32 $0xF7A, s1;
	s8 =	simm.s32 @!p0 $0x1BF5;
	p2 =	por !p2, p0  }
0x20: {  	[sflag:s8] =	ssyncset.s32 @!p0 $0xFFFFF086;
	s6 =	sadd.s32 @!p0 s3, s7;
	s7 =	simm.s32 @!p0 $0x108  }
0x21: {  	s3 =	sadd.s32 s3, s9;
	s6 =	sadd.s32 @!p0 $0x88, s6;
	s7 =	simm.s32 @p2 $0x1082  }
0x22: {  	[simem:s7], [sflag:s8] =	dma.local @!p0 [hbm:s6], $0xF7A  }
0x23: {  	s9 =	sor.u32 $0xD0000000, s2;
	s6 =	simm.s32 $0x108;
	_ =	swait.ge @!p0 [sflag:s8], $0x0  }
0x24: {  	s3 =	sadd.s32 $0x88, s3;
	s6 =	simm.s32 @!p1 $0x1082;
	[sflag:s4] =	ssyncset.s32 $0xFFFFF086  }
0x25: {  	[simem:s6], [sflag:s4] =	dma.local [hbm:s3], $0xF7A  }
0x26: {  	[smem:$0x3F94] =	sst s1;
	(tag) =	ssettag s2;
	_ =	strace s9  }
0x27: {  	s1 =	sld [smem:$0x3FA4]  }
0x28: {  	s2 =	sld [smem:$0x3FA5]  }
0x29: {  	s4 =	sld [smem:$0x3FA7]  }
0x2a: {  	p0 =	seq.s32 s5, $0x0;
	s5 =	sld [smem:$0x3FA8]  }
0x2b: {  	s6 =	sld [smem:$0x3FA9]  }
0x2c: {  	s7 =	sld [smem:$0x3FAA]  }
0x2d: {  	s3 =	simm.s32 $0x108;
	s8 =	sld [smem:$0x3FAB]  }
0x2e: {  	s3 =	simm.s32 @!p0 $0x1082;
	s9 =	sld [smem:$0x3FAC]  }
0x2f: {  	lr =	sadd.s32 s0, s3;
	s0 =	sld [smem:$0x3FA3]  }
0x30: {  	s3 =	sld [smem:$0x3FA6]  }
0x31: {  	[smem:$0x3FAF] =	sst s10  }
0x32: {  	s10 =	sld [smem:$0x3FAD];
	_ =	sdelay $0x3  }
0x33: {  	p0 =	seq.s32 s10, $0x1;
	s10 =	sld [smem:$0x3FAF];
	_ =	sdelay $0x3  }
0x34: {  	[smem:$0x3FAF] =	sst s10  }
0x35: {  	s10 =	sld [smem:$0x3FAE];
	_ =	sdelay $0x3  }
0x36: {  	p1 =	seq.s32 s10, $0x1;
	s10 =	sld [smem:$0x3FAF];
	_ =	sdelay $0x3  }
0x37: {  	[smem:$0x3FAF] =	sst s10  }
0x38: {  	s10 =	sld [smem:$0x3FB0]  }
0x39: {  	_ = 	snop;
	(pc) =	sbr.ind lr, $3  }
0x3a: {  	_ = 	snop  }
0x3b: {  	_ = 	snop  }
0x3c: {  	p2 =	seq.s32 s10, $0x1;
	s10 =	sld [smem:$0x3FAF]  }
0x3d: {  	_ =	shalt  }
0x3e: {  	_ =	shalt  }
0x3f: {  	_ =	shalt  }
0x40: {  	_ =	shalt  }
0x41: {  	_ =	shalt  }
0x42: {  	_ =	shalt  }
0x43: {  	_ =	shalt  }
0x44: {  	_ =	shalt  }
0x45: {  	_ =	shalt  }
0x46: {  	_ =	shalt  }
0x47: {  	_ =	shalt  }
0x48: {  	_ =	shalt  }
0x49: {  	_ =	shalt  }
0x4a: {  	_ =	shalt  }
0x4b: {  	_ =	shalt  }
0x4c: {  	_ =	shalt  }
0x4d: {  	_ =	shalt  }
0x4e: {  	_ =	shalt  }
0x4f: {  	_ =	shalt  }
0x50: {  	_ =	shalt  }
0x51: {  	_ =	shalt  }
0x52: {  	_ =	shalt  }
0x53: {  	_ =	shalt  }
0x54: {  	_ =	shalt  }
0x55: {  	_ =	shalt  }
0x56: {  	_ =	shalt  }
0x57: {  	_ =	shalt  }
0x58: {  	_ =	shalt  }
0x59: {  	_ =	shalt  }
0x5a: {  	_ =	shalt  }
0x5b: {  	_ =	shalt  }
0x5c: {  	_ =	shalt  }
0x5d: {  	_ =	shalt  }
0x5e: {  	_ =	shalt  }
0x5f: {  	_ =	shalt  }
0x60: {  	_ =	shalt  }
0x61: {  	_ =	shalt  }
0x62: {  	_ =	shalt  }
0x63: {  	_ =	shalt  }
0x64: {  	_ =	shalt  }
0x65: {  	_ =	shalt  }
0x66: {  	_ =	shalt  }
0x67: {  	_ =	shalt  }
0x68: {  	_ =	shalt  }
0x69: {  	_ =	shalt  }
0x6a: {  	_ =	shalt  }
0x6b: {  	_ =	shalt  }
0x6c: {  	_ =	shalt  }
0x6d: {  	_ =	shalt  }
0x6e: {  	_ =	shalt  }
0x6f: {  	_ =	shalt  }
0x70: {  	_ =	shalt  }
0x71: {  	_ =	shalt  }
0x72: {  	_ =	shalt  }
0x73: {  	_ =	shalt  }
0x74: {  	_ =	shalt  }
0x75: {  	_ =	shalt  }
0x76: {  	_ =	shalt  }
0x77: {  	_ =	shalt  }
0x78: {  	_ =	shalt  }
0x79: {  	_ =	shalt  }
0x7a: {  	_ =	shalt  }
0x7b: {  	_ =	shalt  }
0x7c: {  	_ =	shalt  }
0x7d: {  	_ =	shalt  }
0x7e: {  	_ =	shalt  }
0x7f: {  	_ =	shalt  }
0x80: {  	_ =	shalt  }
0x81: {  	_ =	shalt  }
0x82: {  	_ =	shalt  }
0x83: {  	_ =	shalt  }
0x84: {  	_ =	shalt  }
0x85: {  	_ =	shalt  }
0x86: {  	_ =	shalt  }
0x87: {  	_ =	shalt  }
.Lfunc_end0:
.L_simem_size_0:
called_computation.2_lowered:
.L_overlay_start_0:
0x88: {  	s2 =	sld [smem:$0x3FD9]  }
0x89: {  	s3 =	sld [smem:$0x3FFE];
	_ =	sdelay $0x1  }
0x8a: {  	s1 =	srdreg.scid  }
0x8b: {  	s0 =	sand.u32 $0x1, s1  }
0x8c: {  	s16 =	sshll.u32 s0, $0xA;
	s2 =	sadd.s32 s3, s2  }
0x8d: {  	s2 =	sadd.s32 s2, s16  }
0x8e: {  	[smem:$0x3FBB] =	sst s2  }
0x8f: {  	_ = 	snop  }
0x90: {  	(tm) =	ssettm $0x1  }
0x91: {  	s17 =	sld [smem:$0x3FFB];
	_ =	sdelay $0x3  }
0x92: {  	_ =	strace s17  }
0x93: {  	s2 =	sld [smem:$0x3FFC];
	_ =	sdelay $0x3  }
0x94: {  	_ =	strace s2  }
0x95: {  	s2 =	sld [smem:$0x3FFD];
	_ =	sdelay $0x3  }
0x96: {  	_ =	strace s2  }
0x97: {  	_ =	strace $0x8FFFFFFF  }
0x98: {  	s18 =	sld [smem:$0x3FDB];
	_ =	sdelay $0x1  }
0x99: {  	s19 =	simm.s32 $_scs_section_size  }
0x9a: {  	s4 =	simm.s32 $_size__tile_overlayer_lowered;
	s5 =	simm.s32 $_tile_overlayer_lowered  }
0x9b: {  	s22 =	simm.s32 $0x1BFF;
	s21 =	sshll.u32 s5, $0x1;
	s2 =	sadd.s32 s19, s18  }
0x9c: {  	s6 =	simm.s32 $0x0;
	s20 =	sshll.u32 s4, $0x1;
	s4 =	sadd.s32 s21, s2  }
0x9d: {  	[timem:s6], [sflag:s22] =	dma.local [hbm:s4], s20  }
0x9e: {  	_ =	swait.ge [sflag:s22], s20  }
0x9f: {  	s3 =	ssub.s32 $0x0, s20;
	[sflag:s22] =	ssyncset.done $0x0  }
0xa0: {  	[sflag:s22] =	ssyncadd.s32 s3;
	_ =	sdelay $0x1  }
0xa1: {  	s23 =	simm.s32 $0x1B8B  }
0xa2: {  	_ =	swait.ge [sflag:s23], $0x1  }
0xa3: {  	[sflag:s23] =	ssyncset.done $0x0  }
0xa4: {  	s25 =	simm.s32 $0x1B8E;
	s24 =	sld [smem:$0x3FFE];
	[sflag:s23] =	ssyncadd.s32 $0xFFFFFFFF  }
0xa5: {  	s26 =	simm.s32 $execute0_lowered;
	[smem:$0x3FD2] =	sst s25  }
0xa6: {  	s4 =	sshll.u32 s26, $0x1;
	_ =	strace $0x8000004C;
	[dreg:$0x1] =	wrdreg $0xFFFFFFFF  }
0xa7: {  	s28 =	simm.s32 $_size_execute0_lowered;
	s2 =	sadd.s32 s2, s4;
	[dreg:$0x0] =	wrdreg $0x0  }
0xa8: {  	s4 =	sshll.u32 s28, $0x1;
	[dreg:$0x2] =	wrdreg s2  }
0xa9: {  	[dreg:$0x3] =	wrdreg s4  }
0xaa: {  	[dreg:$0x4] =	wrdreg $0xC0  }
0xab: {  	_ =	task [dreg:s6], $0x5FFFF  }
0xac: {  	[dreg:$0x1] =	wrdreg $0xFFFFFFFF  }
0xad: {  	[dreg:$0x0] =	wrdreg $0x60  }
0xae: {  	[dreg:$0x2] =	wrdreg s24  }
0xaf: {  	[dreg:$0x3] =	wrdreg $0x84000  }
0xb0: {  	[dreg:$0x4] =	wrdreg $0x9  }
0xb1: {  	_ =	task.clear_ibuf [dreg:s6], $0x5FFFF;
	_ =	strace $0x9000004C  }
0xb2: {  	s29 =	simm.s32 $0x9;
	_ =	strace $0x8000004E  }
0xb3: {  	_ =	swait.ge [sflag:s29], $0x1  }
0xb4: {  	[sflag:s29] =	ssyncadd.s32 $0xFFFFFFFF  }
0xb5: {  	_ =	strace $0x9000004E  }
0xb6: {  	_ =	sfence  }
0xb7: {  	s30 =	sld [smem:$0x0];
	_ =	sdelay $0x2  }
0xb8: {  	s31 =	sshll.u32 s1, $0xD;
	s1 =	sshrl.u32 s1, $0x2  }
0xb9: {  	s3 =	sand.u32 $0x4000, s31;
	s1 =	sadd.s32 s1, s30  }
0xba: {  	s0 =	sor.u32 s3, s0;
	s1 =	sshll.u32 s1, $0x11  }
0xbb: {  	s0 =	sor.u32 s1, s0  }
0xbc: {  	s0 =	sadd.s32 $0x8F2B, s0  }
0xbd: {  	[sflag:s0] =	ssyncadd.remote.s32 $0x1  }
0xbe: {  	_ =	sfence.sel $0xFFFF  }
0xbf: {  	[dreg:$0x0] =	wrdreg $0xFFFFFFFF;
	(pc) =	sbr.abs _section_cstart, $3  }
0xc0: {  	[dreg:$0x1] =	wrdreg $0xFFFFFFFF  }
0xc1: {  	_ =	task.clear_ibuf [dreg:s6], $0x2FFFF;
	_ =	strace $0x9FFFFFFF  }
0xc2: {  	(tm) =	ssettm $0x7FFFFFFF  }
0xc3: {  	_ =	shalt  }
tec
execute0_lowered:
.L_overlay_start_1:
0x0: {  	(tag) =	ssettag $0x1  }
0x1: {  	s0 =	rddreg [dreg:$0x0]  }
0x2: {  	s1 =	rddreg [dreg:$0x1];
	s2 =	simm.s32 $0x0;
	s20 =	srdreg.scid  }
0x3: {  	[smem:$0x7FF] =	sst s2;
	s3 =	sadd.s32 $0x80D200, s0;
	s4 =	sadd.s32 $0x56200, s0  }
0x4: {  	s5 =	sadd.s32 $0x4C200, s0;
	s6 =	sadd.s32 $0x42200, s0;
	s8 =	sadd.s32 $0x7EF200, s0  }
0x5: {  	s17 =	stileid.u32;
	s9 =	sadd.s32 $0x7F4200, s0;
	s10 =	sadd.s32 $0x7F9200, s0  }
0x6: {  	s2 =	sand.u32 $0x1, s20;
	s14 =	smul.u32 $0x14000, s17;
	s11 =	sadd.s32 $0x7FE200, s0  }
0x7: {  	s15 =	sadd.s32 $0x2D6200, s0;
	s21 =	sshll.u32 s17, $0x1;
	s18 =	smul.u32 $0x50000, s17  }
0x8: {  	_ =	strace $0x8000004D;
	s7 =	ssub.s32 $0x2, s2;
	s12 =	smul.u32 $0x140000, s2  }
0x9: {  	s2 =	sor.u32 s2, s21;
	s13 =	sshrl.u32 s7, $0x1;
	s19 =	sadd.s32 $0x4000, s14  }
0xa: {  	s25 =	sadd.s32 $0x8000, s14;
	s26 =	sadd.s32 $0xC000, s14;
	s30 =	sshrl.u32 s18, $0x2  }
0xb: {  	s18 =	sadd.s32 $0x808200, s0;
	s21 =	smul.u32 $0x28, s2;
	s7 =	ssub.s32 s7, s13  }
0xc: {  	s16 =	sadd.s32 s12, s14;
	s23 =	sadd.s32 s12, s19;
	s28 =	sadd.s32 s12, s25  }
0xd: {  	s20 =	sadd.s32 s12, s26;
	s14 =	sadd.s32 $0x10000, s14;
	s31 =	sadd.s32 s30, s1  }
0xe: {  	s22 =	sshrl.u32 s16, $0x3;
	s24 =	sshrl.u32 s23, $0x3;
	s17 =	sshrl.u32 s28, $0x3  }
0xf: {  	s20 =	sshrl.u32 s20, $0x3;
	s12 =	sadd.s32 s12, s14;
	s7 =	smax.u32 s7, $0x1  }
0x10: {  	s28 =	sadd.s32 $0x8000, s31;
	s30 =	sadd.s32 $0x10000, s31;
	[dreg:$0x8] =	wrdreg s31  }
0x11: {  	s16 =	simm.s32 $0x180;
	s13 =	sadd.s32 s15, s22;
	[dreg:$0x9] =	wrdreg s7  }
0x12: {  	s17 =	sadd.s32 s15, s17;
	s29 =	sadd.s32 s15, s20;
	[dreg:$0xf] =	wrdreg s28  }
0x13: {  	s12 =	sshrl.u32 s12, $0x3;
	s20 =	smul.u32 $0x50, s2;
	[dreg:$0x11] =	wrdreg s30  }
0x14: {  	s22 =	sadd.s32 s14, s1;
	s7 =	simm.s32 $0x3;
	[dreg:$0x3] =	wrdreg s13  }
0x15: {  	s2 =	simm.s32 $0x80;
	s14 =	simm.s32 $0x4400;
	[dreg:$0x5] =	wrdreg s17  }
0x16: {  	s13 =	sadd.s32 s15, s24;
	[dreg:$0x6] =	wrdreg s29;
	s12 =	sadd.s32 s15, s12  }
0x17: {  	s17 =	sadd.s32 $0x803200, s0;
	s15 =	sadd.s32 s25, s1;
	s25 =	sshrl.u32 s22, $0x3  }
0x18: {  	s29 =	sadd.s32 $0xC000, s31;
	s22 =	simm.s32 $0x200;
	[dreg:$0x4] =	wrdreg s13  }
0x19: {  	[dreg:$0x7] =	wrdreg s12;
	s12 =	sadd.s32 s19, s1;
	s19 =	sadd.s32 s26, s1  }
0x1a: {  	s23 =	sshrl.u32 s15, $0x3;
	[dreg:$0xd] =	wrdreg s25;
	s26 =	sadd.s32 $0x4000, s31  }
0x1b: {  	[dreg:$0x10] =	wrdreg s29;
	s13 =	simm.s32 $0x2;
	s15 =	simm.s32 $0x100  }
0x1c: {  	s25 =	simm.s32 $0x380;
	s0 =	sshrl.u32 s12, $0x3;
	[dreg:$0xb] =	wrdreg s23  }
0x1d: {  	s24 =	sshrl.u32 s19, $0x3;
	[dreg:$0xe] =	wrdreg s26;
	s12 =	simm.s32 $0x1  }
0x1e: {  	s23 =	simm.s32 $0x280;
	s26 =	simm.s32 $0x0;
	[dreg:$0xa] =	wrdreg s0  }
0x1f: {  	v0 =	vimm.f32 $0.0e+00;
	[dreg:$0xc] =	wrdreg s24;
	s0 =	simm.s32 $0x400;
	s24 =	simm.s32 $0x300  }
.LBB2_1:
0x20: {  	s28 =	simm.s32 $0x0  }
0x21: {  	s19 =	sand.u32 $0xFE00, s28  }
0x22: {  	s28 =	sand.u32 $0x70, s28;
	s29 =	sshrl.u32 s19, $0x2  }
0x23: {  	s19 =	simm.s32 $0x40;
	s29 =	sor.u32 s28, s29;
	s28 =	simm.s32 $0x0  }
.LBB2_2:
0x24: {  	p0 =	sne.s32 s19, $0xFFC0  }
0x25: {  	[tilespmem:s29+$0x400] =	vst v0;
	s28 =	sadd.s32 $0x10, s28;
	s29 =	smov.u32 s19;
	s19 =	sadd.s32 $0x40, s19  }
.Ltmp0:
0x26: {  	(pc) =	sbr.rel @p0 .LBB2_2-.Ltmp0, $4  }
0x27: {  	_ = 	snop  }
0x28: {  	s29 =	sand.u32 $0xFE00, s29  }
0x29: {  	s30 =	sand.u32 $0x70, s28;
	s29 =	sshrl.u32 s29, $0x2  }
0x2a: {  	s29 =	sor.u32 s30, s29  }
0x2b: {  	[tilespmem:s29+$0x400] =	vst v0  }
0x2c: {  	[spmem:s31] =	stream.linear.scatter [tilespmem:s0], [sflag:$0x3], $0x4000, $0x38;
	[tilespmem:$0x1C400] =	vst v63  }
0x2d: {  	_ =	swait.ge [sflag:s7], $0x4000  }
0x2e: {  	[sflag:s7] =	ssyncset.done $0x0  }
0x2f: {  	s19 =	rddreg [dreg:$0xe];
	[sflag:s7] =	ssyncadd.s32 $0xFFFFC000  }
0x30: {  	[spmem:s19] =	stream.linear.scatter [tilespmem:s0], [sflag:$0x3], $0x4000, $0x38;
	[tilespmem:$0x1C400] =	vst v63  }
0x31: {  	_ =	swait.ge [sflag:s7], $0x4000  }
0x32: {  	[sflag:s7] =	ssyncset.done $0x0  }
0x33: {  	s31 =	rddreg [dreg:$0xf];
	[sflag:s7] =	ssyncadd.s32 $0xFFFFC000  }
0x34: {  	[spmem:s31] =	stream.linear.scatter [tilespmem:s0], [sflag:$0x3], $0x4000, $0x38;
	[tilespmem:$0x1C400] =	vst v63  }
0x35: {  	_ =	swait.ge [sflag:s7], $0x4000  }
0x36: {  	[sflag:s7] =	ssyncset.done $0x0  }
0x37: {  	s28 =	rddreg [dreg:$0x10];
	[sflag:s7] =	ssyncadd.s32 $0xFFFFC000  }
0x38: {  	[spmem:s28] =	stream.linear.scatter [tilespmem:s0], [sflag:$0x3], $0x4000, $0x38;
	[tilespmem:$0x1C400] =	vst v63  }
0x39: {  	_ =	swait.ge [sflag:s7], $0x4000  }
0x3a: {  	[sflag:s7] =	ssyncset.done $0x0  }
0x3b: {  	s31 =	rddreg [dreg:$0x11];
	[sflag:s7] =	ssyncadd.s32 $0xFFFFC000  }
0x3c: {  	[spmem:s31] =	stream.linear.scatter [tilespmem:s0], [sflag:$0x3], $0x4000, $0x38;
	[tilespmem:$0x1C400] =	vst v63  }
0x3d: {  	_ =	swait.ge [sflag:s7], $0x4000  }
0x3e: {  	[sflag:s7] =	ssyncset.done $0x0  }
0x3f: {  	[sflag:s7] =	ssyncadd.s32 $0xFFFFC000  }
0x40: {  	s29 =	simm.s32 $0x0;
	s30 =	simm.s32 $0x0;
	[bflag:$0x0] =	sbarrier.arrive $0xFFFF  }
.LBB2_4:
0x41: {  	s19 =	sadd.s32 s20, s30  }
0x42: {  	s28 =	sshll.u32 s19, $0x4  }
0x43: {  	s31 =	sadd.s32 s5, s28  }
0x44: {  	[tilespmem:s29], [sflag:$0x1] =	stream.linear.gather [hbm4b:s31+s29], $0x80, $0x38;
	[tilespmem:$0x1C400] =	vst v63  }
0x45: {  	s19 =	sshll.u32 s19, $0xB;
	s28 =	sadd.s32 s6, s28  }
0x46: {  	[tilespmem:s2], [sflag:$0x1] =	stream.linear.gather [hbm4b:s28+s29], $0x80, $0x38;
	[tilespmem:$0x1C400] =	vst v63  }
0x47: {  	s19 =	sadd.s32 s3, s19  }
0x48: {  	[tilespmem:s0], [sflag:$0x2] =	stream.linear.gather [hbm4b:s19+s29], $0x4000, $0x38;
	[tilespmem:$0x1C400] =	vst v63  }
0x49: {  	_ =	swait.ge [sflag:s12], $0x80  }
0x4a: {  	[sflag:s12] =	ssyncset.done $0x0  }
0x4b: {  	[sflag:s12] =	ssyncadd.s32 $0xFFFFFF80  }
0x4c: {  	_ =	swait.ge [sflag:s12], $0x80  }
0x4d: {  	[sflag:s12] =	ssyncset.done $0x0  }
0x4e: {  	[sflag:s12] =	ssyncadd.s32 $0xFFFFFF80  }
0x4f: {  	_ =	swait.ge [sflag:s13], $0x4000  }
0x50: {  	[sflag:s13] =	ssyncset.done $0x0  }
0x51: {  	s31 =	simm.s32 $0x0;
	[sflag:s13] =	ssyncadd.s32 $0xFFFFC000  }
0x52: {  	v2 =	vld [tilespmem:s31+$0x470]  }
0x53: {  	v6 =	vld [tilespmem:s31+$0x400]  }
0x54: {  	v7 =	vld [tilespmem:s31+$0x410]  }
0x55: {  	v5 =	vld [tilespmem:s31+$0x420]  }
0x56: {  	v4 =	vld [tilespmem:s31+$0x430]  }
0x57: {  	v1 =	vld [tilespmem:s31+$0x440];
	v8 =	vsub.f32 $0.0e+00, v2  }
0x58: {  	v2 =	vld [tilespmem:s31+$0x450];
	v6 =	vsub.f32 $0.0e+00, v6  }
0x59: {  	s28 =	simm.s32 $0x80;
	s19 =	simm.s32 $0x400;
	v3 =	vld [tilespmem:s31+$0x460];
	v7 =	vsub.f32 $0.0e+00, v7;
	[tilespmem:s31+$0x4470] =	vst v8  }
.LBB2_5:
0x5a: {  	p0 =	sne.s32 s19, $0xFE00;
	v8 =	vld [tilespmem:s28+$0x470];
	[tilespmem:s31+$0x4400] =	vst v6;
	v5 =	vsub.f32 $0.0e+00, v5  }
0x5b: {  	v6 =	vld [tilespmem:s28+$0x400];
	[tilespmem:s31+$0x4410] =	vst v7;
	v4 =	vsub.f32 $0.0e+00, v4  }
0x5c: {  	v7 =	vld [tilespmem:s28+$0x410];
	[tilespmem:s31+$0x4420] =	vst v5;
	v1 =	vsub.f32 $0.0e+00, v1  }
.Ltmp1:
0x5d: {  	v5 =	vld [tilespmem:s28+$0x420];
	[tilespmem:s31+$0x4430] =	vst v4;
	v2 =	vsub.f32 $0.0e+00, v2;
	(pc) =	sbr.rel @p0 .LBB2_5-.Ltmp1, $4  }
0x5e: {  	v4 =	vld [tilespmem:s28+$0x430];
	[tilespmem:s31+$0x4440] =	vst v1;
	v3 =	vsub.f32 $0.0e+00, v3  }
0x5f: {  	v1 =	vld [tilespmem:s28+$0x440];
	v8 =	vsub.f32 $0.0e+00, v8;
	[tilespmem:s31+$0x4450] =	vst v2  }
0x60: {  	v6 =	vsub.f32 $0.0e+00, v6;
	v2 =	vld [tilespmem:s28+$0x450];
	[tilespmem:s31+$0x4460] =	vst v3;
	s31 =	smov.u32 s28  }
0x61: {  	s28 =	sshra.s32 s19, $0x2;
	s19 =	sadd.s32 $0x200, s19;
	v7 =	vsub.f32 $0.0e+00, v7;
	v3 =	vld [tilespmem:s31+$0x460];
	[tilespmem:s31+$0x4470] =	vst v8  }
0x62: {  	v8 =	vld [tilespmem:s28+$0x470];
	[tilespmem:s31+$0x4400] =	vst v6;
	v5 =	vsub.f32 $0.0e+00, v5  }
0x63: {  	v6 =	vld [tilespmem:s28+$0x400];
	[tilespmem:s31+$0x4410] =	vst v7;
	v4 =	vsub.f32 $0.0e+00, v4  }
0x64: {  	v7 =	vld [tilespmem:s28+$0x410];
	[tilespmem:s31+$0x4420] =	vst v5;
	v1 =	vsub.f32 $0.0e+00, v1  }
0x65: {  	v5 =	vld [tilespmem:s28+$0x420];
	[tilespmem:s31+$0x4430] =	vst v4;
	v2 =	vsub.f32 $0.0e+00, v2  }
0x66: {  	v4 =	vld [tilespmem:s28+$0x430];
	[tilespmem:s31+$0x4440] =	vst v1;
	v3 =	vsub.f32 $0.0e+00, v3  }
0x67: {  	v1 =	vld [tilespmem:s28+$0x440];
	[tilespmem:s31+$0x4450] =	vst v2;
	v8 =	vsub.f32 $0.0e+00, v8  }
0x68: {  	v2 =	vld [tilespmem:s28+$0x450];
	[tilespmem:s31+$0x4460] =	vst v3;
	v3 =	vsub.f32 $0.0e+00, v6  }
0x69: {  	v63 =	vld [tilespmem:s28+$0x460];
	v7 =	vsub.f32 $0.0e+00, v7;
	[tilespmem:s28+$0x4470] =	vst v8  }
0x6a: {  	[tilespmem:s28+$0x4400] =	vst v3;
	v3 =	vsub.f32 $0.0e+00, v5  }
0x6b: {  	[tilespmem:s28+$0x4410] =	vst v7;
	v4 =	vsub.f32 $0.0e+00, v4  }
0x6c: {  	[tilespmem:s28+$0x4420] =	vst v3;
	v1 =	vsub.f32 $0.0e+00, v1  }
0x6d: {  	[tilespmem:s28+$0x4430] =	vst v4;
	v2 =	vsub.f32 $0.0e+00, v2  }
0x6e: {  	[tilespmem:s28+$0x4440] =	vst v1;
	v1 =	vsub.f32 $0.0e+00, v63  }
0x6f: {  	[tilespmem:s28+$0x4450] =	vst v2  }
0x70: {  	[tilespmem:s28+$0x4460] =	vst v1  }
0x71: {  	[spmem:s1] =	stream.indirect.scatter.add.f32 [tilespmem:s0], [sflag:$0x3], $0x80, s2, s2, $0xb8;
	[tilespmem:$0x1C400] =	vst v63  }
0x72: {  	s30 =	sadd.s32 $0x1, s30;
	_ =	swait.ge [sflag:s7], $0x4000  }
0x73: {  	p0 =	sne.s32 s30, $0x50;
	[sflag:s7] =	ssyncset.done $0x0  }
.Ltmp2:
0x74: {  	s28 =	simm.s32 $0x0;
	[sflag:s7] =	ssyncadd.s32 $0xFFFFC000;
	(pc) =	sbr.rel @p0 .LBB2_4-.Ltmp2, $4  }
0x75: {  	[spmem:s1] =	stream.indirect.scatter.add.f32 [tilespmem:s14], [sflag:$0x3], $0x80, s28, s2, $0xb8;
	[tilespmem:$0x1C400] =	vst v63  }
0x76: {  	_ =	swait.ge [sflag:s7], $0x4000  }
0x77: {  	[sflag:s7] =	ssyncset.done $0x0  }
0x78: {  	[sflag:s7] =	ssyncadd.s32 $0xFFFFC000  }
0x79: {  	s29 =	simm.s32 $0x0  }
.LBB2_8:
0x7a: {  	s19 =	sadd.s32 s21, s29  }
0x7b: {  	s30 =	sshll.u32 s19, $0x4  }
0x7c: {  	s31 =	sadd.s32 s8, s30  }
0x7d: {  	[tilespmem:s15], [sflag:$0x1] =	stream.linear.gather [hbm4b:s31+s28], $0x80, $0x38;
	[tilespmem:$0x1C400] =	vst v63  }
0x7e: {  	s31 =	sadd.s32 s9, s30  }
0x7f: {  	[tilespmem:s16], [sflag:$0x1] =	stream.linear.gather [hbm4b:s31+s28], $0x80, $0x38;
	[tilespmem:$0x1C400] =	vst v63  }
0x80: {  	s31 =	sadd.s32 s10, s30  }
0x81: {  	[tilespmem:s22], [sflag:$0x1] =	stream.linear.gather [hbm4b:s31+s28], $0x80, $0x38;
	[tilespmem:$0x1C400] =	vst v63  }
0x82: {  	s31 =	sadd.s32 s11, s30  }
0x83: {  	[tilespmem:s23], [sflag:$0x1] =	stream.linear.gather [hbm4b:s31+s28], $0x80, $0x38;
	[tilespmem:$0x1C400] =	vst v63  }
0x84: {  	s31 =	sadd.s32 s17, s30  }
0x85: {  	[tilespmem:s24], [sflag:$0x1] =	stream.linear.gather [hbm4b:s31+s28], $0x80, $0x38;
	[tilespmem:$0x1C400] =	vst v63  }
0x86: {  	s19 =	sshll.u32 s19, $0xB;
	s30 =	sadd.s32 s18, s30  }
0x87: {  	[tilespmem:s25], [sflag:$0x1] =	stream.linear.gather [hbm4b:s30+s28], $0x80, $0x38;
	[tilespmem:$0x1C400] =	vst v63  }
0x88: {  	s19 =	sadd.s32 s4, s19  }
0x89: {  	[tilespmem:s0], [sflag:$0x2] =	stream.linear.gather [hbm4b:s19+s28], $0x4000, $0x38;
	[tilespmem:$0x1C400] =	vst v63  }
0x8a: {  	_ =	swait.ge [sflag:s12], $0x80  }
0x8b: {  	[sflag:s12] =	ssyncset.done $0x0  }
0x8c: {  	[sflag:s12] =	ssyncadd.s32 $0xFFFFFF80  }
0x8d: {  	_ =	swait.ge [sflag:s12], $0x80  }
0x8e: {  	[sflag:s12] =	ssyncset.done $0x0  }
0x8f: {  	[sflag:s12] =	ssyncadd.s32 $0xFFFFFF80  }
0x90: {  	_ =	swait.ge [sflag:s12], $0x80  }
0x91: {  	[sflag:s12] =	ssyncset.done $0x0  }
0x92: {  	[sflag:s12] =	ssyncadd.s32 $0xFFFFFF80  }
0x93: {  	_ =	swait.ge [sflag:s12], $0x80  }
0x94: {  	[sflag:s12] =	ssyncset.done $0x0  }
0x95: {  	[sflag:s12] =	ssyncadd.s32 $0xFFFFFF80  }
0x96: {  	_ =	swait.ge [sflag:s12], $0x80  }
0x97: {  	[sflag:s12] =	ssyncset.done $0x0  }
0x98: {  	[sflag:s12] =	ssyncadd.s32 $0xFFFFFF80  }
0x99: {  	_ =	swait.ge [sflag:s12], $0x80  }
0x9a: {  	[sflag:s12] =	ssyncset.done $0x0  }
0x9b: {  	[sflag:s12] =	ssyncadd.s32 $0xFFFFFF80  }
0x9c: {  	_ =	swait.ge [sflag:s13], $0x4000  }
0x9d: {  	[sflag:s13] =	ssyncset.done $0x0  }
0x9e: {  	s31 =	simm.s32 $0x0;
	[sflag:s13] =	ssyncadd.s32 $0xFFFFC000  }
0x9f: {  	v2 =	vld [tilespmem:s31+$0x470]  }
0xa0: {  	v6 =	vld [tilespmem:s31+$0x400]  }
0xa1: {  	v7 =	vld [tilespmem:s31+$0x410]  }
0xa2: {  	v5 =	vld [tilespmem:s31+$0x420]  }
0xa3: {  	v4 =	vld [tilespmem:s31+$0x430]  }
0xa4: {  	v1 =	vld [tilespmem:s31+$0x440];
	v8 =	vsub.f32 $0.0e+00, v2  }
0xa5: {  	v2 =	vld [tilespmem:s31+$0x450];
	v6 =	vsub.f32 $0.0e+00, v6  }
0xa6: {  	s30 =	simm.s32 $0x80;
	s19 =	simm.s32 $0x400;
	v3 =	vld [tilespmem:s31+$0x460];
	v7 =	vsub.f32 $0.0e+00, v7;
	[tilespmem:s31+$0x4470] =	vst v8  }
.LBB2_9:
0xa7: {  	p0 =	sne.s32 s19, $0xFE00;
	v8 =	vld [tilespmem:s30+$0x470];
	[tilespmem:s31+$0x4400] =	vst v6;
	v5 =	vsub.f32 $0.0e+00, v5  }
0xa8: {  	v6 =	vld [tilespmem:s30+$0x400];
	[tilespmem:s31+$0x4410] =	vst v7;
	v4 =	vsub.f32 $0.0e+00, v4  }
0xa9: {  	v7 =	vld [tilespmem:s30+$0x410];
	[tilespmem:s31+$0x4420] =	vst v5;
	v1 =	vsub.f32 $0.0e+00, v1  }
.Ltmp3:
0xaa: {  	v5 =	vld [tilespmem:s30+$0x420];
	[tilespmem:s31+$0x4430] =	vst v4;
	v2 =	vsub.f32 $0.0e+00, v2;
	(pc) =	sbr.rel @p0 .LBB2_9-.Ltmp3, $4  }
0xab: {  	v4 =	vld [tilespmem:s30+$0x430];
	[tilespmem:s31+$0x4440] =	vst v1;
	v3 =	vsub.f32 $0.0e+00, v3  }
0xac: {  	v1 =	vld [tilespmem:s30+$0x440];
	v8 =	vsub.f32 $0.0e+00, v8;
	[tilespmem:s31+$0x4450] =	vst v2  }
0xad: {  	v6 =	vsub.f32 $0.0e+00, v6;
	v2 =	vld [tilespmem:s30+$0x450];
	[tilespmem:s31+$0x4460] =	vst v3;
	s31 =	smov.u32 s30  }
0xae: {  	s30 =	sshra.s32 s19, $0x2;
	s19 =	sadd.s32 $0x200, s19;
	v7 =	vsub.f32 $0.0e+00, v7;
	v3 =	vld [tilespmem:s31+$0x460];
	[tilespmem:s31+$0x4470] =	vst v8  }
0xaf: {  	v8 =	vld [tilespmem:s30+$0x470];
	[tilespmem:s31+$0x4400] =	vst v6;
	v5 =	vsub.f32 $0.0e+00, v5  }
0xb0: {  	v6 =	vld [tilespmem:s30+$0x400];
	[tilespmem:s31+$0x4410] =	vst v7;
	v4 =	vsub.f32 $0.0e+00, v4  }
0xb1: {  	v7 =	vld [tilespmem:s30+$0x410];
	[tilespmem:s31+$0x4420] =	vst v5;
	v1 =	vsub.f32 $0.0e+00, v1  }
0xb2: {  	v5 =	vld [tilespmem:s30+$0x420];
	[tilespmem:s31+$0x4430] =	vst v4;
	v2 =	vsub.f32 $0.0e+00, v2  }
0xb3: {  	v4 =	vld [tilespmem:s30+$0x430];
	[tilespmem:s31+$0x4440] =	vst v1;
	v3 =	vsub.f32 $0.0e+00, v3  }
0xb4: {  	v1 =	vld [tilespmem:s30+$0x440];
	[tilespmem:s31+$0x4450] =	vst v2;
	v8 =	vsub.f32 $0.0e+00, v8  }
0xb5: {  	v2 =	vld [tilespmem:s30+$0x450];
	[tilespmem:s31+$0x4460] =	vst v3;
	v3 =	vsub.f32 $0.0e+00, v6  }
0xb6: {  	v63 =	vld [tilespmem:s30+$0x460];
	v7 =	vsub.f32 $0.0e+00, v7;
	[tilespmem:s30+$0x4470] =	vst v8  }
0xb7: {  	[tilespmem:s30+$0x4400] =	vst v3;
	v3 =	vsub.f32 $0.0e+00, v5  }
0xb8: {  	[tilespmem:s30+$0x4410] =	vst v7;
	v4 =	vsub.f32 $0.0e+00, v4  }
0xb9: {  	[tilespmem:s30+$0x4420] =	vst v3;
	v1 =	vsub.f32 $0.0e+00, v1  }
0xba: {  	[tilespmem:s30+$0x4430] =	vst v4;
	v2 =	vsub.f32 $0.0e+00, v2  }
0xbb: {  	[tilespmem:s30+$0x4440] =	vst v1;
	v1 =	vsub.f32 $0.0e+00, v63  }
0xbc: {  	[tilespmem:s30+$0x4450] =	vst v2  }
0xbd: {  	[tilespmem:s30+$0x4460] =	vst v1  }
0xbe: {  	[spmem:s1] =	stream.indirect.scatter.add.f32 [tilespmem:s0], [sflag:$0x3], $0x80, s15, s2, $0xb8;
	[tilespmem:$0x1C400] =	vst v63  }
0xbf: {  	_ =	swait.ge [sflag:s7], $0x4000  }
0xc0: {  	[sflag:s7] =	ssyncset.done $0x0  }
0xc1: {  	[sflag:s7] =	ssyncadd.s32 $0xFFFFC000  }
0xc2: {  	[spmem:s1] =	stream.indirect.scatter.add.f32 [tilespmem:s0], [sflag:$0x3], $0x80, s16, s2, $0xb8;
	[tilespmem:$0x1C400] =	vst v63  }
0xc3: {  	_ =	swait.ge [sflag:s7], $0x4000  }
0xc4: {  	[sflag:s7] =	ssyncset.done $0x0  }
0xc5: {  	[sflag:s7] =	ssyncadd.s32 $0xFFFFC000  }
0xc6: {  	[spmem:s1] =	stream.indirect.scatter.add.f32 [tilespmem:s0], [sflag:$0x3], $0x80, s22, s2, $0xb8;
	[tilespmem:$0x1C400] =	vst v63  }
0xc7: {  	_ =	swait.ge [sflag:s7], $0x4000  }
0xc8: {  	[sflag:s7] =	ssyncset.done $0x0  }
0xc9: {  	[sflag:s7] =	ssyncadd.s32 $0xFFFFC000  }
0xca: {  	[spmem:s1] =	stream.indirect.scatter.add.f32 [tilespmem:s14], [sflag:$0x3], $0x80, s23, s2, $0xb8;
	[tilespmem:$0x1C400] =	vst v63  }
0xcb: {  	_ =	swait.ge [sflag:s7], $0x4000  }
0xcc: {  	[sflag:s7] =	ssyncset.done $0x0  }
0xcd: {  	[sflag:s7] =	ssyncadd.s32 $0xFFFFC000  }
0xce: {  	[spmem:s1] =	stream.indirect.scatter.add.f32 [tilespmem:s14], [sflag:$0x3], $0x80, s24, s2, $0xb8;
	[tilespmem:$0x1C400] =	vst v63  }
0xcf: {  	s29 =	sadd.s32 $0x1, s29;
	_ =	swait.ge [sflag:s7], $0x4000  }
0xd0: {  	p0 =	sne.s32 s29, $0x28;
	[sflag:s7] =	ssyncset.done $0x0  }
.Ltmp4:
0xd1: {  	[sflag:s7] =	ssyncadd.s32 $0xFFFFC000;
	(pc) =	sbr.rel @p0 .LBB2_8-.Ltmp4, $4  }
0xd2: {  	[spmem:s1] =	stream.indirect.scatter.add.f32 [tilespmem:s14], [sflag:$0x3], $0x80, s25, s2, $0xb8;
	[tilespmem:$0x1C400] =	vst v63  }
0xd3: {  	_ =	swait.ge [sflag:s7], $0x4000  }
0xd4: {  	[sflag:s7] =	ssyncset.done $0x0  }
0xd5: {  	[sflag:s7] =	ssyncadd.s32 $0xFFFFC000  }
0xd6: {  	s19 =	stileid.u32;
	[bflag:$0x0] =	sbarrier.arrive $0xFFFF  }
0xd7: {  	s19 =	sshll.u32 s19, $0x6;
	s31 =	rddreg [dreg:$0x8]  }
0xd8: {  	s29 =	rddreg [dreg:$0x3];
	s19 =	sor.u32 $0x1C03, s19;
	s28 =	sshrl.u32 s31, $0x3  }
0xd9: {  	[hbm:s29], [sflag:s19] =	dma.local [spmem:s28], $0x800  }
0xda: {  	_ =	swait.ge [sflag:s7], $0x800  }
0xdb: {  	[sflag:s7] =	ssyncset.done $0x0;
	s28 =	rddreg [dreg:$0x4]  }
0xdc: {  	s30 =	rddreg [dreg:$0xa];
	[sflag:s7] =	ssyncadd.s32 $0xFFFFF800  }
0xdd: {  	[hbm:s28], [sflag:s19] =	dma.local [spmem:s30], $0x800  }
0xde: {  	_ =	swait.ge [sflag:s7], $0x800  }
0xdf: {  	[sflag:s7] =	ssyncset.done $0x0;
	s28 =	rddreg [dreg:$0x5]  }
0xe0: {  	s30 =	rddreg [dreg:$0xb];
	[sflag:s7] =	ssyncadd.s32 $0xFFFFF800  }
0xe1: {  	[hbm:s28], [sflag:s19] =	dma.local [spmem:s30], $0x800  }
0xe2: {  	_ =	swait.ge [sflag:s7], $0x800  }
0xe3: {  	[sflag:s7] =	ssyncset.done $0x0;
	s28 =	rddreg [dreg:$0x6]  }
0xe4: {  	s30 =	rddreg [dreg:$0xc];
	[sflag:s7] =	ssyncadd.s32 $0xFFFFF800  }
0xe5: {  	[hbm:s28], [sflag:s19] =	dma.local [spmem:s30], $0x800  }
0xe6: {  	_ =	swait.ge [sflag:s7], $0x800  }
0xe7: {  	[sflag:s7] =	ssyncset.done $0x0;
	s28 =	rddreg [dreg:$0x7]  }
0xe8: {  	s30 =	rddreg [dreg:$0xd];
	[sflag:s7] =	ssyncadd.s32 $0xFFFFF800  }
0xe9: {  	[hbm:s28], [sflag:s19] =	dma.local [spmem:s30], $0x800  }
0xea: {  	_ =	swait.ge [sflag:s7], $0x800  }
0xeb: {  	s26 =	sadd.s32 $0x1, s26;
	s30 =	rddreg [dreg:$0x9]  }
0xec: {  	p0 =	sne.s32 s26, s30  }
.Ltmp5:
0xed: {  	_ = 	snop;
	(pc) =	sbr.rel @p0 .LBB2_1-.Ltmp5, $3  }
0xee: {  	_ =	sdelay $0x1  }
0xef: {  	[sflag:s7] =	ssyncset.done $0x0  }
0xf0: {  	[sflag:s7] =	ssyncadd.s32 $0xFFFFF800  }
0xf1: {  	_ =	sfence.sel $0x180000  }
0xf2: {  	[bflag:$0x0] =	sbarrier.arrive $0xFFFF  }
0xf3: {  	_ =	strace $0x9000004D  }
0xf4: {  	s0 =	stileid.u32;
	[bflag:$0x2] =	sbarrier.arrive $0xFFFF  }
0xf5: {  	p0 =	sne.s32 s0, $0x0;
	s0 =	rddreg [dreg:$0x2]  }
0xf6: {  	s0 =	sadd.s32 @!p0 $0x100000, s0  }
0xf7: {  	[sflag:s0] =	ssyncadd.tile.s32 @!p0 $0x1;
	_ =	shalt  }
.Lfunc_end2:
_tile_overlayer_lowered:
.L_overlay_start_2:
0xf8: {  	(tag) =	ssettag $0x2  }
0xf9: {  	s0 =	rddreg [dreg:$0x0];
	s2 =	stileid.u32  }
0xfa: {  	s1 =	rddreg [dreg:$0x1];
	p0 =	sne.s32 s2, $0x0  }
0xfb: {  	s3 =	rddreg [dreg:$0x2];
	[bflag:$0x3] =	sbarrier.arrive $0xFFFF;
	s2 =	simm.s32 @!p0 $0x1C03  }
0xfc: {  	[timem:s3], [sflag:s2] =	dma.local @!p0 [hbm:s0], s1  }
0xfd: {  	s0 =	simm.s32 @!p0 $0x3  }
0xfe: {  	_ =	swait.ge @!p0 [sflag:s0], s1  }
0xff: {  	s1 =	ssub.s32 @!p0 $0x0, s1;
	[sflag:s0] =	ssyncset.done @!p0 $0x0  }
0x100: {  	[sflag:s0] =	ssyncadd.s32 @!p0 s1  }
0x101: {  	[bflag:$0x3] =	sbarrier.arrive $0xFFFF  }
0x102: {  	_ =	shalt  }

// kernel: kernel.9.cloned.1.call-start
scs
__scs_entry_jumppad:
0x0: {  	(pc) =	sbr.rel $0x88, $3  }
0x1: {  	(tag) =	ssettag $0x0;
	lr =	simm.s32 $0x1  }
0x2: {  	[smem:$0x3F94] =	sst lr;
	_ =	strace $0xD0000000  }
0x3: {  	_ = 	snop  }
0x4: {  	_ = 	snop  }
0x5: {  	_ = 	snop  }
0x6: {  	_ = 	snop  }
0x7: {  	_ = 	snop  }
__scs_overlays_trampoline_lowered:
0x8: {  	[smem:$0x3FA3] =	sst s0  }
0x9: {  	[smem:$0x3FA4] =	sst s1  }
0xa: {  	[smem:$0x3FA5] =	sst s2  }
0xb: {  	[smem:$0x3FA6] =	sst s3  }
0xc: {  	[smem:$0x3FA7] =	sst s4  }
0xd: {  	[smem:$0x3FA8] =	sst s5  }
0xe: {  	[smem:$0x3FA9] =	sst s6  }
0xf: {  	[smem:$0x3FAA] =	sst s7  }
0x10: {  	[smem:$0x3FAB] =	sst s8  }
0x11: {  	[smem:$0x3FAC] =	sst s9;
	s0 =	simm.s32 @!p0 $0x0  }
0x12: {  	s1 =	sld [smem:$0x3F92];
	s0 =	simm.s32 @p0 $0x1  }
0x13: {  	[smem:$0x3FAD] =	sst s0;
	s0 =	simm.s32 @!p1 $0x0  }
0x14: {  	s2 =	sld [smem:$0x3F91];
	s0 =	simm.s32 @p1 $0x1  }
0x15: {  	[smem:$0x3FAE] =	sst s0;
	s0 =	simm.s32 @!p2 $0x0  }
0x16: {  	s3 =	sld [smem:$0x3FDB];
	s0 =	simm.s32 @p2 $0x1  }
0x17: {  	s4 =	simm.s32 $0x1BF5;
	[smem:$0x3FB0] =	sst s0  }
0x18: {  	s0 =	sld [smem:$0x3F93];
	_ =	swait.ge [sflag:s4], $0x0  }
0x19: {  	s7 =	sld [smem:$0x3F94]  }
0x1a: {  	s8 =	sadd.s32 $0xFFFFE003, lr  }
0x1b: {  	s9 =	sadd.s32 $0xFFFFFEF7, lr;
	s5 =	simm.s32 $0xFFFFFFFF;
	p2 =	slt.u32 s8, $0xFFFFF086  }
0x1c: {  	p1 =	slt.u32 s9, $0xF7A;
	s5 =	simm.s32 @!p2 $0x0  }
0x1d: {  	s5 =	simm.s32 @p1 $0x1;
	p0 =	seq.s32 s7, s2  }
0x1e: {  	s7 =	smul.u32 @!p0 $0xF7A, s2;
	p2 =	seq.s32 @!p0 s5, $0x0  }
0x1f: {  	s9 =	smul.u32 $0xF7A, s1;
	s8 =	simm.s32 @!p0 $0x1BF5;
	p2 =	por !p2, p0  }
0x20: {  	[sflag:s8] =	ssyncset.s32 @!p0 $0xFFFFF086;
	s6 =	sadd.s32 @!p0 s3, s7;
	s7 =	simm.s32 @!p0 $0x108  }
0x21: {  	s3 =	sadd.s32 s3, s9;
	s6 =	sadd.s32 @!p0 $0x88, s6;
	s7 =	simm.s32 @p2 $0x1082  }
0x22: {  	[simem:s7], [sflag:s8] =	dma.local @!p0 [hbm:s6], $0xF7A  }
0x23: {  	s9 =	sor.u32 $0xD0000000, s2;
	s6 =	simm.s32 $0x108;
	_ =	swait.ge @!p0 [sflag:s8], $0x0  }
0x24: {  	s3 =	sadd.s32 $0x88, s3;
	s6 =	simm.s32 @!p1 $0x1082;
	[sflag:s4] =	ssyncset.s32 $0xFFFFF086  }
0x25: {  	[simem:s6], [sflag:s4] =	dma.local [hbm:s3], $0xF7A  }
0x26: {  	[smem:$0x3F94] =	sst s1;
	(tag) =	ssettag s2;
	_ =	strace s9  }
0x27: {  	s1 =	sld [smem:$0x3FA4]  }
0x28: {  	s2 =	sld [smem:$0x3FA5]  }
0x29: {  	s4 =	sld [smem:$0x3FA7]  }
0x2a: {  	p0 =	seq.s32 s5, $0x0;
	s5 =	sld [smem:$0x3FA8]  }
0x2b: {  	s6 =	sld [smem:$0x3FA9]  }
0x2c: {  	s7 =	sld [smem:$0x3FAA]  }
0x2d: {  	s3 =	simm.s32 $0x108;
	s8 =	sld [smem:$0x3FAB]  }
0x2e: {  	s3 =	simm.s32 @!p0 $0x1082;
	s9 =	sld [smem:$0x3FAC]  }
0x2f: {  	lr =	sadd.s32 s0, s3;
	s0 =	sld [smem:$0x3FA3]  }
0x30: {  	s3 =	sld [smem:$0x3FA6]  }
0x31: {  	[smem:$0x3FAF] =	sst s10  }
0x32: {  	s10 =	sld [smem:$0x3FAD];
	_ =	sdelay $0x3  }
0x33: {  	p0 =	seq.s32 s10, $0x1;
	s10 =	sld [smem:$0x3FAF];
	_ =	sdelay $0x3  }
0x34: {  	[smem:$0x3FAF] =	sst s10  }
0x35: {  	s10 =	sld [smem:$0x3FAE];
	_ =	sdelay $0x3  }
0x36: {  	p1 =	seq.s32 s10, $0x1;
	s10 =	sld [smem:$0x3FAF];
	_ =	sdelay $0x3  }
0x37: {  	[smem:$0x3FAF] =	sst s10  }
0x38: {  	s10 =	sld [smem:$0x3FB0]  }
0x39: {  	_ = 	snop;
	(pc) =	sbr.ind lr, $3  }
0x3a: {  	_ = 	snop  }
0x3b: {  	_ = 	snop  }
0x3c: {  	p2 =	seq.s32 s10, $0x1;
	s10 =	sld [smem:$0x3FAF]  }
0x3d: {  	_ =	shalt  }
0x3e: {  	_ =	shalt  }
0x3f: {  	_ =	shalt  }
0x40: {  	_ =	shalt  }
0x41: {  	_ =	shalt  }
0x42: {  	_ =	shalt  }
0x43: {  	_ =	shalt  }
0x44: {  	_ =	shalt  }
0x45: {  	_ =	shalt  }
0x46: {  	_ =	shalt  }
0x47: {  	_ =	shalt  }
0x48: {  	_ =	shalt  }
0x49: {  	_ =	shalt  }
0x4a: {  	_ =	shalt  }
0x4b: {  	_ =	shalt  }
0x4c: {  	_ =	shalt  }
0x4d: {  	_ =	shalt  }
0x4e: {  	_ =	shalt  }
0x4f: {  	_ =	shalt  }
0x50: {  	_ =	shalt  }
0x51: {  	_ =	shalt  }
0x52: {  	_ =	shalt  }
0x53: {  	_ =	shalt  }
0x54: {  	_ =	shalt  }
0x55: {  	_ =	shalt  }
0x56: {  	_ =	shalt  }
0x57: {  	_ =	shalt  }
0x58: {  	_ =	shalt  }
0x59: {  	_ =	shalt  }
0x5a: {  	_ =	shalt  }
0x5b: {  	_ =	shalt  }
0x5c: {  	_ =	shalt  }
0x5d: {  	_ =	shalt  }
0x5e: {  	_ =	shalt  }
0x5f: {  	_ =	shalt  }
0x60: {  	_ =	shalt  }
0x61: {  	_ =	shalt  }
0x62: {  	_ =	shalt  }
0x63: {  	_ =	shalt  }
0x64: {  	_ =	shalt  }
0x65: {  	_ =	shalt  }
0x66: {  	_ =	shalt  }
0x67: {  	_ =	shalt  }
0x68: {  	_ =	shalt  }
0x69: {  	_ =	shalt  }
0x6a: {  	_ =	shalt  }
0x6b: {  	_ =	shalt  }
0x6c: {  	_ =	shalt  }
0x6d: {  	_ =	shalt  }
0x6e: {  	_ =	shalt  }
0x6f: {  	_ =	shalt  }
0x70: {  	_ =	shalt  }
0x71: {  	_ =	shalt  }
0x72: {  	_ =	shalt  }
0x73: {  	_ =	shalt  }
0x74: {  	_ =	shalt  }
0x75: {  	_ =	shalt  }
0x76: {  	_ =	shalt  }
0x77: {  	_ =	shalt  }
0x78: {  	_ =	shalt  }
0x79: {  	_ =	shalt  }
0x7a: {  	_ =	shalt  }
0x7b: {  	_ =	shalt  }
0x7c: {  	_ =	shalt  }
0x7d: {  	_ =	shalt  }
0x7e: {  	_ =	shalt  }
0x7f: {  	_ =	shalt  }
0x80: {  	_ =	shalt  }
0x81: {  	_ =	shalt  }
0x82: {  	_ =	shalt  }
0x83: {  	_ =	shalt  }
0x84: {  	_ =	shalt  }
0x85: {  	_ =	shalt  }
0x86: {  	_ =	shalt  }
0x87: {  	_ =	shalt  }
.Lfunc_end0:
.L_simem_size_0:
called_computation_lowered:
.L_overlay_start_0:
0x88: {  	s2 =	sld [smem:$0x3FD9]  }
0x89: {  	s3 =	sld [smem:$0x3FFE];
	_ =	sdelay $0x1  }
0x8a: {  	s1 =	srdreg.scid  }
0x8b: {  	s0 =	sand.u32 $0x1, s1  }
0x8c: {  	s16 =	sshll.u32 s0, $0xA;
	s2 =	sadd.s32 s3, s2  }
0x8d: {  	s2 =	sadd.s32 s2, s16  }
0x8e: {  	[smem:$0x3FBB] =	sst s2  }
0x8f: {  	_ = 	snop  }
0x90: {  	(tm) =	ssettm $0x1  }
0x91: {  	s17 =	sld [smem:$0x3FFB];
	_ =	sdelay $0x3  }
0x92: {  	_ =	strace s17  }
0x93: {  	s2 =	sld [smem:$0x3FFC];
	_ =	sdelay $0x3  }
0x94: {  	_ =	strace s2  }
0x95: {  	s2 =	sld [smem:$0x3FFD];
	_ =	sdelay $0x3  }
0x96: {  	_ =	strace s2  }
0x97: {  	_ =	strace $0x8FFFFFFF  }
0x98: {  	s18 =	sld [smem:$0x3FDB];
	_ =	sdelay $0x1  }
0x99: {  	s19 =	simm.s32 $_scs_section_size  }
0x9a: {  	s4 =	simm.s32 $_size__tile_overlayer_lowered;
	s5 =	simm.s32 $_tile_overlayer_lowered  }
0x9b: {  	s22 =	simm.s32 $0x1BFF;
	s21 =	sshll.u32 s5, $0x1;
	s2 =	sadd.s32 s19, s18  }
0x9c: {  	s6 =	simm.s32 $0x0;
	s20 =	sshll.u32 s4, $0x1;
	s4 =	sadd.s32 s21, s2  }
0x9d: {  	[timem:s6], [sflag:s22] =	dma.local [hbm:s4], s20  }
0x9e: {  	_ =	swait.ge [sflag:s22], s20  }
0x9f: {  	s3 =	ssub.s32 $0x0, s20;
	[sflag:s22] =	ssyncset.done $0x0  }
0xa0: {  	[sflag:s22] =	ssyncadd.s32 s3;
	_ =	sdelay $0x1  }
0xa1: {  	s23 =	simm.s32 $0x1B8B  }
0xa2: {  	_ =	swait.ge [sflag:s23], $0x1  }
0xa3: {  	[sflag:s23] =	ssyncset.done $0x0  }
0xa4: {  	s25 =	simm.s32 $0x1B8E;
	s24 =	sld [smem:$0x3FFE];
	[sflag:s23] =	ssyncadd.s32 $0xFFFFFFFF  }
0xa5: {  	s26 =	simm.s32 $execute0_lowered;
	[smem:$0x3FD2] =	sst s25  }
0xa6: {  	s4 =	sshll.u32 s26, $0x1;
	_ =	strace $0x80000046;
	[dreg:$0x1] =	wrdreg $0xFFFFFFFF  }
0xa7: {  	s28 =	simm.s32 $_size_execute0_lowered;
	s2 =	sadd.s32 s2, s4;
	[dreg:$0x0] =	wrdreg $0x0  }
0xa8: {  	s4 =	sshll.u32 s28, $0x1;
	[dreg:$0x2] =	wrdreg s2  }
0xa9: {  	[dreg:$0x3] =	wrdreg s4  }
0xaa: {  	[dreg:$0x4] =	wrdreg $0xC0  }
0xab: {  	_ =	task [dreg:s6], $0x5FFFF  }
0xac: {  	[dreg:$0x1] =	wrdreg $0xFFFFFFFF  }
0xad: {  	[dreg:$0x0] =	wrdreg $0x60  }
0xae: {  	[dreg:$0x2] =	wrdreg s24  }
0xaf: {  	[dreg:$0x3] =	wrdreg $0xB4000  }
0xb0: {  	[dreg:$0x4] =	wrdreg $0x9  }
0xb1: {  	_ =	task.clear_ibuf [dreg:s6], $0x5FFFF;
	_ =	strace $0x90000046  }
0xb2: {  	s29 =	simm.s32 $0x9;
	_ =	strace $0x80000048  }
0xb3: {  	_ =	swait.ge [sflag:s29], $0x1  }
0xb4: {  	[sflag:s29] =	ssyncadd.s32 $0xFFFFFFFF  }
0xb5: {  	_ =	strace $0x90000048  }
0xb6: {  	_ =	sfence  }
0xb7: {  	s30 =	sld [smem:$0x0];
	_ =	sdelay $0x2  }
0xb8: {  	s31 =	sshll.u32 s1, $0xD;
	s1 =	sshrl.u32 s1, $0x2  }
0xb9: {  	s3 =	sand.u32 $0x4000, s31;
	s1 =	sadd.s32 s1, s30  }
0xba: {  	s0 =	sor.u32 s3, s0;
	s1 =	sshll.u32 s1, $0x11  }
0xbb: {  	s0 =	sor.u32 s1, s0  }
0xbc: {  	s0 =	sadd.s32 $0x8F2B, s0  }
0xbd: {  	[sflag:s0] =	ssyncadd.remote.s32 $0x1  }
0xbe: {  	_ =	sfence.sel $0xFFFF  }
0xbf: {  	[dreg:$0x0] =	wrdreg $0xFFFFFFFF;
	(pc) =	sbr.abs _section_cstart, $3  }
0xc0: {  	[dreg:$0x1] =	wrdreg $0xFFFFFFFF  }
0xc1: {  	_ =	task.clear_ibuf [dreg:s6], $0x2FFFF;
	_ =	strace $0x9FFFFFFF  }
0xc2: {  	(tm) =	ssettm $0x7FFFFFFF  }
0xc3: {  	_ =	shalt  }
tec
execute0_lowered:
.L_overlay_start_1:
0x0: {  	(tag) =	ssettag $0x1  }
0x1: {  	s0 =	rddreg [dreg:$0x0]  }
0x2: {  	s1 =	simm.s32 $0x0;
	s14 =	stileid.u32;
	s2 =	srdreg.scid  }
0x3: {  	s29 =	rddreg [dreg:$0x1];
	s2 =	sand.u32 $0x1, s2;
	s3 =	sshll.u32 s14, $0x1  }
0x4: {  	[smem:$0x7FF] =	sst s1;
	s8 =	sor.u32 s2, s3  }
0x5: {  	s5 =	sadd.s32 $0x38200, s0;
	s13 =	ssub.s32 $0x2, s2;
	s2 =	smul.u32 $0x50, s8  }
0x6: {  	s6 =	sadd.s32 $0x2E200, s0;
	s4 =	sshrl.u32 s13, $0x1;
	s11 =	smul.u32 $0x500, s8  }
0x7: {  	s7 =	sadd.s32 $0x1200, s0;
	s12 =	ssub.s32 s13, s4;
	s4 =	smul.u32 $0x28, s8  }
0x8: {  	s9 =	sadd.s32 $0x5B200, s0;
	s8 =	smul.u32 $0x280, s8;
	s13 =	sadd.s32 s5, s11  }
0x9: {  	s10 =	sadd.s32 $0x56200, s0;
	s11 =	sadd.s32 s6, s11;
	[dreg:$0x3] =	wrdreg s13  }
0xa: {  	s31 =	sadd.s32 $0x60200, s0;
	[dreg:$0x4] =	wrdreg s11;
	s17 =	sadd.s32 s7, s8  }
0xb: {  	s3 =	sadd.s32 $0x28, s2;
	s18 =	sadd.s32 s9, s8;
	[dreg:$0x7] =	wrdreg s17  }
0xc: {  	s15 =	sshll.u32 s3, $0x4;
	s19 =	sadd.s32 s10, s8;
	[dreg:$0x8] =	wrdreg s18  }
0xd: {  	s11 =	sadd.s32 $0x8, s4;
	s5 =	sadd.s32 s5, s15;
	[dreg:$0x9] =	wrdreg s19  }
0xe: {  	s16 =	sadd.s32 s6, s15;
	s20 =	sshll.u32 s11, $0x4;
	[dreg:$0x5] =	wrdreg s5  }
0xf: {  	s13 =	sadd.s32 $0x10, s4;
	[dreg:$0x6] =	wrdreg s16;
	s21 =	sadd.s32 s7, s20  }
0x10: {  	s8 =	simm.s32 $0x2;
	s22 =	sadd.s32 s9, s20;
	[dreg:$0xa] =	wrdreg s21  }
0x11: {  	s23 =	sshll.u32 s13, $0x4;
	s5 =	sadd.s32 s10, s20;
	[dreg:$0xb] =	wrdreg s22  }
0x12: {  	s18 =	sadd.s32 $0x18, s4;
	s24 =	sadd.s32 s7, s23;
	[dreg:$0xc] =	wrdreg s5  }
0x13: {  	s25 =	sadd.s32 s9, s23;
	s26 =	sshll.u32 s18, $0x4;
	[dreg:$0xd] =	wrdreg s24  }
0x14: {  	s20 =	sadd.s32 $0x20, s4;
	s6 =	sadd.s32 s10, s23;
	[dreg:$0xe] =	wrdreg s25  }
0x15: {  	[dreg:$0xf] =	wrdreg s6;
	s15 =	sadd.s32 s7, s26;
	s16 =	sshll.u32 s20, $0x4  }
0x16: {  	s17 =	sadd.s32 s9, s26;
	s5 =	sadd.s32 s10, s26;
	s21 =	smul.u32 $0x2800, s14  }
0x17: {  	s22 =	smul.u32 $0x50000, s14;
	s24 =	sadd.s32 $0x560200, s0;
	[dreg:$0x10] =	wrdreg s15  }
0x18: {  	s25 =	sshll.u32 s14, $0x6;
	s6 =	smax.u32 s12, $0x1;
	[dreg:$0x11] =	wrdreg s17  }
0x19: {  	s12 =	simm.s32 $0x3400;
	s14 =	simm.s32 $0x7400;
	[dreg:$0x12] =	wrdreg s5  }
0x1a: {  	s19 =	sadd.s32 s7, s16;
	s28 =	sadd.s32 s9, s16;
	s30 =	sadd.s32 s10, s16  }
0x1b: {  	s10 =	simm.s32 $0x80;
	s15 =	simm.s32 $0x1;
	s16 =	simm.s32 $0x2800  }
0x1c: {  	s17 =	simm.s32 $0x2C00;
	[dreg:$0x13] =	wrdreg s19;
	s5 =	sadd.s32 s21, s0  }
0x1d: {  	s23 =	sshrl.u32 s22, $0x2;
	s19 =	simm.s32 $0x3000;
	s21 =	simm.s32 $0x0  }
0x1e: {  	_ =	strace $0x80000047;
	s26 =	sadd.s32 s23, s29;
	s0 =	sadd.s32 $0x6200, s5  }
0x1f: {  	s5 =	sor.u32 $0x1C02, s25;
	s7 =	sshrl.u32 s26, $0x3;
	s26 =	simm.s32 $0x1400  }
.LBB2_1:
0x20: {  	[spmem:s7], [sflag:s5] =	dma.local [hbm:s0], $0x2800  }
0x21: {  	_ =	swait.ge [sflag:s8], $0x2800  }
0x22: {  	[sflag:s8] =	ssyncset.done $0x0  }
0x23: {  	[sflag:s8] =	ssyncadd.s32 $0xFFFFD800  }
0x24: {  	[bflag:$0x0] =	sbarrier.arrive $0xFFFF  }
0x25: {  	s9 =	rddreg [dreg:$0x3]  }
0x26: {  	[tilespmem:s1], [sflag:$0x2] =	stream.linear.gather [hbm4b:s9+s1], $0x1400, $0x38;
	[tilespmem:$0x1F400] =	vst v63  }
0x27: {  	_ =	swait.ge [sflag:s8], $0x1400  }
0x28: {  	[sflag:s8] =	ssyncset.done $0x0  }
0x29: {  	s25 =	rddreg [dreg:$0x4];
	[sflag:s8] =	ssyncadd.s32 $0xFFFFEC00  }
0x2a: {  	[tilespmem:s26], [sflag:$0x2] =	stream.linear.gather [hbm4b:s25+s1], $0x1400, $0x38;
	[tilespmem:$0x1F400] =	vst v63  }
0x2b: {  	_ =	swait.ge [sflag:s8], $0x1400  }
0x2c: {  	[sflag:s8] =	ssyncset.done $0x0  }
0x2d: {  	s22 =	simm.s32 $0x0;
	[sflag:s8] =	ssyncadd.s32 $0xFFFFEC00  }
.LBB2_2:
0x2e: {  	s9 =	sshll.u32 s22, $0x7  }
0x2f: {  	[tilespmem:s12], [sflag:$0x1] =	stream.indirect.gather [spmem:s29], $0x80, s9, s10, $0xb8;
	[tilespmem:$0x1F400] =	vst v63  }
0x30: {  	s9 =	sadd.s32 $0x1400, s9  }
0x31: {  	[tilespmem:s14], [sflag:$0x1] =	stream.indirect.gather [spmem:s29], $0x80, s9, s10, $0xb8;
	[tilespmem:$0x1F400] =	vst v63  }
0x32: {  	_ =	swait.ge [sflag:s15], $0x4000  }
0x33: {  	[sflag:s15] =	ssyncset.done $0x0  }
0x34: {  	[sflag:s15] =	ssyncadd.s32 $0xFFFFC000  }
0x35: {  	_ =	swait.ge [sflag:s15], $0x4000  }
0x36: {  	[sflag:s15] =	ssyncset.done $0x0  }
0x37: {  	s9 =	simm.s32 $0x0;
	[sflag:s15] =	ssyncadd.s32 $0xFFFFC000  }
0x38: {  	v7 =	vld [tilespmem:s9+$0x7400]  }
0x39: {  	v11 =	vld [tilespmem:s9+$0x7410]  }
0x3a: {  	v5 =	vld [tilespmem:s9+$0x7420]  }
0x3b: {  	v4 =	vld [tilespmem:s9+$0x7430]  }
0x3c: {  	v3 =	vld [tilespmem:s9+$0x7440]  }
0x3d: {  	v2 =	vld [tilespmem:s9+$0x7450]  }
0x3e: {  	v1 =	vld [tilespmem:s9+$0x7460]  }
0x3f: {  	v0 =	vld [tilespmem:s9+$0x7470]  }
0x40: {  	v12 =	vld [tilespmem:s9+$0x3400]  }
0x41: {  	v13 =	vld [tilespmem:s9+$0x3410]  }
0x42: {  	v10 =	vld [tilespmem:s9+$0x3420]  }
0x43: {  	v9 =	vld [tilespmem:s9+$0x3430]  }
0x44: {  	v8 =	vld [tilespmem:s9+$0x3440]  }
0x45: {  	v6 =	vld [tilespmem:s9+$0x3450];
	v12 =	vmul.f32 v7, v12  }
0x46: {  	s23 =	simm.s32 $0x200;
	v11 =	vmul.f32 v11, v13;
	v7 =	vld [tilespmem:s9+$0x3460]  }
.LBB2_3:
0x47: {  	s25 =	sshra.s32 s23, $0x2;
	p0 =	sne.s32 s23, $0xFE00;
	[tilespmem:s9+$0x3400] =	vst v12;
	v5 =	vmul.f32 v5, v10;
	v10 =	vld [tilespmem:s9+$0x3470]  }
0x48: {  	v12 =	vld [tilespmem:s25+$0x7400];
	[tilespmem:s9+$0x3410] =	vst v11;
	v4 =	vmul.f32 v4, v9  }
0x49: {  	v11 =	vld [tilespmem:s25+$0x7410];
	[tilespmem:s9+$0x3420] =	vst v5;
	v3 =	vmul.f32 v3, v8  }
0x4a: {  	v5 =	vld [tilespmem:s25+$0x7420];
	[tilespmem:s9+$0x3430] =	vst v4;
	v2 =	vmul.f32 v2, v6  }
0x4b: {  	v4 =	vld [tilespmem:s25+$0x7430];
	[tilespmem:s9+$0x3440] =	vst v3;
	v1 =	vmul.f32 v1, v7  }
0x4c: {  	v3 =	vld [tilespmem:s25+$0x7440];
	[tilespmem:s9+$0x3450] =	vst v2;
	v0 =	vmul.f32 v0, v10  }
0x4d: {  	v2 =	vld [tilespmem:s25+$0x7450];
	[tilespmem:s9+$0x3460] =	vst v1  }
0x4e: {  	v1 =	vld [tilespmem:s25+$0x7460];
	[tilespmem:s9+$0x3470] =	vst v0;
	s9 =	smov.u32 s25  }
0x4f: {  	v0 =	vld [tilespmem:s9+$0x7470]  }
0x50: {  	v6 =	vld [tilespmem:s9+$0x3400]  }
0x51: {  	v7 =	vld [tilespmem:s9+$0x3410]  }
.Ltmp0:
0x52: {  	v10 =	vld [tilespmem:s9+$0x3420];
	(pc) =	sbr.rel @p0 .LBB2_3-.Ltmp0, $4  }
0x53: {  	v9 =	vld [tilespmem:s9+$0x3430]  }
0x54: {  	v8 =	vld [tilespmem:s9+$0x3440]  }
0x55: {  	v12 =	vmul.f32 v12, v6;
	v6 =	vld [tilespmem:s9+$0x3450]  }
0x56: {  	s23 =	sadd.s32 $0x200, s23;
	v11 =	vmul.f32 v11, v7;
	v7 =	vld [tilespmem:s9+$0x3460]  }
0x57: {  	[tilespmem:s9+$0x3400] =	vst v12;
	v5 =	vmul.f32 v5, v10;
	v63 =	vld [tilespmem:s9+$0x3470]  }
0x58: {  	[tilespmem:s9+$0x3410] =	vst v11;
	v4 =	vmul.f32 v4, v9  }
0x59: {  	[tilespmem:s9+$0x3420] =	vst v5;
	v3 =	vmul.f32 v3, v8  }
0x5a: {  	[tilespmem:s9+$0x3430] =	vst v4;
	v2 =	vmul.f32 v2, v6  }
0x5b: {  	[tilespmem:s9+$0x3440] =	vst v3;
	v1 =	vmul.f32 v1, v7  }
0x5c: {  	s23 =	sadd.s32 s2, s22;
	s22 =	sadd.s32 $0x1, s22;
	[tilespmem:s9+$0x3450] =	vst v2;
	v0 =	vmul.f32 v0, v63  }
0x5d: {  	s23 =	sshll.u32 s23, $0xB;
	p0 =	sne.s32 s22, $0x28;
	[tilespmem:s9+$0x3460] =	vst v1  }
.Ltmp1:
0x5e: {  	s25 =	sadd.s32 s31, s23;
	[tilespmem:s9+$0x3470] =	vst v0;
	(pc) =	sbr.rel @p0 .LBB2_2-.Ltmp1, $4  }
0x5f: {  	[hbm4b:s25+s1] =	stream.linear.scatter [tilespmem:s12], [sflag:$0x2], $0x4000, $0x38;
	[tilespmem:$0x1F400] =	vst v63  }
0x60: {  	_ =	swait.ge [sflag:s8], $0x4000  }
0x61: {  	[sflag:s8] =	ssyncset.done $0x0  }
0x62: {  	[sflag:s8] =	ssyncadd.s32 $0xFFFFC000  }
0x63: {  	s22 =	simm.s32 $0x0;
	s9 =	rddreg [dreg:$0x5]  }
0x64: {  	[tilespmem:s22], [sflag:$0x2] =	stream.linear.gather [hbm4b:s9+s22], $0x1400, $0x38;
	[tilespmem:$0x1F400] =	vst v63  }
0x65: {  	_ =	swait.ge [sflag:s8], $0x1400  }
0x66: {  	[sflag:s8] =	ssyncset.done $0x0  }
0x67: {  	s25 =	rddreg [dreg:$0x6];
	[sflag:s8] =	ssyncadd.s32 $0xFFFFEC00  }
0x68: {  	[tilespmem:s26], [sflag:$0x2] =	stream.linear.gather [hbm4b:s25+s22], $0x1400, $0x38;
	[tilespmem:$0x1F400] =	vst v63  }
0x69: {  	_ =	swait.ge [sflag:s8], $0x1400  }
0x6a: {  	[sflag:s8] =	ssyncset.done $0x0  }
0x6b: {  	[sflag:s8] =	ssyncadd.s32 $0xFFFFEC00  }
.LBB2_6:
0x6c: {  	s9 =	sshll.u32 s22, $0x7  }
0x6d: {  	[tilespmem:s12], [sflag:$0x1] =	stream.indirect.gather [spmem:s29], $0x80, s9, s10, $0xb8;
	[tilespmem:$0x1F400] =	vst v63  }
0x6e: {  	s9 =	sadd.s32 $0x1400, s9  }
0x6f: {  	[tilespmem:s14], [sflag:$0x1] =	stream.indirect.gather [spmem:s29], $0x80, s9, s10, $0xb8;
	[tilespmem:$0x1F400] =	vst v63  }
0x70: {  	_ =	swait.ge [sflag:s15], $0x4000  }
0x71: {  	[sflag:s15] =	ssyncset.done $0x0  }
0x72: {  	[sflag:s15] =	ssyncadd.s32 $0xFFFFC000  }
0x73: {  	_ =	swait.ge [sflag:s15], $0x4000  }
0x74: {  	[sflag:s15] =	ssyncset.done $0x0  }
0x75: {  	s9 =	simm.s32 $0x0;
	[sflag:s15] =	ssyncadd.s32 $0xFFFFC000  }
0x76: {  	v7 =	vld [tilespmem:s9+$0x7400]  }
0x77: {  	v11 =	vld [tilespmem:s9+$0x7410]  }
0x78: {  	v5 =	vld [tilespmem:s9+$0x7420]  }
0x79: {  	v4 =	vld [tilespmem:s9+$0x7430]  }
0x7a: {  	v3 =	vld [tilespmem:s9+$0x7440]  }
0x7b: {  	v2 =	vld [tilespmem:s9+$0x7450]  }
0x7c: {  	v1 =	vld [tilespmem:s9+$0x7460]  }
0x7d: {  	v0 =	vld [tilespmem:s9+$0x7470]  }
0x7e: {  	v12 =	vld [tilespmem:s9+$0x3400]  }
0x7f: {  	v13 =	vld [tilespmem:s9+$0x3410]  }
0x80: {  	v10 =	vld [tilespmem:s9+$0x3420]  }
0x81: {  	v9 =	vld [tilespmem:s9+$0x3430]  }
0x82: {  	v8 =	vld [tilespmem:s9+$0x3440]  }
0x83: {  	v6 =	vld [tilespmem:s9+$0x3450];
	v12 =	vmul.f32 v7, v12  }
0x84: {  	s23 =	simm.s32 $0x200;
	v11 =	vmul.f32 v11, v13;
	v7 =	vld [tilespmem:s9+$0x3460]  }
.LBB2_7:
0x85: {  	s25 =	sshra.s32 s23, $0x2;
	p0 =	sne.s32 s23, $0xFE00;
	[tilespmem:s9+$0x3400] =	vst v12;
	v5 =	vmul.f32 v5, v10;
	v10 =	vld [tilespmem:s9+$0x3470]  }
0x86: {  	v12 =	vld [tilespmem:s25+$0x7400];
	[tilespmem:s9+$0x3410] =	vst v11;
	v4 =	vmul.f32 v4, v9  }
0x87: {  	v11 =	vld [tilespmem:s25+$0x7410];
	[tilespmem:s9+$0x3420] =	vst v5;
	v3 =	vmul.f32 v3, v8  }
0x88: {  	v5 =	vld [tilespmem:s25+$0x7420];
	[tilespmem:s9+$0x3430] =	vst v4;
	v2 =	vmul.f32 v2, v6  }
0x89: {  	v4 =	vld [tilespmem:s25+$0x7430];
	[tilespmem:s9+$0x3440] =	vst v3;
	v1 =	vmul.f32 v1, v7  }
0x8a: {  	v3 =	vld [tilespmem:s25+$0x7440];
	[tilespmem:s9+$0x3450] =	vst v2;
	v0 =	vmul.f32 v0, v10  }
0x8b: {  	v2 =	vld [tilespmem:s25+$0x7450];
	[tilespmem:s9+$0x3460] =	vst v1  }
0x8c: {  	v1 =	vld [tilespmem:s25+$0x7460];
	[tilespmem:s9+$0x3470] =	vst v0;
	s9 =	smov.u32 s25  }
0x8d: {  	v0 =	vld [tilespmem:s9+$0x7470]  }
0x8e: {  	v6 =	vld [tilespmem:s9+$0x3400]  }
0x8f: {  	v7 =	vld [tilespmem:s9+$0x3410]  }
.Ltmp2:
0x90: {  	v10 =	vld [tilespmem:s9+$0x3420];
	(pc) =	sbr.rel @p0 .LBB2_7-.Ltmp2, $4  }
0x91: {  	v9 =	vld [tilespmem:s9+$0x3430]  }
0x92: {  	v8 =	vld [tilespmem:s9+$0x3440]  }
0x93: {  	v12 =	vmul.f32 v12, v6;
	v6 =	vld [tilespmem:s9+$0x3450]  }
0x94: {  	s23 =	sadd.s32 $0x200, s23;
	v11 =	vmul.f32 v11, v7;
	v7 =	vld [tilespmem:s9+$0x3460]  }
0x95: {  	[tilespmem:s9+$0x3400] =	vst v12;
	v5 =	vmul.f32 v5, v10;
	v63 =	vld [tilespmem:s9+$0x3470]  }
0x96: {  	[tilespmem:s9+$0x3410] =	vst v11;
	v4 =	vmul.f32 v4, v9  }
0x97: {  	[tilespmem:s9+$0x3420] =	vst v5;
	v3 =	vmul.f32 v3, v8  }
0x98: {  	[tilespmem:s9+$0x3430] =	vst v4;
	v2 =	vmul.f32 v2, v6  }
0x99: {  	s23 =	sadd.s32 s3, s22;
	[tilespmem:s9+$0x3440] =	vst v3;
	v1 =	vmul.f32 v1, v7  }
0x9a: {  	s22 =	sadd.s32 $0x1, s22;
	s23 =	sshll.u32 s23, $0xB;
	[tilespmem:s9+$0x3450] =	vst v2;
	v0 =	vmul.f32 v0, v63  }
0x9b: {  	p0 =	sne.s32 s22, $0x28;
	s23 =	sand.u32 $0x1FFFF800, s23;
	[tilespmem:s9+$0x3460] =	vst v1  }
.Ltmp3:
0x9c: {  	s26 =	sadd.s32 s31, s23;
	[tilespmem:s9+$0x3470] =	vst v0;
	(pc) =	sbr.rel @p0 .LBB2_6-.Ltmp3, $4  }
0x9d: {  	[hbm4b:s26+s1] =	stream.linear.scatter [tilespmem:s12], [sflag:$0x2], $0x4000, $0x38;
	[tilespmem:$0x1F400] =	vst v63  }
0x9e: {  	_ =	swait.ge [sflag:s8], $0x4000  }
0x9f: {  	[sflag:s8] =	ssyncset.done $0x0  }
0xa0: {  	[sflag:s8] =	ssyncadd.s32 $0xFFFFC000  }
0xa1: {  	s22 =	simm.s32 $0x0;
	s9 =	rddreg [dreg:$0x7]  }
0xa2: {  	[tilespmem:s16], [sflag:$0x2] =	stream.linear.gather [hbm4b:s9+s22], $0x400, $0x38;
	[tilespmem:$0x1F400] =	vst v63  }
0xa3: {  	_ =	swait.ge [sflag:s8], $0x400  }
0xa4: {  	[sflag:s8] =	ssyncset.done $0x0  }
0xa5: {  	s25 =	rddreg [dreg:$0x8];
	[sflag:s8] =	ssyncadd.s32 $0xFFFFFC00  }
0xa6: {  	[tilespmem:s17], [sflag:$0x2] =	stream.linear.gather [hbm4b:s25+s22], $0x400, $0x38;
	[tilespmem:$0x1F400] =	vst v63  }
0xa7: {  	_ =	swait.ge [sflag:s8], $0x400  }
0xa8: {  	[sflag:s8] =	ssyncset.done $0x0  }
0xa9: {  	s26 =	rddreg [dreg:$0x9];
	[sflag:s8] =	ssyncadd.s32 $0xFFFFFC00  }
0xaa: {  	[tilespmem:s19], [sflag:$0x2] =	stream.linear.gather [hbm4b:s26+s22], $0x400, $0x38;
	[tilespmem:$0x1F400] =	vst v63  }
0xab: {  	_ =	swait.ge [sflag:s8], $0x400  }
0xac: {  	[sflag:s8] =	ssyncset.done $0x0  }
0xad: {  	[sflag:s8] =	ssyncadd.s32 $0xFFFFFC00  }
.LBB2_10:
0xae: {  	s9 =	sshll.u32 s22, $0x7  }
0xaf: {  	s23 =	sadd.s32 $0x2800, s9  }
0xb0: {  	[tilespmem:s12], [sflag:$0x1] =	stream.indirect.gather [spmem:s29], $0x80, s23, s10, $0xb8;
	[tilespmem:$0x1F400] =	vst v63  }
0xb1: {  	s26 =	sadd.s32 $0x2C00, s9  }
0xb2: {  	[tilespmem:s14], [sflag:$0x1] =	stream.indirect.gather [spmem:s29], $0x80, s26, s10, $0xb8;
	[tilespmem:$0x1F400] =	vst v63  }
0xb3: {  	_ =	swait.ge [sflag:s15], $0x4000  }
0xb4: {  	[sflag:s15] =	ssyncset.done $0x0  }
0xb5: {  	[sflag:s15] =	ssyncadd.s32 $0xFFFFC000  }
0xb6: {  	_ =	swait.ge [sflag:s15], $0x4000  }
0xb7: {  	[sflag:s15] =	ssyncset.done $0x0  }
0xb8: {  	s23 =	simm.s32 $0x0;
	[sflag:s15] =	ssyncadd.s32 $0xFFFFC000  }
0xb9: {  	v7 =	vld [tilespmem:s23+$0x7400]  }
0xba: {  	v11 =	vld [tilespmem:s23+$0x7410]  }
0xbb: {  	v5 =	vld [tilespmem:s23+$0x7420]  }
0xbc: {  	v4 =	vld [tilespmem:s23+$0x7430]  }
0xbd: {  	v3 =	vld [tilespmem:s23+$0x7440]  }
0xbe: {  	v2 =	vld [tilespmem:s23+$0x7450]  }
0xbf: {  	v1 =	vld [tilespmem:s23+$0x7460]  }
0xc0: {  	v0 =	vld [tilespmem:s23+$0x7470]  }
0xc1: {  	v12 =	vld [tilespmem:s23+$0x3400]  }
0xc2: {  	v13 =	vld [tilespmem:s23+$0x3410]  }
0xc3: {  	v10 =	vld [tilespmem:s23+$0x3420]  }
0xc4: {  	v9 =	vld [tilespmem:s23+$0x3430]  }
0xc5: {  	v8 =	vld [tilespmem:s23+$0x3440]  }
0xc6: {  	v6 =	vld [tilespmem:s23+$0x3450];
	v12 =	vmul.f32 v7, v12  }
0xc7: {  	s25 =	simm.s32 $0x200;
	v11 =	vmul.f32 v11, v13;
	v7 =	vld [tilespmem:s23+$0x3460]  }
.LBB2_11:
0xc8: {  	s26 =	sshra.s32 s25, $0x2;
	p0 =	sne.s32 s25, $0xFE00;
	[tilespmem:s23+$0x3400] =	vst v12;
	v5 =	vmul.f32 v5, v10;
	v10 =	vld [tilespmem:s23+$0x3470]  }
0xc9: {  	v12 =	vld [tilespmem:s26+$0x7400];
	[tilespmem:s23+$0x3410] =	vst v11;
	v4 =	vmul.f32 v4, v9  }
0xca: {  	v11 =	vld [tilespmem:s26+$0x7410];
	[tilespmem:s23+$0x3420] =	vst v5;
	v3 =	vmul.f32 v3, v8  }
0xcb: {  	v5 =	vld [tilespmem:s26+$0x7420];
	[tilespmem:s23+$0x3430] =	vst v4;
	v2 =	vmul.f32 v2, v6  }
0xcc: {  	v4 =	vld [tilespmem:s26+$0x7430];
	[tilespmem:s23+$0x3440] =	vst v3;
	v1 =	vmul.f32 v1, v7  }
0xcd: {  	v3 =	vld [tilespmem:s26+$0x7440];
	[tilespmem:s23+$0x3450] =	vst v2;
	v0 =	vmul.f32 v0, v10  }
0xce: {  	v2 =	vld [tilespmem:s26+$0x7450];
	[tilespmem:s23+$0x3460] =	vst v1  }
0xcf: {  	v1 =	vld [tilespmem:s26+$0x7460];
	[tilespmem:s23+$0x3470] =	vst v0;
	s23 =	smov.u32 s26  }
0xd0: {  	v0 =	vld [tilespmem:s23+$0x7470]  }
0xd1: {  	v6 =	vld [tilespmem:s23+$0x3400]  }
0xd2: {  	v7 =	vld [tilespmem:s23+$0x3410]  }
.Ltmp4:
0xd3: {  	v10 =	vld [tilespmem:s23+$0x3420];
	(pc) =	sbr.rel @p0 .LBB2_11-.Ltmp4, $4  }
0xd4: {  	v9 =	vld [tilespmem:s23+$0x3430]  }
0xd5: {  	v8 =	vld [tilespmem:s23+$0x3440]  }
0xd6: {  	v12 =	vmul.f32 v12, v6;
	v6 =	vld [tilespmem:s23+$0x3450]  }
0xd7: {  	s25 =	sadd.s32 $0x200, s25;
	v11 =	vmul.f32 v11, v7;
	v7 =	vld [tilespmem:s23+$0x3460]  }
0xd8: {  	[tilespmem:s23+$0x3400] =	vst v12;
	v5 =	vmul.f32 v5, v10;
	v10 =	vld [tilespmem:s23+$0x3470]  }
0xd9: {  	[tilespmem:s23+$0x3410] =	vst v11;
	v4 =	vmul.f32 v4, v9  }
0xda: {  	[tilespmem:s23+$0x3420] =	vst v5;
	v3 =	vmul.f32 v3, v8  }
0xdb: {  	[tilespmem:s23+$0x3430] =	vst v4;
	v2 =	vmul.f32 v2, v6  }
0xdc: {  	[tilespmem:s23+$0x3440] =	vst v3;
	v1 =	vmul.f32 v1, v7  }
0xdd: {  	[tilespmem:s23+$0x3450] =	vst v2;
	v0 =	vmul.f32 v0, v10  }
0xde: {  	[tilespmem:s23+$0x3460] =	vst v1  }
0xdf: {  	s9 =	sadd.s32 $0x3000, s9;
	[tilespmem:s23+$0x3470] =	vst v0  }
0xe0: {  	[tilespmem:s14], [sflag:$0x1] =	stream.indirect.gather [spmem:s29], $0x80, s9, s10, $0xb8;
	[tilespmem:$0x1F400] =	vst v63  }
0xe1: {  	_ =	swait.ge [sflag:s15], $0x4000  }
0xe2: {  	[sflag:s15] =	ssyncset.done $0x0  }
0xe3: {  	s9 =	simm.s32 $0x0;
	[sflag:s15] =	ssyncadd.s32 $0xFFFFC000  }
0xe4: {  	v7 =	vld [tilespmem:s9+$0x7400]  }
0xe5: {  	v11 =	vld [tilespmem:s9+$0x7410]  }
0xe6: {  	v5 =	vld [tilespmem:s9+$0x7420]  }
0xe7: {  	v4 =	vld [tilespmem:s9+$0x7430]  }
0xe8: {  	v3 =	vld [tilespmem:s9+$0x7440]  }
0xe9: {  	v2 =	vld [tilespmem:s9+$0x7450]  }
0xea: {  	v1 =	vld [tilespmem:s9+$0x7460]  }
0xeb: {  	v0 =	vld [tilespmem:s9+$0x7470]  }
0xec: {  	v12 =	vld [tilespmem:s9+$0x3400]  }
0xed: {  	v13 =	vld [tilespmem:s9+$0x3410]  }
0xee: {  	v10 =	vld [tilespmem:s9+$0x3420]  }
0xef: {  	v9 =	vld [tilespmem:s9+$0x3430]  }
0xf0: {  	v8 =	vld [tilespmem:s9+$0x3440]  }
0xf1: {  	v6 =	vld [tilespmem:s9+$0x3450];
	v12 =	vmul.f32 v7, v12  }
0xf2: {  	s23 =	simm.s32 $0x200;
	v11 =	vmul.f32 v11, v13;
	v7 =	vld [tilespmem:s9+$0x3460]  }
.LBB2_13:
0xf3: {  	s25 =	sshra.s32 s23, $0x2;
	p0 =	sne.s32 s23, $0xFE00;
	[tilespmem:s9+$0x3400] =	vst v12;
	v5 =	vmul.f32 v5, v10;
	v10 =	vld [tilespmem:s9+$0x3470]  }
0xf4: {  	v12 =	vld [tilespmem:s25+$0x7400];
	[tilespmem:s9+$0x3410] =	vst v11;
	v4 =	vmul.f32 v4, v9  }
0xf5: {  	v11 =	vld [tilespmem:s25+$0x7410];
	[tilespmem:s9+$0x3420] =	vst v5;
	v3 =	vmul.f32 v3, v8  }
0xf6: {  	v5 =	vld [tilespmem:s25+$0x7420];
	[tilespmem:s9+$0x3430] =	vst v4;
	v2 =	vmul.f32 v2, v6  }
0xf7: {  	v4 =	vld [tilespmem:s25+$0x7430];
	[tilespmem:s9+$0x3440] =	vst v3;
	v1 =	vmul.f32 v1, v7  }
0xf8: {  	v3 =	vld [tilespmem:s25+$0x7440];
	[tilespmem:s9+$0x3450] =	vst v2;
	v0 =	vmul.f32 v0, v10  }
0xf9: {  	v2 =	vld [tilespmem:s25+$0x7450];
	[tilespmem:s9+$0x3460] =	vst v1  }
0xfa: {  	v1 =	vld [tilespmem:s25+$0x7460];
	[tilespmem:s9+$0x3470] =	vst v0;
	s9 =	smov.u32 s25  }
0xfb: {  	v0 =	vld [tilespmem:s9+$0x7470]  }
0xfc: {  	v6 =	vld [tilespmem:s9+$0x3400]  }
0xfd: {  	v7 =	vld [tilespmem:s9+$0x3410]  }
.Ltmp5:
0xfe: {  	v10 =	vld [tilespmem:s9+$0x3420];
	(pc) =	sbr.rel @p0 .LBB2_13-.Ltmp5, $4  }
0xff: {  	v9 =	vld [tilespmem:s9+$0x3430]  }
0x100: {  	v8 =	vld [tilespmem:s9+$0x3440]  }
0x101: {  	v12 =	vmul.f32 v12, v6;
	v6 =	vld [tilespmem:s9+$0x3450]  }
0x102: {  	s23 =	sadd.s32 $0x200, s23;
	v11 =	vmul.f32 v11, v7;
	v7 =	vld [tilespmem:s9+$0x3460]  }
0x103: {  	[tilespmem:s9+$0x3400] =	vst v12;
	v5 =	vmul.f32 v5, v10;
	v63 =	vld [tilespmem:s9+$0x3470]  }
0x104: {  	[tilespmem:s9+$0x3410] =	vst v11;
	v4 =	vmul.f32 v4, v9  }
0x105: {  	[tilespmem:s9+$0x3420] =	vst v5;
	v3 =	vmul.f32 v3, v8  }
0x106: {  	[tilespmem:s9+$0x3430] =	vst v4;
	v2 =	vmul.f32 v2, v6  }
0x107: {  	[tilespmem:s9+$0x3440] =	vst v3;
	v1 =	vmul.f32 v1, v7  }
0x108: {  	s23 =	sadd.s32 s4, s22;
	s22 =	sadd.s32 $0x1, s22;
	[tilespmem:s9+$0x3450] =	vst v2;
	v0 =	vmul.f32 v0, v63  }
0x109: {  	s23 =	sshll.u32 s23, $0xB;
	p0 =	sne.s32 s22, $0x8;
	[tilespmem:s9+$0x3460] =	vst v1  }
.Ltmp6:
0x10a: {  	s26 =	sadd.s32 s24, s23;
	[tilespmem:s9+$0x3470] =	vst v0;
	(pc) =	sbr.rel @p0 .LBB2_10-.Ltmp6, $4  }
0x10b: {  	[hbm4b:s26+s1] =	stream.linear.scatter [tilespmem:s12], [sflag:$0x2], $0x4000, $0x38;
	[tilespmem:$0x1F400] =	vst v63  }
0x10c: {  	_ =	swait.ge [sflag:s8], $0x4000  }
0x10d: {  	[sflag:s8] =	ssyncset.done $0x0  }
0x10e: {  	[sflag:s8] =	ssyncadd.s32 $0xFFFFC000  }
0x10f: {  	s22 =	simm.s32 $0x0;
	s9 =	rddreg [dreg:$0xa]  }
0x110: {  	[tilespmem:s16], [sflag:$0x2] =	stream.linear.gather [hbm4b:s9+s22], $0x400, $0x38;
	[tilespmem:$0x1F400] =	vst v63  }
0x111: {  	_ =	swait.ge [sflag:s8], $0x400  }
0x112: {  	[sflag:s8] =	ssyncset.done $0x0  }
0x113: {  	s25 =	rddreg [dreg:$0xb];
	[sflag:s8] =	ssyncadd.s32 $0xFFFFFC00  }
0x114: {  	[tilespmem:s17], [sflag:$0x2] =	stream.linear.gather [hbm4b:s25+s22], $0x400, $0x38;
	[tilespmem:$0x1F400] =	vst v63  }
0x115: {  	_ =	swait.ge [sflag:s8], $0x400  }
0x116: {  	[sflag:s8] =	ssyncset.done $0x0  }
0x117: {  	s26 =	rddreg [dreg:$0xc];
	[sflag:s8] =	ssyncadd.s32 $0xFFFFFC00  }
0x118: {  	[tilespmem:s19], [sflag:$0x2] =	stream.linear.gather [hbm4b:s26+s22], $0x400, $0x38;
	[tilespmem:$0x1F400] =	vst v63  }
0x119: {  	_ =	swait.ge [sflag:s8], $0x400  }
0x11a: {  	[sflag:s8] =	ssyncset.done $0x0  }
0x11b: {  	[sflag:s8] =	ssyncadd.s32 $0xFFFFFC00  }
.LBB2_16:
0x11c: {  	s9 =	sshll.u32 s22, $0x7  }
0x11d: {  	s23 =	sadd.s32 $0x2800, s9  }
0x11e: {  	[tilespmem:s12], [sflag:$0x1] =	stream.indirect.gather [spmem:s29], $0x80, s23, s10, $0xb8;
	[tilespmem:$0x1F400] =	vst v63  }
0x11f: {  	s26 =	sadd.s32 $0x2C00, s9  }
0x120: {  	[tilespmem:s14], [sflag:$0x1] =	stream.indirect.gather [spmem:s29], $0x80, s26, s10, $0xb8;
	[tilespmem:$0x1F400] =	vst v63  }
0x121: {  	_ =	swait.ge [sflag:s15], $0x4000  }
0x122: {  	[sflag:s15] =	ssyncset.done $0x0  }
0x123: {  	[sflag:s15] =	ssyncadd.s32 $0xFFFFC000  }
0x124: {  	_ =	swait.ge [sflag:s15], $0x4000  }
0x125: {  	[sflag:s15] =	ssyncset.done $0x0  }
0x126: {  	s23 =	simm.s32 $0x0;
	[sflag:s15] =	ssyncadd.s32 $0xFFFFC000  }
0x127: {  	v7 =	vld [tilespmem:s23+$0x7400]  }
0x128: {  	v11 =	vld [tilespmem:s23+$0x7410]  }
0x129: {  	v5 =	vld [tilespmem:s23+$0x7420]  }
0x12a: {  	v4 =	vld [tilespmem:s23+$0x7430]  }
0x12b: {  	v3 =	vld [tilespmem:s23+$0x7440]  }
0x12c: {  	v2 =	vld [tilespmem:s23+$0x7450]  }
0x12d: {  	v1 =	vld [tilespmem:s23+$0x7460]  }
0x12e: {  	v0 =	vld [tilespmem:s23+$0x7470]  }
0x12f: {  	v12 =	vld [tilespmem:s23+$0x3400]  }
0x130: {  	v13 =	vld [tilespmem:s23+$0x3410]  }
0x131: {  	v10 =	vld [tilespmem:s23+$0x3420]  }
0x132: {  	v9 =	vld [tilespmem:s23+$0x3430]  }
0x133: {  	v8 =	vld [tilespmem:s23+$0x3440]  }
0x134: {  	v6 =	vld [tilespmem:s23+$0x3450];
	v12 =	vmul.f32 v7, v12  }
0x135: {  	s25 =	simm.s32 $0x200;
	v11 =	vmul.f32 v11, v13;
	v7 =	vld [tilespmem:s23+$0x3460]  }
.LBB2_17:
0x136: {  	s26 =	sshra.s32 s25, $0x2;
	p0 =	sne.s32 s25, $0xFE00;
	[tilespmem:s23+$0x3400] =	vst v12;
	v5 =	vmul.f32 v5, v10;
	v10 =	vld [tilespmem:s23+$0x3470]  }
0x137: {  	v12 =	vld [tilespmem:s26+$0x7400];
	[tilespmem:s23+$0x3410] =	vst v11;
	v4 =	vmul.f32 v4, v9  }
0x138: {  	v11 =	vld [tilespmem:s26+$0x7410];
	[tilespmem:s23+$0x3420] =	vst v5;
	v3 =	vmul.f32 v3, v8  }
0x139: {  	v5 =	vld [tilespmem:s26+$0x7420];
	[tilespmem:s23+$0x3430] =	vst v4;
	v2 =	vmul.f32 v2, v6  }
0x13a: {  	v4 =	vld [tilespmem:s26+$0x7430];
	[tilespmem:s23+$0x3440] =	vst v3;
	v1 =	vmul.f32 v1, v7  }
0x13b: {  	v3 =	vld [tilespmem:s26+$0x7440];
	[tilespmem:s23+$0x3450] =	vst v2;
	v0 =	vmul.f32 v0, v10  }
0x13c: {  	v2 =	vld [tilespmem:s26+$0x7450];
	[tilespmem:s23+$0x3460] =	vst v1  }
0x13d: {  	v1 =	vld [tilespmem:s26+$0x7460];
	[tilespmem:s23+$0x3470] =	vst v0;
	s23 =	smov.u32 s26  }
0x13e: {  	v0 =	vld [tilespmem:s23+$0x7470]  }
0x13f: {  	v6 =	vld [tilespmem:s23+$0x3400]  }
0x140: {  	v7 =	vld [tilespmem:s23+$0x3410]  }
.Ltmp7:
0x141: {  	v10 =	vld [tilespmem:s23+$0x3420];
	(pc) =	sbr.rel @p0 .LBB2_17-.Ltmp7, $4  }
0x142: {  	v9 =	vld [tilespmem:s23+$0x3430]  }
0x143: {  	v8 =	vld [tilespmem:s23+$0x3440]  }
0x144: {  	v12 =	vmul.f32 v12, v6;
	v6 =	vld [tilespmem:s23+$0x3450]  }
0x145: {  	s25 =	sadd.s32 $0x200, s25;
	v11 =	vmul.f32 v11, v7;
	v7 =	vld [tilespmem:s23+$0x3460]  }
0x146: {  	[tilespmem:s23+$0x3400] =	vst v12;
	v5 =	vmul.f32 v5, v10;
	v10 =	vld [tilespmem:s23+$0x3470]  }
0x147: {  	[tilespmem:s23+$0x3410] =	vst v11;
	v4 =	vmul.f32 v4, v9  }
0x148: {  	[tilespmem:s23+$0x3420] =	vst v5;
	v3 =	vmul.f32 v3, v8  }
0x149: {  	[tilespmem:s23+$0x3430] =	vst v4;
	v2 =	vmul.f32 v2, v6  }
0x14a: {  	[tilespmem:s23+$0x3440] =	vst v3;
	v1 =	vmul.f32 v1, v7  }
0x14b: {  	[tilespmem:s23+$0x3450] =	vst v2;
	v0 =	vmul.f32 v0, v10  }
0x14c: {  	[tilespmem:s23+$0x3460] =	vst v1  }
0x14d: {  	s9 =	sadd.s32 $0x3000, s9;
	[tilespmem:s23+$0x3470] =	vst v0  }
0x14e: {  	[tilespmem:s14], [sflag:$0x1] =	stream.indirect.gather [spmem:s29], $0x80, s9, s10, $0xb8;
	[tilespmem:$0x1F400] =	vst v63  }
0x14f: {  	_ =	swait.ge [sflag:s15], $0x4000  }
0x150: {  	[sflag:s15] =	ssyncset.done $0x0  }
0x151: {  	s9 =	simm.s32 $0x0;
	[sflag:s15] =	ssyncadd.s32 $0xFFFFC000  }
0x152: {  	v7 =	vld [tilespmem:s9+$0x7400]  }
0x153: {  	v11 =	vld [tilespmem:s9+$0x7410]  }
0x154: {  	v5 =	vld [tilespmem:s9+$0x7420]  }
0x155: {  	v4 =	vld [tilespmem:s9+$0x7430]  }
0x156: {  	v3 =	vld [tilespmem:s9+$0x7440]  }
0x157: {  	v2 =	vld [tilespmem:s9+$0x7450]  }
0x158: {  	v1 =	vld [tilespmem:s9+$0x7460]  }
0x159: {  	v0 =	vld [tilespmem:s9+$0x7470]  }
0x15a: {  	v12 =	vld [tilespmem:s9+$0x3400]  }
0x15b: {  	v13 =	vld [tilespmem:s9+$0x3410]  }
0x15c: {  	v10 =	vld [tilespmem:s9+$0x3420]  }
0x15d: {  	v9 =	vld [tilespmem:s9+$0x3430]  }
0x15e: {  	v8 =	vld [tilespmem:s9+$0x3440]  }
0x15f: {  	v6 =	vld [tilespmem:s9+$0x3450];
	v12 =	vmul.f32 v7, v12  }
0x160: {  	s23 =	simm.s32 $0x200;
	v11 =	vmul.f32 v11, v13;
	v7 =	vld [tilespmem:s9+$0x3460]  }
.LBB2_19:
0x161: {  	s25 =	sshra.s32 s23, $0x2;
	p0 =	sne.s32 s23, $0xFE00;
	[tilespmem:s9+$0x3400] =	vst v12;
	v5 =	vmul.f32 v5, v10;
	v10 =	vld [tilespmem:s9+$0x3470]  }
0x162: {  	v12 =	vld [tilespmem:s25+$0x7400];
	[tilespmem:s9+$0x3410] =	vst v11;
	v4 =	vmul.f32 v4, v9  }
0x163: {  	v11 =	vld [tilespmem:s25+$0x7410];
	[tilespmem:s9+$0x3420] =	vst v5;
	v3 =	vmul.f32 v3, v8  }
0x164: {  	v5 =	vld [tilespmem:s25+$0x7420];
	[tilespmem:s9+$0x3430] =	vst v4;
	v2 =	vmul.f32 v2, v6  }
0x165: {  	v4 =	vld [tilespmem:s25+$0x7430];
	[tilespmem:s9+$0x3440] =	vst v3;
	v1 =	vmul.f32 v1, v7  }
0x166: {  	v3 =	vld [tilespmem:s25+$0x7440];
	[tilespmem:s9+$0x3450] =	vst v2;
	v0 =	vmul.f32 v0, v10  }
0x167: {  	v2 =	vld [tilespmem:s25+$0x7450];
	[tilespmem:s9+$0x3460] =	vst v1  }
0x168: {  	v1 =	vld [tilespmem:s25+$0x7460];
	[tilespmem:s9+$0x3470] =	vst v0;
	s9 =	smov.u32 s25  }
0x169: {  	v0 =	vld [tilespmem:s9+$0x7470]  }
0x16a: {  	v6 =	vld [tilespmem:s9+$0x3400]  }
0x16b: {  	v7 =	vld [tilespmem:s9+$0x3410]  }
.Ltmp8:
0x16c: {  	v10 =	vld [tilespmem:s9+$0x3420];
	(pc) =	sbr.rel @p0 .LBB2_19-.Ltmp8, $4  }
0x16d: {  	v9 =	vld [tilespmem:s9+$0x3430]  }
0x16e: {  	v8 =	vld [tilespmem:s9+$0x3440]  }
0x16f: {  	v12 =	vmul.f32 v12, v6;
	v6 =	vld [tilespmem:s9+$0x3450]  }
0x170: {  	s23 =	sadd.s32 $0x200, s23;
	v11 =	vmul.f32 v11, v7;
	v7 =	vld [tilespmem:s9+$0x3460]  }
0x171: {  	[tilespmem:s9+$0x3400] =	vst v12;
	v5 =	vmul.f32 v5, v10;
	v63 =	vld [tilespmem:s9+$0x3470]  }
0x172: {  	[tilespmem:s9+$0x3410] =	vst v11;
	v4 =	vmul.f32 v4, v9  }
0x173: {  	[tilespmem:s9+$0x3420] =	vst v5;
	v3 =	vmul.f32 v3, v8  }
0x174: {  	[tilespmem:s9+$0x3430] =	vst v4;
	v2 =	vmul.f32 v2, v6  }
0x175: {  	s23 =	sadd.s32 s11, s22;
	[tilespmem:s9+$0x3440] =	vst v3;
	v1 =	vmul.f32 v1, v7  }
0x176: {  	s22 =	sadd.s32 $0x1, s22;
	s23 =	sshll.u32 s23, $0xB;
	[tilespmem:s9+$0x3450] =	vst v2;
	v0 =	vmul.f32 v0, v63  }
0x177: {  	p0 =	sne.s32 s22, $0x8;
	s23 =	sand.u32 $0x1FFFF800, s23;
	[tilespmem:s9+$0x3460] =	vst v1  }
.Ltmp9:
0x178: {  	s26 =	sadd.s32 s24, s23;
	[tilespmem:s9+$0x3470] =	vst v0;
	(pc) =	sbr.rel @p0 .LBB2_16-.Ltmp9, $4  }
0x179: {  	[hbm4b:s26+s1] =	stream.linear.scatter [tilespmem:s12], [sflag:$0x2], $0x4000, $0x38;
	[tilespmem:$0x1F400] =	vst v63  }
0x17a: {  	_ =	swait.ge [sflag:s8], $0x4000  }
0x17b: {  	[sflag:s8] =	ssyncset.done $0x0  }
0x17c: {  	[sflag:s8] =	ssyncadd.s32 $0xFFFFC000  }
0x17d: {  	s22 =	simm.s32 $0x0;
	s9 =	rddreg [dreg:$0xd]  }
0x17e: {  	[tilespmem:s16], [sflag:$0x2] =	stream.linear.gather [hbm4b:s9+s22], $0x400, $0x38;
	[tilespmem:$0x1F400] =	vst v63  }
0x17f: {  	_ =	swait.ge [sflag:s8], $0x400  }
0x180: {  	[sflag:s8] =	ssyncset.done $0x0  }
0x181: {  	s25 =	rddreg [dreg:$0xe];
	[sflag:s8] =	ssyncadd.s32 $0xFFFFFC00  }
0x182: {  	[tilespmem:s17], [sflag:$0x2] =	stream.linear.gather [hbm4b:s25+s22], $0x400, $0x38;
	[tilespmem:$0x1F400] =	vst v63  }
0x183: {  	_ =	swait.ge [sflag:s8], $0x400  }
0x184: {  	[sflag:s8] =	ssyncset.done $0x0  }
0x185: {  	s26 =	rddreg [dreg:$0xf];
	[sflag:s8] =	ssyncadd.s32 $0xFFFFFC00  }
0x186: {  	[tilespmem:s19], [sflag:$0x2] =	stream.linear.gather [hbm4b:s26+s22], $0x400, $0x38;
	[tilespmem:$0x1F400] =	vst v63  }
0x187: {  	_ =	swait.ge [sflag:s8], $0x400  }
0x188: {  	[sflag:s8] =	ssyncset.done $0x0  }
0x189: {  	[sflag:s8] =	ssyncadd.s32 $0xFFFFFC00  }
.LBB2_22:
0x18a: {  	s9 =	sshll.u32 s22, $0x7  }
0x18b: {  	s23 =	sadd.s32 $0x2800, s9  }
0x18c: {  	[tilespmem:s12], [sflag:$0x1] =	stream.indirect.gather [spmem:s29], $0x80, s23, s10, $0xb8;
	[tilespmem:$0x1F400] =	vst v63  }
0x18d: {  	s26 =	sadd.s32 $0x2C00, s9  }
0x18e: {  	[tilespmem:s14], [sflag:$0x1] =	stream.indirect.gather [spmem:s29], $0x80, s26, s10, $0xb8;
	[tilespmem:$0x1F400] =	vst v63  }
0x18f: {  	_ =	swait.ge [sflag:s15], $0x4000  }
0x190: {  	[sflag:s15] =	ssyncset.done $0x0  }
0x191: {  	[sflag:s15] =	ssyncadd.s32 $0xFFFFC000  }
0x192: {  	_ =	swait.ge [sflag:s15], $0x4000  }
0x193: {  	[sflag:s15] =	ssyncset.done $0x0  }
0x194: {  	s23 =	simm.s32 $0x0;
	[sflag:s15] =	ssyncadd.s32 $0xFFFFC000  }
0x195: {  	v7 =	vld [tilespmem:s23+$0x7400]  }
0x196: {  	v11 =	vld [tilespmem:s23+$0x7410]  }
0x197: {  	v5 =	vld [tilespmem:s23+$0x7420]  }
0x198: {  	v4 =	vld [tilespmem:s23+$0x7430]  }
0x199: {  	v3 =	vld [tilespmem:s23+$0x7440]  }
0x19a: {  	v2 =	vld [tilespmem:s23+$0x7450]  }
0x19b: {  	v1 =	vld [tilespmem:s23+$0x7460]  }
0x19c: {  	v0 =	vld [tilespmem:s23+$0x7470]  }
0x19d: {  	v12 =	vld [tilespmem:s23+$0x3400]  }
0x19e: {  	v13 =	vld [tilespmem:s23+$0x3410]  }
0x19f: {  	v10 =	vld [tilespmem:s23+$0x3420]  }
0x1a0: {  	v9 =	vld [tilespmem:s23+$0x3430]  }
0x1a1: {  	v8 =	vld [tilespmem:s23+$0x3440]  }
0x1a2: {  	v6 =	vld [tilespmem:s23+$0x3450];
	v12 =	vmul.f32 v7, v12  }
0x1a3: {  	s25 =	simm.s32 $0x200;
	v11 =	vmul.f32 v11, v13;
	v7 =	vld [tilespmem:s23+$0x3460]  }
.LBB2_23:
0x1a4: {  	s26 =	sshra.s32 s25, $0x2;
	p0 =	sne.s32 s25, $0xFE00;
	[tilespmem:s23+$0x3400] =	vst v12;
	v5 =	vmul.f32 v5, v10;
	v10 =	vld [tilespmem:s23+$0x3470]  }
0x1a5: {  	v12 =	vld [tilespmem:s26+$0x7400];
	[tilespmem:s23+$0x3410] =	vst v11;
	v4 =	vmul.f32 v4, v9  }
0x1a6: {  	v11 =	vld [tilespmem:s26+$0x7410];
	[tilespmem:s23+$0x3420] =	vst v5;
	v3 =	vmul.f32 v3, v8  }
0x1a7: {  	v5 =	vld [tilespmem:s26+$0x7420];
	[tilespmem:s23+$0x3430] =	vst v4;
	v2 =	vmul.f32 v2, v6  }
0x1a8: {  	v4 =	vld [tilespmem:s26+$0x7430];
	[tilespmem:s23+$0x3440] =	vst v3;
	v1 =	vmul.f32 v1, v7  }
0x1a9: {  	v3 =	vld [tilespmem:s26+$0x7440];
	[tilespmem:s23+$0x3450] =	vst v2;
	v0 =	vmul.f32 v0, v10  }
0x1aa: {  	v2 =	vld [tilespmem:s26+$0x7450];
	[tilespmem:s23+$0x3460] =	vst v1  }
0x1ab: {  	v1 =	vld [tilespmem:s26+$0x7460];
	[tilespmem:s23+$0x3470] =	vst v0;
	s23 =	smov.u32 s26  }
0x1ac: {  	v0 =	vld [tilespmem:s23+$0x7470]  }
0x1ad: {  	v6 =	vld [tilespmem:s23+$0x3400]  }
0x1ae: {  	v7 =	vld [tilespmem:s23+$0x3410]  }
.Ltmp10:
0x1af: {  	v10 =	vld [tilespmem:s23+$0x3420];
	(pc) =	sbr.rel @p0 .LBB2_23-.Ltmp10, $4  }
0x1b0: {  	v9 =	vld [tilespmem:s23+$0x3430]  }
0x1b1: {  	v8 =	vld [tilespmem:s23+$0x3440]  }
0x1b2: {  	v12 =	vmul.f32 v12, v6;
	v6 =	vld [tilespmem:s23+$0x3450]  }
0x1b3: {  	s25 =	sadd.s32 $0x200, s25;
	v11 =	vmul.f32 v11, v7;
	v7 =	vld [tilespmem:s23+$0x3460]  }
0x1b4: {  	[tilespmem:s23+$0x3400] =	vst v12;
	v5 =	vmul.f32 v5, v10;
	v10 =	vld [tilespmem:s23+$0x3470]  }
0x1b5: {  	[tilespmem:s23+$0x3410] =	vst v11;
	v4 =	vmul.f32 v4, v9  }
0x1b6: {  	[tilespmem:s23+$0x3420] =	vst v5;
	v3 =	vmul.f32 v3, v8  }
0x1b7: {  	[tilespmem:s23+$0x3430] =	vst v4;
	v2 =	vmul.f32 v2, v6  }
0x1b8: {  	[tilespmem:s23+$0x3440] =	vst v3;
	v1 =	vmul.f32 v1, v7  }
0x1b9: {  	[tilespmem:s23+$0x3450] =	vst v2;
	v0 =	vmul.f32 v0, v10  }
0x1ba: {  	[tilespmem:s23+$0x3460] =	vst v1  }
0x1bb: {  	s9 =	sadd.s32 $0x3000, s9;
	[tilespmem:s23+$0x3470] =	vst v0  }
0x1bc: {  	[tilespmem:s14], [sflag:$0x1] =	stream.indirect.gather [spmem:s29], $0x80, s9, s10, $0xb8;
	[tilespmem:$0x1F400] =	vst v63  }
0x1bd: {  	_ =	swait.ge [sflag:s15], $0x4000  }
0x1be: {  	[sflag:s15] =	ssyncset.done $0x0  }
0x1bf: {  	s9 =	simm.s32 $0x0;
	[sflag:s15] =	ssyncadd.s32 $0xFFFFC000  }
0x1c0: {  	v7 =	vld [tilespmem:s9+$0x7400]  }
0x1c1: {  	v11 =	vld [tilespmem:s9+$0x7410]  }
0x1c2: {  	v5 =	vld [tilespmem:s9+$0x7420]  }
0x1c3: {  	v4 =	vld [tilespmem:s9+$0x7430]  }
0x1c4: {  	v3 =	vld [tilespmem:s9+$0x7440]  }
0x1c5: {  	v2 =	vld [tilespmem:s9+$0x7450]  }
0x1c6: {  	v1 =	vld [tilespmem:s9+$0x7460]  }
0x1c7: {  	v0 =	vld [tilespmem:s9+$0x7470]  }
0x1c8: {  	v12 =	vld [tilespmem:s9+$0x3400]  }
0x1c9: {  	v13 =	vld [tilespmem:s9+$0x3410]  }
0x1ca: {  	v10 =	vld [tilespmem:s9+$0x3420]  }
0x1cb: {  	v9 =	vld [tilespmem:s9+$0x3430]  }
0x1cc: {  	v8 =	vld [tilespmem:s9+$0x3440]  }
0x1cd: {  	v6 =	vld [tilespmem:s9+$0x3450];
	v12 =	vmul.f32 v7, v12  }
0x1ce: {  	s23 =	simm.s32 $0x200;
	v11 =	vmul.f32 v11, v13;
	v7 =	vld [tilespmem:s9+$0x3460]  }
.LBB2_25:
0x1cf: {  	s25 =	sshra.s32 s23, $0x2;
	p0 =	sne.s32 s23, $0xFE00;
	[tilespmem:s9+$0x3400] =	vst v12;
	v5 =	vmul.f32 v5, v10;
	v10 =	vld [tilespmem:s9+$0x3470]  }
0x1d0: {  	v12 =	vld [tilespmem:s25+$0x7400];
	[tilespmem:s9+$0x3410] =	vst v11;
	v4 =	vmul.f32 v4, v9  }
0x1d1: {  	v11 =	vld [tilespmem:s25+$0x7410];
	[tilespmem:s9+$0x3420] =	vst v5;
	v3 =	vmul.f32 v3, v8  }
0x1d2: {  	v5 =	vld [tilespmem:s25+$0x7420];
	[tilespmem:s9+$0x3430] =	vst v4;
	v2 =	vmul.f32 v2, v6  }
0x1d3: {  	v4 =	vld [tilespmem:s25+$0x7430];
	[tilespmem:s9+$0x3440] =	vst v3;
	v1 =	vmul.f32 v1, v7  }
0x1d4: {  	v3 =	vld [tilespmem:s25+$0x7440];
	[tilespmem:s9+$0x3450] =	vst v2;
	v0 =	vmul.f32 v0, v10  }
0x1d5: {  	v2 =	vld [tilespmem:s25+$0x7450];
	[tilespmem:s9+$0x3460] =	vst v1  }
0x1d6: {  	v1 =	vld [tilespmem:s25+$0x7460];
	[tilespmem:s9+$0x3470] =	vst v0;
	s9 =	smov.u32 s25  }
0x1d7: {  	v0 =	vld [tilespmem:s9+$0x7470]  }
0x1d8: {  	v6 =	vld [tilespmem:s9+$0x3400]  }
0x1d9: {  	v7 =	vld [tilespmem:s9+$0x3410]  }
.Ltmp11:
0x1da: {  	v10 =	vld [tilespmem:s9+$0x3420];
	(pc) =	sbr.rel @p0 .LBB2_25-.Ltmp11, $4  }
0x1db: {  	v9 =	vld [tilespmem:s9+$0x3430]  }
0x1dc: {  	v8 =	vld [tilespmem:s9+$0x3440]  }
0x1dd: {  	v12 =	vmul.f32 v12, v6;
	v6 =	vld [tilespmem:s9+$0x3450]  }
0x1de: {  	s23 =	sadd.s32 $0x200, s23;
	v11 =	vmul.f32 v11, v7;
	v7 =	vld [tilespmem:s9+$0x3460]  }
0x1df: {  	[tilespmem:s9+$0x3400] =	vst v12;
	v5 =	vmul.f32 v5, v10;
	v63 =	vld [tilespmem:s9+$0x3470]  }
0x1e0: {  	[tilespmem:s9+$0x3410] =	vst v11;
	v4 =	vmul.f32 v4, v9  }
0x1e1: {  	[tilespmem:s9+$0x3420] =	vst v5;
	v3 =	vmul.f32 v3, v8  }
0x1e2: {  	[tilespmem:s9+$0x3430] =	vst v4;
	v2 =	vmul.f32 v2, v6  }
0x1e3: {  	s23 =	sadd.s32 s13, s22;
	[tilespmem:s9+$0x3440] =	vst v3;
	v1 =	vmul.f32 v1, v7  }
0x1e4: {  	s22 =	sadd.s32 $0x1, s22;
	s23 =	sshll.u32 s23, $0xB;
	[tilespmem:s9+$0x3450] =	vst v2;
	v0 =	vmul.f32 v0, v63  }
0x1e5: {  	p0 =	sne.s32 s22, $0x8;
	s23 =	sand.u32 $0x1FFFF800, s23;
	[tilespmem:s9+$0x3460] =	vst v1  }
.Ltmp12:
0x1e6: {  	s26 =	sadd.s32 s24, s23;
	[tilespmem:s9+$0x3470] =	vst v0;
	(pc) =	sbr.rel @p0 .LBB2_22-.Ltmp12, $4  }
0x1e7: {  	[hbm4b:s26+s1] =	stream.linear.scatter [tilespmem:s12], [sflag:$0x2], $0x4000, $0x38;
	[tilespmem:$0x1F400] =	vst v63  }
0x1e8: {  	_ =	swait.ge [sflag:s8], $0x4000  }
0x1e9: {  	[sflag:s8] =	ssyncset.done $0x0  }
0x1ea: {  	[sflag:s8] =	ssyncadd.s32 $0xFFFFC000  }
0x1eb: {  	s22 =	simm.s32 $0x0;
	s9 =	rddreg [dreg:$0x10]  }
0x1ec: {  	[tilespmem:s16], [sflag:$0x2] =	stream.linear.gather [hbm4b:s9+s22], $0x400, $0x38;
	[tilespmem:$0x1F400] =	vst v63  }
0x1ed: {  	_ =	swait.ge [sflag:s8], $0x400  }
0x1ee: {  	[sflag:s8] =	ssyncset.done $0x0  }
0x1ef: {  	s25 =	rddreg [dreg:$0x11];
	[sflag:s8] =	ssyncadd.s32 $0xFFFFFC00  }
0x1f0: {  	[tilespmem:s17], [sflag:$0x2] =	stream.linear.gather [hbm4b:s25+s22], $0x400, $0x38;
	[tilespmem:$0x1F400] =	vst v63  }
0x1f1: {  	_ =	swait.ge [sflag:s8], $0x400  }
0x1f2: {  	[sflag:s8] =	ssyncset.done $0x0  }
0x1f3: {  	s26 =	rddreg [dreg:$0x12];
	[sflag:s8] =	ssyncadd.s32 $0xFFFFFC00  }
0x1f4: {  	[tilespmem:s19], [sflag:$0x2] =	stream.linear.gather [hbm4b:s26+s22], $0x400, $0x38;
	[tilespmem:$0x1F400] =	vst v63  }
0x1f5: {  	_ =	swait.ge [sflag:s8], $0x400  }
0x1f6: {  	[sflag:s8] =	ssyncset.done $0x0  }
0x1f7: {  	[sflag:s8] =	ssyncadd.s32 $0xFFFFFC00  }
.LBB2_28:
0x1f8: {  	s9 =	sshll.u32 s22, $0x7  }
0x1f9: {  	s23 =	sadd.s32 $0x2800, s9  }
0x1fa: {  	[tilespmem:s12], [sflag:$0x1] =	stream.indirect.gather [spmem:s29], $0x80, s23, s10, $0xb8;
	[tilespmem:$0x1F400] =	vst v63  }
0x1fb: {  	s26 =	sadd.s32 $0x2C00, s9  }
0x1fc: {  	[tilespmem:s14], [sflag:$0x1] =	stream.indirect.gather [spmem:s29], $0x80, s26, s10, $0xb8;
	[tilespmem:$0x1F400] =	vst v63  }
0x1fd: {  	_ =	swait.ge [sflag:s15], $0x4000  }
0x1fe: {  	[sflag:s15] =	ssyncset.done $0x0  }
0x1ff: {  	[sflag:s15] =	ssyncadd.s32 $0xFFFFC000  }
0x200: {  	_ =	swait.ge [sflag:s15], $0x4000  }
0x201: {  	[sflag:s15] =	ssyncset.done $0x0  }
0x202: {  	s23 =	simm.s32 $0x0;
	[sflag:s15] =	ssyncadd.s32 $0xFFFFC000  }
0x203: {  	v7 =	vld [tilespmem:s23+$0x7400]  }
0x204: {  	v11 =	vld [tilespmem:s23+$0x7410]  }
0x205: {  	v5 =	vld [tilespmem:s23+$0x7420]  }
0x206: {  	v4 =	vld [tilespmem:s23+$0x7430]  }
0x207: {  	v3 =	vld [tilespmem:s23+$0x7440]  }
0x208: {  	v2 =	vld [tilespmem:s23+$0x7450]  }
0x209: {  	v1 =	vld [tilespmem:s23+$0x7460]  }
0x20a: {  	v0 =	vld [tilespmem:s23+$0x7470]  }
0x20b: {  	v12 =	vld [tilespmem:s23+$0x3400]  }
0x20c: {  	v13 =	vld [tilespmem:s23+$0x3410]  }
0x20d: {  	v10 =	vld [tilespmem:s23+$0x3420]  }
0x20e: {  	v9 =	vld [tilespmem:s23+$0x3430]  }
0x20f: {  	v8 =	vld [tilespmem:s23+$0x3440]  }
0x210: {  	v6 =	vld [tilespmem:s23+$0x3450];
	v12 =	vmul.f32 v7, v12  }
0x211: {  	s25 =	simm.s32 $0x200;
	v11 =	vmul.f32 v11, v13;
	v7 =	vld [tilespmem:s23+$0x3460]  }
.LBB2_29:
0x212: {  	s26 =	sshra.s32 s25, $0x2;
	p0 =	sne.s32 s25, $0xFE00;
	[tilespmem:s23+$0x3400] =	vst v12;
	v5 =	vmul.f32 v5, v10;
	v10 =	vld [tilespmem:s23+$0x3470]  }
0x213: {  	v12 =	vld [tilespmem:s26+$0x7400];
	[tilespmem:s23+$0x3410] =	vst v11;
	v4 =	vmul.f32 v4, v9  }
0x214: {  	v11 =	vld [tilespmem:s26+$0x7410];
	[tilespmem:s23+$0x3420] =	vst v5;
	v3 =	vmul.f32 v3, v8  }
0x215: {  	v5 =	vld [tilespmem:s26+$0x7420];
	[tilespmem:s23+$0x3430] =	vst v4;
	v2 =	vmul.f32 v2, v6  }
0x216: {  	v4 =	vld [tilespmem:s26+$0x7430];
	[tilespmem:s23+$0x3440] =	vst v3;
	v1 =	vmul.f32 v1, v7  }
0x217: {  	v3 =	vld [tilespmem:s26+$0x7440];
	[tilespmem:s23+$0x3450] =	vst v2;
	v0 =	vmul.f32 v0, v10  }
0x218: {  	v2 =	vld [tilespmem:s26+$0x7450];
	[tilespmem:s23+$0x3460] =	vst v1  }
0x219: {  	v1 =	vld [tilespmem:s26+$0x7460];
	[tilespmem:s23+$0x3470] =	vst v0;
	s23 =	smov.u32 s26  }
0x21a: {  	v0 =	vld [tilespmem:s23+$0x7470]  }
0x21b: {  	v6 =	vld [tilespmem:s23+$0x3400]  }
0x21c: {  	v7 =	vld [tilespmem:s23+$0x3410]  }
.Ltmp13:
0x21d: {  	v10 =	vld [tilespmem:s23+$0x3420];
	(pc) =	sbr.rel @p0 .LBB2_29-.Ltmp13, $4  }
0x21e: {  	v9 =	vld [tilespmem:s23+$0x3430]  }
0x21f: {  	v8 =	vld [tilespmem:s23+$0x3440]  }
0x220: {  	v12 =	vmul.f32 v12, v6;
	v6 =	vld [tilespmem:s23+$0x3450]  }
0x221: {  	s25 =	sadd.s32 $0x200, s25;
	v11 =	vmul.f32 v11, v7;
	v7 =	vld [tilespmem:s23+$0x3460]  }
0x222: {  	[tilespmem:s23+$0x3400] =	vst v12;
	v5 =	vmul.f32 v5, v10;
	v10 =	vld [tilespmem:s23+$0x3470]  }
0x223: {  	[tilespmem:s23+$0x3410] =	vst v11;
	v4 =	vmul.f32 v4, v9  }
0x224: {  	[tilespmem:s23+$0x3420] =	vst v5;
	v3 =	vmul.f32 v3, v8  }
0x225: {  	[tilespmem:s23+$0x3430] =	vst v4;
	v2 =	vmul.f32 v2, v6  }
0x226: {  	[tilespmem:s23+$0x3440] =	vst v3;
	v1 =	vmul.f32 v1, v7  }
0x227: {  	[tilespmem:s23+$0x3450] =	vst v2;
	v0 =	vmul.f32 v0, v10  }
0x228: {  	[tilespmem:s23+$0x3460] =	vst v1  }
0x229: {  	s9 =	sadd.s32 $0x3000, s9;
	[tilespmem:s23+$0x3470] =	vst v0  }
0x22a: {  	[tilespmem:s14], [sflag:$0x1] =	stream.indirect.gather [spmem:s29], $0x80, s9, s10, $0xb8;
	[tilespmem:$0x1F400] =	vst v63  }
0x22b: {  	_ =	swait.ge [sflag:s15], $0x4000  }
0x22c: {  	[sflag:s15] =	ssyncset.done $0x0  }
0x22d: {  	s9 =	simm.s32 $0x0;
	[sflag:s15] =	ssyncadd.s32 $0xFFFFC000  }
0x22e: {  	v7 =	vld [tilespmem:s9+$0x7400]  }
0x22f: {  	v11 =	vld [tilespmem:s9+$0x7410]  }
0x230: {  	v5 =	vld [tilespmem:s9+$0x7420]  }
0x231: {  	v4 =	vld [tilespmem:s9+$0x7430]  }
0x232: {  	v3 =	vld [tilespmem:s9+$0x7440]  }
0x233: {  	v2 =	vld [tilespmem:s9+$0x7450]  }
0x234: {  	v1 =	vld [tilespmem:s9+$0x7460]  }
0x235: {  	v0 =	vld [tilespmem:s9+$0x7470]  }
0x236: {  	v12 =	vld [tilespmem:s9+$0x3400]  }
0x237: {  	v13 =	vld [tilespmem:s9+$0x3410]  }
0x238: {  	v10 =	vld [tilespmem:s9+$0x3420]  }
0x239: {  	v9 =	vld [tilespmem:s9+$0x3430]  }
0x23a: {  	v8 =	vld [tilespmem:s9+$0x3440]  }
0x23b: {  	v6 =	vld [tilespmem:s9+$0x3450];
	v12 =	vmul.f32 v7, v12  }
0x23c: {  	s23 =	simm.s32 $0x200;
	v11 =	vmul.f32 v11, v13;
	v7 =	vld [tilespmem:s9+$0x3460]  }
.LBB2_31:
0x23d: {  	s25 =	sshra.s32 s23, $0x2;
	p0 =	sne.s32 s23, $0xFE00;
	[tilespmem:s9+$0x3400] =	vst v12;
	v5 =	vmul.f32 v5, v10;
	v10 =	vld [tilespmem:s9+$0x3470]  }
0x23e: {  	v12 =	vld [tilespmem:s25+$0x7400];
	[tilespmem:s9+$0x3410] =	vst v11;
	v4 =	vmul.f32 v4, v9  }
0x23f: {  	v11 =	vld [tilespmem:s25+$0x7410];
	[tilespmem:s9+$0x3420] =	vst v5;
	v3 =	vmul.f32 v3, v8  }
0x240: {  	v5 =	vld [tilespmem:s25+$0x7420];
	[tilespmem:s9+$0x3430] =	vst v4;
	v2 =	vmul.f32 v2, v6  }
0x241: {  	v4 =	vld [tilespmem:s25+$0x7430];
	[tilespmem:s9+$0x3440] =	vst v3;
	v1 =	vmul.f32 v1, v7  }
0x242: {  	v3 =	vld [tilespmem:s25+$0x7440];
	[tilespmem:s9+$0x3450] =	vst v2;
	v0 =	vmul.f32 v0, v10  }
0x243: {  	v2 =	vld [tilespmem:s25+$0x7450];
	[tilespmem:s9+$0x3460] =	vst v1  }
0x244: {  	v1 =	vld [tilespmem:s25+$0x7460];
	[tilespmem:s9+$0x3470] =	vst v0;
	s9 =	smov.u32 s25  }
0x245: {  	v0 =	vld [tilespmem:s9+$0x7470]  }
0x246: {  	v6 =	vld [tilespmem:s9+$0x3400]  }
0x247: {  	v7 =	vld [tilespmem:s9+$0x3410]  }
.Ltmp14:
0x248: {  	v10 =	vld [tilespmem:s9+$0x3420];
	(pc) =	sbr.rel @p0 .LBB2_31-.Ltmp14, $4  }
0x249: {  	v9 =	vld [tilespmem:s9+$0x3430]  }
0x24a: {  	v8 =	vld [tilespmem:s9+$0x3440]  }
0x24b: {  	v12 =	vmul.f32 v12, v6;
	v6 =	vld [tilespmem:s9+$0x3450]  }
0x24c: {  	s23 =	sadd.s32 $0x200, s23;
	v11 =	vmul.f32 v11, v7;
	v7 =	vld [tilespmem:s9+$0x3460]  }
0x24d: {  	[tilespmem:s9+$0x3400] =	vst v12;
	v5 =	vmul.f32 v5, v10;
	v63 =	vld [tilespmem:s9+$0x3470]  }
0x24e: {  	[tilespmem:s9+$0x3410] =	vst v11;
	v4 =	vmul.f32 v4, v9  }
0x24f: {  	[tilespmem:s9+$0x3420] =	vst v5;
	v3 =	vmul.f32 v3, v8  }
0x250: {  	[tilespmem:s9+$0x3430] =	vst v4;
	v2 =	vmul.f32 v2, v6  }
0x251: {  	s23 =	sadd.s32 s18, s22;
	[tilespmem:s9+$0x3440] =	vst v3;
	v1 =	vmul.f32 v1, v7  }
0x252: {  	s22 =	sadd.s32 $0x1, s22;
	s23 =	sshll.u32 s23, $0xB;
	[tilespmem:s9+$0x3450] =	vst v2;
	v0 =	vmul.f32 v0, v63  }
0x253: {  	p0 =	sne.s32 s22, $0x8;
	s23 =	sand.u32 $0x1FFFF800, s23;
	[tilespmem:s9+$0x3460] =	vst v1  }
.Ltmp15:
0x254: {  	s26 =	sadd.s32 s24, s23;
	[tilespmem:s9+$0x3470] =	vst v0;
	(pc) =	sbr.rel @p0 .LBB2_28-.Ltmp15, $4  }
0x255: {  	[hbm4b:s26+s1] =	stream.linear.scatter [tilespmem:s12], [sflag:$0x2], $0x4000, $0x38;
	[tilespmem:$0x1F400] =	vst v63  }
0x256: {  	_ =	swait.ge [sflag:s8], $0x4000  }
0x257: {  	[sflag:s8] =	ssyncset.done $0x0  }
0x258: {  	[sflag:s8] =	ssyncadd.s32 $0xFFFFC000  }
0x259: {  	s22 =	simm.s32 $0x0;
	s9 =	rddreg [dreg:$0x13]  }
0x25a: {  	[tilespmem:s16], [sflag:$0x2] =	stream.linear.gather [hbm4b:s9+s22], $0x400, $0x38;
	[tilespmem:$0x1F400] =	vst v63  }
0x25b: {  	_ =	swait.ge [sflag:s8], $0x400  }
0x25c: {  	[sflag:s8] =	ssyncset.done $0x0  }
0x25d: {  	[sflag:s8] =	ssyncadd.s32 $0xFFFFFC00  }
0x25e: {  	[tilespmem:s17], [sflag:$0x2] =	stream.linear.gather [hbm4b:s28+s22], $0x400, $0x38;
	[tilespmem:$0x1F400] =	vst v63  }
0x25f: {  	_ =	swait.ge [sflag:s8], $0x400  }
0x260: {  	[sflag:s8] =	ssyncset.done $0x0  }
0x261: {  	[sflag:s8] =	ssyncadd.s32 $0xFFFFFC00  }
0x262: {  	[tilespmem:s19], [sflag:$0x2] =	stream.linear.gather [hbm4b:s30+s22], $0x400, $0x38;
	[tilespmem:$0x1F400] =	vst v63  }
0x263: {  	_ =	swait.ge [sflag:s8], $0x400  }
0x264: {  	[sflag:s8] =	ssyncset.done $0x0  }
0x265: {  	[sflag:s8] =	ssyncadd.s32 $0xFFFFFC00  }
.LBB2_34:
0x266: {  	s9 =	sshll.u32 s22, $0x7  }
0x267: {  	s23 =	sadd.s32 $0x2800, s9  }
0x268: {  	[tilespmem:s12], [sflag:$0x1] =	stream.indirect.gather [spmem:s29], $0x80, s23, s10, $0xb8;
	[tilespmem:$0x1F400] =	vst v63  }
0x269: {  	s26 =	sadd.s32 $0x2C00, s9  }
0x26a: {  	[tilespmem:s14], [sflag:$0x1] =	stream.indirect.gather [spmem:s29], $0x80, s26, s10, $0xb8;
	[tilespmem:$0x1F400] =	vst v63  }
0x26b: {  	_ =	swait.ge [sflag:s15], $0x4000  }
0x26c: {  	[sflag:s15] =	ssyncset.done $0x0  }
0x26d: {  	[sflag:s15] =	ssyncadd.s32 $0xFFFFC000  }
0x26e: {  	_ =	swait.ge [sflag:s15], $0x4000  }
0x26f: {  	[sflag:s15] =	ssyncset.done $0x0  }
0x270: {  	s23 =	simm.s32 $0x0;
	[sflag:s15] =	ssyncadd.s32 $0xFFFFC000  }
0x271: {  	v7 =	vld [tilespmem:s23+$0x7400]  }
0x272: {  	v11 =	vld [tilespmem:s23+$0x7410]  }
0x273: {  	v5 =	vld [tilespmem:s23+$0x7420]  }
0x274: {  	v4 =	vld [tilespmem:s23+$0x7430]  }
0x275: {  	v3 =	vld [tilespmem:s23+$0x7440]  }
0x276: {  	v2 =	vld [tilespmem:s23+$0x7450]  }
0x277: {  	v1 =	vld [tilespmem:s23+$0x7460]  }
0x278: {  	v0 =	vld [tilespmem:s23+$0x7470]  }
0x279: {  	v12 =	vld [tilespmem:s23+$0x3400]  }
0x27a: {  	v13 =	vld [tilespmem:s23+$0x3410]  }
0x27b: {  	v10 =	vld [tilespmem:s23+$0x3420]  }
0x27c: {  	v9 =	vld [tilespmem:s23+$0x3430]  }
0x27d: {  	v8 =	vld [tilespmem:s23+$0x3440]  }
0x27e: {  	v6 =	vld [tilespmem:s23+$0x3450];
	v12 =	vmul.f32 v7, v12  }
0x27f: {  	s25 =	simm.s32 $0x200;
	v11 =	vmul.f32 v11, v13;
	v7 =	vld [tilespmem:s23+$0x3460]  }
.LBB2_35:
0x280: {  	s26 =	sshra.s32 s25, $0x2;
	p0 =	sne.s32 s25, $0xFE00;
	[tilespmem:s23+$0x3400] =	vst v12;
	v5 =	vmul.f32 v5, v10;
	v10 =	vld [tilespmem:s23+$0x3470]  }
0x281: {  	v12 =	vld [tilespmem:s26+$0x7400];
	[tilespmem:s23+$0x3410] =	vst v11;
	v4 =	vmul.f32 v4, v9  }
0x282: {  	v11 =	vld [tilespmem:s26+$0x7410];
	[tilespmem:s23+$0x3420] =	vst v5;
	v3 =	vmul.f32 v3, v8  }
0x283: {  	v5 =	vld [tilespmem:s26+$0x7420];
	[tilespmem:s23+$0x3430] =	vst v4;
	v2 =	vmul.f32 v2, v6  }
0x284: {  	v4 =	vld [tilespmem:s26+$0x7430];
	[tilespmem:s23+$0x3440] =	vst v3;
	v1 =	vmul.f32 v1, v7  }
0x285: {  	v3 =	vld [tilespmem:s26+$0x7440];
	[tilespmem:s23+$0x3450] =	vst v2;
	v0 =	vmul.f32 v0, v10  }
0x286: {  	v2 =	vld [tilespmem:s26+$0x7450];
	[tilespmem:s23+$0x3460] =	vst v1  }
0x287: {  	v1 =	vld [tilespmem:s26+$0x7460];
	[tilespmem:s23+$0x3470] =	vst v0;
	s23 =	smov.u32 s26  }
0x288: {  	v0 =	vld [tilespmem:s23+$0x7470]  }
0x289: {  	v6 =	vld [tilespmem:s23+$0x3400]  }
0x28a: {  	v7 =	vld [tilespmem:s23+$0x3410]  }
.Ltmp16:
0x28b: {  	v10 =	vld [tilespmem:s23+$0x3420];
	(pc) =	sbr.rel @p0 .LBB2_35-.Ltmp16, $4  }
0x28c: {  	v9 =	vld [tilespmem:s23+$0x3430]  }
0x28d: {  	v8 =	vld [tilespmem:s23+$0x3440]  }
0x28e: {  	v12 =	vmul.f32 v12, v6;
	v6 =	vld [tilespmem:s23+$0x3450]  }
0x28f: {  	s25 =	sadd.s32 $0x200, s25;
	v11 =	vmul.f32 v11, v7;
	v7 =	vld [tilespmem:s23+$0x3460]  }
0x290: {  	[tilespmem:s23+$0x3400] =	vst v12;
	v5 =	vmul.f32 v5, v10;
	v10 =	vld [tilespmem:s23+$0x3470]  }
0x291: {  	[tilespmem:s23+$0x3410] =	vst v11;
	v4 =	vmul.f32 v4, v9  }
0x292: {  	[tilespmem:s23+$0x3420] =	vst v5;
	v3 =	vmul.f32 v3, v8  }
0x293: {  	[tilespmem:s23+$0x3430] =	vst v4;
	v2 =	vmul.f32 v2, v6  }
0x294: {  	[tilespmem:s23+$0x3440] =	vst v3;
	v1 =	vmul.f32 v1, v7  }
0x295: {  	[tilespmem:s23+$0x3450] =	vst v2;
	v0 =	vmul.f32 v0, v10  }
0x296: {  	[tilespmem:s23+$0x3460] =	vst v1  }
0x297: {  	s9 =	sadd.s32 $0x3000, s9;
	[tilespmem:s23+$0x3470] =	vst v0  }
0x298: {  	[tilespmem:s14], [sflag:$0x1] =	stream.indirect.gather [spmem:s29], $0x80, s9, s10, $0xb8;
	[tilespmem:$0x1F400] =	vst v63  }
0x299: {  	_ =	swait.ge [sflag:s15], $0x4000  }
0x29a: {  	[sflag:s15] =	ssyncset.done $0x0  }
0x29b: {  	s9 =	simm.s32 $0x0;
	[sflag:s15] =	ssyncadd.s32 $0xFFFFC000  }
0x29c: {  	v7 =	vld [tilespmem:s9+$0x7400]  }
0x29d: {  	v11 =	vld [tilespmem:s9+$0x7410]  }
0x29e: {  	v5 =	vld [tilespmem:s9+$0x7420]  }
0x29f: {  	v4 =	vld [tilespmem:s9+$0x7430]  }
0x2a0: {  	v3 =	vld [tilespmem:s9+$0x7440]  }
0x2a1: {  	v2 =	vld [tilespmem:s9+$0x7450]  }
0x2a2: {  	v1 =	vld [tilespmem:s9+$0x7460]  }
0x2a3: {  	v0 =	vld [tilespmem:s9+$0x7470]  }
0x2a4: {  	v12 =	vld [tilespmem:s9+$0x3400]  }
0x2a5: {  	v13 =	vld [tilespmem:s9+$0x3410]  }
0x2a6: {  	v10 =	vld [tilespmem:s9+$0x3420]  }
0x2a7: {  	v9 =	vld [tilespmem:s9+$0x3430]  }
0x2a8: {  	v8 =	vld [tilespmem:s9+$0x3440]  }
0x2a9: {  	v6 =	vld [tilespmem:s9+$0x3450];
	v12 =	vmul.f32 v7, v12  }
0x2aa: {  	s23 =	simm.s32 $0x200;
	v11 =	vmul.f32 v11, v13;
	v7 =	vld [tilespmem:s9+$0x3460]  }
.LBB2_37:
0x2ab: {  	s25 =	sshra.s32 s23, $0x2;
	p0 =	sne.s32 s23, $0xFE00;
	[tilespmem:s9+$0x3400] =	vst v12;
	v5 =	vmul.f32 v5, v10;
	v10 =	vld [tilespmem:s9+$0x3470]  }
0x2ac: {  	v12 =	vld [tilespmem:s25+$0x7400];
	[tilespmem:s9+$0x3410] =	vst v11;
	v4 =	vmul.f32 v4, v9  }
0x2ad: {  	v11 =	vld [tilespmem:s25+$0x7410];
	[tilespmem:s9+$0x3420] =	vst v5;
	v3 =	vmul.f32 v3, v8  }
0x2ae: {  	v5 =	vld [tilespmem:s25+$0x7420];
	[tilespmem:s9+$0x3430] =	vst v4;
	v2 =	vmul.f32 v2, v6  }
0x2af: {  	v4 =	vld [tilespmem:s25+$0x7430];
	[tilespmem:s9+$0x3440] =	vst v3;
	v1 =	vmul.f32 v1, v7  }
0x2b0: {  	v3 =	vld [tilespmem:s25+$0x7440];
	[tilespmem:s9+$0x3450] =	vst v2;
	v0 =	vmul.f32 v0, v10  }
0x2b1: {  	v2 =	vld [tilespmem:s25+$0x7450];
	[tilespmem:s9+$0x3460] =	vst v1  }
0x2b2: {  	v1 =	vld [tilespmem:s25+$0x7460];
	[tilespmem:s9+$0x3470] =	vst v0;
	s9 =	smov.u32 s25  }
0x2b3: {  	v0 =	vld [tilespmem:s9+$0x7470]  }
0x2b4: {  	v6 =	vld [tilespmem:s9+$0x3400]  }
0x2b5: {  	v7 =	vld [tilespmem:s9+$0x3410]  }
.Ltmp17:
0x2b6: {  	v10 =	vld [tilespmem:s9+$0x3420];
	(pc) =	sbr.rel @p0 .LBB2_37-.Ltmp17, $4  }
0x2b7: {  	v9 =	vld [tilespmem:s9+$0x3430]  }
0x2b8: {  	v8 =	vld [tilespmem:s9+$0x3440]  }
0x2b9: {  	v12 =	vmul.f32 v12, v6;
	v6 =	vld [tilespmem:s9+$0x3450]  }
0x2ba: {  	s23 =	sadd.s32 $0x200, s23;
	v11 =	vmul.f32 v11, v7;
	v7 =	vld [tilespmem:s9+$0x3460]  }
0x2bb: {  	[tilespmem:s9+$0x3400] =	vst v12;
	v5 =	vmul.f32 v5, v10;
	v63 =	vld [tilespmem:s9+$0x3470]  }
0x2bc: {  	[tilespmem:s9+$0x3410] =	vst v11;
	v4 =	vmul.f32 v4, v9  }
0x2bd: {  	[tilespmem:s9+$0x3420] =	vst v5;
	v3 =	vmul.f32 v3, v8  }
0x2be: {  	[tilespmem:s9+$0x3430] =	vst v4;
	v2 =	vmul.f32 v2, v6  }
0x2bf: {  	s23 =	sadd.s32 s20, s22;
	[tilespmem:s9+$0x3440] =	vst v3;
	v1 =	vmul.f32 v1, v7  }
0x2c0: {  	s22 =	sadd.s32 $0x1, s22;
	s23 =	sshll.u32 s23, $0xB;
	[tilespmem:s9+$0x3450] =	vst v2;
	v0 =	vmul.f32 v0, v63  }
0x2c1: {  	p0 =	sne.s32 s22, $0x8;
	s23 =	sand.u32 $0x1FFFF800, s23;
	[tilespmem:s9+$0x3460] =	vst v1  }
.Ltmp18:
0x2c2: {  	s26 =	sadd.s32 s24, s23;
	[tilespmem:s9+$0x3470] =	vst v0;
	(pc) =	sbr.rel @p0 .LBB2_34-.Ltmp18, $4  }
0x2c3: {  	[hbm4b:s26+s1] =	stream.linear.scatter [tilespmem:s12], [sflag:$0x2], $0x4000, $0x38;
	[tilespmem:$0x1F400] =	vst v63  }
0x2c4: {  	_ =	swait.ge [sflag:s8], $0x4000  }
0x2c5: {  	[sflag:s8] =	ssyncset.done $0x0  }
0x2c6: {  	[sflag:s8] =	ssyncadd.s32 $0xFFFFC000  }
0x2c7: {  	s21 =	sadd.s32 $0x1, s21  }
0x2c8: {  	p0 =	sne.s32 s21, s6  }
.Ltmp19:
0x2c9: {  	_ = 	snop;
	(pc) =	sbr.rel @p0 .LBB2_1-.Ltmp19, $2  }
0x2ca: {  	_ =	sdelay $0x2  }
0x2cb: {  	s26 =	simm.s32 $0x1400  }
0x2cc: {  	_ =	sfence.sel $0x180000  }
0x2cd: {  	[bflag:$0x0] =	sbarrier.arrive $0xFFFF  }
0x2ce: {  	_ =	strace $0x90000047  }
0x2cf: {  	s0 =	stileid.u32;
	[bflag:$0x2] =	sbarrier.arrive $0xFFFF  }
0x2d0: {  	p0 =	sne.s32 s0, $0x0;
	s0 =	rddreg [dreg:$0x2]  }
0x2d1: {  	s0 =	sadd.s32 @!p0 $0x100000, s0  }
0x2d2: {  	[sflag:s0] =	ssyncadd.tile.s32 @!p0 $0x1;
	_ =	shalt  }
.Lfunc_end2:
_tile_overlayer_lowered:
.L_overlay_start_2:
0x2d3: {  	(tag) =	ssettag $0x2  }
0x2d4: {  	s0 =	rddreg [dreg:$0x0];
	s2 =	stileid.u32  }
0x2d5: {  	s1 =	rddreg [dreg:$0x1];
	p0 =	sne.s32 s2, $0x0  }
0x2d6: {  	s3 =	rddreg [dreg:$0x2];
	[bflag:$0x3] =	sbarrier.arrive $0xFFFF;
	s2 =	simm.s32 @!p0 $0x1C02  }
0x2d7: {  	[timem:s3], [sflag:s2] =	dma.local @!p0 [hbm:s0], s1  }
0x2d8: {  	s0 =	simm.s32 @!p0 $0x2  }
0x2d9: {  	_ =	swait.ge @!p0 [sflag:s0], s1  }
0x2da: {  	s1 =	ssub.s32 @!p0 $0x0, s1;
	[sflag:s0] =	ssyncset.done @!p0 $0x0  }
0x2db: {  	[sflag:s0] =	ssyncadd.s32 @!p0 s1  }
0x2dc: {  	[bflag:$0x3] =	sbarrier.arrive $0xFFFF  }
0x2dd: {  	_ =	shalt  }

</sc_bundles>
